<compile_context>
chip_gen: v7x
topology: tpu7x:2x2x1
jax: 0.10.2.dev20260603
libtpu: 0.0.44.dev20260713+nightly
codegen_flags: <defaults>
</compile_context>

<pallas_src>
import functools

import jax
import jax.numpy as jnp
import numpy as _np
from jax import lax
from jax.experimental import pallas as pl
from jax.experimental.pallas import tpu as pltpu
from jax.experimental.pallas import tpu_sc as plsc

_IN = 50000
_OUT = 32
_F = 16
_NW = 32
_CH = 64
_NB = 3
_NH = 2


def _make_pass():
    mesh = plsc.VectorSubcoreMesh(core_axis_name="c", subcore_axis_name="s")

    @functools.partial(
        pl.kernel,
        mesh=mesh,
        compiler_params=pltpu.CompilerParams(
            needs_layout_passes=False, use_tc_tiling_on_sc=False),
        out_type=jax.ShapeDtypeStruct((_NW, _OUT, _F), jnp.float32),
        scratch_types=[
            pltpu.VMEM((_NB * _CH * _OUT, _F), jnp.float32),
            pltpu.VMEM((_OUT, _F), jnp.float32),
            pltpu.VMEM((_OUT, _F), jnp.float32),
            pltpu.SemaphoreType.DMA,
        ],
    )
    def sc_pass(u_hbm, vdiag_hbm, out_hbm, ubuf, vdiagv, sdiag, sem):
        cid = lax.axis_index("c")
        sid = lax.axis_index("s")
        w = sid * 2 + cid
        start = (w * _IN) // _NW
        end = ((w + 1) * _IN) // _NW
        count = end - start
        nchunks = (count + _CH - 1) // _CH

        iota = lax.iota(jnp.int32, _F)
        cols = [lax.rem(iota + c, _F) for c in range(_F)]
        zeros16 = jnp.zeros((_F,), jnp.float32)

        pltpu.sync_copy(vdiag_hbm, vdiagv)
        vd = [vdiagv[r, :] for r in range(_OUT)]
        for r in range(_OUT):
            sdiag[r, :] = zeros16

        def chunk_start(k):
            g = start + k * _CH
            d = jnp.minimum(g, end - _CH)
            slot = lax.rem(k, _NB)
            pltpu.make_async_copy(
                u_hbm.at[pl.ds(d * _OUT, _CH * _OUT)],
                ubuf.at[pl.ds(slot * _CH * _OUT, _CH * _OUT)],
                sem,
            ).start()

        for k in range(_NB - 1):
            chunk_start(jnp.int32(k))

        def chunk_body(k, carry):
            @pl.when(k + (_NB - 1) < nchunks)
            def _():
                chunk_start(k + (_NB - 1))
            pltpu.make_async_copy(
                u_hbm.at[pl.ds(0, _CH * _OUT)],
                ubuf.at[pl.ds(0, _CH * _OUT)],
                sem,
            ).wait()
            g = start + k * _CH
            d = jnp.minimum(g, end - _CH)
            lo = g - d
            srow = lax.rem(k, _NB) * (_CH * _OUT)

            def one_node(n):
                nrow = srow + n * _OUT
                rows = [jnp.full((_F,), nrow + h * _F, jnp.int32) + iota
                        for h in range(_NH)]
                cs = []
                for h in range(_NH):
                    accs = [None] * 4
                    for c in range(_F):
                        gv = plsc.load_gather(ubuf, [rows[h], cols[c]])
                        t = gv * vd[h * _F + c]
                        a = accs[c % 4]
                        accs[c % 4] = t if a is None else a + t
                    b = (accs[0] + accs[1]) + (accs[2] + accs[3])
                    cs.append(jnp.exp(b))
                ssum = jnp.sum(cs[0] + cs[1])
                rv = 1.0 / jnp.full((_F,), ssum, jnp.float32)
                return rows, [cs[0] * rv, cs[1] * rv]

            def accum_node(rows, cvecs):
                for h in range(_NH):
                    for c in range(_F):
                        gv = plsc.load_gather(ubuf, [rows[h], cols[c]])
                        plsc.addupdate(sdiag.at[h * _F + c], gv * cvecs[h])

            @plsc.parallel_loop(lo, _CH, unroll=4)
            def _node_loop(n):
                rows, cvecs = one_node(n)
                accum_node(rows, cvecs)

            return carry

        lax.fori_loop(0, nchunks, chunk_body, 0)
        pltpu.sync_copy(sdiag, out_hbm.at[w])

    return sc_pass


_sc_pass = _make_pass()


_J = _np.arange(_OUT)[:, None]
_FG = _np.arange(_F)[None, :]


def _diag_pack(vacc):
    h = _J // _F
    c = _J % _F
    j = _FG
    return vacc[h * _F + j, (j + c) % _F]


def _diag_unpack(sd):
    jmod = _J % _F
    return sd[(_J // _F) * _F + (_FG - jmod) % _F, jmod]


def _squash_v(s):
    sq = jnp.sum(s ** 2, axis=1, keepdims=True)
    return sq / (1.0 + sq) * (s / jnp.sqrt(sq))


def kernel(u_hat, routing_num):
    def body(_, carry):
        vacc, _v = carry
        parts = _sc_pass(u_hat, _diag_pack(vacc))
        s = _diag_unpack(jnp.sum(parts, axis=0))
        v = _squash_v(s)
        return (vacc + v, v)

    init = (jnp.zeros((_OUT, _F), jnp.float32),
            jnp.zeros((_OUT, _F), jnp.float32))
    _, v = lax.fori_loop(0, routing_num, body, init)
    return v

# --- scband reference (transcript-rebuilt; emitter-appended) ---
"""Pipeline reference for scband-dglrouting-layer-10376640987975 (READ-ONLY COPY).

The authoritative reference and input builder live on the scoring server;
editing this copy changes nothing except your own understanding.
"""

import jax, jax.numpy as jnp
import numpy as np

IN_NODES = 50000
OUT_NODES = 32
F_SIZE = 16


def setup_inputs(seed: int = 0) -> dict:
    key = jax.random.key(seed)
    u_hat = jax.random.normal(key, (IN_NODES * OUT_NODES, F_SIZE), dtype=jnp.float32)
    return {"u_hat": u_hat, "routing_num": 3}


def _squash(s):
    sq = jnp.sum(s ** 2, axis=1, keepdims=True)
    s_norm = jnp.sqrt(sq)
    return sq / (1.0 + sq) * (s / s_norm)


def reference(u_hat, routing_num):
    # Edge e = i*OUT_NODES + j connects in-capsule i -> out-capsule j.
    # Destination (out-capsule) id per edge, matching the DGL graph construction:
    seg_ids = jnp.tile(jnp.arange(OUT_NODES), IN_NODES)  # int32[E]
    b = jnp.zeros((IN_NODES * OUT_NODES, 1), dtype=jnp.float32)
    v = jnp.zeros((OUT_NODES, F_SIZE), dtype=jnp.float32)

    def body(_, carry):
        b, v = carry
        # softmax of routing logits over out-capsules for each in-capsule
        c = jax.nn.softmax(b.reshape(IN_NODES, OUT_NODES), axis=1).reshape(-1, 1)
        cu = c * u_hat  # [E, F]
        # message passing: sum over incoming edges per out-capsule (scatter-add)
        s = jax.ops.segment_sum(cu, seg_ids, num_segments=OUT_NODES)  # [OUT_NODES, F]
        v = _squash(s)
        # broadcast v back to every edge (edge e gets v[e % OUT_NODES])
        v_edge = jnp.tile(v, (IN_NODES, 1))  # [E, F]
        b = b + jnp.sum(u_hat * v_edge, axis=1, keepdims=True)
        return (b, v)

    b, v = jax.lax.fori_loop(0, routing_num, body, (b, v))
    return v

if __name__ == "__main__":
    import jax
    _d = setup_inputs()
    print(jax.jit(kernel)(*tuple(_d.values())))

</pallas_src>

<mosaic_0001>
#map = affine_map<(d0, d1) -> (0, 0)>
#map1 = affine_map<(d0, d1) -> (0, 0, 0)>
module attributes {stable_mosaic.version = 14 : i64} {
  func.func @sc_pass(%arg0: i32, %arg1: i32, %arg2: memref<1600000x16xf32, #tpu.memory_space<hbm>>, %arg3: memref<32x16xf32, #tpu.memory_space<hbm>>, %arg4: memref<32x32x16xf32, #tpu.memory_space<hbm>>, %arg5: memref<6144x16xf32, #tpu.memory_space<vmem>>, %arg6: memref<32x16xf32, #tpu.memory_space<vmem>>, %arg7: memref<32x16xf32, #tpu.memory_space<vmem>>, %arg8: memref<!tpu.dma_semaphore, #tpu.memory_space<semaphore_mem>>) attributes {dimension_semantics = [#tpu.dimension_semantics<core_parallel>, #tpu.dimension_semantics<subcore_parallel>], iteration_bounds = array<i64: 2, 16>, scalar_prefetch = 0 : i64, scratch_operands = 4 : i64, tpu.core_type = #tpu.core_type<sc_vector_subcore>, window_params = [{transform_indices = #map}, {transform_indices = #map}, {transform_indices = #map1}]} {
    %mul3A = arith.constant 2 : i32
    %mul3A_0 = arith.muli %arg1, %mul3A : i32
    %add3A = arith.addi %mul3A_0, %arg0 : i32
    %mul3A_1 = arith.constant 50000 : i32
    %mul3A_2 = arith.muli %add3A, %mul3A_1 : i32
    %jit3A = arith.constant 32 : i32
    %div3A = arith.divsi %mul3A_2, %jit3A : i32
    %sign3A = arith.constant 0 : i32
    %sign3A_3 = arith.cmpi sgt, %mul3A_2, %sign3A : i32
    %sign3A_4 = arith.extui %sign3A_3 : i1 to i32
    %sign3A_5 = arith.constant 0 : i32
    %sign3A_6 = arith.cmpi slt, %mul3A_2, %sign3A_5 : i32
    %sign3A_7 = arith.extui %sign3A_6 : i1 to i32
    %sign3A_8 = arith.subi %sign3A_4, %sign3A_7 : i32
    %sign3A_9 = arith.constant 0 : i32
    %sign3A_10 = arith.cmpi sgt, %jit3A, %sign3A_9 : i32
    %sign3A_11 = arith.extui %sign3A_10 : i1 to i32
    %sign3A_12 = arith.constant 0 : i32
    %sign3A_13 = arith.cmpi slt, %jit3A, %sign3A_12 : i32
    %sign3A_14 = arith.extui %sign3A_13 : i1 to i32
    %sign3A_15 = arith.subi %sign3A_11, %sign3A_14 : i32
    %ne3A = arith.cmpi ne, %sign3A_8, %sign3A_15 : i32
    %rem3A = arith.remsi %mul3A_2, %jit3A : i32
    %ne3A_16 = arith.constant 0 : i32
    %ne3A_17 = arith.cmpi ne, %rem3A, %ne3A_16 : i32
    %and3A = arith.andi %ne3A, %ne3A_17 : i1
    %sub3A = arith.constant 1 : i32
    %sub3A_18 = arith.subi %div3A, %sub3A : i32
    %select_n3A = arith.select %and3A, %sub3A_18, %div3A : i32
    %add3A_19 = arith.constant 1 : i32
    %add3A_20 = arith.addi %add3A, %add3A_19 : i32
    %mul3A_21 = arith.constant 50000 : i32
    %mul3A_22 = arith.muli %add3A_20, %mul3A_21 : i32
    %jit3A_23 = arith.constant 32 : i32
    %div3A_24 = arith.divsi %mul3A_22, %jit3A_23 : i32
    %sign3A_25 = arith.constant 0 : i32
    %sign3A_26 = arith.cmpi sgt, %mul3A_22, %sign3A_25 : i32
    %sign3A_27 = arith.extui %sign3A_26 : i1 to i32
    %sign3A_28 = arith.constant 0 : i32
    %sign3A_29 = arith.cmpi slt, %mul3A_22, %sign3A_28 : i32
    %sign3A_30 = arith.extui %sign3A_29 : i1 to i32
    %sign3A_31 = arith.subi %sign3A_27, %sign3A_30 : i32
    %sign3A_32 = arith.constant 0 : i32
    %sign3A_33 = arith.cmpi sgt, %jit3A_23, %sign3A_32 : i32
    %sign3A_34 = arith.extui %sign3A_33 : i1 to i32
    %sign3A_35 = arith.constant 0 : i32
    %sign3A_36 = arith.cmpi slt, %jit3A_23, %sign3A_35 : i32
    %sign3A_37 = arith.extui %sign3A_36 : i1 to i32
    %sign3A_38 = arith.subi %sign3A_34, %sign3A_37 : i32
    %ne3A_39 = arith.cmpi ne, %sign3A_31, %sign3A_38 : i32
    %rem3A_40 = arith.remsi %mul3A_22, %jit3A_23 : i32
    %ne3A_41 = arith.constant 0 : i32
    %ne3A_42 = arith.cmpi ne, %rem3A_40, %ne3A_41 : i32
    %and3A_43 = arith.andi %ne3A_39, %ne3A_42 : i1
    %sub3A_44 = arith.constant 1 : i32
    %sub3A_45 = arith.subi %div3A_24, %sub3A_44 : i32
    %select_n3A_46 = arith.select %and3A_43, %sub3A_45, %div3A_24 : i32
    %sub3A_47 = arith.subi %select_n3A_46, %select_n3A : i32
    %add3A_48 = arith.constant 64 : i32
    %add3A_49 = arith.addi %sub3A_47, %add3A_48 : i32
    %sub3A_50 = arith.constant 1 : i32
    %sub3A_51 = arith.subi %add3A_49, %sub3A_50 : i32
    %jit3A_52 = arith.constant 64 : i32
    %div3A_53 = arith.divsi %sub3A_51, %jit3A_52 : i32
    %sign3A_54 = arith.constant 0 : i32
    %sign3A_55 = arith.cmpi sgt, %sub3A_51, %sign3A_54 : i32
    %sign3A_56 = arith.extui %sign3A_55 : i1 to i32
    %sign3A_57 = arith.constant 0 : i32
    %sign3A_58 = arith.cmpi slt, %sub3A_51, %sign3A_57 : i32
    %sign3A_59 = arith.extui %sign3A_58 : i1 to i32
    %sign3A_60 = arith.subi %sign3A_56, %sign3A_59 : i32
    %sign3A_61 = arith.constant 0 : i32
    %sign3A_62 = arith.cmpi sgt, %jit3A_52, %sign3A_61 : i32
    %sign3A_63 = arith.extui %sign3A_62 : i1 to i32
    %sign3A_64 = arith.constant 0 : i32
    %sign3A_65 = arith.cmpi slt, %jit3A_52, %sign3A_64 : i32
    %sign3A_66 = arith.extui %sign3A_65 : i1 to i32
    %sign3A_67 = arith.subi %sign3A_63, %sign3A_66 : i32
    %ne3A_68 = arith.cmpi ne, %sign3A_60, %sign3A_67 : i32
    %rem3A_69 = arith.remsi %sub3A_51, %jit3A_52 : i32
    %ne3A_70 = arith.constant 0 : i32
    %ne3A_71 = arith.cmpi ne, %rem3A_69, %ne3A_70 : i32
    %and3A_72 = arith.andi %ne3A_68, %ne3A_71 : i1
    %sub3A_73 = arith.constant 1 : i32
    %sub3A_74 = arith.subi %div3A_53, %sub3A_73 : i32
    %select_n3A_75 = arith.select %and3A_72, %sub3A_74, %div3A_53 : i32
    %iota3A = tpu.iota {dimensions = array<i32: 0>} : vector<16xi32>
    %add3A_76 = arith.constant 0 : i32
    %add3A_77 = vector.broadcast %add3A_76 : i32 to vector<16xi32>
    %add3A_78 = arith.addi %iota3A, %add3A_77 : vector<16xi32>
    %rem3A_79 = arith.constant 16 : i32
    %rem3A_80 = vector.broadcast %rem3A_79 : i32 to vector<16xi32>
    %rem3A_81 = arith.remsi %add3A_78, %rem3A_80 : vector<16xi32>
    %add3A_82 = arith.constant 1 : i32
    %add3A_83 = vector.broadcast %add3A_82 : i32 to vector<16xi32>
    %add3A_84 = arith.addi %iota3A, %add3A_83 : vector<16xi32>
    %rem3A_85 = arith.constant 16 : i32
    %rem3A_86 = vector.broadcast %rem3A_85 : i32 to vector<16xi32>
    %rem3A_87 = arith.remsi %add3A_84, %rem3A_86 : vector<16xi32>
    %add3A_88 = arith.constant 2 : i32
    %add3A_89 = vector.broadcast %add3A_88 : i32 to vector<16xi32>
    %add3A_90 = arith.addi %iota3A, %add3A_89 : vector<16xi32>
    %rem3A_91 = arith.constant 16 : i32
    %rem3A_92 = vector.broadcast %rem3A_91 : i32 to vector<16xi32>
    %rem3A_93 = arith.remsi %add3A_90, %rem3A_92 : vector<16xi32>
    %add3A_94 = arith.constant 3 : i32
    %add3A_95 = vector.broadcast %add3A_94 : i32 to vector<16xi32>
    %add3A_96 = arith.addi %iota3A, %add3A_95 : vector<16xi32>
    %rem3A_97 = arith.constant 16 : i32
    %rem3A_98 = vector.broadcast %rem3A_97 : i32 to vector<16xi32>
    %rem3A_99 = arith.remsi %add3A_96, %rem3A_98 : vector<16xi32>
    %add3A_100 = arith.constant 4 : i32
    %add3A_101 = vector.broadcast %add3A_100 : i32 to vector<16xi32>
    %add3A_102 = arith.addi %iota3A, %add3A_101 : vector<16xi32>
    %rem3A_103 = arith.constant 16 : i32
    %rem3A_104 = vector.broadcast %rem3A_103 : i32 to vector<16xi32>
    %rem3A_105 = arith.remsi %add3A_102, %rem3A_104 : vector<16xi32>
    %add3A_106 = arith.constant 5 : i32
    %add3A_107 = vector.broadcast %add3A_106 : i32 to vector<16xi32>
    %add3A_108 = arith.addi %iota3A, %add3A_107 : vector<16xi32>
    %rem3A_109 = arith.constant 16 : i32
    %rem3A_110 = vector.broadcast %rem3A_109 : i32 to vector<16xi32>
    %rem3A_111 = arith.remsi %add3A_108, %rem3A_110 : vector<16xi32>
    %add3A_112 = arith.constant 6 : i32
    %add3A_113 = vector.broadcast %add3A_112 : i32 to vector<16xi32>
    %add3A_114 = arith.addi %iota3A, %add3A_113 : vector<16xi32>
    %rem3A_115 = arith.constant 16 : i32
    %rem3A_116 = vector.broadcast %rem3A_115 : i32 to vector<16xi32>
    %rem3A_117 = arith.remsi %add3A_114, %rem3A_116 : vector<16xi32>
    %add3A_118 = arith.constant 7 : i32
    %add3A_119 = vector.broadcast %add3A_118 : i32 to vector<16xi32>
    %add3A_120 = arith.addi %iota3A, %add3A_119 : vector<16xi32>
    %rem3A_121 = arith.constant 16 : i32
    %rem3A_122 = vector.broadcast %rem3A_121 : i32 to vector<16xi32>
    %rem3A_123 = arith.remsi %add3A_120, %rem3A_122 : vector<16xi32>
    %add3A_124 = arith.constant 8 : i32
    %add3A_125 = vector.broadcast %add3A_124 : i32 to vector<16xi32>
    %add3A_126 = arith.addi %iota3A, %add3A_125 : vector<16xi32>
    %rem3A_127 = arith.constant 16 : i32
    %rem3A_128 = vector.broadcast %rem3A_127 : i32 to vector<16xi32>
    %rem3A_129 = arith.remsi %add3A_126, %rem3A_128 : vector<16xi32>
    %add3A_130 = arith.constant 9 : i32
    %add3A_131 = vector.broadcast %add3A_130 : i32 to vector<16xi32>
    %add3A_132 = arith.addi %iota3A, %add3A_131 : vector<16xi32>
    %rem3A_133 = arith.constant 16 : i32
    %rem3A_134 = vector.broadcast %rem3A_133 : i32 to vector<16xi32>
    %rem3A_135 = arith.remsi %add3A_132, %rem3A_134 : vector<16xi32>
    %add3A_136 = arith.constant 10 : i32
    %add3A_137 = vector.broadcast %add3A_136 : i32 to vector<16xi32>
    %add3A_138 = arith.addi %iota3A, %add3A_137 : vector<16xi32>
    %rem3A_139 = arith.constant 16 : i32
    %rem3A_140 = vector.broadcast %rem3A_139 : i32 to vector<16xi32>
    %rem3A_141 = arith.remsi %add3A_138, %rem3A_140 : vector<16xi32>
    %add3A_142 = arith.constant 11 : i32
    %add3A_143 = vector.broadcast %add3A_142 : i32 to vector<16xi32>
    %add3A_144 = arith.addi %iota3A, %add3A_143 : vector<16xi32>
    %rem3A_145 = arith.constant 16 : i32
    %rem3A_146 = vector.broadcast %rem3A_145 : i32 to vector<16xi32>
    %rem3A_147 = arith.remsi %add3A_144, %rem3A_146 : vector<16xi32>
    %add3A_148 = arith.constant 12 : i32
    %add3A_149 = vector.broadcast %add3A_148 : i32 to vector<16xi32>
    %add3A_150 = arith.addi %iota3A, %add3A_149 : vector<16xi32>
    %rem3A_151 = arith.constant 16 : i32
    %rem3A_152 = vector.broadcast %rem3A_151 : i32 to vector<16xi32>
    %rem3A_153 = arith.remsi %add3A_150, %rem3A_152 : vector<16xi32>
    %add3A_154 = arith.constant 13 : i32
    %add3A_155 = vector.broadcast %add3A_154 : i32 to vector<16xi32>
    %add3A_156 = arith.addi %iota3A, %add3A_155 : vector<16xi32>
    %rem3A_157 = arith.constant 16 : i32
    %rem3A_158 = vector.broadcast %rem3A_157 : i32 to vector<16xi32>
    %rem3A_159 = arith.remsi %add3A_156, %rem3A_158 : vector<16xi32>
    %add3A_160 = arith.constant 14 : i32
    %add3A_161 = vector.broadcast %add3A_160 : i32 to vector<16xi32>
    %add3A_162 = arith.addi %iota3A, %add3A_161 : vector<16xi32>
    %rem3A_163 = arith.constant 16 : i32
    %rem3A_164 = vector.broadcast %rem3A_163 : i32 to vector<16xi32>
    %rem3A_165 = arith.remsi %add3A_162, %rem3A_164 : vector<16xi32>
    %add3A_166 = arith.constant 15 : i32
    %add3A_167 = vector.broadcast %add3A_166 : i32 to vector<16xi32>
    %add3A_168 = arith.addi %iota3A, %add3A_167 : vector<16xi32>
    %rem3A_169 = arith.constant 16 : i32
    %rem3A_170 = vector.broadcast %rem3A_169 : i32 to vector<16xi32>
    %rem3A_171 = arith.remsi %add3A_168, %rem3A_170 : vector<16xi32>
    %broadcast_in_dim3A = arith.constant 0.000000e+00 : f32
    %broadcast_in_dim3A_172 = vector.broadcast %broadcast_in_dim3A : f32 to vector<16xf32>
    "tpu.region"() ({
      %run_scoped3A = tpu.sem_alloc : memref<!tpu.dma_semaphore, #tpu.memory_space<semaphore_mem>>
      tpu.enqueue_dma source(%arg3 : memref<32x16xf32, #tpu.memory_space<hbm>>) target(%arg6 : memref<32x16xf32, #tpu.memory_space<vmem>>) target_semaphore(%run_scoped3A : memref<!tpu.dma_semaphore, #tpu.memory_space<semaphore_mem>>)
      tpu.wait_dma2 semaphore(%run_scoped3A : memref<!tpu.dma_semaphore, #tpu.memory_space<semaphore_mem>>) src(%arg3 : memref<32x16xf32, #tpu.memory_space<hbm>>) dst(%arg6 : memref<32x16xf32, #tpu.memory_space<vmem>>)
      tpu.yield
    }) : () -> ()
    %get3A = arith.constant 0 : i32
    %get3A_173 = arith.index_cast %get3A : i32 to index
    %get3A_174 = arith.constant 0 : index
    %get3A_175 = tpu.vector_load %arg6[%get3A_173, %get3A_174] {strides = array<i32>} : memref<32x16xf32, #tpu.memory_space<vmem>>, vector<16xf32>,
    %get3A_176 = arith.constant 1 : i32
    %get3A_177 = arith.index_cast %get3A_176 : i32 to index
    %get3A_178 = arith.constant 0 : index
    %get3A_179 = tpu.vector_load %arg6[%get3A_177, %get3A_178] {strides = array<i32>} : memref<32x16xf32, #tpu.memory_space<vmem>>, vector<16xf32>,
    %get3A_180 = arith.constant 2 : i32
    %get3A_181 = arith.index_cast %get3A_180 : i32 to index
    %get3A_182 = arith.constant 0 : index
    %get3A_183 = tpu.vector_load %arg6[%get3A_181, %get3A_182] {strides = array<i32>} : memref<32x16xf32, #tpu.memory_space<vmem>>, vector<16xf32>,
    %get3A_184 = arith.constant 3 : i32
    %get3A_185 = arith.index_cast %get3A_184 : i32 to index
    %get3A_186 = arith.constant 0 : index
    %get3A_187 = tpu.vector_load %arg6[%get3A_185, %get3A_186] {strides = array<i32>} : memref<32x16xf32, #tpu.memory_space<vmem>>, vector<16xf32>,
    %get3A_188 = arith.constant 4 : i32
    %get3A_189 = arith.index_cast %get3A_188 : i32 to index
    %get3A_190 = arith.constant 0 : index
    %get3A_191 = tpu.vector_load %arg6[%get3A_189, %get3A_190] {strides = array<i32>} : memref<32x16xf32, #tpu.memory_space<vmem>>, vector<16xf32>,
    %get3A_192 = arith.constant 5 : i32
    %get3A_193 = arith.index_cast %get3A_192 : i32 to index
    %get3A_194 = arith.constant 0 : index
    %get3A_195 = tpu.vector_load %arg6[%get3A_193, %get3A_194] {strides = array<i32>} : memref<32x16xf32, #tpu.memory_space<vmem>>, vector<16xf32>,
    %get3A_196 = arith.constant 6 : i32
    %get3A_197 = arith.index_cast %get3A_196 : i32 to index
    %get3A_198 = arith.constant 0 : index
    %get3A_199 = tpu.vector_load %arg6[%get3A_197, %get3A_198] {strides = array<i32>} : memref<32x16xf32, #tpu.memory_space<vmem>>, vector<16xf32>,
    %get3A_200 = arith.constant 7 : i32
    %get3A_201 = arith.index_cast %get3A_200 : i32 to index
    %get3A_202 = arith.constant 0 : index
    %get3A_203 = tpu.vector_load %arg6[%get3A_201, %get3A_202] {strides = array<i32>} : memref<32x16xf32, #tpu.memory_space<vmem>>, vector<16xf32>,
    %get3A_204 = arith.constant 8 : i32
    %get3A_205 = arith.index_cast %get3A_204 : i32 to index
    %get3A_206 = arith.constant 0 : index
    %get3A_207 = tpu.vector_load %arg6[%get3A_205, %get3A_206] {strides = array<i32>} : memref<32x16xf32, #tpu.memory_space<vmem>>, vector<16xf32>,
    %get3A_208 = arith.constant 9 : i32
    %get3A_209 = arith.index_cast %get3A_208 : i32 to index
    %get3A_210 = arith.constant 0 : index
    %get3A_211 = tpu.vector_load %arg6[%get3A_209, %get3A_210] {strides = array<i32>} : memref<32x16xf32, #tpu.memory_space<vmem>>, vector<16xf32>,
    %get3A_212 = arith.constant 10 : i32
    %get3A_213 = arith.index_cast %get3A_212 : i32 to index
    %get3A_214 = arith.constant 0 : index
    %get3A_215 = tpu.vector_load %arg6[%get3A_213, %get3A_214] {strides = array<i32>} : memref<32x16xf32, #tpu.memory_space<vmem>>, vector<16xf32>,
    %get3A_216 = arith.constant 11 : i32
    %get3A_217 = arith.index_cast %get3A_216 : i32 to index
    %get3A_218 = arith.constant 0 : index
    %get3A_219 = tpu.vector_load %arg6[%get3A_217, %get3A_218] {strides = array<i32>} : memref<32x16xf32, #tpu.memory_space<vmem>>, vector<16xf32>,
    %get3A_220 = arith.constant 12 : i32
    %get3A_221 = arith.index_cast %get3A_220 : i32 to index
    %get3A_222 = arith.constant 0 : index
    %get3A_223 = tpu.vector_load %arg6[%get3A_221, %get3A_222] {strides = array<i32>} : memref<32x16xf32, #tpu.memory_space<vmem>>, vector<16xf32>,
    %get3A_224 = arith.constant 13 : i32
    %get3A_225 = arith.index_cast %get3A_224 : i32 to index
    %get3A_226 = arith.constant 0 : index
    %get3A_227 = tpu.vector_load %arg6[%get3A_225, %get3A_226] {strides = array<i32>} : memref<32x16xf32, #tpu.memory_space<vmem>>, vector<16xf32>,
    %get3A_228 = arith.constant 14 : i32
    %get3A_229 = arith.index_cast %get3A_228 : i32 to index
    %get3A_230 = arith.constant 0 : index
    %get3A_231 = tpu.vector_load %arg6[%get3A_229, %get3A_230] {strides = array<i32>} : memref<32x16xf32, #tpu.memory_space<vmem>>, vector<16xf32>,
    %get3A_232 = arith.constant 15 : i32
    %get3A_233 = arith.index_cast %get3A_232 : i32 to index
    %get3A_234 = arith.constant 0 : index
    %get3A_235 = tpu.vector_load %arg6[%get3A_233, %get3A_234] {strides = array<i32>} : memref<32x16xf32, #tpu.memory_space<vmem>>, vector<16xf32>,
    %get3A_236 = arith.constant 16 : i32
    %get3A_237 = arith.index_cast %get3A_236 : i32 to index
    %get3A_238 = arith.constant 0 : index
    %get3A_239 = tpu.vector_load %arg6[%get3A_237, %get3A_238] {strides = array<i32>} : memref<32x16xf32, #tpu.memory_space<vmem>>, vector<16xf32>,
    %get3A_240 = arith.constant 17 : i32
    %get3A_241 = arith.index_cast %get3A_240 : i32 to index
    %get3A_242 = arith.constant 0 : index
    %get3A_243 = tpu.vector_load %arg6[%get3A_241, %get3A_242] {strides = array<i32>} : memref<32x16xf32, #tpu.memory_space<vmem>>, vector<16xf32>,
    %get3A_244 = arith.constant 18 : i32
    %get3A_245 = arith.index_cast %get3A_244 : i32 to index
    %get3A_246 = arith.constant 0 : index
    %get3A_247 = tpu.vector_load %arg6[%get3A_245, %get3A_246] {strides = array<i32>} : memref<32x16xf32, #tpu.memory_space<vmem>>, vector<16xf32>,
    %get3A_248 = arith.constant 19 : i32
    %get3A_249 = arith.index_cast %get3A_248 : i32 to index
    %get3A_250 = arith.constant 0 : index
    %get3A_251 = tpu.vector_load %arg6[%get3A_249, %get3A_250] {strides = array<i32>} : memref<32x16xf32, #tpu.memory_space<vmem>>, vector<16xf32>,
    %get3A_252 = arith.constant 20 : i32
    %get3A_253 = arith.index_cast %get3A_252 : i32 to index
    %get3A_254 = arith.constant 0 : index
    %get3A_255 = tpu.vector_load %arg6[%get3A_253, %get3A_254] {strides = array<i32>} : memref<32x16xf32, #tpu.memory_space<vmem>>, vector<16xf32>,
    %get3A_256 = arith.constant 21 : i32
    %get3A_257 = arith.index_cast %get3A_256 : i32 to index
    %get3A_258 = arith.constant 0 : index
    %get3A_259 = tpu.vector_load %arg6[%get3A_257, %get3A_258] {strides = array<i32>} : memref<32x16xf32, #tpu.memory_space<vmem>>, vector<16xf32>,
    %get3A_260 = arith.constant 22 : i32
    %get3A_261 = arith.index_cast %get3A_260 : i32 to index
    %get3A_262 = arith.constant 0 : index
    %get3A_263 = tpu.vector_load %arg6[%get3A_261, %get3A_262] {strides = array<i32>} : memref<32x16xf32, #tpu.memory_space<vmem>>, vector<16xf32>,
    %get3A_264 = arith.constant 23 : i32
    %get3A_265 = arith.index_cast %get3A_264 : i32 to index
    %get3A_266 = arith.constant 0 : index
    %get3A_267 = tpu.vector_load %arg6[%get3A_265, %get3A_266] {strides = array<i32>} : memref<32x16xf32, #tpu.memory_space<vmem>>, vector<16xf32>,
    %get3A_268 = arith.constant 24 : i32
    %get3A_269 = arith.index_cast %get3A_268 : i32 to index
    %get3A_270 = arith.constant 0 : index
    %get3A_271 = tpu.vector_load %arg6[%get3A_269, %get3A_270] {strides = array<i32>} : memref<32x16xf32, #tpu.memory_space<vmem>>, vector<16xf32>,
    %get3A_272 = arith.constant 25 : i32
    %get3A_273 = arith.index_cast %get3A_272 : i32 to index
    %get3A_274 = arith.constant 0 : index
    %get3A_275 = tpu.vector_load %arg6[%get3A_273, %get3A_274] {strides = array<i32>} : memref<32x16xf32, #tpu.memory_space<vmem>>, vector<16xf32>,
    %get3A_276 = arith.constant 26 : i32
    %get3A_277 = arith.index_cast %get3A_276 : i32 to index
    %get3A_278 = arith.constant 0 : index
    %get3A_279 = tpu.vector_load %arg6[%get3A_277, %get3A_278] {strides = array<i32>} : memref<32x16xf32, #tpu.memory_space<vmem>>, vector<16xf32>,
    %get3A_280 = arith.constant 27 : i32
    %get3A_281 = arith.index_cast %get3A_280 : i32 to index
    %get3A_282 = arith.constant 0 : index
    %get3A_283 = tpu.vector_load %arg6[%get3A_281, %get3A_282] {strides = array<i32>} : memref<32x16xf32, #tpu.memory_space<vmem>>, vector<16xf32>,
    %get3A_284 = arith.constant 28 : i32
    %get3A_285 = arith.index_cast %get3A_284 : i32 to index
    %get3A_286 = arith.constant 0 : index
    %get3A_287 = tpu.vector_load %arg6[%get3A_285, %get3A_286] {strides = array<i32>} : memref<32x16xf32, #tpu.memory_space<vmem>>, vector<16xf32>,
    %get3A_288 = arith.constant 29 : i32
    %get3A_289 = arith.index_cast %get3A_288 : i32 to index
    %get3A_290 = arith.constant 0 : index
    %get3A_291 = tpu.vector_load %arg6[%get3A_289, %get3A_290] {strides = array<i32>} : memref<32x16xf32, #tpu.memory_space<vmem>>, vector<16xf32>,
    %get3A_292 = arith.constant 30 : i32
    %get3A_293 = arith.index_cast %get3A_292 : i32 to index
    %get3A_294 = arith.constant 0 : index
    %get3A_295 = tpu.vector_load %arg6[%get3A_293, %get3A_294] {strides = array<i32>} : memref<32x16xf32, #tpu.memory_space<vmem>>, vector<16xf32>,
    %get3A_296 = arith.constant 31 : i32
    %get3A_297 = arith.index_cast %get3A_296 : i32 to index
    %get3A_298 = arith.constant 0 : index
    %get3A_299 = tpu.vector_load %arg6[%get3A_297, %get3A_298] {strides = array<i32>} : memref<32x16xf32, #tpu.memory_space<vmem>>, vector<16xf32>,
    %swap3A = arith.constant 0 : i32
    %swap3A_300 = arith.index_cast %swap3A : i32 to index
    %swap3A_301 = arith.constant 0 : index
    %swap3A_302 = tpu.vector_load %arg7[%swap3A_300, %swap3A_301] {strides = array<i32>} : memref<32x16xf32, #tpu.memory_space<vmem>>, vector<16xf32>,
    tpu.vector_store %arg7[%swap3A_300, %swap3A_301], %broadcast_in_dim3A_172 {strides = array<i32>} : memref<32x16xf32, #tpu.memory_space<vmem>>, vector<16xf32>,
    %swap3A_303 = arith.constant 1 : i32
    %swap3A_304 = arith.index_cast %swap3A_303 : i32 to index
    %swap3A_305 = arith.constant 0 : index
    %swap3A_306 = tpu.vector_load %arg7[%swap3A_304, %swap3A_305] {strides = array<i32>} : memref<32x16xf32, #tpu.memory_space<vmem>>, vector<16xf32>,
    tpu.vector_store %arg7[%swap3A_304, %swap3A_305], %broadcast_in_dim3A_172 {strides = array<i32>} : memref<32x16xf32, #tpu.memory_space<vmem>>, vector<16xf32>,
    %swap3A_307 = arith.constant 2 : i32
    %swap3A_308 = arith.index_cast %swap3A_307 : i32 to index
    %swap3A_309 = arith.constant 0 : index
    %swap3A_310 = tpu.vector_load %arg7[%swap3A_308, %swap3A_309] {strides = array<i32>} : memref<32x16xf32, #tpu.memory_space<vmem>>, vector<16xf32>,
    tpu.vector_store %arg7[%swap3A_308, %swap3A_309], %broadcast_in_dim3A_172 {strides = array<i32>} : memref<32x16xf32, #tpu.memory_space<vmem>>, vector<16xf32>,
    %swap3A_311 = arith.constant 3 : i32
    %swap3A_312 = arith.index_cast %swap3A_311 : i32 to index
    %swap3A_313 = arith.constant 0 : index
    %swap3A_314 = tpu.vector_load %arg7[%swap3A_312, %swap3A_313] {strides = array<i32>} : memref<32x16xf32, #tpu.memory_space<vmem>>, vector<16xf32>,
    tpu.vector_store %arg7[%swap3A_312, %swap3A_313], %broadcast_in_dim3A_172 {strides = array<i32>} : memref<32x16xf32, #tpu.memory_space<vmem>>, vector<16xf32>,
    %swap3A_315 = arith.constant 4 : i32
    %swap3A_316 = arith.index_cast %swap3A_315 : i32 to index
    %swap3A_317 = arith.constant 0 : index
    %swap3A_318 = tpu.vector_load %arg7[%swap3A_316, %swap3A_317] {strides = array<i32>} : memref<32x16xf32, #tpu.memory_space<vmem>>, vector<16xf32>,
    tpu.vector_store %arg7[%swap3A_316, %swap3A_317], %broadcast_in_dim3A_172 {strides = array<i32>} : memref<32x16xf32, #tpu.memory_space<vmem>>, vector<16xf32>,
    %swap3A_319 = arith.constant 5 : i32
    %swap3A_320 = arith.index_cast %swap3A_319 : i32 to index
    %swap3A_321 = arith.constant 0 : index
    %swap3A_322 = tpu.vector_load %arg7[%swap3A_320, %swap3A_321] {strides = array<i32>} : memref<32x16xf32, #tpu.memory_space<vmem>>, vector<16xf32>,
    tpu.vector_store %arg7[%swap3A_320, %swap3A_321], %broadcast_in_dim3A_172 {strides = array<i32>} : memref<32x16xf32, #tpu.memory_space<vmem>>, vector<16xf32>,
    %swap3A_323 = arith.constant 6 : i32
    %swap3A_324 = arith.index_cast %swap3A_323 : i32 to index
    %swap3A_325 = arith.constant 0 : index
    %swap3A_326 = tpu.vector_load %arg7[%swap3A_324, %swap3A_325] {strides = array<i32>} : memref<32x16xf32, #tpu.memory_space<vmem>>, vector<16xf32>,
    tpu.vector_store %arg7[%swap3A_324, %swap3A_325], %broadcast_in_dim3A_172 {strides = array<i32>} : memref<32x16xf32, #tpu.memory_space<vmem>>, vector<16xf32>,
    %swap3A_327 = arith.constant 7 : i32
    %swap3A_328 = arith.index_cast %swap3A_327 : i32 to index
    %swap3A_329 = arith.constant 0 : index
    %swap3A_330 = tpu.vector_load %arg7[%swap3A_328, %swap3A_329] {strides = array<i32>} : memref<32x16xf32, #tpu.memory_space<vmem>>, vector<16xf32>,
    tpu.vector_store %arg7[%swap3A_328, %swap3A_329], %broadcast_in_dim3A_172 {strides = array<i32>} : memref<32x16xf32, #tpu.memory_space<vmem>>, vector<16xf32>,
    %swap3A_331 = arith.constant 8 : i32
    %swap3A_332 = arith.index_cast %swap3A_331 : i32 to index
    %swap3A_333 = arith.constant 0 : index
    %swap3A_334 = tpu.vector_load %arg7[%swap3A_332, %swap3A_333] {strides = array<i32>} : memref<32x16xf32, #tpu.memory_space<vmem>>, vector<16xf32>,
    tpu.vector_store %arg7[%swap3A_332, %swap3A_333], %broadcast_in_dim3A_172 {strides = array<i32>} : memref<32x16xf32, #tpu.memory_space<vmem>>, vector<16xf32>,
    %swap3A_335 = arith.constant 9 : i32
    %swap3A_336 = arith.index_cast %swap3A_335 : i32 to index
    %swap3A_337 = arith.constant 0 : index
    %swap3A_338 = tpu.vector_load %arg7[%swap3A_336, %swap3A_337] {strides = array<i32>} : memref<32x16xf32, #tpu.memory_space<vmem>>, vector<16xf32>,
    tpu.vector_store %arg7[%swap3A_336, %swap3A_337], %broadcast_in_dim3A_172 {strides = array<i32>} : memref<32x16xf32, #tpu.memory_space<vmem>>, vector<16xf32>,
    %swap3A_339 = arith.constant 10 : i32
    %swap3A_340 = arith.index_cast %swap3A_339 : i32 to index
    %swap3A_341 = arith.constant 0 : index
    %swap3A_342 = tpu.vector_load %arg7[%swap3A_340, %swap3A_341] {strides = array<i32>} : memref<32x16xf32, #tpu.memory_space<vmem>>, vector<16xf32>,
    tpu.vector_store %arg7[%swap3A_340, %swap3A_341], %broadcast_in_dim3A_172 {strides = array<i32>} : memref<32x16xf32, #tpu.memory_space<vmem>>, vector<16xf32>,
    %swap3A_343 = arith.constant 11 : i32
    %swap3A_344 = arith.index_cast %swap3A_343 : i32 to index
    %swap3A_345 = arith.constant 0 : index
    %swap3A_346 = tpu.vector_load %arg7[%swap3A_344, %swap3A_345] {strides = array<i32>} : memref<32x16xf32, #tpu.memory_space<vmem>>, vector<16xf32>,
    tpu.vector_store %arg7[%swap3A_344, %swap3A_345], %broadcast_in_dim3A_172 {strides = array<i32>} : memref<32x16xf32, #tpu.memory_space<vmem>>, vector<16xf32>,
    %swap3A_347 = arith.constant 12 : i32
    %swap3A_348 = arith.index_cast %swap3A_347 : i32 to index
    %swap3A_349 = arith.constant 0 : index
    %swap3A_350 = tpu.vector_load %arg7[%swap3A_348, %swap3A_349] {strides = array<i32>} : memref<32x16xf32, #tpu.memory_space<vmem>>, vector<16xf32>,
    tpu.vector_store %arg7[%swap3A_348, %swap3A_349], %broadcast_in_dim3A_172 {strides = array<i32>} : memref<32x16xf32, #tpu.memory_space<vmem>>, vector<16xf32>,
    %swap3A_351 = arith.constant 13 : i32
    %swap3A_352 = arith.index_cast %swap3A_351 : i32 to index
    %swap3A_353 = arith.constant 0 : index
    %swap3A_354 = tpu.vector_load %arg7[%swap3A_352, %swap3A_353] {strides = array<i32>} : memref<32x16xf32, #tpu.memory_space<vmem>>, vector<16xf32>,
    tpu.vector_store %arg7[%swap3A_352, %swap3A_353], %broadcast_in_dim3A_172 {strides = array<i32>} : memref<32x16xf32, #tpu.memory_space<vmem>>, vector<16xf32>,
    %swap3A_355 = arith.constant 14 : i32
    %swap3A_356 = arith.index_cast %swap3A_355 : i32 to index
    %swap3A_357 = arith.constant 0 : index
    %swap3A_358 = tpu.vector_load %arg7[%swap3A_356, %swap3A_357] {strides = array<i32>} : memref<32x16xf32, #tpu.memory_space<vmem>>, vector<16xf32>,
    tpu.vector_store %arg7[%swap3A_356, %swap3A_357], %broadcast_in_dim3A_172 {strides = array<i32>} : memref<32x16xf32, #tpu.memory_space<vmem>>, vector<16xf32>,
    %swap3A_359 = arith.constant 15 : i32
    %swap3A_360 = arith.index_cast %swap3A_359 : i32 to index
    %swap3A_361 = arith.constant 0 : index
    %swap3A_362 = tpu.vector_load %arg7[%swap3A_360, %swap3A_361] {strides = array<i32>} : memref<32x16xf32, #tpu.memory_space<vmem>>, vector<16xf32>,
    tpu.vector_store %arg7[%swap3A_360, %swap3A_361], %broadcast_in_dim3A_172 {strides = array<i32>} : memref<32x16xf32, #tpu.memory_space<vmem>>, vector<16xf32>,
    %swap3A_363 = arith.constant 16 : i32
    %swap3A_364 = arith.index_cast %swap3A_363 : i32 to index
    %swap3A_365 = arith.constant 0 : index
    %swap3A_366 = tpu.vector_load %arg7[%swap3A_364, %swap3A_365] {strides = array<i32>} : memref<32x16xf32, #tpu.memory_space<vmem>>, vector<16xf32>,
    tpu.vector_store %arg7[%swap3A_364, %swap3A_365], %broadcast_in_dim3A_172 {strides = array<i32>} : memref<32x16xf32, #tpu.memory_space<vmem>>, vector<16xf32>,
    %swap3A_367 = arith.constant 17 : i32
    %swap3A_368 = arith.index_cast %swap3A_367 : i32 to index
    %swap3A_369 = arith.constant 0 : index
    %swap3A_370 = tpu.vector_load %arg7[%swap3A_368, %swap3A_369] {strides = array<i32>} : memref<32x16xf32, #tpu.memory_space<vmem>>, vector<16xf32>,
    tpu.vector_store %arg7[%swap3A_368, %swap3A_369], %broadcast_in_dim3A_172 {strides = array<i32>} : memref<32x16xf32, #tpu.memory_space<vmem>>, vector<16xf32>,
    %swap3A_371 = arith.constant 18 : i32
    %swap3A_372 = arith.index_cast %swap3A_371 : i32 to index
    %swap3A_373 = arith.constant 0 : index
    %swap3A_374 = tpu.vector_load %arg7[%swap3A_372, %swap3A_373] {strides = array<i32>} : memref<32x16xf32, #tpu.memory_space<vmem>>, vector<16xf32>,
    tpu.vector_store %arg7[%swap3A_372, %swap3A_373], %broadcast_in_dim3A_172 {strides = array<i32>} : memref<32x16xf32, #tpu.memory_space<vmem>>, vector<16xf32>,
    %swap3A_375 = arith.constant 19 : i32
    %swap3A_376 = arith.index_cast %swap3A_375 : i32 to index
    %swap3A_377 = arith.constant 0 : index
    %swap3A_378 = tpu.vector_load %arg7[%swap3A_376, %swap3A_377] {strides = array<i32>} : memref<32x16xf32, #tpu.memory_space<vmem>>, vector<16xf32>,
    tpu.vector_store %arg7[%swap3A_376, %swap3A_377], %broadcast_in_dim3A_172 {strides = array<i32>} : memref<32x16xf32, #tpu.memory_space<vmem>>, vector<16xf32>,
    %swap3A_379 = arith.constant 20 : i32
    %swap3A_380 = arith.index_cast %swap3A_379 : i32 to index
    %swap3A_381 = arith.constant 0 : index
    %swap3A_382 = tpu.vector_load %arg7[%swap3A_380, %swap3A_381] {strides = array<i32>} : memref<32x16xf32, #tpu.memory_space<vmem>>, vector<16xf32>,
    tpu.vector_store %arg7[%swap3A_380, %swap3A_381], %broadcast_in_dim3A_172 {strides = array<i32>} : memref<32x16xf32, #tpu.memory_space<vmem>>, vector<16xf32>,
    %swap3A_383 = arith.constant 21 : i32
    %swap3A_384 = arith.index_cast %swap3A_383 : i32 to index
    %swap3A_385 = arith.constant 0 : index
    %swap3A_386 = tpu.vector_load %arg7[%swap3A_384, %swap3A_385] {strides = array<i32>} : memref<32x16xf32, #tpu.memory_space<vmem>>, vector<16xf32>,
    tpu.vector_store %arg7[%swap3A_384, %swap3A_385], %broadcast_in_dim3A_172 {strides = array<i32>} : memref<32x16xf32, #tpu.memory_space<vmem>>, vector<16xf32>,
    %swap3A_387 = arith.constant 22 : i32
    %swap3A_388 = arith.index_cast %swap3A_387 : i32 to index
    %swap3A_389 = arith.constant 0 : index
    %swap3A_390 = tpu.vector_load %arg7[%swap3A_388, %swap3A_389] {strides = array<i32>} : memref<32x16xf32, #tpu.memory_space<vmem>>, vector<16xf32>,
    tpu.vector_store %arg7[%swap3A_388, %swap3A_389], %broadcast_in_dim3A_172 {strides = array<i32>} : memref<32x16xf32, #tpu.memory_space<vmem>>, vector<16xf32>,
    %swap3A_391 = arith.constant 23 : i32
    %swap3A_392 = arith.index_cast %swap3A_391 : i32 to index
    %swap3A_393 = arith.constant 0 : index
    %swap3A_394 = tpu.vector_load %arg7[%swap3A_392, %swap3A_393] {strides = array<i32>} : memref<32x16xf32, #tpu.memory_space<vmem>>, vector<16xf32>,
    tpu.vector_store %arg7[%swap3A_392, %swap3A_393], %broadcast_in_dim3A_172 {strides = array<i32>} : memref<32x16xf32, #tpu.memory_space<vmem>>, vector<16xf32>,
    %swap3A_395 = arith.constant 24 : i32
    %swap3A_396 = arith.index_cast %swap3A_395 : i32 to index
    %swap3A_397 = arith.constant 0 : index
    %swap3A_398 = tpu.vector_load %arg7[%swap3A_396, %swap3A_397] {strides = array<i32>} : memref<32x16xf32, #tpu.memory_space<vmem>>, vector<16xf32>,
    tpu.vector_store %arg7[%swap3A_396, %swap3A_397], %broadcast_in_dim3A_172 {strides = array<i32>} : memref<32x16xf32, #tpu.memory_space<vmem>>, vector<16xf32>,
    %swap3A_399 = arith.constant 25 : i32
    %swap3A_400 = arith.index_cast %swap3A_399 : i32 to index
    %swap3A_401 = arith.constant 0 : index
    %swap3A_402 = tpu.vector_load %arg7[%swap3A_400, %swap3A_401] {strides = array<i32>} : memref<32x16xf32, #tpu.memory_space<vmem>>, vector<16xf32>,
    tpu.vector_store %arg7[%swap3A_400, %swap3A_401], %broadcast_in_dim3A_172 {strides = array<i32>} : memref<32x16xf32, #tpu.memory_space<vmem>>, vector<16xf32>,
    %swap3A_403 = arith.constant 26 : i32
    %swap3A_404 = arith.index_cast %swap3A_403 : i32 to index
    %swap3A_405 = arith.constant 0 : index
    %swap3A_406 = tpu.vector_load %arg7[%swap3A_404, %swap3A_405] {strides = array<i32>} : memref<32x16xf32, #tpu.memory_space<vmem>>, vector<16xf32>,
    tpu.vector_store %arg7[%swap3A_404, %swap3A_405], %broadcast_in_dim3A_172 {strides = array<i32>} : memref<32x16xf32, #tpu.memory_space<vmem>>, vector<16xf32>,
    %swap3A_407 = arith.constant 27 : i32
    %swap3A_408 = arith.index_cast %swap3A_407 : i32 to index
    %swap3A_409 = arith.constant 0 : index
    %swap3A_410 = tpu.vector_load %arg7[%swap3A_408, %swap3A_409] {strides = array<i32>} : memref<32x16xf32, #tpu.memory_space<vmem>>, vector<16xf32>,
    tpu.vector_store %arg7[%swap3A_408, %swap3A_409], %broadcast_in_dim3A_172 {strides = array<i32>} : memref<32x16xf32, #tpu.memory_space<vmem>>, vector<16xf32>,
    %swap3A_411 = arith.constant 28 : i32
    %swap3A_412 = arith.index_cast %swap3A_411 : i32 to index
    %swap3A_413 = arith.constant 0 : index
    %swap3A_414 = tpu.vector_load %arg7[%swap3A_412, %swap3A_413] {strides = array<i32>} : memref<32x16xf32, #tpu.memory_space<vmem>>, vector<16xf32>,
    tpu.vector_store %arg7[%swap3A_412, %swap3A_413], %broadcast_in_dim3A_172 {strides = array<i32>} : memref<32x16xf32, #tpu.memory_space<vmem>>, vector<16xf32>,
    %swap3A_415 = arith.constant 29 : i32
    %swap3A_416 = arith.index_cast %swap3A_415 : i32 to index
    %swap3A_417 = arith.constant 0 : index
    %swap3A_418 = tpu.vector_load %arg7[%swap3A_416, %swap3A_417] {strides = array<i32>} : memref<32x16xf32, #tpu.memory_space<vmem>>, vector<16xf32>,
    tpu.vector_store %arg7[%swap3A_416, %swap3A_417], %broadcast_in_dim3A_172 {strides = array<i32>} : memref<32x16xf32, #tpu.memory_space<vmem>>, vector<16xf32>,
    %swap3A_419 = arith.constant 30 : i32
    %swap3A_420 = arith.index_cast %swap3A_419 : i32 to index
    %swap3A_421 = arith.constant 0 : index
    %swap3A_422 = tpu.vector_load %arg7[%swap3A_420, %swap3A_421] {strides = array<i32>} : memref<32x16xf32, #tpu.memory_space<vmem>>, vector<16xf32>,
    tpu.vector_store %arg7[%swap3A_420, %swap3A_421], %broadcast_in_dim3A_172 {strides = array<i32>} : memref<32x16xf32, #tpu.memory_space<vmem>>, vector<16xf32>,
    %swap3A_423 = arith.constant 31 : i32
    %swap3A_424 = arith.index_cast %swap3A_423 : i32 to index
    %swap3A_425 = arith.constant 0 : index
    %swap3A_426 = tpu.vector_load %arg7[%swap3A_424, %swap3A_425] {strides = array<i32>} : memref<32x16xf32, #tpu.memory_space<vmem>>, vector<16xf32>,
    tpu.vector_store %arg7[%swap3A_424, %swap3A_425], %broadcast_in_dim3A_172 {strides = array<i32>} : memref<32x16xf32, #tpu.memory_space<vmem>>, vector<16xf32>,
    %mul3A_427 = arith.constant 0 : i32
    %mul3A_428 = arith.constant 64 : i32
    %mul3A_429 = arith.muli %mul3A_427, %mul3A_428 : i32
    %add3A_430 = arith.addi %select_n3A, %mul3A_429 : i32
    %sub3A_431 = arith.constant 64 : i32
    %sub3A_432 = arith.subi %select_n3A_46, %sub3A_431 : i32
    %min3A = arith.minsi %add3A_430, %sub3A_432 : i32
    %rem3A_433 = arith.constant 0 : i32
    %rem3A_434 = arith.constant 3 : i32
    %rem3A_435 = arith.remsi %rem3A_433, %rem3A_434 : i32
    %mul3A_436 = arith.constant 32 : i32
    %mul3A_437 = arith.muli %min3A, %mul3A_436 : i32
    %mul3A_438 = arith.constant 64 : i32
    %mul3A_439 = arith.muli %rem3A_435, %mul3A_438 : i32
    %mul3A_440 = arith.constant 32 : i32
    %mul3A_441 = arith.muli %mul3A_439, %mul3A_440 : i32
    %dma_start3A = arith.constant 0 : i32
    %dma_start3A_442 = tpu.memref_slice %arg5[%mul3A_441, %dma_start3A] : memref<6144x16xf32, #tpu.memory_space<vmem>> -> memref<2048x16xf32, #tpu.memory_space<vmem>>
    %dma_start3A_443 = arith.constant 0 : i32
    %dma_start3A_444 = tpu.memref_slice %arg2[%mul3A_437, %dma_start3A_443] : memref<1600000x16xf32, #tpu.memory_space<hbm>> -> memref<2048x16xf32, #tpu.memory_space<hbm>>
    %dma_start3A_445 = arith.constant 0 : i32
    %dma_start3A_446 = tpu.memref_slice %arg5[%mul3A_441, %dma_start3A_445] : memref<6144x16xf32, #tpu.memory_space<vmem>> -> memref<2048x16xf32, #tpu.memory_space<vmem>>
    %dma_start3A_447 = arith.constant 0 : i32
    %dma_start3A_448 = tpu.memref_slice %arg2[%mul3A_437, %dma_start3A_447] : memref<1600000x16xf32, #tpu.memory_space<hbm>> -> memref<2048x16xf32, #tpu.memory_space<hbm>>
    tpu.enqueue_dma source(%dma_start3A_448 : memref<2048x16xf32, #tpu.memory_space<hbm>>) target(%dma_start3A_446 : memref<2048x16xf32, #tpu.memory_space<vmem>>) target_semaphore(%arg8 : memref<!tpu.dma_semaphore, #tpu.memory_space<semaphore_mem>>)
    %mul3A_449 = arith.constant 1 : i32
    %mul3A_450 = arith.constant 64 : i32
    %mul3A_451 = arith.muli %mul3A_449, %mul3A_450 : i32
    %add3A_452 = arith.addi %select_n3A, %mul3A_451 : i32
    %sub3A_453 = arith.constant 64 : i32
    %sub3A_454 = arith.subi %select_n3A_46, %sub3A_453 : i32
    %min3A_455 = arith.minsi %add3A_452, %sub3A_454 : i32
    %rem3A_456 = arith.constant 1 : i32
    %rem3A_457 = arith.constant 3 : i32
    %rem3A_458 = arith.remsi %rem3A_456, %rem3A_457 : i32
    %mul3A_459 = arith.constant 32 : i32
    %mul3A_460 = arith.muli %min3A_455, %mul3A_459 : i32
    %mul3A_461 = arith.constant 64 : i32
    %mul3A_462 = arith.muli %rem3A_458, %mul3A_461 : i32
    %mul3A_463 = arith.constant 32 : i32
    %mul3A_464 = arith.muli %mul3A_462, %mul3A_463 : i32
    %dma_start3A_465 = arith.constant 0 : i32
    %dma_start3A_466 = tpu.memref_slice %arg5[%mul3A_464, %dma_start3A_465] : memref<6144x16xf32, #tpu.memory_space<vmem>> -> memref<2048x16xf32, #tpu.memory_space<vmem>>
    %dma_start3A_467 = arith.constant 0 : i32
    %dma_start3A_468 = tpu.memref_slice %arg2[%mul3A_460, %dma_start3A_467] : memref<1600000x16xf32, #tpu.memory_space<hbm>> -> memref<2048x16xf32, #tpu.memory_space<hbm>>
    %dma_start3A_469 = arith.constant 0 : i32
    %dma_start3A_470 = tpu.memref_slice %arg5[%mul3A_464, %dma_start3A_469] : memref<6144x16xf32, #tpu.memory_space<vmem>> -> memref<2048x16xf32, #tpu.memory_space<vmem>>
    %dma_start3A_471 = arith.constant 0 : i32
    %dma_start3A_472 = tpu.memref_slice %arg2[%mul3A_460, %dma_start3A_471] : memref<1600000x16xf32, #tpu.memory_space<hbm>> -> memref<2048x16xf32, #tpu.memory_space<hbm>>
    tpu.enqueue_dma source(%dma_start3A_472 : memref<2048x16xf32, #tpu.memory_space<hbm>>) target(%dma_start3A_470 : memref<2048x16xf32, #tpu.memory_space<vmem>>) target_semaphore(%arg8 : memref<!tpu.dma_semaphore, #tpu.memory_space<semaphore_mem>>)
    %while3A = arith.constant 0 : i32
    %while3A_473 = arith.constant 0 : i32
    %while3A_474 = arith.subi %select_n3A_75, %while3A_473 : i32
    %while3A_475 = arith.addi %while3A_473, %while3A_474 : i32
    %while3A_476 = arith.constant 1 : i32
    %while3A_477 = arith.divsi %while3A_474, %while3A_476 : i32
    %while3A_478 = arith.muli %while3A_477, %while3A_476 : i32
    %while3A_479 = arith.addi %while3A_473, %while3A_478 : i32
    %while3A_480 = arith.constant 1 : i32
    scf.for %while3A_482 = %while3A_473 to %while3A_479 step %while3A_480  : i32 {
      %add3A_483 = arith.constant 2 : i32
      %add3A_484 = arith.addi %while3A_482, %add3A_483 : i32
      %lt3A = arith.cmpi slt, %add3A_484, %select_n3A_75 : i32
      %convert_element_type3A = arith.extui %lt3A : i1 to i32
      %cond3A = arith.constant 0 : i32
      %cond3A_485 = arith.cmpi ne, %convert_element_type3A, %cond3A : i32
      scf.if %cond3A_485 {
        %add3A_509 = arith.constant 2 : i32
        %add3A_510 = arith.addi %while3A_482, %add3A_509 : i32
        %mul3A_511 = arith.constant 64 : i32
        %mul3A_512 = arith.muli %add3A_510, %mul3A_511 : i32
        %add3A_513 = arith.addi %select_n3A, %mul3A_512 : i32
        %sub3A_514 = arith.constant 64 : i32
        %sub3A_515 = arith.subi %select_n3A_46, %sub3A_514 : i32
        %min3A_516 = arith.minsi %add3A_513, %sub3A_515 : i32
        %rem3A_517 = arith.constant 3 : i32
        %rem3A_518 = arith.remsi %add3A_510, %rem3A_517 : i32
        %mul3A_519 = arith.constant 32 : i32
        %mul3A_520 = arith.muli %min3A_516, %mul3A_519 : i32
        %mul3A_521 = arith.constant 64 : i32
        %mul3A_522 = arith.muli %rem3A_518, %mul3A_521 : i32
        %mul3A_523 = arith.constant 32 : i32
        %mul3A_524 = arith.muli %mul3A_522, %mul3A_523 : i32
        %dma_start3A_525 = arith.constant 0 : i32
        %dma_start3A_526 = tpu.memref_slice %arg5[%mul3A_524, %dma_start3A_525] : memref<6144x16xf32, #tpu.memory_space<vmem>> -> memref<2048x16xf32, #tpu.memory_space<vmem>>
        %dma_start3A_527 = arith.constant 0 : i32
        %dma_start3A_528 = tpu.memref_slice %arg2[%mul3A_520, %dma_start3A_527] : memref<1600000x16xf32, #tpu.memory_space<hbm>> -> memref<2048x16xf32, #tpu.memory_space<hbm>>
        %dma_start3A_529 = arith.constant 0 : i32
        %dma_start3A_530 = tpu.memref_slice %arg5[%mul3A_524, %dma_start3A_529] : memref<6144x16xf32, #tpu.memory_space<vmem>> -> memref<2048x16xf32, #tpu.memory_space<vmem>>
        %dma_start3A_531 = arith.constant 0 : i32
        %dma_start3A_532 = tpu.memref_slice %arg2[%mul3A_520, %dma_start3A_531] : memref<1600000x16xf32, #tpu.memory_space<hbm>> -> memref<2048x16xf32, #tpu.memory_space<hbm>>
        tpu.enqueue_dma source(%dma_start3A_532 : memref<2048x16xf32, #tpu.memory_space<hbm>>) target(%dma_start3A_530 : memref<2048x16xf32, #tpu.memory_space<vmem>>) target_semaphore(%arg8 : memref<!tpu.dma_semaphore, #tpu.memory_space<semaphore_mem>>)
      } else {
      }
      %dma_wait3A = arith.constant 0 : i32
      %dma_wait3A_486 = arith.constant 0 : i32
      %dma_wait3A_487 = tpu.memref_slice %arg5[%dma_wait3A, %dma_wait3A_486] : memref<6144x16xf32, #tpu.memory_space<vmem>> -> memref<2048x16xf32, #tpu.memory_space<vmem>>
      %dma_wait3A_488 = arith.constant 0 : i32
      %dma_wait3A_489 = arith.constant 0 : i32
      %dma_wait3A_490 = tpu.memref_slice %arg2[%dma_wait3A_488, %dma_wait3A_489] : memref<1600000x16xf32, #tpu.memory_space<hbm>> -> memref<2048x16xf32, #tpu.memory_space<hbm>>
      %dma_wait3A_491 = arith.constant 0 : i32
      %dma_wait3A_492 = arith.constant 0 : i32
      %dma_wait3A_493 = tpu.memref_slice %arg5[%dma_wait3A_491, %dma_wait3A_492] : memref<6144x16xf32, #tpu.memory_space<vmem>> -> memref<2048x16xf32, #tpu.memory_space<vmem>>
      %dma_wait3A_494 = arith.constant 0 : i32
      %dma_wait3A_495 = arith.constant 0 : i32
      %dma_wait3A_496 = tpu.memref_slice %arg2[%dma_wait3A_494, %dma_wait3A_495] : memref<1600000x16xf32, #tpu.memory_space<hbm>> -> memref<2048x16xf32, #tpu.memory_space<hbm>>
      tpu.wait_dma2 semaphore(%arg8 : memref<!tpu.dma_semaphore, #tpu.memory_space<semaphore_mem>>) src(%dma_wait3A_496 : memref<2048x16xf32, #tpu.memory_space<hbm>>) dst(%dma_wait3A_493 : memref<2048x16xf32, #tpu.memory_space<vmem>>)
      %mul3A_497 = arith.constant 64 : i32
      %mul3A_498 = arith.muli %while3A_482, %mul3A_497 : i32
      %add3A_499 = arith.addi %select_n3A, %mul3A_498 : i32
      %sub3A_500 = arith.constant 64 : i32
      %sub3A_501 = arith.subi %select_n3A_46, %sub3A_500 : i32
      %min3A_502 = arith.minsi %add3A_499, %sub3A_501 : i32
      %sub3A_503 = arith.subi %add3A_499, %min3A_502 : i32
      %rem3A_504 = arith.constant 3 : i32
      %rem3A_505 = arith.remsi %while3A_482, %rem3A_504 : i32
      %mul3A_506 = arith.constant 2048 : i32
      %mul3A_507 = arith.muli %rem3A_505, %mul3A_506 : i32
      %parallel_loop3A = arith.constant 64 : i32
      %parallel_loop3A_508 = arith.constant 1 : i32
      scf.for %parallel_loop3A_509 = %sub3A_503 to %parallel_loop3A step %parallel_loop3A_508  : i32 {
        %parallel_loop3A_510 = arith.constant 32 : i32
        %parallel_loop3A_511 = arith.muli %parallel_loop3A_509, %parallel_loop3A_510 : i32
        %parallel_loop3A_512 = arith.addi %mul3A_507, %parallel_loop3A_511 : i32
        %parallel_loop3A_513 = arith.constant 0 : i32
        %parallel_loop3A_514 = arith.addi %parallel_loop3A_512, %parallel_loop3A_513 : i32
        %parallel_loop3A_515 = vector.broadcast %parallel_loop3A_514 : i32 to vector<16xi32>
        %parallel_loop3A_516 = arith.addi %parallel_loop3A_515, %iota3A : vector<16xi32>
        %parallel_loop3A_517 = arith.constant 16 : i32
        %parallel_loop3A_518 = arith.addi %parallel_loop3A_512, %parallel_loop3A_517 : i32
        %parallel_loop3A_519 = vector.broadcast %parallel_loop3A_518 : i32 to vector<16xi32>
        %parallel_loop3A_520 = arith.addi %parallel_loop3A_519, %iota3A : vector<16xi32>
        %parallel_loop3A_521 = tpu.vector_load_idx %arg5[%parallel_loop3A_516, %rem3A_81] : memref<6144x16xf32, #tpu.memory_space<vmem>>[vector<16xi32>, vector<16xi32>], vector<16xf32>,
        %parallel_loop3A_522 = arith.mulf %parallel_loop3A_521, %get3A_175 : vector<16xf32>
        %parallel_loop3A_523 = tpu.vector_load_idx %arg5[%parallel_loop3A_516, %rem3A_87] : memref<6144x16xf32, #tpu.memory_space<vmem>>[vector<16xi32>, vector<16xi32>], vector<16xf32>,
        %parallel_loop3A_524 = arith.mulf %parallel_loop3A_523, %get3A_179 : vector<16xf32>
        %parallel_loop3A_525 = tpu.vector_load_idx %arg5[%parallel_loop3A_516, %rem3A_93] : memref<6144x16xf32, #tpu.memory_space<vmem>>[vector<16xi32>, vector<16xi32>], vector<16xf32>,
        %parallel_loop3A_526 = arith.mulf %parallel_loop3A_525, %get3A_183 : vector<16xf32>
        %parallel_loop3A_527 = tpu.vector_load_idx %arg5[%parallel_loop3A_516, %rem3A_99] : memref<6144x16xf32, #tpu.memory_space<vmem>>[vector<16xi32>, vector<16xi32>], vector<16xf32>,
        %parallel_loop3A_528 = arith.mulf %parallel_loop3A_527, %get3A_187 : vector<16xf32>
        %parallel_loop3A_529 = tpu.vector_load_idx %arg5[%parallel_loop3A_516, %rem3A_105] : memref<6144x16xf32, #tpu.memory_space<vmem>>[vector<16xi32>, vector<16xi32>], vector<16xf32>,
        %parallel_loop3A_530 = arith.mulf %parallel_loop3A_529, %get3A_191 : vector<16xf32>
        %parallel_loop3A_531 = arith.addf %parallel_loop3A_522, %parallel_loop3A_530 : vector<16xf32>
        %parallel_loop3A_532 = tpu.vector_load_idx %arg5[%parallel_loop3A_516, %rem3A_111] : memref<6144x16xf32, #tpu.memory_space<vmem>>[vector<16xi32>, vector<16xi32>], vector<16xf32>,
        %parallel_loop3A_533 = arith.mulf %parallel_loop3A_532, %get3A_195 : vector<16xf32>
        %parallel_loop3A_534 = arith.addf %parallel_loop3A_524, %parallel_loop3A_533 : vector<16xf32>
        %parallel_loop3A_535 = tpu.vector_load_idx %arg5[%parallel_loop3A_516, %rem3A_117] : memref<6144x16xf32, #tpu.memory_space<vmem>>[vector<16xi32>, vector<16xi32>], vector<16xf32>,
        %parallel_loop3A_536 = arith.mulf %parallel_loop3A_535, %get3A_199 : vector<16xf32>
        %parallel_loop3A_537 = arith.addf %parallel_loop3A_526, %parallel_loop3A_536 : vector<16xf32>
        %parallel_loop3A_538 = tpu.vector_load_idx %arg5[%parallel_loop3A_516, %rem3A_123] : memref<6144x16xf32, #tpu.memory_space<vmem>>[vector<16xi32>, vector<16xi32>], vector<16xf32>,
        %parallel_loop3A_539 = arith.mulf %parallel_loop3A_538, %get3A_203 : vector<16xf32>
        %parallel_loop3A_540 = arith.addf %parallel_loop3A_528, %parallel_loop3A_539 : vector<16xf32>
        %parallel_loop3A_541 = tpu.vector_load_idx %arg5[%parallel_loop3A_516, %rem3A_129] : memref<6144x16xf32, #tpu.memory_space<vmem>>[vector<16xi32>, vector<16xi32>], vector<16xf32>,
        %parallel_loop3A_542 = arith.mulf %parallel_loop3A_541, %get3A_207 : vector<16xf32>
        %parallel_loop3A_543 = arith.addf %parallel_loop3A_531, %parallel_loop3A_542 : vector<16xf32>
        %parallel_loop3A_544 = tpu.vector_load_idx %arg5[%parallel_loop3A_516, %rem3A_135] : memref<6144x16xf32, #tpu.memory_space<vmem>>[vector<16xi32>, vector<16xi32>], vector<16xf32>,
        %parallel_loop3A_545 = arith.mulf %parallel_loop3A_544, %get3A_211 : vector<16xf32>
        %parallel_loop3A_546 = arith.addf %parallel_loop3A_534, %parallel_loop3A_545 : vector<16xf32>
        %parallel_loop3A_547 = tpu.vector_load_idx %arg5[%parallel_loop3A_516, %rem3A_141] : memref<6144x16xf32, #tpu.memory_space<vmem>>[vector<16xi32>, vector<16xi32>], vector<16xf32>,
        %parallel_loop3A_548 = arith.mulf %parallel_loop3A_547, %get3A_215 : vector<16xf32>
        %parallel_loop3A_549 = arith.addf %parallel_loop3A_537, %parallel_loop3A_548 : vector<16xf32>
        %parallel_loop3A_550 = tpu.vector_load_idx %arg5[%parallel_loop3A_516, %rem3A_147] : memref<6144x16xf32, #tpu.memory_space<vmem>>[vector<16xi32>, vector<16xi32>], vector<16xf32>,
        %parallel_loop3A_551 = arith.mulf %parallel_loop3A_550, %get3A_219 : vector<16xf32>
        %parallel_loop3A_552 = arith.addf %parallel_loop3A_540, %parallel_loop3A_551 : vector<16xf32>
        %parallel_loop3A_553 = tpu.vector_load_idx %arg5[%parallel_loop3A_516, %rem3A_153] : memref<6144x16xf32, #tpu.memory_space<vmem>>[vector<16xi32>, vector<16xi32>], vector<16xf32>,
        %parallel_loop3A_554 = arith.mulf %parallel_loop3A_553, %get3A_223 : vector<16xf32>
        %parallel_loop3A_555 = arith.addf %parallel_loop3A_543, %parallel_loop3A_554 : vector<16xf32>
        %parallel_loop3A_556 = tpu.vector_load_idx %arg5[%parallel_loop3A_516, %rem3A_159] : memref<6144x16xf32, #tpu.memory_space<vmem>>[vector<16xi32>, vector<16xi32>], vector<16xf32>,
        %parallel_loop3A_557 = arith.mulf %parallel_loop3A_556, %get3A_227 : vector<16xf32>
        %parallel_loop3A_558 = arith.addf %parallel_loop3A_546, %parallel_loop3A_557 : vector<16xf32>
        %parallel_loop3A_559 = tpu.vector_load_idx %arg5[%parallel_loop3A_516, %rem3A_165] : memref<6144x16xf32, #tpu.memory_space<vmem>>[vector<16xi32>, vector<16xi32>], vector<16xf32>,
        %parallel_loop3A_560 = arith.mulf %parallel_loop3A_559, %get3A_231 : vector<16xf32>
        %parallel_loop3A_561 = arith.addf %parallel_loop3A_549, %parallel_loop3A_560 : vector<16xf32>
        %parallel_loop3A_562 = tpu.vector_load_idx %arg5[%parallel_loop3A_516, %rem3A_171] : memref<6144x16xf32, #tpu.memory_space<vmem>>[vector<16xi32>, vector<16xi32>], vector<16xf32>,
        %parallel_loop3A_563 = arith.mulf %parallel_loop3A_562, %get3A_235 : vector<16xf32>
        %parallel_loop3A_564 = arith.addf %parallel_loop3A_552, %parallel_loop3A_563 : vector<16xf32>
        %parallel_loop3A_565 = arith.addf %parallel_loop3A_555, %parallel_loop3A_558 : vector<16xf32>
        %parallel_loop3A_566 = arith.addf %parallel_loop3A_561, %parallel_loop3A_564 : vector<16xf32>
        %parallel_loop3A_567 = arith.addf %parallel_loop3A_565, %parallel_loop3A_566 : vector<16xf32>
        %parallel_loop3A_568 = math.exp %parallel_loop3A_567 : vector<16xf32>
        %parallel_loop3A_569 = tpu.vector_load_idx %arg5[%parallel_loop3A_520, %rem3A_81] : memref<6144x16xf32, #tpu.memory_space<vmem>>[vector<16xi32>, vector<16xi32>], vector<16xf32>,
        %parallel_loop3A_570 = arith.mulf %parallel_loop3A_569, %get3A_239 : vector<16xf32>
        %parallel_loop3A_571 = tpu.vector_load_idx %arg5[%parallel_loop3A_520, %rem3A_87] : memref<6144x16xf32, #tpu.memory_space<vmem>>[vector<16xi32>, vector<16xi32>], vector<16xf32>,
        %parallel_loop3A_572 = arith.mulf %parallel_loop3A_571, %get3A_243 : vector<16xf32>
        %parallel_loop3A_573 = tpu.vector_load_idx %arg5[%parallel_loop3A_520, %rem3A_93] : memref<6144x16xf32, #tpu.memory_space<vmem>>[vector<16xi32>, vector<16xi32>], vector<16xf32>,
        %parallel_loop3A_574 = arith.mulf %parallel_loop3A_573, %get3A_247 : vector<16xf32>
        %parallel_loop3A_575 = tpu.vector_load_idx %arg5[%parallel_loop3A_520, %rem3A_99] : memref<6144x16xf32, #tpu.memory_space<vmem>>[vector<16xi32>, vector<16xi32>], vector<16xf32>,
        %parallel_loop3A_576 = arith.mulf %parallel_loop3A_575, %get3A_251 : vector<16xf32>
        %parallel_loop3A_577 = tpu.vector_load_idx %arg5[%parallel_loop3A_520, %rem3A_105] : memref<6144x16xf32, #tpu.memory_space<vmem>>[vector<16xi32>, vector<16xi32>], vector<16xf32>,
        %parallel_loop3A_578 = arith.mulf %parallel_loop3A_577, %get3A_255 : vector<16xf32>
        %parallel_loop3A_579 = arith.addf %parallel_loop3A_570, %parallel_loop3A_578 : vector<16xf32>
        %parallel_loop3A_580 = tpu.vector_load_idx %arg5[%parallel_loop3A_520, %rem3A_111] : memref<6144x16xf32, #tpu.memory_space<vmem>>[vector<16xi32>, vector<16xi32>], vector<16xf32>,
        %parallel_loop3A_581 = arith.mulf %parallel_loop3A_580, %get3A_259 : vector<16xf32>
        %parallel_loop3A_582 = arith.addf %parallel_loop3A_572, %parallel_loop3A_581 : vector<16xf32>
        %parallel_loop3A_583 = tpu.vector_load_idx %arg5[%parallel_loop3A_520, %rem3A_117] : memref<6144x16xf32, #tpu.memory_space<vmem>>[vector<16xi32>, vector<16xi32>], vector<16xf32>,
        %parallel_loop3A_584 = arith.mulf %parallel_loop3A_583, %get3A_263 : vector<16xf32>
        %parallel_loop3A_585 = arith.addf %parallel_loop3A_574, %parallel_loop3A_584 : vector<16xf32>
        %parallel_loop3A_586 = tpu.vector_load_idx %arg5[%parallel_loop3A_520, %rem3A_123] : memref<6144x16xf32, #tpu.memory_space<vmem>>[vector<16xi32>, vector<16xi32>], vector<16xf32>,
        %parallel_loop3A_587 = arith.mulf %parallel_loop3A_586, %get3A_267 : vector<16xf32>
        %parallel_loop3A_588 = arith.addf %parallel_loop3A_576, %parallel_loop3A_587 : vector<16xf32>
        %parallel_loop3A_589 = tpu.vector_load_idx %arg5[%parallel_loop3A_520, %rem3A_129] : memref<6144x16xf32, #tpu.memory_space<vmem>>[vector<16xi32>, vector<16xi32>], vector<16xf32>,
        %parallel_loop3A_590 = arith.mulf %parallel_loop3A_589, %get3A_271 : vector<16xf32>
        %parallel_loop3A_591 = arith.addf %parallel_loop3A_579, %parallel_loop3A_590 : vector<16xf32>
        %parallel_loop3A_592 = tpu.vector_load_idx %arg5[%parallel_loop3A_520, %rem3A_135] : memref<6144x16xf32, #tpu.memory_space<vmem>>[vector<16xi32>, vector<16xi32>], vector<16xf32>,
        %parallel_loop3A_593 = arith.mulf %parallel_loop3A_592, %get3A_275 : vector<16xf32>
        %parallel_loop3A_594 = arith.addf %parallel_loop3A_582, %parallel_loop3A_593 : vector<16xf32>
        %parallel_loop3A_595 = tpu.vector_load_idx %arg5[%parallel_loop3A_520, %rem3A_141] : memref<6144x16xf32, #tpu.memory_space<vmem>>[vector<16xi32>, vector<16xi32>], vector<16xf32>,
        %parallel_loop3A_596 = arith.mulf %parallel_loop3A_595, %get3A_279 : vector<16xf32>
        %parallel_loop3A_597 = arith.addf %parallel_loop3A_585, %parallel_loop3A_596 : vector<16xf32>
        %parallel_loop3A_598 = tpu.vector_load_idx %arg5[%parallel_loop3A_520, %rem3A_147] : memref<6144x16xf32, #tpu.memory_space<vmem>>[vector<16xi32>, vector<16xi32>], vector<16xf32>,
        %parallel_loop3A_599 = arith.mulf %parallel_loop3A_598, %get3A_283 : vector<16xf32>
        %parallel_loop3A_600 = arith.addf %parallel_loop3A_588, %parallel_loop3A_599 : vector<16xf32>
        %parallel_loop3A_601 = tpu.vector_load_idx %arg5[%parallel_loop3A_520, %rem3A_153] : memref<6144x16xf32, #tpu.memory_space<vmem>>[vector<16xi32>, vector<16xi32>], vector<16xf32>,
        %parallel_loop3A_602 = arith.mulf %parallel_loop3A_601, %get3A_287 : vector<16xf32>
        %parallel_loop3A_603 = arith.addf %parallel_loop3A_591, %parallel_loop3A_602 : vector<16xf32>
        %parallel_loop3A_604 = tpu.vector_load_idx %arg5[%parallel_loop3A_520, %rem3A_159] : memref<6144x16xf32, #tpu.memory_space<vmem>>[vector<16xi32>, vector<16xi32>], vector<16xf32>,
        %parallel_loop3A_605 = arith.mulf %parallel_loop3A_604, %get3A_291 : vector<16xf32>
        %parallel_loop3A_606 = arith.addf %parallel_loop3A_594, %parallel_loop3A_605 : vector<16xf32>
        %parallel_loop3A_607 = tpu.vector_load_idx %arg5[%parallel_loop3A_520, %rem3A_165] : memref<6144x16xf32, #tpu.memory_space<vmem>>[vector<16xi32>, vector<16xi32>], vector<16xf32>,
        %parallel_loop3A_608 = arith.mulf %parallel_loop3A_607, %get3A_295 : vector<16xf32>
        %parallel_loop3A_609 = arith.addf %parallel_loop3A_597, %parallel_loop3A_608 : vector<16xf32>
        %parallel_loop3A_610 = tpu.vector_load_idx %arg5[%parallel_loop3A_520, %rem3A_171] : memref<6144x16xf32, #tpu.memory_space<vmem>>[vector<16xi32>, vector<16xi32>], vector<16xf32>,
        %parallel_loop3A_611 = arith.mulf %parallel_loop3A_610, %get3A_299 : vector<16xf32>
        %parallel_loop3A_612 = arith.addf %parallel_loop3A_600, %parallel_loop3A_611 : vector<16xf32>
        %parallel_loop3A_613 = arith.addf %parallel_loop3A_603, %parallel_loop3A_606 : vector<16xf32>
        %parallel_loop3A_614 = arith.addf %parallel_loop3A_609, %parallel_loop3A_612 : vector<16xf32>
        %parallel_loop3A_615 = arith.addf %parallel_loop3A_613, %parallel_loop3A_614 : vector<16xf32>
        %parallel_loop3A_616 = math.exp %parallel_loop3A_615 : vector<16xf32>
        %parallel_loop3A_617 = arith.addf %parallel_loop3A_568, %parallel_loop3A_616 : vector<16xf32>
        %parallel_loop3A_618 = arith.constant true
        %parallel_loop3A_619 = vector.broadcast %parallel_loop3A_618 : i1 to vector<16xi1>
        %parallel_loop3A_620 = tpu.scan <sum>, %parallel_loop3A_617 masked %parallel_loop3A_619 : vector<16xf32>, vector<16xi1> -> vector<16xf32>
        %parallel_loop3A_621 = vector.extract %parallel_loop3A_620[15] : f32 from vector<16xf32>
        %parallel_loop3A_622 = vector.broadcast %parallel_loop3A_621 : f32 to vector<16xf32>
        %parallel_loop3A_623 = arith.constant 1.000000e+00 : f32
        %parallel_loop3A_624 = vector.broadcast %parallel_loop3A_623 : f32 to vector<16xf32>
        %parallel_loop3A_625 = arith.divf %parallel_loop3A_624, %parallel_loop3A_622 : vector<16xf32>
        %parallel_loop3A_626 = arith.mulf %parallel_loop3A_568, %parallel_loop3A_625 : vector<16xf32>
        %parallel_loop3A_627 = arith.mulf %parallel_loop3A_616, %parallel_loop3A_625 : vector<16xf32>
        %parallel_loop3A_628 = tpu.vector_load_idx %arg5[%parallel_loop3A_516, %rem3A_81] : memref<6144x16xf32, #tpu.memory_space<vmem>>[vector<16xi32>, vector<16xi32>], vector<16xf32>,
        %parallel_loop3A_629 = arith.mulf %parallel_loop3A_628, %parallel_loop3A_626 : vector<16xf32>
        %parallel_loop3A_630 = arith.constant 0 : i32
        %parallel_loop3A_631 = arith.index_cast %parallel_loop3A_630 : i32 to index
        %parallel_loop3A_632 = arith.constant 0 : index
        %parallel_loop3A_633 = tpu.vector_load %arg7[%parallel_loop3A_631, %parallel_loop3A_632] {strides = array<i32>} : memref<32x16xf32, #tpu.memory_space<vmem>>, vector<16xf32>,
        tpu.vector_store %arg7[%parallel_loop3A_631, %parallel_loop3A_632], %parallel_loop3A_629 {add = true, strides = array<i32>} : memref<32x16xf32, #tpu.memory_space<vmem>>, vector<16xf32>,
        %parallel_loop3A_634 = tpu.vector_load_idx %arg5[%parallel_loop3A_516, %rem3A_87] : memref<6144x16xf32, #tpu.memory_space<vmem>>[vector<16xi32>, vector<16xi32>], vector<16xf32>,
        %parallel_loop3A_635 = arith.mulf %parallel_loop3A_634, %parallel_loop3A_626 : vector<16xf32>
        %parallel_loop3A_636 = arith.constant 1 : i32
        %parallel_loop3A_637 = arith.index_cast %parallel_loop3A_636 : i32 to index
        %parallel_loop3A_638 = arith.constant 0 : index
        %parallel_loop3A_639 = tpu.vector_load %arg7[%parallel_loop3A_637, %parallel_loop3A_638] {strides = array<i32>} : memref<32x16xf32, #tpu.memory_space<vmem>>, vector<16xf32>,
        tpu.vector_store %arg7[%parallel_loop3A_637, %parallel_loop3A_638], %parallel_loop3A_635 {add = true, strides = array<i32>} : memref<32x16xf32, #tpu.memory_space<vmem>>, vector<16xf32>,
        %parallel_loop3A_640 = tpu.vector_load_idx %arg5[%parallel_loop3A_516, %rem3A_93] : memref<6144x16xf32, #tpu.memory_space<vmem>>[vector<16xi32>, vector<16xi32>], vector<16xf32>,
        %parallel_loop3A_641 = arith.mulf %parallel_loop3A_640, %parallel_loop3A_626 : vector<16xf32>
        %parallel_loop3A_642 = arith.constant 2 : i32
        %parallel_loop3A_643 = arith.index_cast %parallel_loop3A_642 : i32 to index
        %parallel_loop3A_644 = arith.constant 0 : index
        %parallel_loop3A_645 = tpu.vector_load %arg7[%parallel_loop3A_643, %parallel_loop3A_644] {strides = array<i32>} : memref<32x16xf32, #tpu.memory_space<vmem>>, vector<16xf32>,
        tpu.vector_store %arg7[%parallel_loop3A_643, %parallel_loop3A_644], %parallel_loop3A_641 {add = true, strides = array<i32>} : memref<32x16xf32, #tpu.memory_space<vmem>>, vector<16xf32>,
        %parallel_loop3A_646 = tpu.vector_load_idx %arg5[%parallel_loop3A_516, %rem3A_99] : memref<6144x16xf32, #tpu.memory_space<vmem>>[vector<16xi32>, vector<16xi32>], vector<16xf32>,
        %parallel_loop3A_647 = arith.mulf %parallel_loop3A_646, %parallel_loop3A_626 : vector<16xf32>
        %parallel_loop3A_648 = arith.constant 3 : i32
        %parallel_loop3A_649 = arith.index_cast %parallel_loop3A_648 : i32 to index
        %parallel_loop3A_650 = arith.constant 0 : index
        %parallel_loop3A_651 = tpu.vector_load %arg7[%parallel_loop3A_649, %parallel_loop3A_650] {strides = array<i32>} : memref<32x16xf32, #tpu.memory_space<vmem>>, vector<16xf32>,
        tpu.vector_store %arg7[%parallel_loop3A_649, %parallel_loop3A_650], %parallel_loop3A_647 {add = true, strides = array<i32>} : memref<32x16xf32, #tpu.memory_space<vmem>>, vector<16xf32>,
        %parallel_loop3A_652 = tpu.vector_load_idx %arg5[%parallel_loop3A_516, %rem3A_105] : memref<6144x16xf32, #tpu.memory_space<vmem>>[vector<16xi32>, vector<16xi32>], vector<16xf32>,
        %parallel_loop3A_653 = arith.mulf %parallel_loop3A_652, %parallel_loop3A_626 : vector<16xf32>
        %parallel_loop3A_654 = arith.constant 4 : i32
        %parallel_loop3A_655 = arith.index_cast %parallel_loop3A_654 : i32 to index
        %parallel_loop3A_656 = arith.constant 0 : index
        %parallel_loop3A_657 = tpu.vector_load %arg7[%parallel_loop3A_655, %parallel_loop3A_656] {strides = array<i32>} : memref<32x16xf32, #tpu.memory_space<vmem>>, vector<16xf32>,
        tpu.vector_store %arg7[%parallel_loop3A_655, %parallel_loop3A_656], %parallel_loop3A_653 {add = true, strides = array<i32>} : memref<32x16xf32, #tpu.memory_space<vmem>>, vector<16xf32>,
        %parallel_loop3A_658 = tpu.vector_load_idx %arg5[%parallel_loop3A_516, %rem3A_111] : memref<6144x16xf32, #tpu.memory_space<vmem>>[vector<16xi32>, vector<16xi32>], vector<16xf32>,
        %parallel_loop3A_659 = arith.mulf %parallel_loop3A_658, %parallel_loop3A_626 : vector<16xf32>
        %parallel_loop3A_660 = arith.constant 5 : i32
        %parallel_loop3A_661 = arith.index_cast %parallel_loop3A_660 : i32 to index
        %parallel_loop3A_662 = arith.constant 0 : index
        %parallel_loop3A_663 = tpu.vector_load %arg7[%parallel_loop3A_661, %parallel_loop3A_662] {strides = array<i32>} : memref<32x16xf32, #tpu.memory_space<vmem>>, vector<16xf32>,
        tpu.vector_store %arg7[%parallel_loop3A_661, %parallel_loop3A_662], %parallel_loop3A_659 {add = true, strides = array<i32>} : memref<32x16xf32, #tpu.memory_space<vmem>>, vector<16xf32>,
        %parallel_loop3A_664 = tpu.vector_load_idx %arg5[%parallel_loop3A_516, %rem3A_117] : memref<6144x16xf32, #tpu.memory_space<vmem>>[vector<16xi32>, vector<16xi32>], vector<16xf32>,
        %parallel_loop3A_665 = arith.mulf %parallel_loop3A_664, %parallel_loop3A_626 : vector<16xf32>
        %parallel_loop3A_666 = arith.constant 6 : i32
        %parallel_loop3A_667 = arith.index_cast %parallel_loop3A_666 : i32 to index
        %parallel_loop3A_668 = arith.constant 0 : index
        %parallel_loop3A_669 = tpu.vector_load %arg7[%parallel_loop3A_667, %parallel_loop3A_668] {strides = array<i32>} : memref<32x16xf32, #tpu.memory_space<vmem>>, vector<16xf32>,
        tpu.vector_store %arg7[%parallel_loop3A_667, %parallel_loop3A_668], %parallel_loop3A_665 {add = true, strides = array<i32>} : memref<32x16xf32, #tpu.memory_space<vmem>>, vector<16xf32>,
        %parallel_loop3A_670 = tpu.vector_load_idx %arg5[%parallel_loop3A_516, %rem3A_123] : memref<6144x16xf32, #tpu.memory_space<vmem>>[vector<16xi32>, vector<16xi32>], vector<16xf32>,
        %parallel_loop3A_671 = arith.mulf %parallel_loop3A_670, %parallel_loop3A_626 : vector<16xf32>
        %parallel_loop3A_672 = arith.constant 7 : i32
        %parallel_loop3A_673 = arith.index_cast %parallel_loop3A_672 : i32 to index
        %parallel_loop3A_674 = arith.constant 0 : index
        %parallel_loop3A_675 = tpu.vector_load %arg7[%parallel_loop3A_673, %parallel_loop3A_674] {strides = array<i32>} : memref<32x16xf32, #tpu.memory_space<vmem>>, vector<16xf32>,
        tpu.vector_store %arg7[%parallel_loop3A_673, %parallel_loop3A_674], %parallel_loop3A_671 {add = true, strides = array<i32>} : memref<32x16xf32, #tpu.memory_space<vmem>>, vector<16xf32>,
        %parallel_loop3A_676 = tpu.vector_load_idx %arg5[%parallel_loop3A_516, %rem3A_129] : memref<6144x16xf32, #tpu.memory_space<vmem>>[vector<16xi32>, vector<16xi32>], vector<16xf32>,
        %parallel_loop3A_677 = arith.mulf %parallel_loop3A_676, %parallel_loop3A_626 : vector<16xf32>
        %parallel_loop3A_678 = arith.constant 8 : i32
        %parallel_loop3A_679 = arith.index_cast %parallel_loop3A_678 : i32 to index
        %parallel_loop3A_680 = arith.constant 0 : index
        %parallel_loop3A_681 = tpu.vector_load %arg7[%parallel_loop3A_679, %parallel_loop3A_680] {strides = array<i32>} : memref<32x16xf32, #tpu.memory_space<vmem>>, vector<16xf32>,
        tpu.vector_store %arg7[%parallel_loop3A_679, %parallel_loop3A_680], %parallel_loop3A_677 {add = true, strides = array<i32>} : memref<32x16xf32, #tpu.memory_space<vmem>>, vector<16xf32>,
        %parallel_loop3A_682 = tpu.vector_load_idx %arg5[%parallel_loop3A_516, %rem3A_135] : memref<6144x16xf32, #tpu.memory_space<vmem>>[vector<16xi32>, vector<16xi32>], vector<16xf32>,
        %parallel_loop3A_683 = arith.mulf %parallel_loop3A_682, %parallel_loop3A_626 : vector<16xf32>
        %parallel_loop3A_684 = arith.constant 9 : i32
        %parallel_loop3A_685 = arith.index_cast %parallel_loop3A_684 : i32 to index
        %parallel_loop3A_686 = arith.constant 0 : index
        %parallel_loop3A_687 = tpu.vector_load %arg7[%parallel_loop3A_685, %parallel_loop3A_686] {strides = array<i32>} : memref<32x16xf32, #tpu.memory_space<vmem>>, vector<16xf32>,
        tpu.vector_store %arg7[%parallel_loop3A_685, %parallel_loop3A_686], %parallel_loop3A_683 {add = true, strides = array<i32>} : memref<32x16xf32, #tpu.memory_space<vmem>>, vector<16xf32>,
        %parallel_loop3A_688 = tpu.vector_load_idx %arg5[%parallel_loop3A_516, %rem3A_141] : memref<6144x16xf32, #tpu.memory_space<vmem>>[vector<16xi32>, vector<16xi32>], vector<16xf32>,
        %parallel_loop3A_689 = arith.mulf %parallel_loop3A_688, %parallel_loop3A_626 : vector<16xf32>
        %parallel_loop3A_690 = arith.constant 10 : i32
        %parallel_loop3A_691 = arith.index_cast %parallel_loop3A_690 : i32 to index
        %parallel_loop3A_692 = arith.constant 0 : index
        %parallel_loop3A_693 = tpu.vector_load %arg7[%parallel_loop3A_691, %parallel_loop3A_692] {strides = array<i32>} : memref<32x16xf32, #tpu.memory_space<vmem>>, vector<16xf32>,
        tpu.vector_store %arg7[%parallel_loop3A_691, %parallel_loop3A_692], %parallel_loop3A_689 {add = true, strides = array<i32>} : memref<32x16xf32, #tpu.memory_space<vmem>>, vector<16xf32>,
        %parallel_loop3A_694 = tpu.vector_load_idx %arg5[%parallel_loop3A_516, %rem3A_147] : memref<6144x16xf32, #tpu.memory_space<vmem>>[vector<16xi32>, vector<16xi32>], vector<16xf32>,
        %parallel_loop3A_695 = arith.mulf %parallel_loop3A_694, %parallel_loop3A_626 : vector<16xf32>
        %parallel_loop3A_696 = arith.constant 11 : i32
        %parallel_loop3A_697 = arith.index_cast %parallel_loop3A_696 : i32 to index
        %parallel_loop3A_698 = arith.constant 0 : index
        %parallel_loop3A_699 = tpu.vector_load %arg7[%parallel_loop3A_697, %parallel_loop3A_698] {strides = array<i32>} : memref<32x16xf32, #tpu.memory_space<vmem>>, vector<16xf32>,
        tpu.vector_store %arg7[%parallel_loop3A_697, %parallel_loop3A_698], %parallel_loop3A_695 {add = true, strides = array<i32>} : memref<32x16xf32, #tpu.memory_space<vmem>>, vector<16xf32>,
        %parallel_loop3A_700 = tpu.vector_load_idx %arg5[%parallel_loop3A_516, %rem3A_153] : memref<6144x16xf32, #tpu.memory_space<vmem>>[vector<16xi32>, vector<16xi32>], vector<16xf32>,
        %parallel_loop3A_701 = arith.mulf %parallel_loop3A_700, %parallel_loop3A_626 : vector<16xf32>
        %parallel_loop3A_702 = arith.constant 12 : i32
        %parallel_loop3A_703 = arith.index_cast %parallel_loop3A_702 : i32 to index
        %parallel_loop3A_704 = arith.constant 0 : index
        %parallel_loop3A_705 = tpu.vector_load %arg7[%parallel_loop3A_703, %parallel_loop3A_704] {strides = array<i32>} : memref<32x16xf32, #tpu.memory_space<vmem>>, vector<16xf32>,
        tpu.vector_store %arg7[%parallel_loop3A_703, %parallel_loop3A_704], %parallel_loop3A_701 {add = true, strides = array<i32>} : memref<32x16xf32, #tpu.memory_space<vmem>>, vector<16xf32>,
        %parallel_loop3A_706 = tpu.vector_load_idx %arg5[%parallel_loop3A_516, %rem3A_159] : memref<6144x16xf32, #tpu.memory_space<vmem>>[vector<16xi32>, vector<16xi32>], vector<16xf32>,
        %parallel_loop3A_707 = arith.mulf %parallel_loop3A_706, %parallel_loop3A_626 : vector<16xf32>
        %parallel_loop3A_708 = arith.constant 13 : i32
        %parallel_loop3A_709 = arith.index_cast %parallel_loop3A_708 : i32 to index
        %parallel_loop3A_710 = arith.constant 0 : index
        %parallel_loop3A_711 = tpu.vector_load %arg7[%parallel_loop3A_709, %parallel_loop3A_710] {strides = array<i32>} : memref<32x16xf32, #tpu.memory_space<vmem>>, vector<16xf32>,
        tpu.vector_store %arg7[%parallel_loop3A_709, %parallel_loop3A_710], %parallel_loop3A_707 {add = true, strides = array<i32>} : memref<32x16xf32, #tpu.memory_space<vmem>>, vector<16xf32>,
        %parallel_loop3A_712 = tpu.vector_load_idx %arg5[%parallel_loop3A_516, %rem3A_165] : memref<6144x16xf32, #tpu.memory_space<vmem>>[vector<16xi32>, vector<16xi32>], vector<16xf32>,
        %parallel_loop3A_713 = arith.mulf %parallel_loop3A_712, %parallel_loop3A_626 : vector<16xf32>
        %parallel_loop3A_714 = arith.constant 14 : i32
        %parallel_loop3A_715 = arith.index_cast %parallel_loop3A_714 : i32 to index
        %parallel_loop3A_716 = arith.constant 0 : index
        %parallel_loop3A_717 = tpu.vector_load %arg7[%parallel_loop3A_715, %parallel_loop3A_716] {strides = array<i32>} : memref<32x16xf32, #tpu.memory_space<vmem>>, vector<16xf32>,
        tpu.vector_store %arg7[%parallel_loop3A_715, %parallel_loop3A_716], %parallel_loop3A_713 {add = true, strides = array<i32>} : memref<32x16xf32, #tpu.memory_space<vmem>>, vector<16xf32>,
        %parallel_loop3A_718 = tpu.vector_load_idx %arg5[%parallel_loop3A_516, %rem3A_171] : memref<6144x16xf32, #tpu.memory_space<vmem>>[vector<16xi32>, vector<16xi32>], vector<16xf32>,
        %parallel_loop3A_719 = arith.mulf %parallel_loop3A_718, %parallel_loop3A_626 : vector<16xf32>
        %parallel_loop3A_720 = arith.constant 15 : i32
        %parallel_loop3A_721 = arith.index_cast %parallel_loop3A_720 : i32 to index
        %parallel_loop3A_722 = arith.constant 0 : index
        %parallel_loop3A_723 = tpu.vector_load %arg7[%parallel_loop3A_721, %parallel_loop3A_722] {strides = array<i32>} : memref<32x16xf32, #tpu.memory_space<vmem>>, vector<16xf32>,
        tpu.vector_store %arg7[%parallel_loop3A_721, %parallel_loop3A_722], %parallel_loop3A_719 {add = true, strides = array<i32>} : memref<32x16xf32, #tpu.memory_space<vmem>>, vector<16xf32>,
        %parallel_loop3A_724 = tpu.vector_load_idx %arg5[%parallel_loop3A_520, %rem3A_81] : memref<6144x16xf32, #tpu.memory_space<vmem>>[vector<16xi32>, vector<16xi32>], vector<16xf32>,
        %parallel_loop3A_725 = arith.mulf %parallel_loop3A_724, %parallel_loop3A_627 : vector<16xf32>
        %parallel_loop3A_726 = arith.constant 16 : i32
        %parallel_loop3A_727 = arith.index_cast %parallel_loop3A_726 : i32 to index
        %parallel_loop3A_728 = arith.constant 0 : index
        %parallel_loop3A_729 = tpu.vector_load %arg7[%parallel_loop3A_727, %parallel_loop3A_728] {strides = array<i32>} : memref<32x16xf32, #tpu.memory_space<vmem>>, vector<16xf32>,
        tpu.vector_store %arg7[%parallel_loop3A_727, %parallel_loop3A_728], %parallel_loop3A_725 {add = true, strides = array<i32>} : memref<32x16xf32, #tpu.memory_space<vmem>>, vector<16xf32>,
        %parallel_loop3A_730 = tpu.vector_load_idx %arg5[%parallel_loop3A_520, %rem3A_87] : memref<6144x16xf32, #tpu.memory_space<vmem>>[vector<16xi32>, vector<16xi32>], vector<16xf32>,
        %parallel_loop3A_731 = arith.mulf %parallel_loop3A_730, %parallel_loop3A_627 : vector<16xf32>
        %parallel_loop3A_732 = arith.constant 17 : i32
        %parallel_loop3A_733 = arith.index_cast %parallel_loop3A_732 : i32 to index
        %parallel_loop3A_734 = arith.constant 0 : index
        %parallel_loop3A_735 = tpu.vector_load %arg7[%parallel_loop3A_733, %parallel_loop3A_734] {strides = array<i32>} : memref<32x16xf32, #tpu.memory_space<vmem>>, vector<16xf32>,
        tpu.vector_store %arg7[%parallel_loop3A_733, %parallel_loop3A_734], %parallel_loop3A_731 {add = true, strides = array<i32>} : memref<32x16xf32, #tpu.memory_space<vmem>>, vector<16xf32>,
        %parallel_loop3A_736 = tpu.vector_load_idx %arg5[%parallel_loop3A_520, %rem3A_93] : memref<6144x16xf32, #tpu.memory_space<vmem>>[vector<16xi32>, vector<16xi32>], vector<16xf32>,
        %parallel_loop3A_737 = arith.mulf %parallel_loop3A_736, %parallel_loop3A_627 : vector<16xf32>
        %parallel_loop3A_738 = arith.constant 18 : i32
        %parallel_loop3A_739 = arith.index_cast %parallel_loop3A_738 : i32 to index
        %parallel_loop3A_740 = arith.constant 0 : index
        %parallel_loop3A_741 = tpu.vector_load %arg7[%parallel_loop3A_739, %parallel_loop3A_740] {strides = array<i32>} : memref<32x16xf32, #tpu.memory_space<vmem>>, vector<16xf32>,
        tpu.vector_store %arg7[%parallel_loop3A_739, %parallel_loop3A_740], %parallel_loop3A_737 {add = true, strides = array<i32>} : memref<32x16xf32, #tpu.memory_space<vmem>>, vector<16xf32>,
        %parallel_loop3A_742 = tpu.vector_load_idx %arg5[%parallel_loop3A_520, %rem3A_99] : memref<6144x16xf32, #tpu.memory_space<vmem>>[vector<16xi32>, vector<16xi32>], vector<16xf32>,
        %parallel_loop3A_743 = arith.mulf %parallel_loop3A_742, %parallel_loop3A_627 : vector<16xf32>
        %parallel_loop3A_744 = arith.constant 19 : i32
        %parallel_loop3A_745 = arith.index_cast %parallel_loop3A_744 : i32 to index
        %parallel_loop3A_746 = arith.constant 0 : index
        %parallel_loop3A_747 = tpu.vector_load %arg7[%parallel_loop3A_745, %parallel_loop3A_746] {strides = array<i32>} : memref<32x16xf32, #tpu.memory_space<vmem>>, vector<16xf32>,
        tpu.vector_store %arg7[%parallel_loop3A_745, %parallel_loop3A_746], %parallel_loop3A_743 {add = true, strides = array<i32>} : memref<32x16xf32, #tpu.memory_space<vmem>>, vector<16xf32>,
        %parallel_loop3A_748 = tpu.vector_load_idx %arg5[%parallel_loop3A_520, %rem3A_105] : memref<6144x16xf32, #tpu.memory_space<vmem>>[vector<16xi32>, vector<16xi32>], vector<16xf32>,
        %parallel_loop3A_749 = arith.mulf %parallel_loop3A_748, %parallel_loop3A_627 : vector<16xf32>
        %parallel_loop3A_750 = arith.constant 20 : i32
        %parallel_loop3A_751 = arith.index_cast %parallel_loop3A_750 : i32 to index
        %parallel_loop3A_752 = arith.constant 0 : index
        %parallel_loop3A_753 = tpu.vector_load %arg7[%parallel_loop3A_751, %parallel_loop3A_752] {strides = array<i32>} : memref<32x16xf32, #tpu.memory_space<vmem>>, vector<16xf32>,
        tpu.vector_store %arg7[%parallel_loop3A_751, %parallel_loop3A_752], %parallel_loop3A_749 {add = true, strides = array<i32>} : memref<32x16xf32, #tpu.memory_space<vmem>>, vector<16xf32>,
        %parallel_loop3A_754 = tpu.vector_load_idx %arg5[%parallel_loop3A_520, %rem3A_111] : memref<6144x16xf32, #tpu.memory_space<vmem>>[vector<16xi32>, vector<16xi32>], vector<16xf32>,
        %parallel_loop3A_755 = arith.mulf %parallel_loop3A_754, %parallel_loop3A_627 : vector<16xf32>
        %parallel_loop3A_756 = arith.constant 21 : i32
        %parallel_loop3A_757 = arith.index_cast %parallel_loop3A_756 : i32 to index
        %parallel_loop3A_758 = arith.constant 0 : index
        %parallel_loop3A_759 = tpu.vector_load %arg7[%parallel_loop3A_757, %parallel_loop3A_758] {strides = array<i32>} : memref<32x16xf32, #tpu.memory_space<vmem>>, vector<16xf32>,
        tpu.vector_store %arg7[%parallel_loop3A_757, %parallel_loop3A_758], %parallel_loop3A_755 {add = true, strides = array<i32>} : memref<32x16xf32, #tpu.memory_space<vmem>>, vector<16xf32>,
        %parallel_loop3A_760 = tpu.vector_load_idx %arg5[%parallel_loop3A_520, %rem3A_117] : memref<6144x16xf32, #tpu.memory_space<vmem>>[vector<16xi32>, vector<16xi32>], vector<16xf32>,
        %parallel_loop3A_761 = arith.mulf %parallel_loop3A_760, %parallel_loop3A_627 : vector<16xf32>
        %parallel_loop3A_762 = arith.constant 22 : i32
        %parallel_loop3A_763 = arith.index_cast %parallel_loop3A_762 : i32 to index
        %parallel_loop3A_764 = arith.constant 0 : index
        %parallel_loop3A_765 = tpu.vector_load %arg7[%parallel_loop3A_763, %parallel_loop3A_764] {strides = array<i32>} : memref<32x16xf32, #tpu.memory_space<vmem>>, vector<16xf32>,
        tpu.vector_store %arg7[%parallel_loop3A_763, %parallel_loop3A_764], %parallel_loop3A_761 {add = true, strides = array<i32>} : memref<32x16xf32, #tpu.memory_space<vmem>>, vector<16xf32>,
        %parallel_loop3A_766 = tpu.vector_load_idx %arg5[%parallel_loop3A_520, %rem3A_123] : memref<6144x16xf32, #tpu.memory_space<vmem>>[vector<16xi32>, vector<16xi32>], vector<16xf32>,
        %parallel_loop3A_767 = arith.mulf %parallel_loop3A_766, %parallel_loop3A_627 : vector<16xf32>
        %parallel_loop3A_768 = arith.constant 23 : i32
        %parallel_loop3A_769 = arith.index_cast %parallel_loop3A_768 : i32 to index
        %parallel_loop3A_770 = arith.constant 0 : index
        %parallel_loop3A_771 = tpu.vector_load %arg7[%parallel_loop3A_769, %parallel_loop3A_770] {strides = array<i32>} : memref<32x16xf32, #tpu.memory_space<vmem>>, vector<16xf32>,
        tpu.vector_store %arg7[%parallel_loop3A_769, %parallel_loop3A_770], %parallel_loop3A_767 {add = true, strides = array<i32>} : memref<32x16xf32, #tpu.memory_space<vmem>>, vector<16xf32>,
        %parallel_loop3A_772 = tpu.vector_load_idx %arg5[%parallel_loop3A_520, %rem3A_129] : memref<6144x16xf32, #tpu.memory_space<vmem>>[vector<16xi32>, vector<16xi32>], vector<16xf32>,
        %parallel_loop3A_773 = arith.mulf %parallel_loop3A_772, %parallel_loop3A_627 : vector<16xf32>
        %parallel_loop3A_774 = arith.constant 24 : i32
        %parallel_loop3A_775 = arith.index_cast %parallel_loop3A_774 : i32 to index
        %parallel_loop3A_776 = arith.constant 0 : index
        %parallel_loop3A_777 = tpu.vector_load %arg7[%parallel_loop3A_775, %parallel_loop3A_776] {strides = array<i32>} : memref<32x16xf32, #tpu.memory_space<vmem>>, vector<16xf32>,
        tpu.vector_store %arg7[%parallel_loop3A_775, %parallel_loop3A_776], %parallel_loop3A_773 {add = true, strides = array<i32>} : memref<32x16xf32, #tpu.memory_space<vmem>>, vector<16xf32>,
        %parallel_loop3A_778 = tpu.vector_load_idx %arg5[%parallel_loop3A_520, %rem3A_135] : memref<6144x16xf32, #tpu.memory_space<vmem>>[vector<16xi32>, vector<16xi32>], vector<16xf32>,
        %parallel_loop3A_779 = arith.mulf %parallel_loop3A_778, %parallel_loop3A_627 : vector<16xf32>
        %parallel_loop3A_780 = arith.constant 25 : i32
        %parallel_loop3A_781 = arith.index_cast %parallel_loop3A_780 : i32 to index
        %parallel_loop3A_782 = arith.constant 0 : index
        %parallel_loop3A_783 = tpu.vector_load %arg7[%parallel_loop3A_781, %parallel_loop3A_782] {strides = array<i32>} : memref<32x16xf32, #tpu.memory_space<vmem>>, vector<16xf32>,
        tpu.vector_store %arg7[%parallel_loop3A_781, %parallel_loop3A_782], %parallel_loop3A_779 {add = true, strides = array<i32>} : memref<32x16xf32, #tpu.memory_space<vmem>>, vector<16xf32>,
        %parallel_loop3A_784 = tpu.vector_load_idx %arg5[%parallel_loop3A_520, %rem3A_141] : memref<6144x16xf32, #tpu.memory_space<vmem>>[vector<16xi32>, vector<16xi32>], vector<16xf32>,
        %parallel_loop3A_785 = arith.mulf %parallel_loop3A_784, %parallel_loop3A_627 : vector<16xf32>
        %parallel_loop3A_786 = arith.constant 26 : i32
        %parallel_loop3A_787 = arith.index_cast %parallel_loop3A_786 : i32 to index
        %parallel_loop3A_788 = arith.constant 0 : index
        %parallel_loop3A_789 = tpu.vector_load %arg7[%parallel_loop3A_787, %parallel_loop3A_788] {strides = array<i32>} : memref<32x16xf32, #tpu.memory_space<vmem>>, vector<16xf32>,
        tpu.vector_store %arg7[%parallel_loop3A_787, %parallel_loop3A_788], %parallel_loop3A_785 {add = true, strides = array<i32>} : memref<32x16xf32, #tpu.memory_space<vmem>>, vector<16xf32>,
        %parallel_loop3A_790 = tpu.vector_load_idx %arg5[%parallel_loop3A_520, %rem3A_147] : memref<6144x16xf32, #tpu.memory_space<vmem>>[vector<16xi32>, vector<16xi32>], vector<16xf32>,
        %parallel_loop3A_791 = arith.mulf %parallel_loop3A_790, %parallel_loop3A_627 : vector<16xf32>
        %parallel_loop3A_792 = arith.constant 27 : i32
        %parallel_loop3A_793 = arith.index_cast %parallel_loop3A_792 : i32 to index
        %parallel_loop3A_794 = arith.constant 0 : index
        %parallel_loop3A_795 = tpu.vector_load %arg7[%parallel_loop3A_793, %parallel_loop3A_794] {strides = array<i32>} : memref<32x16xf32, #tpu.memory_space<vmem>>, vector<16xf32>,
        tpu.vector_store %arg7[%parallel_loop3A_793, %parallel_loop3A_794], %parallel_loop3A_791 {add = true, strides = array<i32>} : memref<32x16xf32, #tpu.memory_space<vmem>>, vector<16xf32>,
        %parallel_loop3A_796 = tpu.vector_load_idx %arg5[%parallel_loop3A_520, %rem3A_153] : memref<6144x16xf32, #tpu.memory_space<vmem>>[vector<16xi32>, vector<16xi32>], vector<16xf32>,
        %parallel_loop3A_797 = arith.mulf %parallel_loop3A_796, %parallel_loop3A_627 : vector<16xf32>
        %parallel_loop3A_798 = arith.constant 28 : i32
        %parallel_loop3A_799 = arith.index_cast %parallel_loop3A_798 : i32 to index
        %parallel_loop3A_800 = arith.constant 0 : index
        %parallel_loop3A_801 = tpu.vector_load %arg7[%parallel_loop3A_799, %parallel_loop3A_800] {strides = array<i32>} : memref<32x16xf32, #tpu.memory_space<vmem>>, vector<16xf32>,
        tpu.vector_store %arg7[%parallel_loop3A_799, %parallel_loop3A_800], %parallel_loop3A_797 {add = true, strides = array<i32>} : memref<32x16xf32, #tpu.memory_space<vmem>>, vector<16xf32>,
        %parallel_loop3A_802 = tpu.vector_load_idx %arg5[%parallel_loop3A_520, %rem3A_159] : memref<6144x16xf32, #tpu.memory_space<vmem>>[vector<16xi32>, vector<16xi32>], vector<16xf32>,
        %parallel_loop3A_803 = arith.mulf %parallel_loop3A_802, %parallel_loop3A_627 : vector<16xf32>
        %parallel_loop3A_804 = arith.constant 29 : i32
        %parallel_loop3A_805 = arith.index_cast %parallel_loop3A_804 : i32 to index
        %parallel_loop3A_806 = arith.constant 0 : index
        %parallel_loop3A_807 = tpu.vector_load %arg7[%parallel_loop3A_805, %parallel_loop3A_806] {strides = array<i32>} : memref<32x16xf32, #tpu.memory_space<vmem>>, vector<16xf32>,
        tpu.vector_store %arg7[%parallel_loop3A_805, %parallel_loop3A_806], %parallel_loop3A_803 {add = true, strides = array<i32>} : memref<32x16xf32, #tpu.memory_space<vmem>>, vector<16xf32>,
        %parallel_loop3A_808 = tpu.vector_load_idx %arg5[%parallel_loop3A_520, %rem3A_165] : memref<6144x16xf32, #tpu.memory_space<vmem>>[vector<16xi32>, vector<16xi32>], vector<16xf32>,
        %parallel_loop3A_809 = arith.mulf %parallel_loop3A_808, %parallel_loop3A_627 : vector<16xf32>
        %parallel_loop3A_810 = arith.constant 30 : i32
        %parallel_loop3A_811 = arith.index_cast %parallel_loop3A_810 : i32 to index
        %parallel_loop3A_812 = arith.constant 0 : index
        %parallel_loop3A_813 = tpu.vector_load %arg7[%parallel_loop3A_811, %parallel_loop3A_812] {strides = array<i32>} : memref<32x16xf32, #tpu.memory_space<vmem>>, vector<16xf32>,
        tpu.vector_store %arg7[%parallel_loop3A_811, %parallel_loop3A_812], %parallel_loop3A_809 {add = true, strides = array<i32>} : memref<32x16xf32, #tpu.memory_space<vmem>>, vector<16xf32>,
        %parallel_loop3A_814 = tpu.vector_load_idx %arg5[%parallel_loop3A_520, %rem3A_171] : memref<6144x16xf32, #tpu.memory_space<vmem>>[vector<16xi32>, vector<16xi32>], vector<16xf32>,
        %parallel_loop3A_815 = arith.mulf %parallel_loop3A_814, %parallel_loop3A_627 : vector<16xf32>
        %parallel_loop3A_816 = arith.constant 31 : i32
        %parallel_loop3A_817 = arith.index_cast %parallel_loop3A_816 : i32 to index
        %parallel_loop3A_818 = arith.constant 0 : index
        %parallel_loop3A_819 = tpu.vector_load %arg7[%parallel_loop3A_817, %parallel_loop3A_818] {strides = array<i32>} : memref<32x16xf32, #tpu.memory_space<vmem>>, vector<16xf32>,
        tpu.vector_store %arg7[%parallel_loop3A_817, %parallel_loop3A_818], %parallel_loop3A_815 {add = true, strides = array<i32>} : memref<32x16xf32, #tpu.memory_space<vmem>>, vector<16xf32>,
      } {sc.loop_unroll_factor = 4 : i64, sc.parallel_access}
    }
    %while3A_481 = arith.constant 1 : i32
    scf.for %while3A_482 = %while3A_479 to %while3A_475 step %while3A_481  : i32 {
      %add3A_483 = arith.constant 2 : i32
      %add3A_484 = arith.addi %while3A_482, %add3A_483 : i32
      %lt3A = arith.cmpi slt, %add3A_484, %select_n3A_75 : i32
      %convert_element_type3A = arith.extui %lt3A : i1 to i32
      %cond3A = arith.constant 0 : i32
      %cond3A_485 = arith.cmpi ne, %convert_element_type3A, %cond3A : i32
      scf.if %cond3A_485 {
        %add3A_509 = arith.constant 2 : i32
        %add3A_510 = arith.addi %while3A_482, %add3A_509 : i32
        %mul3A_511 = arith.constant 64 : i32
        %mul3A_512 = arith.muli %add3A_510, %mul3A_511 : i32
        %add3A_513 = arith.addi %select_n3A, %mul3A_512 : i32
        %sub3A_514 = arith.constant 64 : i32
        %sub3A_515 = arith.subi %select_n3A_46, %sub3A_514 : i32
        %min3A_516 = arith.minsi %add3A_513, %sub3A_515 : i32
        %rem3A_517 = arith.constant 3 : i32
        %rem3A_518 = arith.remsi %add3A_510, %rem3A_517 : i32
        %mul3A_519 = arith.constant 32 : i32
        %mul3A_520 = arith.muli %min3A_516, %mul3A_519 : i32
        %mul3A_521 = arith.constant 64 : i32
        %mul3A_522 = arith.muli %rem3A_518, %mul3A_521 : i32
        %mul3A_523 = arith.constant 32 : i32
        %mul3A_524 = arith.muli %mul3A_522, %mul3A_523 : i32
        %dma_start3A_525 = arith.constant 0 : i32
        %dma_start3A_526 = tpu.memref_slice %arg5[%mul3A_524, %dma_start3A_525] : memref<6144x16xf32, #tpu.memory_space<vmem>> -> memref<2048x16xf32, #tpu.memory_space<vmem>>
        %dma_start3A_527 = arith.constant 0 : i32
        %dma_start3A_528 = tpu.memref_slice %arg2[%mul3A_520, %dma_start3A_527] : memref<1600000x16xf32, #tpu.memory_space<hbm>> -> memref<2048x16xf32, #tpu.memory_space<hbm>>
        %dma_start3A_529 = arith.constant 0 : i32
        %dma_start3A_530 = tpu.memref_slice %arg5[%mul3A_524, %dma_start3A_529] : memref<6144x16xf32, #tpu.memory_space<vmem>> -> memref<2048x16xf32, #tpu.memory_space<vmem>>
        %dma_start3A_531 = arith.constant 0 : i32
        %dma_start3A_532 = tpu.memref_slice %arg2[%mul3A_520, %dma_start3A_531] : memref<1600000x16xf32, #tpu.memory_space<hbm>> -> memref<2048x16xf32, #tpu.memory_space<hbm>>
        tpu.enqueue_dma source(%dma_start3A_532 : memref<2048x16xf32, #tpu.memory_space<hbm>>) target(%dma_start3A_530 : memref<2048x16xf32, #tpu.memory_space<vmem>>) target_semaphore(%arg8 : memref<!tpu.dma_semaphore, #tpu.memory_space<semaphore_mem>>)
      } else {
      }
      %dma_wait3A = arith.constant 0 : i32
      %dma_wait3A_486 = arith.constant 0 : i32
      %dma_wait3A_487 = tpu.memref_slice %arg5[%dma_wait3A, %dma_wait3A_486] : memref<6144x16xf32, #tpu.memory_space<vmem>> -> memref<2048x16xf32, #tpu.memory_space<vmem>>
      %dma_wait3A_488 = arith.constant 0 : i32
      %dma_wait3A_489 = arith.constant 0 : i32
      %dma_wait3A_490 = tpu.memref_slice %arg2[%dma_wait3A_488, %dma_wait3A_489] : memref<1600000x16xf32, #tpu.memory_space<hbm>> -> memref<2048x16xf32, #tpu.memory_space<hbm>>
      %dma_wait3A_491 = arith.constant 0 : i32
      %dma_wait3A_492 = arith.constant 0 : i32
      %dma_wait3A_493 = tpu.memref_slice %arg5[%dma_wait3A_491, %dma_wait3A_492] : memref<6144x16xf32, #tpu.memory_space<vmem>> -> memref<2048x16xf32, #tpu.memory_space<vmem>>
      %dma_wait3A_494 = arith.constant 0 : i32
      %dma_wait3A_495 = arith.constant 0 : i32
      %dma_wait3A_496 = tpu.memref_slice %arg2[%dma_wait3A_494, %dma_wait3A_495] : memref<1600000x16xf32, #tpu.memory_space<hbm>> -> memref<2048x16xf32, #tpu.memory_space<hbm>>
      tpu.wait_dma2 semaphore(%arg8 : memref<!tpu.dma_semaphore, #tpu.memory_space<semaphore_mem>>) src(%dma_wait3A_496 : memref<2048x16xf32, #tpu.memory_space<hbm>>) dst(%dma_wait3A_493 : memref<2048x16xf32, #tpu.memory_space<vmem>>)
      %mul3A_497 = arith.constant 64 : i32
      %mul3A_498 = arith.muli %while3A_482, %mul3A_497 : i32
      %add3A_499 = arith.addi %select_n3A, %mul3A_498 : i32
      %sub3A_500 = arith.constant 64 : i32
      %sub3A_501 = arith.subi %select_n3A_46, %sub3A_500 : i32
      %min3A_502 = arith.minsi %add3A_499, %sub3A_501 : i32
      %sub3A_503 = arith.subi %add3A_499, %min3A_502 : i32
      %rem3A_504 = arith.constant 3 : i32
      %rem3A_505 = arith.remsi %while3A_482, %rem3A_504 : i32
      %mul3A_506 = arith.constant 2048 : i32
      %mul3A_507 = arith.muli %rem3A_505, %mul3A_506 : i32
      %parallel_loop3A = arith.constant 64 : i32
      %parallel_loop3A_508 = arith.constant 1 : i32
      scf.for %parallel_loop3A_509 = %sub3A_503 to %parallel_loop3A step %parallel_loop3A_508  : i32 {
        %parallel_loop3A_510 = arith.constant 32 : i32
        %parallel_loop3A_511 = arith.muli %parallel_loop3A_509, %parallel_loop3A_510 : i32
        %parallel_loop3A_512 = arith.addi %mul3A_507, %parallel_loop3A_511 : i32
        %parallel_loop3A_513 = arith.constant 0 : i32
        %parallel_loop3A_514 = arith.addi %parallel_loop3A_512, %parallel_loop3A_513 : i32
        %parallel_loop3A_515 = vector.broadcast %parallel_loop3A_514 : i32 to vector<16xi32>
        %parallel_loop3A_516 = arith.addi %parallel_loop3A_515, %iota3A : vector<16xi32>
        %parallel_loop3A_517 = arith.constant 16 : i32
        %parallel_loop3A_518 = arith.addi %parallel_loop3A_512, %parallel_loop3A_517 : i32
        %parallel_loop3A_519 = vector.broadcast %parallel_loop3A_518 : i32 to vector<16xi32>
        %parallel_loop3A_520 = arith.addi %parallel_loop3A_519, %iota3A : vector<16xi32>
        %parallel_loop3A_521 = tpu.vector_load_idx %arg5[%parallel_loop3A_516, %rem3A_81] : memref<6144x16xf32, #tpu.memory_space<vmem>>[vector<16xi32>, vector<16xi32>], vector<16xf32>,
        %parallel_loop3A_522 = arith.mulf %parallel_loop3A_521, %get3A_175 : vector<16xf32>
        %parallel_loop3A_523 = tpu.vector_load_idx %arg5[%parallel_loop3A_516, %rem3A_87] : memref<6144x16xf32, #tpu.memory_space<vmem>>[vector<16xi32>, vector<16xi32>], vector<16xf32>,
        %parallel_loop3A_524 = arith.mulf %parallel_loop3A_523, %get3A_179 : vector<16xf32>
        %parallel_loop3A_525 = tpu.vector_load_idx %arg5[%parallel_loop3A_516, %rem3A_93] : memref<6144x16xf32, #tpu.memory_space<vmem>>[vector<16xi32>, vector<16xi32>], vector<16xf32>,
        %parallel_loop3A_526 = arith.mulf %parallel_loop3A_525, %get3A_183 : vector<16xf32>
        %parallel_loop3A_527 = tpu.vector_load_idx %arg5[%parallel_loop3A_516, %rem3A_99] : memref<6144x16xf32, #tpu.memory_space<vmem>>[vector<16xi32>, vector<16xi32>], vector<16xf32>,
        %parallel_loop3A_528 = arith.mulf %parallel_loop3A_527, %get3A_187 : vector<16xf32>
        %parallel_loop3A_529 = tpu.vector_load_idx %arg5[%parallel_loop3A_516, %rem3A_105] : memref<6144x16xf32, #tpu.memory_space<vmem>>[vector<16xi32>, vector<16xi32>], vector<16xf32>,
        %parallel_loop3A_530 = arith.mulf %parallel_loop3A_529, %get3A_191 : vector<16xf32>
        %parallel_loop3A_531 = arith.addf %parallel_loop3A_522, %parallel_loop3A_530 : vector<16xf32>
        %parallel_loop3A_532 = tpu.vector_load_idx %arg5[%parallel_loop3A_516, %rem3A_111] : memref<6144x16xf32, #tpu.memory_space<vmem>>[vector<16xi32>, vector<16xi32>], vector<16xf32>,
        %parallel_loop3A_533 = arith.mulf %parallel_loop3A_532, %get3A_195 : vector<16xf32>
        %parallel_loop3A_534 = arith.addf %parallel_loop3A_524, %parallel_loop3A_533 : vector<16xf32>
        %parallel_loop3A_535 = tpu.vector_load_idx %arg5[%parallel_loop3A_516, %rem3A_117] : memref<6144x16xf32, #tpu.memory_space<vmem>>[vector<16xi32>, vector<16xi32>], vector<16xf32>,
        %parallel_loop3A_536 = arith.mulf %parallel_loop3A_535, %get3A_199 : vector<16xf32>
        %parallel_loop3A_537 = arith.addf %parallel_loop3A_526, %parallel_loop3A_536 : vector<16xf32>
        %parallel_loop3A_538 = tpu.vector_load_idx %arg5[%parallel_loop3A_516, %rem3A_123] : memref<6144x16xf32, #tpu.memory_space<vmem>>[vector<16xi32>, vector<16xi32>], vector<16xf32>,
        %parallel_loop3A_539 = arith.mulf %parallel_loop3A_538, %get3A_203 : vector<16xf32>
        %parallel_loop3A_540 = arith.addf %parallel_loop3A_528, %parallel_loop3A_539 : vector<16xf32>
        %parallel_loop3A_541 = tpu.vector_load_idx %arg5[%parallel_loop3A_516, %rem3A_129] : memref<6144x16xf32, #tpu.memory_space<vmem>>[vector<16xi32>, vector<16xi32>], vector<16xf32>,
        %parallel_loop3A_542 = arith.mulf %parallel_loop3A_541, %get3A_207 : vector<16xf32>
        %parallel_loop3A_543 = arith.addf %parallel_loop3A_531, %parallel_loop3A_542 : vector<16xf32>
        %parallel_loop3A_544 = tpu.vector_load_idx %arg5[%parallel_loop3A_516, %rem3A_135] : memref<6144x16xf32, #tpu.memory_space<vmem>>[vector<16xi32>, vector<16xi32>], vector<16xf32>,
        %parallel_loop3A_545 = arith.mulf %parallel_loop3A_544, %get3A_211 : vector<16xf32>
        %parallel_loop3A_546 = arith.addf %parallel_loop3A_534, %parallel_loop3A_545 : vector<16xf32>
        %parallel_loop3A_547 = tpu.vector_load_idx %arg5[%parallel_loop3A_516, %rem3A_141] : memref<6144x16xf32, #tpu.memory_space<vmem>>[vector<16xi32>, vector<16xi32>], vector<16xf32>,
        %parallel_loop3A_548 = arith.mulf %parallel_loop3A_547, %get3A_215 : vector<16xf32>
        %parallel_loop3A_549 = arith.addf %parallel_loop3A_537, %parallel_loop3A_548 : vector<16xf32>
        %parallel_loop3A_550 = tpu.vector_load_idx %arg5[%parallel_loop3A_516, %rem3A_147] : memref<6144x16xf32, #tpu.memory_space<vmem>>[vector<16xi32>, vector<16xi32>], vector<16xf32>,
        %parallel_loop3A_551 = arith.mulf %parallel_loop3A_550, %get3A_219 : vector<16xf32>
        %parallel_loop3A_552 = arith.addf %parallel_loop3A_540, %parallel_loop3A_551 : vector<16xf32>
        %parallel_loop3A_553 = tpu.vector_load_idx %arg5[%parallel_loop3A_516, %rem3A_153] : memref<6144x16xf32, #tpu.memory_space<vmem>>[vector<16xi32>, vector<16xi32>], vector<16xf32>,
        %parallel_loop3A_554 = arith.mulf %parallel_loop3A_553, %get3A_223 : vector<16xf32>
        %parallel_loop3A_555 = arith.addf %parallel_loop3A_543, %parallel_loop3A_554 : vector<16xf32>
        %parallel_loop3A_556 = tpu.vector_load_idx %arg5[%parallel_loop3A_516, %rem3A_159] : memref<6144x16xf32, #tpu.memory_space<vmem>>[vector<16xi32>, vector<16xi32>], vector<16xf32>,
        %parallel_loop3A_557 = arith.mulf %parallel_loop3A_556, %get3A_227 : vector<16xf32>
        %parallel_loop3A_558 = arith.addf %parallel_loop3A_546, %parallel_loop3A_557 : vector<16xf32>
        %parallel_loop3A_559 = tpu.vector_load_idx %arg5[%parallel_loop3A_516, %rem3A_165] : memref<6144x16xf32, #tpu.memory_space<vmem>>[vector<16xi32>, vector<16xi32>], vector<16xf32>,
        %parallel_loop3A_560 = arith.mulf %parallel_loop3A_559, %get3A_231 : vector<16xf32>
        %parallel_loop3A_561 = arith.addf %parallel_loop3A_549, %parallel_loop3A_560 : vector<16xf32>
        %parallel_loop3A_562 = tpu.vector_load_idx %arg5[%parallel_loop3A_516, %rem3A_171] : memref<6144x16xf32, #tpu.memory_space<vmem>>[vector<16xi32>, vector<16xi32>], vector<16xf32>,
        %parallel_loop3A_563 = arith.mulf %parallel_loop3A_562, %get3A_235 : vector<16xf32>
        %parallel_loop3A_564 = arith.addf %parallel_loop3A_552, %parallel_loop3A_563 : vector<16xf32>
        %parallel_loop3A_565 = arith.addf %parallel_loop3A_555, %parallel_loop3A_558 : vector<16xf32>
        %parallel_loop3A_566 = arith.addf %parallel_loop3A_561, %parallel_loop3A_564 : vector<16xf32>
        %parallel_loop3A_567 = arith.addf %parallel_loop3A_565, %parallel_loop3A_566 : vector<16xf32>
        %parallel_loop3A_568 = math.exp %parallel_loop3A_567 : vector<16xf32>
        %parallel_loop3A_569 = tpu.vector_load_idx %arg5[%parallel_loop3A_520, %rem3A_81] : memref<6144x16xf32, #tpu.memory_space<vmem>>[vector<16xi32>, vector<16xi32>], vector<16xf32>,
        %parallel_loop3A_570 = arith.mulf %parallel_loop3A_569, %get3A_239 : vector<16xf32>
        %parallel_loop3A_571 = tpu.vector_load_idx %arg5[%parallel_loop3A_520, %rem3A_87] : memref<6144x16xf32, #tpu.memory_space<vmem>>[vector<16xi32>, vector<16xi32>], vector<16xf32>,
        %parallel_loop3A_572 = arith.mulf %parallel_loop3A_571, %get3A_243 : vector<16xf32>
        %parallel_loop3A_573 = tpu.vector_load_idx %arg5[%parallel_loop3A_520, %rem3A_93] : memref<6144x16xf32, #tpu.memory_space<vmem>>[vector<16xi32>, vector<16xi32>], vector<16xf32>,
        %parallel_loop3A_574 = arith.mulf %parallel_loop3A_573, %get3A_247 : vector<16xf32>
        %parallel_loop3A_575 = tpu.vector_load_idx %arg5[%parallel_loop3A_520, %rem3A_99] : memref<6144x16xf32, #tpu.memory_space<vmem>>[vector<16xi32>, vector<16xi32>], vector<16xf32>,
        %parallel_loop3A_576 = arith.mulf %parallel_loop3A_575, %get3A_251 : vector<16xf32>
        %parallel_loop3A_577 = tpu.vector_load_idx %arg5[%parallel_loop3A_520, %rem3A_105] : memref<6144x16xf32, #tpu.memory_space<vmem>>[vector<16xi32>, vector<16xi32>], vector<16xf32>,
        %parallel_loop3A_578 = arith.mulf %parallel_loop3A_577, %get3A_255 : vector<16xf32>
        %parallel_loop3A_579 = arith.addf %parallel_loop3A_570, %parallel_loop3A_578 : vector<16xf32>
        %parallel_loop3A_580 = tpu.vector_load_idx %arg5[%parallel_loop3A_520, %rem3A_111] : memref<6144x16xf32, #tpu.memory_space<vmem>>[vector<16xi32>, vector<16xi32>], vector<16xf32>,
        %parallel_loop3A_581 = arith.mulf %parallel_loop3A_580, %get3A_259 : vector<16xf32>
        %parallel_loop3A_582 = arith.addf %parallel_loop3A_572, %parallel_loop3A_581 : vector<16xf32>
        %parallel_loop3A_583 = tpu.vector_load_idx %arg5[%parallel_loop3A_520, %rem3A_117] : memref<6144x16xf32, #tpu.memory_space<vmem>>[vector<16xi32>, vector<16xi32>], vector<16xf32>,
        %parallel_loop3A_584 = arith.mulf %parallel_loop3A_583, %get3A_263 : vector<16xf32>
        %parallel_loop3A_585 = arith.addf %parallel_loop3A_574, %parallel_loop3A_584 : vector<16xf32>
        %parallel_loop3A_586 = tpu.vector_load_idx %arg5[%parallel_loop3A_520, %rem3A_123] : memref<6144x16xf32, #tpu.memory_space<vmem>>[vector<16xi32>, vector<16xi32>], vector<16xf32>,
        %parallel_loop3A_587 = arith.mulf %parallel_loop3A_586, %get3A_267 : vector<16xf32>
        %parallel_loop3A_588 = arith.addf %parallel_loop3A_576, %parallel_loop3A_587 : vector<16xf32>
        %parallel_loop3A_589 = tpu.vector_load_idx %arg5[%parallel_loop3A_520, %rem3A_129] : memref<6144x16xf32, #tpu.memory_space<vmem>>[vector<16xi32>, vector<16xi32>], vector<16xf32>,
        %parallel_loop3A_590 = arith.mulf %parallel_loop3A_589, %get3A_271 : vector<16xf32>
        %parallel_loop3A_591 = arith.addf %parallel_loop3A_579, %parallel_loop3A_590 : vector<16xf32>
        %parallel_loop3A_592 = tpu.vector_load_idx %arg5[%parallel_loop3A_520, %rem3A_135] : memref<6144x16xf32, #tpu.memory_space<vmem>>[vector<16xi32>, vector<16xi32>], vector<16xf32>,
        %parallel_loop3A_593 = arith.mulf %parallel_loop3A_592, %get3A_275 : vector<16xf32>
        %parallel_loop3A_594 = arith.addf %parallel_loop3A_582, %parallel_loop3A_593 : vector<16xf32>
        %parallel_loop3A_595 = tpu.vector_load_idx %arg5[%parallel_loop3A_520, %rem3A_141] : memref<6144x16xf32, #tpu.memory_space<vmem>>[vector<16xi32>, vector<16xi32>], vector<16xf32>,
        %parallel_loop3A_596 = arith.mulf %parallel_loop3A_595, %get3A_279 : vector<16xf32>
        %parallel_loop3A_597 = arith.addf %parallel_loop3A_585, %parallel_loop3A_596 : vector<16xf32>
        %parallel_loop3A_598 = tpu.vector_load_idx %arg5[%parallel_loop3A_520, %rem3A_147] : memref<6144x16xf32, #tpu.memory_space<vmem>>[vector<16xi32>, vector<16xi32>], vector<16xf32>,
        %parallel_loop3A_599 = arith.mulf %parallel_loop3A_598, %get3A_283 : vector<16xf32>
        %parallel_loop3A_600 = arith.addf %parallel_loop3A_588, %parallel_loop3A_599 : vector<16xf32>
        %parallel_loop3A_601 = tpu.vector_load_idx %arg5[%parallel_loop3A_520, %rem3A_153] : memref<6144x16xf32, #tpu.memory_space<vmem>>[vector<16xi32>, vector<16xi32>], vector<16xf32>,
        %parallel_loop3A_602 = arith.mulf %parallel_loop3A_601, %get3A_287 : vector<16xf32>
        %parallel_loop3A_603 = arith.addf %parallel_loop3A_591, %parallel_loop3A_602 : vector<16xf32>
        %parallel_loop3A_604 = tpu.vector_load_idx %arg5[%parallel_loop3A_520, %rem3A_159] : memref<6144x16xf32, #tpu.memory_space<vmem>>[vector<16xi32>, vector<16xi32>], vector<16xf32>,
        %parallel_loop3A_605 = arith.mulf %parallel_loop3A_604, %get3A_291 : vector<16xf32>
        %parallel_loop3A_606 = arith.addf %parallel_loop3A_594, %parallel_loop3A_605 : vector<16xf32>
        %parallel_loop3A_607 = tpu.vector_load_idx %arg5[%parallel_loop3A_520, %rem3A_165] : memref<6144x16xf32, #tpu.memory_space<vmem>>[vector<16xi32>, vector<16xi32>], vector<16xf32>,
        %parallel_loop3A_608 = arith.mulf %parallel_loop3A_607, %get3A_295 : vector<16xf32>
        %parallel_loop3A_609 = arith.addf %parallel_loop3A_597, %parallel_loop3A_608 : vector<16xf32>
        %parallel_loop3A_610 = tpu.vector_load_idx %arg5[%parallel_loop3A_520, %rem3A_171] : memref<6144x16xf32, #tpu.memory_space<vmem>>[vector<16xi32>, vector<16xi32>], vector<16xf32>,
        %parallel_loop3A_611 = arith.mulf %parallel_loop3A_610, %get3A_299 : vector<16xf32>
        %parallel_loop3A_612 = arith.addf %parallel_loop3A_600, %parallel_loop3A_611 : vector<16xf32>
        %parallel_loop3A_613 = arith.addf %parallel_loop3A_603, %parallel_loop3A_606 : vector<16xf32>
        %parallel_loop3A_614 = arith.addf %parallel_loop3A_609, %parallel_loop3A_612 : vector<16xf32>
        %parallel_loop3A_615 = arith.addf %parallel_loop3A_613, %parallel_loop3A_614 : vector<16xf32>
        %parallel_loop3A_616 = math.exp %parallel_loop3A_615 : vector<16xf32>
        %parallel_loop3A_617 = arith.addf %parallel_loop3A_568, %parallel_loop3A_616 : vector<16xf32>
        %parallel_loop3A_618 = arith.constant true
        %parallel_loop3A_619 = vector.broadcast %parallel_loop3A_618 : i1 to vector<16xi1>
        %parallel_loop3A_620 = tpu.scan <sum>, %parallel_loop3A_617 masked %parallel_loop3A_619 : vector<16xf32>, vector<16xi1> -> vector<16xf32>
        %parallel_loop3A_621 = vector.extract %parallel_loop3A_620[15] : f32 from vector<16xf32>
        %parallel_loop3A_622 = vector.broadcast %parallel_loop3A_621 : f32 to vector<16xf32>
        %parallel_loop3A_623 = arith.constant 1.000000e+00 : f32
        %parallel_loop3A_624 = vector.broadcast %parallel_loop3A_623 : f32 to vector<16xf32>
        %parallel_loop3A_625 = arith.divf %parallel_loop3A_624, %parallel_loop3A_622 : vector<16xf32>
        %parallel_loop3A_626 = arith.mulf %parallel_loop3A_568, %parallel_loop3A_625 : vector<16xf32>
        %parallel_loop3A_627 = arith.mulf %parallel_loop3A_616, %parallel_loop3A_625 : vector<16xf32>
        %parallel_loop3A_628 = tpu.vector_load_idx %arg5[%parallel_loop3A_516, %rem3A_81] : memref<6144x16xf32, #tpu.memory_space<vmem>>[vector<16xi32>, vector<16xi32>], vector<16xf32>,
        %parallel_loop3A_629 = arith.mulf %parallel_loop3A_628, %parallel_loop3A_626 : vector<16xf32>
        %parallel_loop3A_630 = arith.constant 0 : i32
        %parallel_loop3A_631 = arith.index_cast %parallel_loop3A_630 : i32 to index
        %parallel_loop3A_632 = arith.constant 0 : index
        %parallel_loop3A_633 = tpu.vector_load %arg7[%parallel_loop3A_631, %parallel_loop3A_632] {strides = array<i32>} : memref<32x16xf32, #tpu.memory_space<vmem>>, vector<16xf32>,
        tpu.vector_store %arg7[%parallel_loop3A_631, %parallel_loop3A_632], %parallel_loop3A_629 {add = true, strides = array<i32>} : memref<32x16xf32, #tpu.memory_space<vmem>>, vector<16xf32>,
        %parallel_loop3A_634 = tpu.vector_load_idx %arg5[%parallel_loop3A_516, %rem3A_87] : memref<6144x16xf32, #tpu.memory_space<vmem>>[vector<16xi32>, vector<16xi32>], vector<16xf32>,
        %parallel_loop3A_635 = arith.mulf %parallel_loop3A_634, %parallel_loop3A_626 : vector<16xf32>
        %parallel_loop3A_636 = arith.constant 1 : i32
        %parallel_loop3A_637 = arith.index_cast %parallel_loop3A_636 : i32 to index
        %parallel_loop3A_638 = arith.constant 0 : index
        %parallel_loop3A_639 = tpu.vector_load %arg7[%parallel_loop3A_637, %parallel_loop3A_638] {strides = array<i32>} : memref<32x16xf32, #tpu.memory_space<vmem>>, vector<16xf32>,
        tpu.vector_store %arg7[%parallel_loop3A_637, %parallel_loop3A_638], %parallel_loop3A_635 {add = true, strides = array<i32>} : memref<32x16xf32, #tpu.memory_space<vmem>>, vector<16xf32>,
        %parallel_loop3A_640 = tpu.vector_load_idx %arg5[%parallel_loop3A_516, %rem3A_93] : memref<6144x16xf32, #tpu.memory_space<vmem>>[vector<16xi32>, vector<16xi32>], vector<16xf32>,
        %parallel_loop3A_641 = arith.mulf %parallel_loop3A_640, %parallel_loop3A_626 : vector<16xf32>
        %parallel_loop3A_642 = arith.constant 2 : i32
        %parallel_loop3A_643 = arith.index_cast %parallel_loop3A_642 : i32 to index
        %parallel_loop3A_644 = arith.constant 0 : index
        %parallel_loop3A_645 = tpu.vector_load %arg7[%parallel_loop3A_643, %parallel_loop3A_644] {strides = array<i32>} : memref<32x16xf32, #tpu.memory_space<vmem>>, vector<16xf32>,
        tpu.vector_store %arg7[%parallel_loop3A_643, %parallel_loop3A_644], %parallel_loop3A_641 {add = true, strides = array<i32>} : memref<32x16xf32, #tpu.memory_space<vmem>>, vector<16xf32>,
        %parallel_loop3A_646 = tpu.vector_load_idx %arg5[%parallel_loop3A_516, %rem3A_99] : memref<6144x16xf32, #tpu.memory_space<vmem>>[vector<16xi32>, vector<16xi32>], vector<16xf32>,
        %parallel_loop3A_647 = arith.mulf %parallel_loop3A_646, %parallel_loop3A_626 : vector<16xf32>
        %parallel_loop3A_648 = arith.constant 3 : i32
        %parallel_loop3A_649 = arith.index_cast %parallel_loop3A_648 : i32 to index
        %parallel_loop3A_650 = arith.constant 0 : index
        %parallel_loop3A_651 = tpu.vector_load %arg7[%parallel_loop3A_649, %parallel_loop3A_650] {strides = array<i32>} : memref<32x16xf32, #tpu.memory_space<vmem>>, vector<16xf32>,
        tpu.vector_store %arg7[%parallel_loop3A_649, %parallel_loop3A_650], %parallel_loop3A_647 {add = true, strides = array<i32>} : memref<32x16xf32, #tpu.memory_space<vmem>>, vector<16xf32>,
        %parallel_loop3A_652 = tpu.vector_load_idx %arg5[%parallel_loop3A_516, %rem3A_105] : memref<6144x16xf32, #tpu.memory_space<vmem>>[vector<16xi32>, vector<16xi32>], vector<16xf32>,
        %parallel_loop3A_653 = arith.mulf %parallel_loop3A_652, %parallel_loop3A_626 : vector<16xf32>
        %parallel_loop3A_654 = arith.constant 4 : i32
        %parallel_loop3A_655 = arith.index_cast %parallel_loop3A_654 : i32 to index
        %parallel_loop3A_656 = arith.constant 0 : index
        %parallel_loop3A_657 = tpu.vector_load %arg7[%parallel_loop3A_655, %parallel_loop3A_656] {strides = array<i32>} : memref<32x16xf32, #tpu.memory_space<vmem>>, vector<16xf32>,
        tpu.vector_store %arg7[%parallel_loop3A_655, %parallel_loop3A_656], %parallel_loop3A_653 {add = true, strides = array<i32>} : memref<32x16xf32, #tpu.memory_space<vmem>>, vector<16xf32>,
        %parallel_loop3A_658 = tpu.vector_load_idx %arg5[%parallel_loop3A_516, %rem3A_111] : memref<6144x16xf32, #tpu.memory_space<vmem>>[vector<16xi32>, vector<16xi32>], vector<16xf32>,
        %parallel_loop3A_659 = arith.mulf %parallel_loop3A_658, %parallel_loop3A_626 : vector<16xf32>
        %parallel_loop3A_660 = arith.constant 5 : i32
        %parallel_loop3A_661 = arith.index_cast %parallel_loop3A_660 : i32 to index
        %parallel_loop3A_662 = arith.constant 0 : index
        %parallel_loop3A_663 = tpu.vector_load %arg7[%parallel_loop3A_661, %parallel_loop3A_662] {strides = array<i32>} : memref<32x16xf32, #tpu.memory_space<vmem>>, vector<16xf32>,
        tpu.vector_store %arg7[%parallel_loop3A_661, %parallel_loop3A_662], %parallel_loop3A_659 {add = true, strides = array<i32>} : memref<32x16xf32, #tpu.memory_space<vmem>>, vector<16xf32>,
        %parallel_loop3A_664 = tpu.vector_load_idx %arg5[%parallel_loop3A_516, %rem3A_117] : memref<6144x16xf32, #tpu.memory_space<vmem>>[vector<16xi32>, vector<16xi32>], vector<16xf32>,
        %parallel_loop3A_665 = arith.mulf %parallel_loop3A_664, %parallel_loop3A_626 : vector<16xf32>
        %parallel_loop3A_666 = arith.constant 6 : i32
        %parallel_loop3A_667 = arith.index_cast %parallel_loop3A_666 : i32 to index
        %parallel_loop3A_668 = arith.constant 0 : index
        %parallel_loop3A_669 = tpu.vector_load %arg7[%parallel_loop3A_667, %parallel_loop3A_668] {strides = array<i32>} : memref<32x16xf32, #tpu.memory_space<vmem>>, vector<16xf32>,
        tpu.vector_store %arg7[%parallel_loop3A_667, %parallel_loop3A_668], %parallel_loop3A_665 {add = true, strides = array<i32>} : memref<32x16xf32, #tpu.memory_space<vmem>>, vector<16xf32>,
        %parallel_loop3A_670 = tpu.vector_load_idx %arg5[%parallel_loop3A_516, %rem3A_123] : memref<6144x16xf32, #tpu.memory_space<vmem>>[vector<16xi32>, vector<16xi32>], vector<16xf32>,
        %parallel_loop3A_671 = arith.mulf %parallel_loop3A_670, %parallel_loop3A_626 : vector<16xf32>
        %parallel_loop3A_672 = arith.constant 7 : i32
        %parallel_loop3A_673 = arith.index_cast %parallel_loop3A_672 : i32 to index
        %parallel_loop3A_674 = arith.constant 0 : index
        %parallel_loop3A_675 = tpu.vector_load %arg7[%parallel_loop3A_673, %parallel_loop3A_674] {strides = array<i32>} : memref<32x16xf32, #tpu.memory_space<vmem>>, vector<16xf32>,
        tpu.vector_store %arg7[%parallel_loop3A_673, %parallel_loop3A_674], %parallel_loop3A_671 {add = true, strides = array<i32>} : memref<32x16xf32, #tpu.memory_space<vmem>>, vector<16xf32>,
        %parallel_loop3A_676 = tpu.vector_load_idx %arg5[%parallel_loop3A_516, %rem3A_129] : memref<6144x16xf32, #tpu.memory_space<vmem>>[vector<16xi32>, vector<16xi32>], vector<16xf32>,
        %parallel_loop3A_677 = arith.mulf %parallel_loop3A_676, %parallel_loop3A_626 : vector<16xf32>
        %parallel_loop3A_678 = arith.constant 8 : i32
        %parallel_loop3A_679 = arith.index_cast %parallel_loop3A_678 : i32 to index
        %parallel_loop3A_680 = arith.constant 0 : index
        %parallel_loop3A_681 = tpu.vector_load %arg7[%parallel_loop3A_679, %parallel_loop3A_680] {strides = array<i32>} : memref<32x16xf32, #tpu.memory_space<vmem>>, vector<16xf32>,
        tpu.vector_store %arg7[%parallel_loop3A_679, %parallel_loop3A_680], %parallel_loop3A_677 {add = true, strides = array<i32>} : memref<32x16xf32, #tpu.memory_space<vmem>>, vector<16xf32>,
        %parallel_loop3A_682 = tpu.vector_load_idx %arg5[%parallel_loop3A_516, %rem3A_135] : memref<6144x16xf32, #tpu.memory_space<vmem>>[vector<16xi32>, vector<16xi32>], vector<16xf32>,
        %parallel_loop3A_683 = arith.mulf %parallel_loop3A_682, %parallel_loop3A_626 : vector<16xf32>
        %parallel_loop3A_684 = arith.constant 9 : i32
        %parallel_loop3A_685 = arith.index_cast %parallel_loop3A_684 : i32 to index
        %parallel_loop3A_686 = arith.constant 0 : index
        %parallel_loop3A_687 = tpu.vector_load %arg7[%parallel_loop3A_685, %parallel_loop3A_686] {strides = array<i32>} : memref<32x16xf32, #tpu.memory_space<vmem>>, vector<16xf32>,
        tpu.vector_store %arg7[%parallel_loop3A_685, %parallel_loop3A_686], %parallel_loop3A_683 {add = true, strides = array<i32>} : memref<32x16xf32, #tpu.memory_space<vmem>>, vector<16xf32>,
        %parallel_loop3A_688 = tpu.vector_load_idx %arg5[%parallel_loop3A_516, %rem3A_141] : memref<6144x16xf32, #tpu.memory_space<vmem>>[vector<16xi32>, vector<16xi32>], vector<16xf32>,
        %parallel_loop3A_689 = arith.mulf %parallel_loop3A_688, %parallel_loop3A_626 : vector<16xf32>
        %parallel_loop3A_690 = arith.constant 10 : i32
        %parallel_loop3A_691 = arith.index_cast %parallel_loop3A_690 : i32 to index
        %parallel_loop3A_692 = arith.constant 0 : index
        %parallel_loop3A_693 = tpu.vector_load %arg7[%parallel_loop3A_691, %parallel_loop3A_692] {strides = array<i32>} : memref<32x16xf32, #tpu.memory_space<vmem>>, vector<16xf32>,
        tpu.vector_store %arg7[%parallel_loop3A_691, %parallel_loop3A_692], %parallel_loop3A_689 {add = true, strides = array<i32>} : memref<32x16xf32, #tpu.memory_space<vmem>>, vector<16xf32>,
        %parallel_loop3A_694 = tpu.vector_load_idx %arg5[%parallel_loop3A_516, %rem3A_147] : memref<6144x16xf32, #tpu.memory_space<vmem>>[vector<16xi32>, vector<16xi32>], vector<16xf32>,
        %parallel_loop3A_695 = arith.mulf %parallel_loop3A_694, %parallel_loop3A_626 : vector<16xf32>
        %parallel_loop3A_696 = arith.constant 11 : i32
        %parallel_loop3A_697 = arith.index_cast %parallel_loop3A_696 : i32 to index
        %parallel_loop3A_698 = arith.constant 0 : index
        %parallel_loop3A_699 = tpu.vector_load %arg7[%parallel_loop3A_697, %parallel_loop3A_698] {strides = array<i32>} : memref<32x16xf32, #tpu.memory_space<vmem>>, vector<16xf32>,
        tpu.vector_store %arg7[%parallel_loop3A_697, %parallel_loop3A_698], %parallel_loop3A_695 {add = true, strides = array<i32>} : memref<32x16xf32, #tpu.memory_space<vmem>>, vector<16xf32>,
        %parallel_loop3A_700 = tpu.vector_load_idx %arg5[%parallel_loop3A_516, %rem3A_153] : memref<6144x16xf32, #tpu.memory_space<vmem>>[vector<16xi32>, vector<16xi32>], vector<16xf32>,
        %parallel_loop3A_701 = arith.mulf %parallel_loop3A_700, %parallel_loop3A_626 : vector<16xf32>
        %parallel_loop3A_702 = arith.constant 12 : i32
        %parallel_loop3A_703 = arith.index_cast %parallel_loop3A_702 : i32 to index
        %parallel_loop3A_704 = arith.constant 0 : index
        %parallel_loop3A_705 = tpu.vector_load %arg7[%parallel_loop3A_703, %parallel_loop3A_704] {strides = array<i32>} : memref<32x16xf32, #tpu.memory_space<vmem>>, vector<16xf32>,
        tpu.vector_store %arg7[%parallel_loop3A_703, %parallel_loop3A_704], %parallel_loop3A_701 {add = true, strides = array<i32>} : memref<32x16xf32, #tpu.memory_space<vmem>>, vector<16xf32>,
        %parallel_loop3A_706 = tpu.vector_load_idx %arg5[%parallel_loop3A_516, %rem3A_159] : memref<6144x16xf32, #tpu.memory_space<vmem>>[vector<16xi32>, vector<16xi32>], vector<16xf32>,
        %parallel_loop3A_707 = arith.mulf %parallel_loop3A_706, %parallel_loop3A_626 : vector<16xf32>
        %parallel_loop3A_708 = arith.constant 13 : i32
        %parallel_loop3A_709 = arith.index_cast %parallel_loop3A_708 : i32 to index
        %parallel_loop3A_710 = arith.constant 0 : index
        %parallel_loop3A_711 = tpu.vector_load %arg7[%parallel_loop3A_709, %parallel_loop3A_710] {strides = array<i32>} : memref<32x16xf32, #tpu.memory_space<vmem>>, vector<16xf32>,
        tpu.vector_store %arg7[%parallel_loop3A_709, %parallel_loop3A_710], %parallel_loop3A_707 {add = true, strides = array<i32>} : memref<32x16xf32, #tpu.memory_space<vmem>>, vector<16xf32>,
        %parallel_loop3A_712 = tpu.vector_load_idx %arg5[%parallel_loop3A_516, %rem3A_165] : memref<6144x16xf32, #tpu.memory_space<vmem>>[vector<16xi32>, vector<16xi32>], vector<16xf32>,
        %parallel_loop3A_713 = arith.mulf %parallel_loop3A_712, %parallel_loop3A_626 : vector<16xf32>
        %parallel_loop3A_714 = arith.constant 14 : i32
        %parallel_loop3A_715 = arith.index_cast %parallel_loop3A_714 : i32 to index
        %parallel_loop3A_716 = arith.constant 0 : index
        %parallel_loop3A_717 = tpu.vector_load %arg7[%parallel_loop3A_715, %parallel_loop3A_716] {strides = array<i32>} : memref<32x16xf32, #tpu.memory_space<vmem>>, vector<16xf32>,
        tpu.vector_store %arg7[%parallel_loop3A_715, %parallel_loop3A_716], %parallel_loop3A_713 {add = true, strides = array<i32>} : memref<32x16xf32, #tpu.memory_space<vmem>>, vector<16xf32>,
        %parallel_loop3A_718 = tpu.vector_load_idx %arg5[%parallel_loop3A_516, %rem3A_171] : memref<6144x16xf32, #tpu.memory_space<vmem>>[vector<16xi32>, vector<16xi32>], vector<16xf32>,
        %parallel_loop3A_719 = arith.mulf %parallel_loop3A_718, %parallel_loop3A_626 : vector<16xf32>
        %parallel_loop3A_720 = arith.constant 15 : i32
        %parallel_loop3A_721 = arith.index_cast %parallel_loop3A_720 : i32 to index
        %parallel_loop3A_722 = arith.constant 0 : index
        %parallel_loop3A_723 = tpu.vector_load %arg7[%parallel_loop3A_721, %parallel_loop3A_722] {strides = array<i32>} : memref<32x16xf32, #tpu.memory_space<vmem>>, vector<16xf32>,
        tpu.vector_store %arg7[%parallel_loop3A_721, %parallel_loop3A_722], %parallel_loop3A_719 {add = true, strides = array<i32>} : memref<32x16xf32, #tpu.memory_space<vmem>>, vector<16xf32>,
        %parallel_loop3A_724 = tpu.vector_load_idx %arg5[%parallel_loop3A_520, %rem3A_81] : memref<6144x16xf32, #tpu.memory_space<vmem>>[vector<16xi32>, vector<16xi32>], vector<16xf32>,
        %parallel_loop3A_725 = arith.mulf %parallel_loop3A_724, %parallel_loop3A_627 : vector<16xf32>
        %parallel_loop3A_726 = arith.constant 16 : i32
        %parallel_loop3A_727 = arith.index_cast %parallel_loop3A_726 : i32 to index
        %parallel_loop3A_728 = arith.constant 0 : index
        %parallel_loop3A_729 = tpu.vector_load %arg7[%parallel_loop3A_727, %parallel_loop3A_728] {strides = array<i32>} : memref<32x16xf32, #tpu.memory_space<vmem>>, vector<16xf32>,
        tpu.vector_store %arg7[%parallel_loop3A_727, %parallel_loop3A_728], %parallel_loop3A_725 {add = true, strides = array<i32>} : memref<32x16xf32, #tpu.memory_space<vmem>>, vector<16xf32>,
        %parallel_loop3A_730 = tpu.vector_load_idx %arg5[%parallel_loop3A_520, %rem3A_87] : memref<6144x16xf32, #tpu.memory_space<vmem>>[vector<16xi32>, vector<16xi32>], vector<16xf32>,
        %parallel_loop3A_731 = arith.mulf %parallel_loop3A_730, %parallel_loop3A_627 : vector<16xf32>
        %parallel_loop3A_732 = arith.constant 17 : i32
        %parallel_loop3A_733 = arith.index_cast %parallel_loop3A_732 : i32 to index
        %parallel_loop3A_734 = arith.constant 0 : index
        %parallel_loop3A_735 = tpu.vector_load %arg7[%parallel_loop3A_733, %parallel_loop3A_734] {strides = array<i32>} : memref<32x16xf32, #tpu.memory_space<vmem>>, vector<16xf32>,
        tpu.vector_store %arg7[%parallel_loop3A_733, %parallel_loop3A_734], %parallel_loop3A_731 {add = true, strides = array<i32>} : memref<32x16xf32, #tpu.memory_space<vmem>>, vector<16xf32>,
        %parallel_loop3A_736 = tpu.vector_load_idx %arg5[%parallel_loop3A_520, %rem3A_93] : memref<6144x16xf32, #tpu.memory_space<vmem>>[vector<16xi32>, vector<16xi32>], vector<16xf32>,
        %parallel_loop3A_737 = arith.mulf %parallel_loop3A_736, %parallel_loop3A_627 : vector<16xf32>
        %parallel_loop3A_738 = arith.constant 18 : i32
        %parallel_loop3A_739 = arith.index_cast %parallel_loop3A_738 : i32 to index
        %parallel_loop3A_740 = arith.constant 0 : index
        %parallel_loop3A_741 = tpu.vector_load %arg7[%parallel_loop3A_739, %parallel_loop3A_740] {strides = array<i32>} : memref<32x16xf32, #tpu.memory_space<vmem>>, vector<16xf32>,
        tpu.vector_store %arg7[%parallel_loop3A_739, %parallel_loop3A_740], %parallel_loop3A_737 {add = true, strides = array<i32>} : memref<32x16xf32, #tpu.memory_space<vmem>>, vector<16xf32>,
        %parallel_loop3A_742 = tpu.vector_load_idx %arg5[%parallel_loop3A_520, %rem3A_99] : memref<6144x16xf32, #tpu.memory_space<vmem>>[vector<16xi32>, vector<16xi32>], vector<16xf32>,
        %parallel_loop3A_743 = arith.mulf %parallel_loop3A_742, %parallel_loop3A_627 : vector<16xf32>
        %parallel_loop3A_744 = arith.constant 19 : i32
        %parallel_loop3A_745 = arith.index_cast %parallel_loop3A_744 : i32 to index
        %parallel_loop3A_746 = arith.constant 0 : index
        %parallel_loop3A_747 = tpu.vector_load %arg7[%parallel_loop3A_745, %parallel_loop3A_746] {strides = array<i32>} : memref<32x16xf32, #tpu.memory_space<vmem>>, vector<16xf32>,
        tpu.vector_store %arg7[%parallel_loop3A_745, %parallel_loop3A_746], %parallel_loop3A_743 {add = true, strides = array<i32>} : memref<32x16xf32, #tpu.memory_space<vmem>>, vector<16xf32>,
        %parallel_loop3A_748 = tpu.vector_load_idx %arg5[%parallel_loop3A_520, %rem3A_105] : memref<6144x16xf32, #tpu.memory_space<vmem>>[vector<16xi32>, vector<16xi32>], vector<16xf32>,
        %parallel_loop3A_749 = arith.mulf %parallel_loop3A_748, %parallel_loop3A_627 : vector<16xf32>
        %parallel_loop3A_750 = arith.constant 20 : i32
        %parallel_loop3A_751 = arith.index_cast %parallel_loop3A_750 : i32 to index
        %parallel_loop3A_752 = arith.constant 0 : index
        %parallel_loop3A_753 = tpu.vector_load %arg7[%parallel_loop3A_751, %parallel_loop3A_752] {strides = array<i32>} : memref<32x16xf32, #tpu.memory_space<vmem>>, vector<16xf32>,
        tpu.vector_store %arg7[%parallel_loop3A_751, %parallel_loop3A_752], %parallel_loop3A_749 {add = true, strides = array<i32>} : memref<32x16xf32, #tpu.memory_space<vmem>>, vector<16xf32>,
        %parallel_loop3A_754 = tpu.vector_load_idx %arg5[%parallel_loop3A_520, %rem3A_111] : memref<6144x16xf32, #tpu.memory_space<vmem>>[vector<16xi32>, vector<16xi32>], vector<16xf32>,
        %parallel_loop3A_755 = arith.mulf %parallel_loop3A_754, %parallel_loop3A_627 : vector<16xf32>
        %parallel_loop3A_756 = arith.constant 21 : i32
        %parallel_loop3A_757 = arith.index_cast %parallel_loop3A_756 : i32 to index
        %parallel_loop3A_758 = arith.constant 0 : index
        %parallel_loop3A_759 = tpu.vector_load %arg7[%parallel_loop3A_757, %parallel_loop3A_758] {strides = array<i32>} : memref<32x16xf32, #tpu.memory_space<vmem>>, vector<16xf32>,
        tpu.vector_store %arg7[%parallel_loop3A_757, %parallel_loop3A_758], %parallel_loop3A_755 {add = true, strides = array<i32>} : memref<32x16xf32, #tpu.memory_space<vmem>>, vector<16xf32>,
        %parallel_loop3A_760 = tpu.vector_load_idx %arg5[%parallel_loop3A_520, %rem3A_117] : memref<6144x16xf32, #tpu.memory_space<vmem>>[vector<16xi32>, vector<16xi32>], vector<16xf32>,
        %parallel_loop3A_761 = arith.mulf %parallel_loop3A_760, %parallel_loop3A_627 : vector<16xf32>
        %parallel_loop3A_762 = arith.constant 22 : i32
        %parallel_loop3A_763 = arith.index_cast %parallel_loop3A_762 : i32 to index
        %parallel_loop3A_764 = arith.constant 0 : index
        %parallel_loop3A_765 = tpu.vector_load %arg7[%parallel_loop3A_763, %parallel_loop3A_764] {strides = array<i32>} : memref<32x16xf32, #tpu.memory_space<vmem>>, vector<16xf32>,
        tpu.vector_store %arg7[%parallel_loop3A_763, %parallel_loop3A_764], %parallel_loop3A_761 {add = true, strides = array<i32>} : memref<32x16xf32, #tpu.memory_space<vmem>>, vector<16xf32>,
        %parallel_loop3A_766 = tpu.vector_load_idx %arg5[%parallel_loop3A_520, %rem3A_123] : memref<6144x16xf32, #tpu.memory_space<vmem>>[vector<16xi32>, vector<16xi32>], vector<16xf32>,
        %parallel_loop3A_767 = arith.mulf %parallel_loop3A_766, %parallel_loop3A_627 : vector<16xf32>
        %parallel_loop3A_768 = arith.constant 23 : i32
        %parallel_loop3A_769 = arith.index_cast %parallel_loop3A_768 : i32 to index
        %parallel_loop3A_770 = arith.constant 0 : index
        %parallel_loop3A_771 = tpu.vector_load %arg7[%parallel_loop3A_769, %parallel_loop3A_770] {strides = array<i32>} : memref<32x16xf32, #tpu.memory_space<vmem>>, vector<16xf32>,
        tpu.vector_store %arg7[%parallel_loop3A_769, %parallel_loop3A_770], %parallel_loop3A_767 {add = true, strides = array<i32>} : memref<32x16xf32, #tpu.memory_space<vmem>>, vector<16xf32>,
        %parallel_loop3A_772 = tpu.vector_load_idx %arg5[%parallel_loop3A_520, %rem3A_129] : memref<6144x16xf32, #tpu.memory_space<vmem>>[vector<16xi32>, vector<16xi32>], vector<16xf32>,
        %parallel_loop3A_773 = arith.mulf %parallel_loop3A_772, %parallel_loop3A_627 : vector<16xf32>
        %parallel_loop3A_774 = arith.constant 24 : i32
        %parallel_loop3A_775 = arith.index_cast %parallel_loop3A_774 : i32 to index
        %parallel_loop3A_776 = arith.constant 0 : index
        %parallel_loop3A_777 = tpu.vector_load %arg7[%parallel_loop3A_775, %parallel_loop3A_776] {strides = array<i32>} : memref<32x16xf32, #tpu.memory_space<vmem>>, vector<16xf32>,
        tpu.vector_store %arg7[%parallel_loop3A_775, %parallel_loop3A_776], %parallel_loop3A_773 {add = true, strides = array<i32>} : memref<32x16xf32, #tpu.memory_space<vmem>>, vector<16xf32>,
        %parallel_loop3A_778 = tpu.vector_load_idx %arg5[%parallel_loop3A_520, %rem3A_135] : memref<6144x16xf32, #tpu.memory_space<vmem>>[vector<16xi32>, vector<16xi32>], vector<16xf32>,
        %parallel_loop3A_779 = arith.mulf %parallel_loop3A_778, %parallel_loop3A_627 : vector<16xf32>
        %parallel_loop3A_780 = arith.constant 25 : i32
        %parallel_loop3A_781 = arith.index_cast %parallel_loop3A_780 : i32 to index
        %parallel_loop3A_782 = arith.constant 0 : index
        %parallel_loop3A_783 = tpu.vector_load %arg7[%parallel_loop3A_781, %parallel_loop3A_782] {strides = array<i32>} : memref<32x16xf32, #tpu.memory_space<vmem>>, vector<16xf32>,
        tpu.vector_store %arg7[%parallel_loop3A_781, %parallel_loop3A_782], %parallel_loop3A_779 {add = true, strides = array<i32>} : memref<32x16xf32, #tpu.memory_space<vmem>>, vector<16xf32>,
        %parallel_loop3A_784 = tpu.vector_load_idx %arg5[%parallel_loop3A_520, %rem3A_141] : memref<6144x16xf32, #tpu.memory_space<vmem>>[vector<16xi32>, vector<16xi32>], vector<16xf32>,
        %parallel_loop3A_785 = arith.mulf %parallel_loop3A_784, %parallel_loop3A_627 : vector<16xf32>
        %parallel_loop3A_786 = arith.constant 26 : i32
        %parallel_loop3A_787 = arith.index_cast %parallel_loop3A_786 : i32 to index
        %parallel_loop3A_788 = arith.constant 0 : index
        %parallel_loop3A_789 = tpu.vector_load %arg7[%parallel_loop3A_787, %parallel_loop3A_788] {strides = array<i32>} : memref<32x16xf32, #tpu.memory_space<vmem>>, vector<16xf32>,
        tpu.vector_store %arg7[%parallel_loop3A_787, %parallel_loop3A_788], %parallel_loop3A_785 {add = true, strides = array<i32>} : memref<32x16xf32, #tpu.memory_space<vmem>>, vector<16xf32>,
        %parallel_loop3A_790 = tpu.vector_load_idx %arg5[%parallel_loop3A_520, %rem3A_147] : memref<6144x16xf32, #tpu.memory_space<vmem>>[vector<16xi32>, vector<16xi32>], vector<16xf32>,
        %parallel_loop3A_791 = arith.mulf %parallel_loop3A_790, %parallel_loop3A_627 : vector<16xf32>
        %parallel_loop3A_792 = arith.constant 27 : i32
        %parallel_loop3A_793 = arith.index_cast %parallel_loop3A_792 : i32 to index
        %parallel_loop3A_794 = arith.constant 0 : index
        %parallel_loop3A_795 = tpu.vector_load %arg7[%parallel_loop3A_793, %parallel_loop3A_794] {strides = array<i32>} : memref<32x16xf32, #tpu.memory_space<vmem>>, vector<16xf32>,
        tpu.vector_store %arg7[%parallel_loop3A_793, %parallel_loop3A_794], %parallel_loop3A_791 {add = true, strides = array<i32>} : memref<32x16xf32, #tpu.memory_space<vmem>>, vector<16xf32>,
        %parallel_loop3A_796 = tpu.vector_load_idx %arg5[%parallel_loop3A_520, %rem3A_153] : memref<6144x16xf32, #tpu.memory_space<vmem>>[vector<16xi32>, vector<16xi32>], vector<16xf32>,
        %parallel_loop3A_797 = arith.mulf %parallel_loop3A_796, %parallel_loop3A_627 : vector<16xf32>
        %parallel_loop3A_798 = arith.constant 28 : i32
        %parallel_loop3A_799 = arith.index_cast %parallel_loop3A_798 : i32 to index
        %parallel_loop3A_800 = arith.constant 0 : index
        %parallel_loop3A_801 = tpu.vector_load %arg7[%parallel_loop3A_799, %parallel_loop3A_800] {strides = array<i32>} : memref<32x16xf32, #tpu.memory_space<vmem>>, vector<16xf32>,
        tpu.vector_store %arg7[%parallel_loop3A_799, %parallel_loop3A_800], %parallel_loop3A_797 {add = true, strides = array<i32>} : memref<32x16xf32, #tpu.memory_space<vmem>>, vector<16xf32>,
        %parallel_loop3A_802 = tpu.vector_load_idx %arg5[%parallel_loop3A_520, %rem3A_159] : memref<6144x16xf32, #tpu.memory_space<vmem>>[vector<16xi32>, vector<16xi32>], vector<16xf32>,
        %parallel_loop3A_803 = arith.mulf %parallel_loop3A_802, %parallel_loop3A_627 : vector<16xf32>
        %parallel_loop3A_804 = arith.constant 29 : i32
        %parallel_loop3A_805 = arith.index_cast %parallel_loop3A_804 : i32 to index
        %parallel_loop3A_806 = arith.constant 0 : index
        %parallel_loop3A_807 = tpu.vector_load %arg7[%parallel_loop3A_805, %parallel_loop3A_806] {strides = array<i32>} : memref<32x16xf32, #tpu.memory_space<vmem>>, vector<16xf32>,
        tpu.vector_store %arg7[%parallel_loop3A_805, %parallel_loop3A_806], %parallel_loop3A_803 {add = true, strides = array<i32>} : memref<32x16xf32, #tpu.memory_space<vmem>>, vector<16xf32>,
        %parallel_loop3A_808 = tpu.vector_load_idx %arg5[%parallel_loop3A_520, %rem3A_165] : memref<6144x16xf32, #tpu.memory_space<vmem>>[vector<16xi32>, vector<16xi32>], vector<16xf32>,
        %parallel_loop3A_809 = arith.mulf %parallel_loop3A_808, %parallel_loop3A_627 : vector<16xf32>
        %parallel_loop3A_810 = arith.constant 30 : i32
        %parallel_loop3A_811 = arith.index_cast %parallel_loop3A_810 : i32 to index
        %parallel_loop3A_812 = arith.constant 0 : index
        %parallel_loop3A_813 = tpu.vector_load %arg7[%parallel_loop3A_811, %parallel_loop3A_812] {strides = array<i32>} : memref<32x16xf32, #tpu.memory_space<vmem>>, vector<16xf32>,
        tpu.vector_store %arg7[%parallel_loop3A_811, %parallel_loop3A_812], %parallel_loop3A_809 {add = true, strides = array<i32>} : memref<32x16xf32, #tpu.memory_space<vmem>>, vector<16xf32>,
        %parallel_loop3A_814 = tpu.vector_load_idx %arg5[%parallel_loop3A_520, %rem3A_171] : memref<6144x16xf32, #tpu.memory_space<vmem>>[vector<16xi32>, vector<16xi32>], vector<16xf32>,
        %parallel_loop3A_815 = arith.mulf %parallel_loop3A_814, %parallel_loop3A_627 : vector<16xf32>
        %parallel_loop3A_816 = arith.constant 31 : i32
        %parallel_loop3A_817 = arith.index_cast %parallel_loop3A_816 : i32 to index
        %parallel_loop3A_818 = arith.constant 0 : index
        %parallel_loop3A_819 = tpu.vector_load %arg7[%parallel_loop3A_817, %parallel_loop3A_818] {strides = array<i32>} : memref<32x16xf32, #tpu.memory_space<vmem>>, vector<16xf32>,
        tpu.vector_store %arg7[%parallel_loop3A_817, %parallel_loop3A_818], %parallel_loop3A_815 {add = true, strides = array<i32>} : memref<32x16xf32, #tpu.memory_space<vmem>>, vector<16xf32>,
      } {sc.loop_unroll_factor = 4 : i64, sc.parallel_access}
    }
    "tpu.region"() ({
      %run_scoped3A = tpu.sem_alloc : memref<!tpu.dma_semaphore, #tpu.memory_space<semaphore_mem>>
      %dma_start3A_482 = arith.constant 0 : i32
      %dma_start3A_483 = arith.constant 0 : i32
      %dma_start3A_484 = tpu.memref_slice %arg4[%add3A, %dma_start3A_482, %dma_start3A_483] : memref<32x32x16xf32, #tpu.memory_space<hbm>> -> memref<1x32x16xf32, #tpu.memory_space<hbm>>
      %dma_start3A_485 = tpu.memref_squeeze %dma_start3A_484 : memref<1x32x16xf32, #tpu.memory_space<hbm>> -> memref<32x16xf32, #tpu.memory_space<hbm>>
      %dma_start3A_486 = arith.constant 0 : i32
      %dma_start3A_487 = arith.constant 0 : i32
      %dma_start3A_488 = tpu.memref_slice %arg4[%add3A, %dma_start3A_486, %dma_start3A_487] : memref<32x32x16xf32, #tpu.memory_space<hbm>> -> memref<1x32x16xf32, #tpu.memory_space<hbm>>
      %dma_start3A_489 = tpu.memref_squeeze %dma_start3A_488 : memref<1x32x16xf32, #tpu.memory_space<hbm>> -> memref<32x16xf32, #tpu.memory_space<hbm>>
      tpu.enqueue_dma source(%arg7 : memref<32x16xf32, #tpu.memory_space<vmem>>) target(%dma_start3A_489 : memref<32x16xf32, #tpu.memory_space<hbm>>) target_semaphore(%run_scoped3A : memref<!tpu.dma_semaphore, #tpu.memory_space<semaphore_mem>>)
      %dma_wait3A = arith.constant 0 : i32
      %dma_wait3A_490 = arith.constant 0 : i32
      %dma_wait3A_491 = tpu.memref_slice %arg4[%add3A, %dma_wait3A, %dma_wait3A_490] : memref<32x32x16xf32, #tpu.memory_space<hbm>> -> memref<1x32x16xf32, #tpu.memory_space<hbm>>
      %dma_wait3A_492 = tpu.memref_squeeze %dma_wait3A_491 : memref<1x32x16xf32, #tpu.memory_space<hbm>> -> memref<32x16xf32, #tpu.memory_space<hbm>>
      %dma_wait3A_493 = arith.constant 0 : i32
      %dma_wait3A_494 = arith.constant 0 : i32
      %dma_wait3A_495 = tpu.memref_slice %arg4[%add3A, %dma_wait3A_493, %dma_wait3A_494] : memref<32x32x16xf32, #tpu.memory_space<hbm>> -> memref<1x32x16xf32, #tpu.memory_space<hbm>>
      %dma_wait3A_496 = tpu.memref_squeeze %dma_wait3A_495 : memref<1x32x16xf32, #tpu.memory_space<hbm>> -> memref<32x16xf32, #tpu.memory_space<hbm>>
      tpu.wait_dma2 semaphore(%run_scoped3A : memref<!tpu.dma_semaphore, #tpu.memory_space<semaphore_mem>>) src(%arg7 : memref<32x16xf32, #tpu.memory_space<vmem>>) dst(%dma_wait3A_496 : memref<32x16xf32, #tpu.memory_space<hbm>>)
      tpu.yield
    }) : () -> ()
    return
  }
}

</mosaic_0001>

<sc_bundles>
// kernel: body.6.cloned.1.call-start
scs
__scs_entry_jumppad:
0x0: {  	(pc) =	sbr.rel $0x88, $3  }
0x1: {  	(tag) =	ssettag $0x0;
	lr =	simm.s32 $0x1  }
0x2: {  	[smem:$0x3F9F] =	sst lr;
	_ =	strace $0xD0000000  }
0x3: {  	_ = 	snop  }
0x4: {  	_ = 	snop  }
0x5: {  	_ = 	snop  }
0x6: {  	_ = 	snop  }
0x7: {  	_ = 	snop  }
__scs_overlays_trampoline_lowered:
0x8: {  	[smem:$0x3FAE] =	sst s0  }
0x9: {  	[smem:$0x3FAF] =	sst s1  }
0xa: {  	[smem:$0x3FB0] =	sst s2  }
0xb: {  	[smem:$0x3FB1] =	sst s3  }
0xc: {  	[smem:$0x3FB2] =	sst s4  }
0xd: {  	[smem:$0x3FB3] =	sst s5  }
0xe: {  	[smem:$0x3FB4] =	sst s6  }
0xf: {  	[smem:$0x3FB5] =	sst s7  }
0x10: {  	[smem:$0x3FB6] =	sst s8  }
0x11: {  	[smem:$0x3FB7] =	sst s9;
	s0 =	simm.s32 @!p0 $0x0  }
0x12: {  	s1 =	sld [smem:$0x3F9D];
	s0 =	simm.s32 @p0 $0x1  }
0x13: {  	[smem:$0x3FB8] =	sst s0;
	s0 =	simm.s32 @!p1 $0x0  }
0x14: {  	s2 =	sld [smem:$0x3F9C];
	s0 =	simm.s32 @p1 $0x1  }
0x15: {  	[smem:$0x3FB9] =	sst s0;
	s0 =	simm.s32 @!p2 $0x0  }
0x16: {  	s3 =	sld [smem:$0x3FDB];
	s0 =	simm.s32 @p2 $0x1  }
0x17: {  	s4 =	simm.s32 $0x1BF5;
	[smem:$0x3FBB] =	sst s0  }
0x18: {  	s0 =	sld [smem:$0x3F9E];
	_ =	swait.ge [sflag:s4], $0x0  }
0x19: {  	s7 =	sld [smem:$0x3F9F]  }
0x1a: {  	s8 =	sadd.s32 $0xFFFFE003, lr  }
0x1b: {  	s9 =	sadd.s32 $0xFFFFFEF7, lr;
	s5 =	simm.s32 $0xFFFFFFFF;
	p2 =	slt.u32 s8, $0xFFFFF086  }
0x1c: {  	p1 =	slt.u32 s9, $0xF7A;
	s5 =	simm.s32 @!p2 $0x0  }
0x1d: {  	s5 =	simm.s32 @p1 $0x1;
	p0 =	seq.s32 s7, s2  }
0x1e: {  	s7 =	smul.u32 @!p0 $0xF7A, s2;
	p2 =	seq.s32 @!p0 s5, $0x0  }
0x1f: {  	s9 =	smul.u32 $0xF7A, s1;
	s8 =	simm.s32 @!p0 $0x1BF5;
	p2 =	por !p2, p0  }
0x20: {  	[sflag:s8] =	ssyncset.s32 @!p0 $0xFFFFF086;
	s6 =	sadd.s32 @!p0 s3, s7;
	s7 =	simm.s32 @!p0 $0x108  }
0x21: {  	s3 =	sadd.s32 s3, s9;
	s6 =	sadd.s32 @!p0 $0x88, s6;
	s7 =	simm.s32 @p2 $0x1082  }
0x22: {  	[simem:s7], [sflag:s8] =	dma.local @!p0 [hbm:s6], $0xF7A  }
0x23: {  	s9 =	sor.u32 $0xD0000000, s2;
	s6 =	simm.s32 $0x108;
	_ =	swait.ge @!p0 [sflag:s8], $0x0  }
0x24: {  	s3 =	sadd.s32 $0x88, s3;
	s6 =	simm.s32 @!p1 $0x1082;
	[sflag:s4] =	ssyncset.s32 $0xFFFFF086  }
0x25: {  	[simem:s6], [sflag:s4] =	dma.local [hbm:s3], $0xF7A  }
0x26: {  	[smem:$0x3F9F] =	sst s1;
	(tag) =	ssettag s2;
	_ =	strace s9  }
0x27: {  	s1 =	sld [smem:$0x3FAF]  }
0x28: {  	s2 =	sld [smem:$0x3FB0]  }
0x29: {  	s4 =	sld [smem:$0x3FB2]  }
0x2a: {  	p0 =	seq.s32 s5, $0x0;
	s5 =	sld [smem:$0x3FB3]  }
0x2b: {  	s6 =	sld [smem:$0x3FB4]  }
0x2c: {  	s7 =	sld [smem:$0x3FB5]  }
0x2d: {  	s3 =	simm.s32 $0x108;
	s8 =	sld [smem:$0x3FB6]  }
0x2e: {  	s3 =	simm.s32 @!p0 $0x1082;
	s9 =	sld [smem:$0x3FB7]  }
0x2f: {  	lr =	sadd.s32 s0, s3;
	s0 =	sld [smem:$0x3FAE]  }
0x30: {  	s3 =	sld [smem:$0x3FB1]  }
0x31: {  	[smem:$0x3FBA] =	sst s10  }
0x32: {  	s10 =	sld [smem:$0x3FB8];
	_ =	sdelay $0x3  }
0x33: {  	p0 =	seq.s32 s10, $0x1;
	s10 =	sld [smem:$0x3FBA];
	_ =	sdelay $0x3  }
0x34: {  	[smem:$0x3FBA] =	sst s10  }
0x35: {  	s10 =	sld [smem:$0x3FB9];
	_ =	sdelay $0x3  }
0x36: {  	p1 =	seq.s32 s10, $0x1;
	s10 =	sld [smem:$0x3FBA];
	_ =	sdelay $0x3  }
0x37: {  	[smem:$0x3FBA] =	sst s10  }
0x38: {  	s10 =	sld [smem:$0x3FBB]  }
0x39: {  	_ = 	snop;
	(pc) =	sbr.ind lr, $3  }
0x3a: {  	_ = 	snop  }
0x3b: {  	_ = 	snop  }
0x3c: {  	p2 =	seq.s32 s10, $0x1;
	s10 =	sld [smem:$0x3FBA]  }
0x3d: {  	_ =	shalt  }
0x3e: {  	_ =	shalt  }
0x3f: {  	_ =	shalt  }
0x40: {  	_ =	shalt  }
0x41: {  	_ =	shalt  }
0x42: {  	_ =	shalt  }
0x43: {  	_ =	shalt  }
0x44: {  	_ =	shalt  }
0x45: {  	_ =	shalt  }
0x46: {  	_ =	shalt  }
0x47: {  	_ =	shalt  }
0x48: {  	_ =	shalt  }
0x49: {  	_ =	shalt  }
0x4a: {  	_ =	shalt  }
0x4b: {  	_ =	shalt  }
0x4c: {  	_ =	shalt  }
0x4d: {  	_ =	shalt  }
0x4e: {  	_ =	shalt  }
0x4f: {  	_ =	shalt  }
0x50: {  	_ =	shalt  }
0x51: {  	_ =	shalt  }
0x52: {  	_ =	shalt  }
0x53: {  	_ =	shalt  }
0x54: {  	_ =	shalt  }
0x55: {  	_ =	shalt  }
0x56: {  	_ =	shalt  }
0x57: {  	_ =	shalt  }
0x58: {  	_ =	shalt  }
0x59: {  	_ =	shalt  }
0x5a: {  	_ =	shalt  }
0x5b: {  	_ =	shalt  }
0x5c: {  	_ =	shalt  }
0x5d: {  	_ =	shalt  }
0x5e: {  	_ =	shalt  }
0x5f: {  	_ =	shalt  }
0x60: {  	_ =	shalt  }
0x61: {  	_ =	shalt  }
0x62: {  	_ =	shalt  }
0x63: {  	_ =	shalt  }
0x64: {  	_ =	shalt  }
0x65: {  	_ =	shalt  }
0x66: {  	_ =	shalt  }
0x67: {  	_ =	shalt  }
0x68: {  	_ =	shalt  }
0x69: {  	_ =	shalt  }
0x6a: {  	_ =	shalt  }
0x6b: {  	_ =	shalt  }
0x6c: {  	_ =	shalt  }
0x6d: {  	_ =	shalt  }
0x6e: {  	_ =	shalt  }
0x6f: {  	_ =	shalt  }
0x70: {  	_ =	shalt  }
0x71: {  	_ =	shalt  }
0x72: {  	_ =	shalt  }
0x73: {  	_ =	shalt  }
0x74: {  	_ =	shalt  }
0x75: {  	_ =	shalt  }
0x76: {  	_ =	shalt  }
0x77: {  	_ =	shalt  }
0x78: {  	_ =	shalt  }
0x79: {  	_ =	shalt  }
0x7a: {  	_ =	shalt  }
0x7b: {  	_ =	shalt  }
0x7c: {  	_ =	shalt  }
0x7d: {  	_ =	shalt  }
0x7e: {  	_ =	shalt  }
0x7f: {  	_ =	shalt  }
0x80: {  	_ =	shalt  }
0x81: {  	_ =	shalt  }
0x82: {  	_ =	shalt  }
0x83: {  	_ =	shalt  }
0x84: {  	_ =	shalt  }
0x85: {  	_ =	shalt  }
0x86: {  	_ =	shalt  }
0x87: {  	_ =	shalt  }
.Lfunc_end0:
.L_simem_size_0:
called_computation.1_lowered:
.L_overlay_start_0:
0x88: {  	s2 =	sld [smem:$0x3FD9]  }
0x89: {  	s3 =	sld [smem:$0x3FFE];
	_ =	sdelay $0x1  }
0x8a: {  	s1 =	srdreg.scid  }
0x8b: {  	s0 =	sand.u32 $0x1, s1  }
0x8c: {  	s17 =	sshll.u32 s0, $0xA;
	s2 =	sadd.s32 s3, s2  }
0x8d: {  	s2 =	sadd.s32 s2, s17  }
0x8e: {  	[smem:$0x3FC6] =	sst s2  }
0x8f: {  	_ = 	snop  }
0x90: {  	s2 =	sld [smem:$0x3FD0];
	(tm) =	ssettm $0x1  }
0x91: {  	s18 =	sld [smem:$0x3FFB];
	_ =	sdelay $0x3  }
0x92: {  	_ =	strace s18  }
0x93: {  	s3 =	sld [smem:$0x3FFC];
	_ =	sdelay $0x3  }
0x94: {  	_ =	strace s3  }
0x95: {  	s3 =	sld [smem:$0x3FFD];
	_ =	sdelay $0x3  }
0x96: {  	_ =	strace s3  }
0x97: {  	_ =	strace $0x8FFFFFFF  }
0x98: {  	s19 =	sld [smem:$0x3FDB];
	_ =	sdelay $0x1  }
0x99: {  	s4 =	simm.s32 $_scs_section_size  }
0x9a: {  	s5 =	simm.s32 $_size__tile_overlayer_lowered;
	s6 =	simm.s32 $_tile_overlayer_lowered  }
0x9b: {  	s22 =	simm.s32 $0x1BFF;
	s21 =	sshll.u32 s6, $0x1;
	s3 =	sadd.s32 s4, s19  }
0x9c: {  	s7 =	simm.s32 $0x0;
	s20 =	sshll.u32 s5, $0x1;
	s5 =	sadd.s32 s21, s3  }
0x9d: {  	[timem:s7], [sflag:s22] =	dma.local [hbm:s5], s20  }
0x9e: {  	_ =	swait.ge [sflag:s22], s20  }
0x9f: {  	s4 =	ssub.s32 $0x0, s20;
	[sflag:s22] =	ssyncset.done $0x0  }
0xa0: {  	[sflag:s22] =	ssyncadd.s32 s4;
	_ =	sdelay $0x1  }
0xa1: {  	s23 =	simm.s32 $0x1B8B  }
0xa2: {  	_ =	swait.ge [sflag:s23], $0x1  }
0xa3: {  	[sflag:s23] =	ssyncset.done $0x0  }
0xa4: {  	s25 =	simm.s32 $0x1B8E;
	s24 =	sld [smem:$0x3FFE];
	[sflag:s23] =	ssyncadd.s32 $0xFFFFFFFF  }
0xa5: {  	s26 =	simm.s32 $execute0_lowered;
	[smem:$0x3FD2] =	sst s25  }
0xa6: {  	s5 =	sshll.u32 s26, $0x1;
	_ =	strace $0x80000049;
	[dreg:$0x1] =	wrdreg $0xFFFFFFFF  }
0xa7: {  	s28 =	simm.s32 $_size_execute0_lowered;
	s3 =	sadd.s32 s3, s5;
	[dreg:$0x0] =	wrdreg $0x0  }
0xa8: {  	s5 =	sshll.u32 s28, $0x1;
	[dreg:$0x2] =	wrdreg s3  }
0xa9: {  	[dreg:$0x3] =	wrdreg s5  }
0xaa: {  	[dreg:$0x4] =	wrdreg $0xC0  }
0xab: {  	_ =	task [dreg:s7], $0x5FFFF  }
0xac: {  	[dreg:$0x1] =	wrdreg $0xFFFFFFFF  }
0xad: {  	[dreg:$0x0] =	wrdreg $0x60  }
0xae: {  	[dreg:$0x2] =	wrdreg s24  }
0xaf: {  	[dreg:$0x3] =	wrdreg s2  }
0xb0: {  	[dreg:$0x4] =	wrdreg $0x9  }
0xb1: {  	_ =	task.clear_ibuf [dreg:s7], $0x5FFFF;
	_ =	strace $0x90000049  }
0xb2: {  	s29 =	simm.s32 $0x9;
	_ =	strace $0x8000004B  }
0xb3: {  	_ =	swait.ge [sflag:s29], $0x1  }
0xb4: {  	[sflag:s29] =	ssyncadd.s32 $0xFFFFFFFF  }
0xb5: {  	_ =	strace $0x9000004B  }
0xb6: {  	_ =	sfence  }
0xb7: {  	s30 =	sld [smem:$0x0];
	_ =	sdelay $0x2  }
0xb8: {  	s31 =	sshll.u32 s1, $0xD;
	s1 =	sshrl.u32 s1, $0x2  }
0xb9: {  	s3 =	sand.u32 $0x4000, s31;
	s1 =	sadd.s32 s1, s30  }
0xba: {  	s0 =	sor.u32 s3, s0;
	s1 =	sshll.u32 s1, $0x11  }
0xbb: {  	s0 =	sor.u32 s1, s0  }
0xbc: {  	s0 =	sadd.s32 $0x8F2B, s0  }
0xbd: {  	[sflag:s0] =	ssyncadd.remote.s32 $0x1  }
0xbe: {  	_ =	sfence.sel $0xFFFF  }
0xbf: {  	[dreg:$0x0] =	wrdreg $0xFFFFFFFF;
	(pc) =	sbr.abs _section_cstart, $3  }
0xc0: {  	[dreg:$0x1] =	wrdreg $0xFFFFFFFF  }
0xc1: {  	_ =	task.clear_ibuf [dreg:s7], $0x2FFFF;
	_ =	strace $0x9FFFFFFF  }
0xc2: {  	(tm) =	ssettm $0x7FFFFFFF  }
0xc3: {  	_ =	shalt  }
tec
execute0_lowered:
.L_overlay_start_1:
0x0: {  	(tag) =	ssettag $0x1  }
0x1: {  	s0 =	srdreg.scid  }
0x2: {  	s10 =	stileid.u32;
	s2 =	rddreg [dreg:$0x0];
	s3 =	simm.s32 $0x0;
	v0 =	vimm.s32 $0xFEDCBA9;
	v33 =	vimm.s32 $0x87654321  }
0x3: {  	v2 =	vimm.s32 $0x10FEDCBA;
	s28 =	simm.s32 $0x18320;
	s30 =	simm.s32 $0x18330;
	s31 =	simm.s32 $0x18340  }
0x4: {  	v3 =	vimm.s32 $0x98765432;
	v4 =	vimm.s32 $0x210FEDCB;
	s0 =	sand.u32 $0x1, s0;
	s1 =	sshll.u32 s10, $0x1;
	[smem:$0x7FF] =	sst s3  }
0x5: {  	v5 =	vimm.s32 $0xA9876543;
	s11 =	sadd.s32 $0x186AA00, s2;
	s13 =	smul.u32 $0x186A0, s10;
	s1 =	sor.u32 s0, s1  }
0x6: {  	v6 =	vimm.s32 $0x3210FEDC;
	_ =	strace $0x8000004A;
	s26 =	ssub.s32 $0x2, s0;
	s0 =	smul.u32 $0xC350, s0  }
0x7: {  	v7 =	vimm.s32 $0xBA987654;
	v11 =	vimm.s32 $0x43210FED;
	s4 =	smul.u32 $0xC350, s1;
	s1 =	sshll.u32 s1, $0x6;
	s8 =	sshrl.u32 s26, $0x1  }
0x8: {  	v12 =	vimm.s32 $0xCBA98765;
	v47 =	vimm.s32 $0x543210FE;
	v48 =	vimm.s32 $0xDCBA9876;
	[dreg:$0x4] =	wrdreg s11;
	s1 =	sadd.s32 s1, s2;
	s2 =	ssub.s32 s26, s8  }
0x9: {  	v13 =	vimm.s32 $0x6543210F;
	v14 =	vimm.s32 $0xEDCBA987;
	s0 =	sadd.s32 s0, s13;
	s13 =	simm.s32 $0x18210;
	s8 =	simm.s32 $0x182F0  }
0xa: {  	v1 =	vlaneseq.u32;
	v15 =	vimm.s32 $0xFEDCBA98;
	s5 =	sadd.s32 $0xC350, s4;
	s23 =	sshrl.u32 s4, $0x5;
	s1 =	sadd.s32 $0x1B77E00, s1  }
0xb: {  	v16 =	vimm.s32 $0x76543210;
	v0 =	vunpack.c.l.s4.s8 v0;
	v1 =	vmul.u32 $0x10, v1;
	s15 =	smax.u32 s2, $0x1;
	s16 =	sadd.s32 $0xC350, s0;
	[dreg:$0x9] =	wrdreg s1  }
0xc: {  	v2 =	vunpack.c.l.s4.s8 v2;
	v3 =	vunpack.c.l.s4.s8 v3;
	v4 =	vunpack.c.l.s4.s8 v4;
	s17 =	sshrl.u32 s0, $0x5;
	s18 =	sand.u32 $0x3FFFE0, s0;
	[dreg:$0xa] =	wrdreg s15  }
0xd: {  	v5 =	vunpack.c.l.s4.s8 v5;
	v6 =	vunpack.c.l.s4.s8 v6;
	v7 =	vunpack.c.l.s4.s8 v7;
	s2 =	simm.s32 $0x2;
	s25 =	sshrl.u32 s5, $0x5;
	[dreg:$0xb] =	wrdreg s17  }
0xe: {  	v11 =	vunpack.c.l.s4.s8 v11;
	v13 =	vunpack.c.l.s4.s8 v13;
	v14 =	vunpack.c.l.s4.s8 v14;
	s19 =	sshrl.u32 s16, $0x5;
	s20 =	sadd.s32 $0x70, s18;
	[dreg:$0xc] =	wrdreg s18  }
0xf: {  	v34 =	vunpack.c.l.s4.s8 v12;
	v12 =	vunpack.c.l.s4.s8 v48;
	v15 =	vunpack.c.l.s4.s8 v15;
	s21 =	sadd.s32 $0x60, s18;
	s22 =	sadd.s32 $0x50, s18;
	[dreg:$0x3] =	wrdreg s23  }
0x10: {  	v16 =	vunpack.c.l.s4.s8 v16;
	v13 =	vunpack.c.0.s8.s32 v13;
	v14 =	vunpack.c.0.s8.s32 v14;
	s24 =	sadd.s32 $0x40, s18;
	s26 =	sadd.s32 $0x20, s18;
	[dreg:$0xd] =	wrdreg s20  }
0x11: {  	v0 =	vunpack.c.0.s8.s32 v0;
	v6 =	vunpack.c.0.s8.s32 v6;
	v7 =	vunpack.c.0.s8.s32 v7;
	s15 =	simm.s32 $0x18220;
	s17 =	simm.s32 $0x18230;
	[dreg:$0xf] =	wrdreg s21  }
0x12: {  	[tilespmem:$0x1FF00] =	vst v1;
	v1 =	vunpack.c.l.s4.s8 v33;
	v15 =	vunpack.c.0.s8.s32 v15;
	v58 =	vcombine.low v13, v14;
	s16 =	simm.s32 $0x182C0;
	s1 =	simm.s32 $0x0;
	[dreg:$0x10] =	wrdreg s22  }
0x13: {  	v4 =	vunpack.c.0.s8.s32 v4;
	v16 =	vunpack.c.0.s8.s32 v16;
	v54 =	vcombine.low v6, v7;
	s5 =	ssub.s32 s25, s23;
	s0 =	sadd.s32 $0xFFFFFFC0, s19;
	[dreg:$0x11] =	wrdreg s24  }
0x14: {  	v5 =	vunpack.c.0.s8.s32 v5;
	v15 =	vand.u32 $0xF, v15;
	[dreg:$0x13] =	wrdreg s26;
	s19 =	simm.s32 $0x18250;
	s20 =	simm.s32 $0x18260;
	v63 =	vand.u32 $0xF, v58  }
0x15: {  	v38 =	vcombine.low v7, v6;
	v45 =	vcombine.low v15, v16;
	s21 =	simm.s32 $0x18270;
	s22 =	simm.s32 $0x18280;
	s24 =	simm.s32 $0x182A0;
	v59 =	vand.u32 $0xF, v54;
	[tilespmem:$0x1FF40] =	vst v63  }
0x16: {  	v2 =	vunpack.c.0.s8.s32 v2;
	v3 =	vunpack.c.0.s8.s32 v3;
	v10 =	vcombine.low v5, v4;
	s26 =	simm.s32 $0x18310;
	s6 =	sadd.s32 $0x3F, s5;
	p0 =	slt.s32 s5, $0xFFFFFFC2;
	[tilespmem:$0x1FF50] =	vst v59  }
0x17: {  	v39 =	vunpack.c.0.s8.s32 v11;
	v51 =	vcombine.low v4, v5;
	v42 =	vand.u32 $0xF, v38;
	[dreg:$0xe] =	wrdreg s0;
	[tilespmem:$0x1FF80] =	vst v45;
	s7 =	sshra.s32 s6, $0x1F;
	s9 =	sand.u32 $0x3F, s6  }
0x18: {  	v1 =	vunpack.c.0.s8.s32 v1;
	v50 =	vcombine.low v2, v3;
	v36 =	vand.u32 $0xF, v10;
	[tilespmem:$0x1FF90] =	vst v42;
	s7 =	sshrl.u32 s7, $0x1A;
	p1 =	sne.s32 s9, $0x0;
	s9 =	sadd.s32 $0x40, s23  }
0x19: {  	v11 =	vunpack.c.l.s4.s8 v47;
	v18 =	vcombine.low v14, v13;
	v48 =	vand.u32 $0xF, v51;
	[tilespmem:$0x1FFA0] =	vst v36;
	s6 =	sadd.s32 s7, s6;
	p0 =	por !p0, !p1;
	s7 =	sadd.s32 $0xFFFFFFC0, s25  }
0x1a: {  	v12 =	vunpack.c.0.s8.s32 v12;
	v8 =	vcombine.low v1, v0;
	v41 =	vand.u32 $0xF, v50;
	[tilespmem:$0x1FFC0] =	vst v48;
	s25 =	sadd.s32 $0x30, s18;
	s29 =	sshra.s32 s6, $0x6;
	p0 =	por !p0, !p0  }
0x1b: {  	v9 =	vcombine.low v3, v2;
	v11 =	vunpack.c.0.s8.s32 v11;
	v55 =	vand.u32 $0xF, v18;
	[tilespmem:$0x1FFD0] =	vst v41;
	s6 =	simm.s32 $0x1;
	s12 =	smin.u32 s23, s7;
	[dreg:$0x5] =	wrdreg s7  }
0x1c: {  	v0 =	vcombine.low v0, v1;
	[tilespmem:$0x1FFE0] =	vst v55;
	v8 =	vand.u32 $0xF, v8;
	s4 =	smin.u32 s9, s7;
	[dreg:$0x12] =	wrdreg s25;
	s6 =	simm.s32 @!p0 $0x0  }
0x1d: {  	v35 =	vand.u32 $0xF, v9;
	v17 =	vcombine.low v12, v11;
	[tilespmem:$0x1FF10] =	vst v8;
	v8 =	vunpack.c.0.s8.s32 v34;
	s7 =	sshll.u32 s12, $0x6;
	s4 =	sshll.u32 s4, $0x6;
	s12 =	simm.s32 $0x18200  }
0x1e: {  	v57 =	vcombine.low v11, v12;
	[tilespmem:$0x1FFF0] =	vst v35;
	v0 =	vand.u32 $0xF, v0;
	s9 =	ssub.s32 s29, s6;
	s14 =	sand.u32 $0x1FFFFFC0, s7;
	s4 =	sand.u32 $0x1FFFFFC0, s4  }
.Ltmp0:
0x1f: {  	v44 =	vand.u32 $0xF, v17;
	[tilespmem:$0x1FF20] =	vst v0;
	v56 =	vcombine.low v39, v8;
	s29 =	sor.u32 $0x10, s18;
	s18 =	simm.s32 $0x18240;
	(pc) =	sbr.rel .LBB2_1-.Ltmp0, $4  }
0x20: {  	v0 =	vand.u32 $0xF, v57;
	[tilespmem:$0x1FF70] =	vst v44;
	v49 =	vcombine.low v8, v39;
	s6 =	simm.s32 $0x182D0;
	s7 =	simm.s32 $0x18300;
	[dreg:$0x14] =	wrdreg s29  }
0x21: {  	[tilespmem:$0x1FF30] =	vst v0;
	v52 =	vand.u32 $0xF, v56;
	s5 =	sadd.s32 s11, s14;
	s4 =	sadd.s32 s11, s4;
	[dreg:$0x6] =	wrdreg s9  }
0x22: {  	v61 =	vand.u32 $0xF, v49;
	p0 =	slt.s32 s9, $0x1;
	s14 =	simm.s32 $0x18290;
	[tilespmem:$0x1FF60] =	vst v52;
	[dreg:$0x7] =	wrdreg s5  }
0x23: {  	v63 =	vmov v59;
	[tilespmem:$0x1FFB0] =	vst v61;
	[dreg:$0x8] =	wrdreg s4;
	s5 =	simm.s32 $0x182B0;
	s4 =	simm.s32 $0x182E0  }
.LBB2_10:
0x24: {  	s0 =	rddreg [dreg:$0x9];
	s2 =	simm.s32 $0x2  }
0x25: {  	[hbm4b:s0+s3] =	stream.linear.scatter [tilespmem:s12], [sflag:$0x2], $0x200, $0x38;
	[tilespmem:$0x18400] =	vst v63  }
0x26: {  	_ =	swait.ge [sflag:s2], $0x200  }
0x27: {  	s1 =	rddreg [dreg:$0x15]  }
0x28: {  	s29 =	rddreg [dreg:$0xa];
	s1 =	sadd.s32 $0x1, s1  }
0x29: {  	p1 =	sne.s32 s1, s29  }
.Ltmp1:
0x2a: {  	_ = 	snop;
	(pc) =	sbr.rel @!p1 .LBB2_11-.Ltmp1, $3  }
0x2b: {  	_ =	sdelay $0x1  }
0x2c: {  	[sflag:s2] =	ssyncset.done $0x0  }
0x2d: {  	[sflag:s2] =	ssyncadd.s32 $0xFFFFFE00  }
.LBB2_1:
0x2e: {  	[dreg:$0x15] =	wrdreg s1  }
0x2f: {  	s0 =	rddreg [dreg:$0x1];
	s25 =	simm.s32 $0x18000  }
0x30: {  	[tilespmem:s25], [sflag:$0x2] =	stream.linear.gather [hbm4b:s0+s3], $0x200, $0x38;
	[tilespmem:$0x18400] =	vst v63  }
0x31: {  	_ =	swait.ge [sflag:s2], $0x200  }
0x32: {  	[sflag:s2] =	ssyncset.done $0x0  }
0x33: {  	v0 =	vimm.f32 $0.0e+00;
	[sflag:s2] =	ssyncadd.s32 $0xFFFFFE00  }
0x34: {  	[tilespmem:$0x18200] =	vst v0  }
0x35: {  	v37 =	vld [tilespmem:$0x18000];
	[tilespmem:$0x18210] =	vst v0  }
0x36: {  	v38 =	vld [tilespmem:$0x18010];
	[tilespmem:$0x18220] =	vst v0  }
0x37: {  	v1 =	vld [tilespmem:$0x18020];
	[tilespmem:$0x18230] =	vst v0  }
0x38: {  	v22 =	vld [tilespmem:$0x18030];
	[tilespmem:$0x18240] =	vst v0  }
0x39: {  	v53 =	vld [tilespmem:$0x18040];
	[tilespmem:$0x18250] =	vst v0  }
0x3a: {  	v23 =	vld [tilespmem:$0x18050];
	[tilespmem:$0x18260] =	vst v0  }
0x3b: {  	v24 =	vld [tilespmem:$0x18060];
	[tilespmem:$0x18270] =	vst v0  }
0x3c: {  	v59 =	vld [tilespmem:$0x18070];
	[tilespmem:$0x18280] =	vst v0  }
0x3d: {  	v51 =	vld [tilespmem:$0x18080];
	[tilespmem:$0x18290] =	vst v0  }
0x3e: {  	v56 =	vld [tilespmem:$0x18090];
	[tilespmem:$0x182A0] =	vst v0  }
0x3f: {  	v50 =	vld [tilespmem:$0x180A0];
	[tilespmem:$0x182B0] =	vst v0  }
0x40: {  	v54 =	vld [tilespmem:$0x180B0];
	[tilespmem:$0x182C0] =	vst v0  }
0x41: {  	v57 =	vld [tilespmem:$0x180C0];
	[tilespmem:$0x182D0] =	vst v0  }
0x42: {  	v25 =	vld [tilespmem:$0x180D0];
	[tilespmem:$0x182E0] =	vst v0  }
0x43: {  	v26 =	vld [tilespmem:$0x180E0];
	[tilespmem:$0x182F0] =	vst v0  }
0x44: {  	v27 =	vld [tilespmem:$0x180F0];
	[tilespmem:$0x18300] =	vst v0  }
0x45: {  	v28 =	vld [tilespmem:$0x18100];
	[tilespmem:$0x18310] =	vst v0  }
0x46: {  	v29 =	vld [tilespmem:$0x18110];
	[tilespmem:$0x18320] =	vst v0  }
0x47: {  	v30 =	vld [tilespmem:$0x18120];
	[tilespmem:$0x18330] =	vst v0  }
0x48: {  	v31 =	vld [tilespmem:$0x18130];
	[tilespmem:$0x18340] =	vst v0  }
0x49: {  	v32 =	vld [tilespmem:$0x18140];
	[tilespmem:$0x18350] =	vst v0  }
0x4a: {  	v33 =	vld [tilespmem:$0x18150];
	[tilespmem:$0x18360] =	vst v0  }
0x4b: {  	v34 =	vld [tilespmem:$0x18160];
	[tilespmem:$0x18370] =	vst v0  }
0x4c: {  	v39 =	vld [tilespmem:$0x18170];
	[tilespmem:$0x18380] =	vst v0  }
0x4d: {  	v40 =	vld [tilespmem:$0x18180];
	[tilespmem:$0x18390] =	vst v0  }
0x4e: {  	v43 =	vld [tilespmem:$0x18190];
	[tilespmem:$0x183A0] =	vst v0  }
0x4f: {  	v46 =	vld [tilespmem:$0x181A0];
	[tilespmem:$0x183B0] =	vst v0  }
0x50: {  	v49 =	vld [tilespmem:$0x181B0];
	[tilespmem:$0x183C0] =	vst v0  }
0x51: {  	v47 =	vld [tilespmem:$0x181C0];
	[tilespmem:$0x183D0] =	vst v0  }
0x52: {  	v58 =	vld [tilespmem:$0x181D0];
	[tilespmem:$0x183E0] =	vst v0  }
0x53: {  	s10 =	rddreg [dreg:$0x7];
	v60 =	vld [tilespmem:$0x181E0];
	[tilespmem:$0x183F0] =	vst v0  }
0x54: {  	v62 =	vld [tilespmem:$0x181F0];
	[tilespmem:s3], [sflag:$0x1] =	stream.linear.gather [hbm4b:s10+s3], $0x8000, $0x38  }
0x55: {  	s25 =	simm.s32 $0x8000;
	s11 =	rddreg [dreg:$0x8]  }
0x56: {  	[tilespmem:s25], [sflag:$0x1] =	stream.linear.gather [hbm4b:s11+s3], $0x8000, $0x38;
	[tilespmem:$0x18400] =	vst v63  }
0x57: {  	[tilespmem:$0x1FD00] =	vst v1  }
0x58: {  	[tilespmem:$0x1FD10] =	vst v22  }
0x59: {  	[tilespmem:$0x1FD20] =	vst v23  }
0x5a: {  	[tilespmem:$0x1FD30] =	vst v24  }
0x5b: {  	[tilespmem:$0x1FD40] =	vst v25  }
0x5c: {  	[tilespmem:$0x1FD50] =	vst v26  }
0x5d: {  	[tilespmem:$0x1FD60] =	vst v27  }
0x5e: {  	[tilespmem:$0x1FD70] =	vst v28  }
0x5f: {  	[tilespmem:$0x1FD80] =	vst v29  }
0x60: {  	[tilespmem:$0x1FD90] =	vst v30  }
0x61: {  	[tilespmem:$0x1FDA0] =	vst v31  }
0x62: {  	[tilespmem:$0x1FDB0] =	vst v32  }
0x63: {  	[tilespmem:$0x1FDC0] =	vst v33  }
0x64: {  	[tilespmem:$0x1FDD0] =	vst v34  }
0x65: {  	s1 =	rddreg [dreg:$0x12];
	[tilespmem:$0x1FDE0] =	vst v39  }
0x66: {  	s29 =	rddreg [dreg:$0xb];
	[tilespmem:$0x1FDF0] =	vst v40  }
0x67: {  	s2 =	simm.s32 $0x0;
	[dreg:$0x1a] =	wrdreg s1;
	[tilespmem:$0x1FE00] =	vst v43  }
0x68: {  	[dreg:$0x16] =	wrdreg s2;
	[tilespmem:$0x1FE10] =	vst v46  }
0x69: {  	s2 =	rddreg [dreg:$0x11];
	[tilespmem:$0x1FE20] =	vst v47  }
0x6a: {  	s10 =	rddreg [dreg:$0xc];
	[tilespmem:$0x1FE30] =	vst v58  }
0x6b: {  	[dreg:$0x1b] =	wrdreg s2;
	[tilespmem:$0x1FE40] =	vst v60  }
0x6c: {  	[dreg:$0x17] =	wrdreg s10;
	[tilespmem:$0x1FE50] =	vst v62  }
0x6d: {  	s10 =	rddreg [dreg:$0x10];
	[tilespmem:$0x1FE60] =	vst v59  }
0x6e: {  	s11 =	rddreg [dreg:$0x14];
	[tilespmem:$0x1FE70] =	vst v50  }
0x6f: {  	s25 =	rddreg [dreg:$0x13];
	[tilespmem:$0x1FE80] =	vst v56  }
0x70: {  	[dreg:$0x1c] =	wrdreg s10;
	[tilespmem:$0x1FE90] =	vst v51  }
0x71: {  	[dreg:$0x18] =	wrdreg s11;
	[tilespmem:$0x1FEA0] =	vst v57  }
.Ltmp2:
0x72: {  	[dreg:$0x19] =	wrdreg s25;
	[tilespmem:$0x1FEB0] =	vst v54;
	(pc) =	sbr.rel @!p0 .LBB2_2-.Ltmp2, $4  }
.Ltmp3:
0x73: {  	s11 =	rddreg [dreg:$0xf];
	[tilespmem:$0x1FEC0] =	vst v49;
	(pc) =	sbr.rel @p0 .LBB2_10-.Ltmp3, $4  }
0x74: {  	s25 =	rddreg [dreg:$0xd];
	[tilespmem:$0x1FED0] =	vst v53  }
0x75: {  	[dreg:$0x1d] =	wrdreg s11;
	[tilespmem:$0x1FEE0] =	vst v37  }
0x76: {  	[dreg:$0x1f] =	wrdreg s25;
	s25 =	simm.s32 $0x0;
	[tilespmem:$0x1FEF0] =	vst v38  }
0x77: {  	_ = 	snop  }
.LBB2_9:
0x78: {  	s0 =	rddreg [dreg:$0x1f]  }
0x79: {  	s11 =	rddreg [dreg:$0x1d]  }
0x7a: {  	s23 =	rddreg [dreg:$0x1c]  }
0x7b: {  	s1 =	rddreg [dreg:$0x1b]  }
0x7c: {  	s2 =	rddreg [dreg:$0x1a]  }
0x7d: {  	s9 =	rddreg [dreg:$0x19]  }
0x7e: {  	s10 =	rddreg [dreg:$0x18];
	s0 =	sadd.s32 $0x1000, s0  }
0x7f: {  	[dreg:$0x1f] =	wrdreg s0  }
0x80: {  	s0 =	sadd.s32 $0x1000, s11;
	s11 =	rddreg [dreg:$0x17]  }
0x81: {  	[dreg:$0x1d] =	wrdreg s0;
	s0 =	sadd.s32 $0x1000, s23  }
0x82: {  	[dreg:$0x1c] =	wrdreg s0;
	s0 =	sadd.s32 $0x1000, s1  }
0x83: {  	[dreg:$0x1b] =	wrdreg s0;
	s0 =	sadd.s32 $0x1000, s2  }
0x84: {  	[dreg:$0x1a] =	wrdreg s0  }
0x85: {  	s25 =	sadd.s32 $0x1, s25;
	s0 =	sadd.s32 $0x1000, s9;
	s9 =	rddreg [dreg:$0x6]  }
0x86: {  	s23 =	rddreg [dreg:$0x16];
	p1 =	sne.s32 s25, s9  }
.Ltmp4:
0x87: {  	[dreg:$0x19] =	wrdreg s0;
	s0 =	sadd.s32 $0x1000, s10;
	(pc) =	sbr.rel @!p1 .LBB2_10-.Ltmp4, $4  }
0x88: {  	[dreg:$0x18] =	wrdreg s0;
	s0 =	sadd.s32 $0x1000, s11  }
0x89: {  	[dreg:$0x17] =	wrdreg s0  }
0x8a: {  	s0 =	sadd.s32 $0x800, s23;
	s23 =	rddreg [dreg:$0x3]  }
0x8b: {  	s29 =	sadd.s32 $0x40, s29;
	[dreg:$0x16] =	wrdreg s0  }
.LBB2_2:
0x8c: {  	s0 =	sadd.s32 $0x2, s25  }
0x8d: {  	p1 =	sge.s32 s0, s9  }
0x8e: {  	s1 =	sshll.u32 @!p1 s0, $0x6  }
0x8f: {  	s9 =	rddreg [dreg:$0x5];
	s2 =	smulhi.u32 @!p1 $0xAAAAAAAB, s0;
	s1 =	sadd.s32 @!p1 s23, s1  }
0x90: {  	p2 =	slt.s32 @!p1 s1, s9  }
0x91: {  	s2 =	sshrl.u32 @!p1 s2, $0x1;
	p2 =	por !p2, p1  }
0x92: {  	s2 =	smul.u32 @!p1 $0x3, s2;
	s1 =	smov.u32 @p2 s9  }
0x93: {  	s10 =	sshll.u32 s25, $0x6;
	s1 =	sshll.u32 @!p1 s1, $0x6  }
0x94: {  	s0 =	ssub.s32 @!p1 s0, s2;
	s2 =	rddreg [dreg:$0x4];
	s1 =	sand.u32 @!p1 $0x1FFFFFC0, s1  }
0x95: {  	s0 =	sshll.u32 @!p1 s0, $0xF;
	s1 =	sadd.s32 @!p1 s2, s1;
	s2 =	simm.s32 @!p1 $0x0  }
0x96: {  	[tilespmem:s0], [sflag:$0x1] =	stream.linear.gather @!p1 [hbm4b:s1+s2], $0x8000, $0x38;
	[tilespmem:$0x18400] =	vst v63  }
0x97: {  	s0 =	sadd.s32 s23, s10  }
0x98: {  	s1 =	smov.u32 s9;
	p1 =	slt.s32 s0, s9  }
0x99: {  	s1 =	smov.u32 @p1 s0  }
0x9a: {  	s9 =	ssub.s32 s0, s1  }
0x9b: {  	s1 =	ssub.s32 $0x40, s9  }
0x9c: {  	s11 =	sshra.s32 s1, $0x1F  }
0x9d: {  	s0 =	sshrl.u32 s11, $0x1E  }
0x9e: {  	s0 =	sadd.s32 s0, s1  }
0x9f: {  	s2 =	sand.u32 $0xFFFFFFFC, s0  }
0xa0: {  	s11 =	sadd.s32 s9, s2  }
0xa1: {  	p1 =	sge.s32 s9, s11  }
.Ltmp5:
0xa2: {  	_ = 	snop;
	(pc) =	sbr.rel @p1 .LBB2_6-.Ltmp5, $4  }
0xa3: {  	s23 =	smulhi.u32 $0xAAAAAAAB, s25;
	s10 =	simm.s32 $0x1  }
0xa4: {  	_ =	swait.ge [sflag:s10], $0x8000  }
0xa5: {  	[sflag:s10] =	ssyncset.done $0x0;
	s0 =	sshrl.u32 s23, $0x1  }
0xa6: {  	[sflag:s10] =	ssyncadd.s32 $0xFFFF8000;
	[smem:$0x7FD] =	sst s0  }
0xa7: {  	s0 =	rddreg [dreg:$0xe]  }
0xa8: {  	s5 =	sld [smem:$0x7FD]  }
0xa9: {  	p1 =	slt.s32 s29, s0  }
0xaa: {  	[dreg:$0x1e] =	wrdreg s29;
	s0 =	smov.u32 @p1 s29  }
0xab: {  	s7 =	rddreg [dreg:$0x1d];
	v46 =	vld [tilespmem:$0x1FF00];
	s28 =	sshll.u32 s0, $0x5;
	s29 =	smul.u32 $0xFFFFE800, s5  }
0xac: {  	s10 =	rddreg [dreg:$0x1b];
	v19 =	vld [tilespmem:$0x1FF30];
	s5 =	ssub.s32 s7, s28  }
0xad: {  	[smem:$0x7FB] =	sst s1;
	v33 =	vld [tilespmem:$0x1FF40];
	s1 =	ssub.s32 s10, s28;
	s10 =	sadd.s32 s5, s29  }
0xae: {  	v34 =	vmov v48;
	v48 =	vmov v35;
	v35 =	vld [tilespmem:$0x1FD00];
	v0 =	vmov s10  }
0xaf: {  	v31 =	vld [tilespmem:$0x1FD10];
	v0 =	vshll.u32 v0, $0x4  }
0xb0: {  	v58 =	vld [tilespmem:$0x1FD20];
	v5 =	vor.u32 v46, v0  }
0xb1: {  	v39 =	vmov v52;
	v3 =	vor.u32 v63, v5;
	v2 =	vor.u32 v52, v5;
	v52 =	vld [tilespmem:$0x1FF20]  }
0xb2: {  	v15 =	vld [tilespmem:$0x1FD30]  }
0xb3: {  	v23 =	vld [tilespmem:$0x1FD40];
	v1 =	vor.u32 v19, v5  }
0xb4: {  	[smem:$0x7FA] =	sst s2;
	v25 =	vld [tilespmem:$0x1FD50];
	v0 =	vor.u32 v33, v5  }
0xb5: {  	[smem:$0x7FC] =	sst s25;
	v24 =	vld [tilespmem:$0x1FF10];
	v4 =	vor.u32 v45, v5;
	[tilespmem:$0x1F540] =	vst v3  }
0xb6: {  	v6 =	vld.idx.msk [tilespmem:v3+s3+$0x0], $0xffff;
	v3 =	vor.u32 v52, v5;
	[tilespmem:$0x1F550] =	vst v2  }
0xb7: {  	v7 =	vld.idx.msk [tilespmem:v2+s3+$0x0], $0xffff;
	[tilespmem:$0x1F560] =	vst v1  }
0xb8: {  	v12 =	vor.u32 v41, v5;
	v8 =	vld.idx.msk [tilespmem:v1+s3+$0x0], $0xffff;
	[tilespmem:$0x1F570] =	vst v0  }
0xb9: {  	v9 =	vld.idx.msk [tilespmem:v0+s3+$0x0], $0xffff;
	[tilespmem:$0x1F580] =	vst v4  }
0xba: {  	v2 =	vor.u32 v34, v5;
	v1 =	vor.u32 v48, v5;
	v10 =	vld.idx.msk [tilespmem:v4+s3+$0x0], $0xffff;
	[tilespmem:$0x1F590] =	vst v3  }
0xbb: {  	v0 =	vlaneseq.u32;
	v11 =	vld.idx.msk [tilespmem:v3+s3+$0x0], $0xffff;
	[tilespmem:$0x1F700] =	vst v1  }
0xbc: {  	s6 =	rddreg [dreg:$0x1f];
	v28 =	vld [tilespmem:$0x1FD60];
	v22 =	vor.u32 v36, v5;
	v0 =	vor.u32 v0, v5;
	[tilespmem:$0x1F5A0] =	vst v12  }
0xbd: {  	s30 =	ssub.s32 s6, s28;
	v12 =	vld.idx.msk [tilespmem:v12+s3+$0x0], $0xffff;
	[tilespmem:$0x1F710] =	vst v22  }
0xbe: {  	v47 =	vld [tilespmem:$0x1FD70];
	s15 =	sadd.s32 s30, s29;
	v4 =	vor.u32 v24, v5;
	[tilespmem:$0x1F5B0] =	vst v2  }
0xbf: {  	v14 =	vmov s15;
	v13 =	vld.idx.msk [tilespmem:v2+s3+$0x0], $0xffff;
	v2 =	vor.u32 v42, v5  }
0xc0: {  	v49 =	vld [tilespmem:$0x1FD80];
	v14 =	vshll.u32 v14, $0x4;
	[tilespmem:$0x1FCA0] =	vst v2  }
0xc1: {  	v62 =	vmov v45;
	v14 =	vor.u32 v46, v14;
	v3 =	vld.idx.msk [tilespmem:v0+s3+$0x0], $0xffff;
	v0 =	vor.u32 v61, v5  }
0xc2: {  	v45 =	vmovc v42;
	v26 =	vor.u32 v36, v14;
	v27 =	vor.u32 v42, v14;
	v42 =	vmov v36;
	v36 =	vld [tilespmem:$0x1FDD0];
	[tilespmem:$0x1FCF0] =	vst v0  }
0xc3: {  	v20 =	vor.u32 v44, v5;
	v16 =	vld.idx.msk [tilespmem:v4+s3+$0x0], $0xffff  }
0xc4: {  	v21 =	vor.u32 v55, v5;
	v17 =	vld.idx.msk [tilespmem:v1+s3+$0x0], $0xffff  }
0xc5: {  	v18 =	vlaneseq.u32;
	v5 =	vld.idx.msk [tilespmem:v22+s3+$0x0], $0xffff  }
0xc6: {  	v22 =	vor.u32 v18, v14;
	v18 =	vld.idx.msk [tilespmem:v2+s3+$0x0], $0xffff  }
0xc7: {  	v1 =	vld.idx.msk [tilespmem:v0+s3+$0x0], $0xffff;
	[tilespmem:$0x1F5C0] =	vst v20  }
0xc8: {  	v2 =	vor.u32 v24, v14;
	v20 =	vld.idx.msk [tilespmem:v20+s3+$0x0], $0xffff;
	[tilespmem:$0x1F5D0] =	vst v21  }
0xc9: {  	v0 =	vor.u32 v48, v14;
	v21 =	vld.idx.msk [tilespmem:v21+s3+$0x0], $0xffff  }
0xca: {  	[tilespmem:$0x1F5E0] =	vst v22;
	v17 =	vmul.f32 v17, v35;
	v35 =	vor.u32 v34, v14;
	v34 =	vld [tilespmem:$0x1FE20]  }
0xcb: {  	v22 =	vld.idx.msk [tilespmem:v22+s3+$0x0], $0xffff  }
0xcc: {  	v10 =	vmul.f32 v10, v51;
	v51 =	vmov v53;
	[tilespmem:$0x1F5F0] =	vst v2;
	v18 =	vmul.f32 v18, v53;
	v53 =	vld [tilespmem:$0x1FDB0]  }
0xcd: {  	v29 =	vor.u32 v61, v14;
	v7 =	vmul.f32 v7, v23;
	v23 =	vld.idx.msk [tilespmem:v2+s3+$0x0], $0xffff;
	[tilespmem:$0x1F600] =	vst v0  }
0xce: {  	v2 =	vor.u32 v44, v14;
	v24 =	vld.idx.msk [tilespmem:v0+s3+$0x0], $0xffff;
	[tilespmem:$0x1F610] =	vst v26  }
0xcf: {  	v30 =	vor.u32 v55, v14;
	v8 =	vmul.f32 v8, v25;
	v25 =	vld.idx.msk [tilespmem:v26+s3+$0x0], $0xffff  }
0xd0: {  	v0 =	vor.u32 v62, v14;
	[tilespmem:$0x1F620] =	vst v27;
	v20 =	vmul.f32 v20, v15;
	v15 =	vld [tilespmem:$0x1FD90]  }
0xd1: {  	v60 =	vor.u32 v52, v14;
	v9 =	vmul.f32 v9, v28;
	v26 =	vld.idx.msk [tilespmem:v27+s3+$0x0], $0xffff;
	[tilespmem:$0x1F630] =	vst v29  }
0xd2: {  	v13 =	vmul.f32 v13, v54;
	v54 =	vor.u32 v41, v14;
	v28 =	vld.idx.msk [tilespmem:v29+s3+$0x0], $0xffff;
	[tilespmem:$0x1F640] =	vst v2  }
0xd3: {  	v43 =	vld.idx.msk [tilespmem:v2+s3+$0x0], $0xffff;
	[tilespmem:$0x1F650] =	vst v30  }
0xd4: {  	v2 =	vor.u32 v63, v14;
	v30 =	vld.idx.msk [tilespmem:v30+s3+$0x0], $0xffff;
	[tilespmem:$0x1F660] =	vst v0  }
0xd5: {  	v40 =	vmov v44;
	v6 =	vmul.f32 v6, v57;
	v44 =	vor.u32 v39, v14;
	v57 =	vld.idx.msk [tilespmem:v0+s3+$0x0], $0xffff;
	[tilespmem:$0x1F670] =	vst v60  }
0xd6: {  	v0 =	vor.u32 v19, v14;
	v32 =	vld.idx.msk [tilespmem:v60+s3+$0x0], $0xffff;
	[tilespmem:$0x1F680] =	vst v54  }
0xd7: {  	v60 =	vor.u32 v33, v14;
	v14 =	vld.idx.msk [tilespmem:v54+s3+$0x0], $0xffff;
	[tilespmem:$0x1F690] =	vst v35  }
0xd8: {  	v5 =	vmul.f32 v5, v31;
	v21 =	vmul.f32 v21, v59;
	v33 =	vld.idx.msk [tilespmem:v35+s3+$0x0], $0xffff;
	[tilespmem:$0x1F6A0] =	vst v2  }
0xd9: {  	v19 =	vld.idx.msk [tilespmem:v2+s3+$0x0], $0xffff;
	[tilespmem:$0x1F6B0] =	vst v44  }
0xda: {  	v5 =	vadd.f32 v21, v5;
	v21 =	vld.idx.msk [tilespmem:v44+s3+$0x0], $0xffff;
	[tilespmem:$0x1F6C0] =	vst v0  }
0xdb: {  	v54 =	vld.idx.msk [tilespmem:v0+s3+$0x0], $0xffff  }
0xdc: {  	v12 =	vmul.f32 v12, v50;
	v16 =	vmul.f32 v16, v38;
	v0 =	vld [tilespmem:$0x1FEC0]  }
0xdd: {  	v1 =	vmul.f32 v1, v58;
	v24 =	vmul.f32 v24, v15;
	v15 =	vld [tilespmem:$0x1FDA0]  }
0xde: {  	v50 =	vmov v39;
	v39 =	vld [tilespmem:$0x1FDF0];
	v22 =	vmul.f32 v22, v47;
	v26 =	vmul.f32 v26, v53  }
0xdf: {  	v11 =	vmul.f32 v11, v56;
	v16 =	vadd.f32 v1, v16;
	v1 =	vld [tilespmem:$0x1FDE0]  }
0xe0: {  	v22 =	vadd.f32 v26, v22;
	v26 =	vld [tilespmem:$0x1FE50]  }
0xe1: {  	v27 =	vmul.f32 v3, v37;
	v11 =	vadd.f32 v11, v16;
	v16 =	vmul.f32 v33, v0;
	v0 =	vld [tilespmem:$0x1FE30]  }
0xe2: {  	v17 =	vadd.f32 v20, v17;
	v29 =	vmul.f32 v43, v36;
	v25 =	vmul.f32 v25, v15;
	v15 =	vld [tilespmem:$0x1FDC0]  }
0xe3: {  	v61 =	vmov v58;
	v18 =	vadd.f32 v18, v27;
	v44 =	vld [tilespmem:$0x1FE00]  }
0xe4: {  	v23 =	vmul.f32 v23, v49;
	v12 =	vadd.f32 v12, v17;
	v24 =	vadd.f32 v29, v24;
	v29 =	vld [tilespmem:$0x1FE10];
	[tilespmem:$0x1F6D0] =	vst v60  }
0xe5: {  	v10 =	vadd.f32 v10, v18;
	v5 =	vadd.f32 v13, v5;
	v20 =	vmul.f32 v30, v1;
	v58 =	vld.idx.msk [tilespmem:v60+s3+$0x0], $0xffff  }
0xe6: {  	v7 =	vadd.f32 v7, v11;
	v60 =	vmul.f32 v19, v34;
	v19 =	vmul.f32 v21, v0;
	v0 =	vld [tilespmem:$0x1FE40]  }
0xe7: {  	v8 =	vadd.f32 v8, v12;
	v6 =	vadd.f32 v6, v10;
	v28 =	vmul.f32 v28, v15  }
0xe8: {  	v5 =	vadd.f32 v9, v5;
	v35 =	vmul.f32 v57, v39;
	v20 =	vadd.f32 v20, v25  }
0xe9: {  	v57 =	vmul.f32 v32, v44;
	v14 =	vmul.f32 v14, v29;
	v23 =	vadd.f32 v28, v23  }
0xea: {  	v17 =	vadd.f32 v35, v22;
	v10 =	vmul.f32 v58, v26;
	v16 =	vadd.f32 v16, v20  }
0xeb: {  	v14 =	vadd.f32 v14, v24;
	v18 =	vadd.f32 v57, v23;
	v20 =	vmul.f32 v54, v0  }
0xec: {  	v9 =	vadd.f32 v60, v17;
	v10 =	vadd.f32 v10, v16  }
0xed: {  	v11 =	vadd.f32 v19, v18;
	v28 =	vadd.f32 v20, v14  }
0xee: {  	v6 =	vadd.f32 v7, v6;
	v5 =	vadd.f32 v5, v8  }
0xef: {  	v7 =	vadd.f32 v11, v9;
	v8 =	vadd.f32 v10, v28  }
0xf0: {  	v5 =	vadd.f32 v5, v6  }
0xf1: {  	v6 =	vadd.f32 v8, v7  }
0xf2: {  	v5 =	vmul.f32 $1.442695020e+00, v5  }
0xf3: {  	v6 =	vmul.f32 $1.442695020e+00, v6  }
0xf4: {  	(erf) = vpow2.f32 v5  }
0xf5: {  	(erf) = vpow2.f32 v6;
	_ =	sdelay $0x7  }
0xf6: {  	v5 =	vpop (erf)  }
0xf7: {  	v0 =	vpop (erf)  }
0xf8: {  	v6 =	vadd.f32 v0, v5;
	_ =	sdelay $0x1  }
0xf9: {  	(xrf2) =	vadd.scan.msk.f32 $0xffff, v6;
	_ =	sdelay $0x9  }
0xfa: {  	v6, _, _ =	vpop (xrf2)  }
0xfb: {  	v6 =	vbroadcast v6, $0xF;
	_ =	sdelay $0x1  }
0xfc: {  	(erf) = vrcp.f32 v6;
	_ =	sdelay $0x8  }
0xfd: {  	[tilespmem:$0x1F6E0] =	vst v0;
	v0 =	vpop (erf)  }
0xfe: {  	s8 =	rddreg [dreg:$0x1c];
	[tilespmem:$0x1F6F0] =	vst v0;
	v0 =	vmul.f32 v0, v5  }
0xff: {  	s12 =	rddreg [dreg:$0x1a]  }
0x100: {  	s13 =	rddreg [dreg:$0x19];
	v5 =	vmul.f32 v0, v3  }
0x101: {  	s4 =	rddreg [dreg:$0x18];
	s16 =	simm.s32 $0x18200  }
0x102: {  	s14 =	rddreg [dreg:$0x17];
	[tilespmem:s16+$0x0] =	vst.add.f32.msk $0xffff, v5  }
0x103: {  	v4 =	vld.idx.msk [tilespmem:v4+s3+$0x0], $0xffff;
	_ =	sdelay $0x4  }
0x104: {  	v4 =	vmul.f32 v0, v4  }
0x105: {  	s17 =	simm.s32 $0x18210  }
0x106: {  	[tilespmem:s17+$0x0] =	vst.add.f32.msk $0xffff, v4  }
0x107: {  	v1 =	vld [tilespmem:$0x1F700];
	_ =	sdelay $0x7  }
0x108: {  	v3 =	vld.idx.msk [tilespmem:v1+s3+$0x0], $0xffff;
	_ =	sdelay $0x4  }
0x109: {  	v3 =	vmul.f32 v0, v3  }
0x10a: {  	s18 =	simm.s32 $0x18220;
	[tilespmem:$0x1FCD0] =	vst v0  }
0x10b: {  	[tilespmem:s18+$0x0] =	vst.add.f32.msk $0xffff, v3  }
0x10c: {  	v4 =	vmov v0;
	v0 =	vld [tilespmem:$0x1F710];
	_ =	sdelay $0x7  }
0x10d: {  	v1 =	vld.idx.msk [tilespmem:v0+s3+$0x0], $0xffff;
	_ =	sdelay $0x1  }
0x10e: {  	s19 =	sadd.s32 s1, s29  }
0x10f: {  	v3 =	vmov s19  }
0x110: {  	v3 =	vshll.u32 v3, $0x4;
	v43 =	vld [tilespmem:$0x1FF10]  }
0x111: {  	v3 =	vor.u32 v46, v3;
	v1 =	vmul.f32 v4, v1  }
0x112: {  	s20 =	simm.s32 $0x18230;
	v0 =	vor.u32 v63, v3  }
0x113: {  	v2 =	vor.u32 v62, v3;
	v4 =	vlaneseq.u32;
	[tilespmem:s20+$0x0] =	vst.add.f32.msk $0xffff, v1  }
0x114: {  	v4 =	vor.u32 v4, v3;
	v22 =	vld [tilespmem:$0x1FFB0]  }
0x115: {  	v7 =	vor.u32 v43, v3  }
0x116: {  	v8 =	vor.u32 v48, v3;
	[tilespmem:$0x1F720] =	vst v0  }
0x117: {  	s31 =	ssub.s32 s8, s28;
	v11 =	vor.u32 v42, v3;
	v1 =	vld.idx.msk [tilespmem:v0+s3+$0x0], $0xffff;
	[tilespmem:$0x1F730] =	vst v2  }
0x118: {  	s2 =	ssub.s32 s13, s28;
	s21 =	sadd.s32 s31, s29;
	v35 =	vor.u32 v45, v3;
	v6 =	vld.idx.msk [tilespmem:v2+s3+$0x0], $0xffff  }
0x119: {  	s22 =	sadd.s32 s2, s29;
	v16 =	vlaneseq.u32;
	v5 =	vmov s21;
	v21 =	vld.idx.msk [tilespmem:v4+s3+$0x0], $0xffff;
	[tilespmem:$0x1F740] =	vst v7;
	v15 =	vor.u32 v22, v3  }
0x11a: {  	s25 =	ssub.s32 s14, s28;
	v5 =	vshll.u32 v5, $0x4;
	v9 =	vor.u32 v40, v3;
	v4 =	vmov s22;
	v7 =	vld.idx.msk [tilespmem:v7+s3+$0x0], $0xffff;
	[tilespmem:$0x1F750] =	vst v8  }
0x11b: {  	s24 =	sadd.s32 s25, s29;
	v5 =	vor.u32 v46, v5;
	v0 =	vor.u32 v55, v3;
	v4 =	vshll.u32 v4, $0x4;
	v8 =	vld.idx.msk [tilespmem:v8+s3+$0x0], $0xffff;
	[tilespmem:$0x1F760] =	vst v11  }
0x11c: {  	v10 =	vmov s24;
	v2 =	vor.u32 v16, v5;
	v4 =	vor.u32 v46, v4;
	v11 =	vld.idx.msk [tilespmem:v11+s3+$0x0], $0xffff;
	[tilespmem:$0x1F770] =	vst v35  }
0x11d: {  	v31 =	vmov v41;
	v10 =	vshll.u32 v10, $0x4;
	v41 =	vor.u32 v16, v4;
	v12 =	vld.idx.msk [tilespmem:v35+s3+$0x0], $0xffff;
	[tilespmem:$0x1F780] =	vst v15  }
0x11e: {  	v13 =	vor.u32 v46, v10;
	v10 =	vld.idx.msk [tilespmem:v15+s3+$0x0], $0xffff;
	[tilespmem:$0x1F790] =	vst v9  }
0x11f: {  	v15 =	vor.u32 v16, v13;
	v16 =	vld.idx.msk [tilespmem:v9+s3+$0x0], $0xffff;
	[tilespmem:$0x1F7A0] =	vst v0  }
0x120: {  	v17 =	vld.idx.msk [tilespmem:v0+s3+$0x0], $0xffff;
	[tilespmem:$0x1F7B0] =	vst v2  }
0x121: {  	v18 =	vld.idx.msk [tilespmem:v2+s3+$0x0], $0xffff  }
0x122: {  	v2 =	vld.idx.msk [tilespmem:v41+s3+$0x0], $0xffff  }
0x123: {  	v28 =	vld [tilespmem:$0x1FFC0]  }
0x124: {  	v35 =	vld [tilespmem:$0x1FD00];
	v0 =	vor.u32 v48, v5;
	v48 =	vmul.f32 v21, v37;
	v12 =	vmul.f32 v12, v51  }
0x125: {  	v41 =	vld [tilespmem:$0x1FD30]  }
0x126: {  	[tilespmem:$0x1F7C0] =	vst v21;
	v12 =	vadd.f32 v12, v48;
	v48 =	vld [tilespmem:$0x1FD10]  }
0x127: {  	v60 =	vmovc v46;
	v54 =	vmov v50;
	v20 =	vor.u32 v43, v5;
	v46 =	vmov v34;
	v34 =	vld [tilespmem:$0x1FF40];
	[tilespmem:$0x1F9F0] =	vst v2  }
0x128: {  	v7 =	vmul.f32 v7, v38;
	v9 =	vor.u32 v22, v5;
	v22 =	vor.u32 v42, v5;
	v15 =	vld.idx.msk [tilespmem:v15+s3+$0x0], $0xffff  }
0x129: {  	v51 =	vmovc v42;
	v8 =	vmul.f32 v8, v35;
	v42 =	vor.u32 v50, v3;
	v50 =	vld [tilespmem:$0x1FDA0];
	v10 =	vmul.f32 v10, v61  }
0x12a: {  	v17 =	vmul.f32 v17, v59;
	v59 =	vld [tilespmem:$0x1FE90];
	v16 =	vmul.f32 v16, v41  }
0x12b: {  	v19 =	vor.u32 v45, v5;
	v58 =	vadd.f32 v10, v7;
	v7 =	vld [tilespmem:$0x1FDE0];
	v11 =	vmul.f32 v11, v48  }
0x12c: {  	[tilespmem:$0x1F7D0] =	vst v20;
	v32 =	vadd.f32 v16, v8;
	v8 =	vld [tilespmem:$0x1FDC0]  }
0x12d: {  	v2 =	vor.u32 v40, v5;
	v11 =	vadd.f32 v17, v11;
	v17 =	vmul.f32 v18, v47;
	v47 =	vld [tilespmem:$0x1FF30];
	[tilespmem:$0x1FBE0] =	vst v15  }
0x12e: {  	v15 =	vld.idx.msk [tilespmem:v20+s3+$0x0], $0xffff;
	[tilespmem:$0x1F7E0] =	vst v0  }
0x12f: {  	v25 =	vor.u32 v52, v3;
	v14 =	vld.idx.msk [tilespmem:v0+s3+$0x0], $0xffff;
	[tilespmem:$0x1F7F0] =	vst v19  }
0x130: {  	v19 =	vld.idx.msk [tilespmem:v19+s3+$0x0], $0xffff;
	[tilespmem:$0x1F800] =	vst v9  }
0x131: {  	v0 =	vor.u32 v55, v5;
	v20 =	vld.idx.msk [tilespmem:v9+s3+$0x0], $0xffff;
	[tilespmem:$0x1F810] =	vst v2  }
0x132: {  	v27 =	vor.u32 v31, v3;
	v55 =	vmov v31;
	v21 =	vld.idx.msk [tilespmem:v2+s3+$0x0], $0xffff  }
0x133: {  	v23 =	vor.u32 v28, v3;
	[tilespmem:$0x1F820] =	vst v25;
	v2 =	vor.u32 v55, v5;
	v55 =	vld [tilespmem:$0x1FD90]  }
0x134: {  	v57 =	vmov v40;
	v40 =	vor.u32 v62, v5;
	v10 =	vld.idx.msk [tilespmem:v25+s3+$0x0], $0xffff;
	[tilespmem:$0x1F830] =	vst v22  }
0x135: {  	v9 =	vor.u32 v52, v5;
	v16 =	vld.idx.msk [tilespmem:v22+s3+$0x0], $0xffff;
	[tilespmem:$0x1F840] =	vst v0  }
0x136: {  	v18 =	vld.idx.msk [tilespmem:v0+s3+$0x0], $0xffff;
	[tilespmem:$0x1F850] =	vst v27  }
0x137: {  	v15 =	vmul.f32 v15, v49;
	v19 =	vmul.f32 v19, v53;
	v22 =	vld.idx.msk [tilespmem:v27+s3+$0x0], $0xffff;
	[tilespmem:$0x1F860] =	vst v23  }
0x138: {  	v20 =	vmul.f32 v20, v8;
	v14 =	vmul.f32 v14, v55;
	v23 =	vld.idx.msk [tilespmem:v23+s3+$0x0], $0xffff;
	[tilespmem:$0x1F870] =	vst v40  }
0x139: {  	v21 =	vmul.f32 v21, v36;
	v17 =	vadd.f32 v19, v17;
	v19 =	vld.idx.msk [tilespmem:v40+s3+$0x0], $0xffff;
	[tilespmem:$0x1F880] =	vst v9  }
0x13a: {  	v30 =	vor.u32 v47, v3;
	v0 =	vor.u32 v34, v3;
	v3 =	vld.idx.msk [tilespmem:v9+s3+$0x0], $0xffff  }
0x13b: {  	v49 =	vmov v36;
	v36 =	vadd.f32 v20, v15;
	v15 =	vadd.f32 v21, v14;
	[tilespmem:$0x1F890] =	vst v2;
	v21 =	vld [tilespmem:$0x1FE70]  }
0x13c: {  	v33 =	vmul.f32 v16, v50;
	v16 =	vmul.f32 v18, v7;
	v18 =	vld.idx.msk [tilespmem:v2+s3+$0x0], $0xffff  }
0x13d: {  	v2 =	vld [tilespmem:$0x1FEB0]  }
0x13e: {  	v28 =	vor.u32 v28, v5;
	v6 =	vmul.f32 v6, v59;
	_ =	sdelay $0x1  }
0x13f: {  	v6 =	vadd.f32 v6, v12;
	v40 =	vor.u32 v63, v5;
	[tilespmem:$0x1F8A0] =	vst v42  }
0x140: {  	v9 =	vor.u32 v47, v5;
	v24 =	vld.idx.msk [tilespmem:v42+s3+$0x0], $0xffff;
	[tilespmem:$0x1F8B0] =	vst v30;
	v12 =	vadd.f32 v16, v33  }
0x141: {  	v20 =	vmul.f32 v22, v21;
	v22 =	vld.idx.msk [tilespmem:v30+s3+$0x0], $0xffff;
	[tilespmem:$0x1F8C0] =	vst v28;
	v16 =	vmul.f32 v23, v2  }
0x142: {  	v42 =	vor.u32 v54, v5;
	v2 =	vor.u32 v34, v5;
	v5 =	vld.idx.msk [tilespmem:v28+s3+$0x0], $0xffff;
	[tilespmem:$0x1F8D0] =	vst v0  }
0x143: {  	v14 =	vadd.f32 v20, v32;
	v32 =	vadd.f32 v16, v11;
	v16 =	vld.idx.msk [tilespmem:v0+s3+$0x0], $0xffff  }
0x144: {  	v0 =	vld [tilespmem:$0x1FEA0];
	_ =	sdelay $0x4  }
0x145: {  	v1 =	vmul.f32 v1, v0;
	_ =	sdelay $0x1  }
0x146: {  	v1 =	vadd.f32 v1, v6;
	v6 =	vld [tilespmem:$0x1FEC0]  }
0x147: {  	v28 =	vor.u32 v63, v4;
	v11 =	vmul.f32 v19, v39;
	[tilespmem:$0x1F8E0] =	vst v40  }
0x148: {  	v18 =	vmul.f32 v18, v29;
	v19 =	vld.idx.msk [tilespmem:v40+s3+$0x0], $0xffff;
	[tilespmem:$0x1F8F0] =	vst v42  }
0x149: {  	v11 =	vadd.f32 v11, v17;
	v17 =	vld.idx.msk [tilespmem:v42+s3+$0x0], $0xffff;
	[tilespmem:$0x1F900] =	vst v9  }
0x14a: {  	v33 =	vadd.f32 v18, v15;
	v18 =	vld.idx.msk [tilespmem:v9+s3+$0x0], $0xffff;
	[tilespmem:$0x1F910] =	vst v2  }
0x14b: {  	v5 =	vmul.f32 v5, v6;
	v6 =	vld.idx.msk [tilespmem:v2+s3+$0x0], $0xffff;
	[tilespmem:$0x1F920] =	vst v28  }
0x14c: {  	v34 =	vmov v7;
	v7 =	vld.idx.msk [tilespmem:v28+s3+$0x0], $0xffff  }
0x14d: {  	v10 =	vmul.f32 v10, v56;
	v23 =	vor.u32 v54, v4  }
0x14e: {  	v31 =	vld [tilespmem:$0x1FE40];
	v3 =	vmul.f32 v3, v44  }
0x14f: {  	v10 =	vadd.f32 v10, v58;
	v58 =	vmov v52;
	v52 =	vld [tilespmem:$0x1FD60]  }
0x150: {  	s0 =	ssub.s32 s12, s28;
	v3 =	vadd.f32 v3, v36;
	v36 =	vmov v50;
	v50 =	vld [tilespmem:$0x1FD40];
	[tilespmem:$0x1F930] =	vst v23  }
0x151: {  	s26 =	sadd.s32 s0, s29;
	v40 =	vmov v39;
	v39 =	vld [tilespmem:$0x1FD50];
	[tilespmem:$0x1FB10] =	vst v7  }
0x152: {  	v27 =	vor.u32 v62, v4;
	v42 =	vmov v62;
	v62 =	vmov s26;
	v7 =	vld.idx.msk [tilespmem:v23+s3+$0x0], $0xffff  }
0x153: {  	v0 =	vor.u32 v47, v4;
	v5 =	vadd.f32 v5, v12;
	v12 =	vshll.u32 v62, $0x4;
	v62 =	vld [tilespmem:$0x1FE30]  }
0x154: {  	v30 =	vmov v26  }
0x155: {  	v26 =	vor.u32 v43, v4;
	v9 =	vmovc v55;
	v55 =	vmovc v29;
	v29 =	vmov v43;
	v43 =	vmov v45;
	v45 =	vld [tilespmem:$0x1FFF0]  }
0x156: {  	v15 =	vmul.f32 v24, v50;
	v20 =	vmul.f32 v22, v39;
	[tilespmem:$0x1F940] =	vst v0  }
0x157: {  	v47 =	vmov v8;
	v19 =	vmul.f32 v19, v46;
	v28 =	vmul.f32 v16, v52;
	[tilespmem:$0x1FB30] =	vst v7  }
0x158: {  	v8 =	vadd.f32 v20, v14;
	v18 =	vmul.f32 v18, v31;
	v17 =	vmul.f32 v17, v62;
	v0 =	vld.idx.msk [tilespmem:v0+s3+$0x0], $0xffff  }
0x159: {  	v6 =	vmul.f32 v6, v30;
	v7 =	vadd.f32 v15, v10;
	v10 =	vadd.f32 v28, v32;
	v28 =	vld [tilespmem:$0x1FFB0]  }
0x15a: {  	v46 =	vld [tilespmem:$0x1FFE0];
	v25 =	vor.u32 v45, v4;
	v11 =	vadd.f32 v19, v11;
	v3 =	vadd.f32 v17, v3  }
0x15b: {  	v22 =	vld [tilespmem:$0x1FED0];
	v2 =	vmovc v49;
	v49 =	vmovc v44;
	v44 =	vmov v51;
	v5 =	vadd.f32 v6, v5;
	v32 =	vadd.f32 v18, v33  }
0x15c: {  	v24 =	vor.u32 v44, v4;
	[tilespmem:$0x1F950] =	vst v27;
	v6 =	vadd.f32 v10, v8;
	v10 =	vadd.f32 v3, v11;
	v3 =	vld [tilespmem:$0x1F9F0]  }
0x15d: {  	v5 =	vadd.f32 v5, v32;
	v32 =	vld [tilespmem:$0x1FFC0];
	[tilespmem:$0x1FB60] =	vst v0;
	v0 =	vor.u32 v43, v4  }
0x15e: {  	v15 =	vor.u32 v28, v4;
	v20 =	vld.idx.msk [tilespmem:v27+s3+$0x0], $0xffff;
	[tilespmem:$0x1F960] =	vst v26  }
0x15f: {  	v51 =	vmov v56;
	v56 =	vor.u32 v57, v4;
	v23 =	vld.idx.msk [tilespmem:v26+s3+$0x0], $0xffff;
	[tilespmem:$0x1F970] =	vst v25  }
0x160: {  	v27 =	vor.u32 v46, v4;
	v25 =	vld.idx.msk [tilespmem:v25+s3+$0x0], $0xffff;
	[tilespmem:$0x1F980] =	vst v24  }
0x161: {  	v16 =	vlaneseq.u32;
	v12 =	vor.u32 v60, v12;
	v1 =	vadd.f32 v7, v1;
	v19 =	vld.idx.msk [tilespmem:v24+s3+$0x0], $0xffff;
	[tilespmem:$0x1F990] =	vst v0  }
0x162: {  	v26 =	vor.u32 v16, v12;
	v17 =	vld.idx.msk [tilespmem:v0+s3+$0x0], $0xffff;
	[tilespmem:$0x1F9A0] =	vst v15  }
0x163: {  	v1 =	vadd.f32 v6, v1;
	v0 =	vor.u32 v29, v12;
	v7 =	vld.idx.msk [tilespmem:v15+s3+$0x0], $0xffff  }
0x164: {  	v24 =	vor.u32 v43, v12;
	v8 =	vld.idx.msk [tilespmem:v56+s3+$0x0], $0xffff;
	[tilespmem:$0x1F9B0] =	vst v27  }
0x165: {  	v11 =	vld.idx.msk [tilespmem:v27+s3+$0x0], $0xffff;
	[tilespmem:$0x1FCC0] =	vst v1  }
0x166: {  	v16 =	vld [tilespmem:$0x1FFD0];
	[tilespmem:$0x1F9C0] =	vst v26  }
0x167: {  	v15 =	vor.u32 v28, v12;
	v6 =	vld.idx.msk [tilespmem:v26+s3+$0x0], $0xffff;
	[tilespmem:$0x1F9D0] =	vst v0  }
0x168: {  	v60 =	vmov v29;
	v14 =	vmul.f32 v23, v38;
	v23 =	vld.idx.msk [tilespmem:v0+s3+$0x0], $0xffff;
	[tilespmem:$0x1F9E0] =	vst v24  }
0x169: {  	v33 =	vmul.f32 v3, v37;
	v29 =	vor.u32 v45, v12;
	v18 =	vmul.f32 v25, v35;
	v25 =	vld.idx.msk [tilespmem:v24+s3+$0x0], $0xffff  }
0x16a: {  	v3 =	vadd.f32 v5, v10;
	v28 =	vor.u32 v44, v12;
	v8 =	vmul.f32 v8, v41;
	v41 =	vld [tilespmem:$0x1FF40]  }
0x16b: {  	v1 =	vor.u32 v57, v12;
	v7 =	vmul.f32 v7, v61;
	[tilespmem:$0x1FA00] =	vst v15;
	v61 =	vld [tilespmem:$0x1FD80]  }
0x16c: {  	v35 =	vmov v46;
	v0 =	vor.u32 v46, v12;
	v46 =	vld.idx.msk [tilespmem:v15+s3+$0x0], $0xffff;
	[tilespmem:$0x1FCE0] =	vst v3  }
0x16d: {  	[tilespmem:$0x1FA10] =	vst v29;
	v3 =	vld [tilespmem:$0x1FE60]  }
0x16e: {  	v10 =	vld.idx.msk [tilespmem:v29+s3+$0x0], $0xffff;
	[tilespmem:$0x1FA20] =	vst v28  }
0x16f: {  	v7 =	vadd.f32 v7, v14;
	v14 =	vld.idx.msk [tilespmem:v28+s3+$0x0], $0xffff;
	[tilespmem:$0x1FA30] =	vst v1  }
0x170: {  	v31 =	vor.u32 v58, v4;
	v8 =	vadd.f32 v8, v18;
	v18 =	vld.idx.msk [tilespmem:v1+s3+$0x0], $0xffff  }
0x171: {  	v17 =	vmul.f32 v17, v22;
	v1 =	vld [tilespmem:$0x1FD70]  }
0x172: {  	v30 =	vor.u32 v16, v4;
	v24 =	vor.u32 v32, v4  }
0x173: {  	v5 =	vadd.f32 v17, v33;
	v17 =	vmul.f32 v19, v48;
	[tilespmem:$0x1FA40] =	vst v0;
	v19 =	vmul.f32 v25, v53  }
0x174: {  	v53 =	vld.idx.msk [tilespmem:v0+s3+$0x0], $0xffff;
	v0 =	vor.u32 v41, v4;
	v4 =	vmul.f32 v23, v61;
	[tilespmem:$0x1FA50] =	vst v31  }
0x175: {  	v15 =	vor.u32 v42, v12;
	v11 =	vmul.f32 v11, v3;
	v23 =	vmul.f32 v46, v47;
	v46 =	vld.idx.msk [tilespmem:v31+s3+$0x0], $0xffff  }
0x176: {  	[tilespmem:$0x1FA60] =	vst v30;
	v3 =	vld [tilespmem:$0x1FF30];
	v6 =	vmul.f32 v6, v1;
	v1 =	vor.u32 v58, v12  }
0x177: {  	v11 =	vadd.f32 v11, v17;
	v17 =	vld.idx.msk [tilespmem:v30+s3+$0x0], $0xffff  }
0x178: {  	v47 =	vor.u32 v16, v12;
	[tilespmem:$0x1FA70] =	vst v24;
	v18 =	vmul.f32 v18, v2;
	v2 =	vld [tilespmem:$0x1FF50]  }
0x179: {  	v6 =	vadd.f32 v19, v6;
	v19 =	vmul.f32 v20, v59;
	v20 =	vld.idx.msk [tilespmem:v24+s3+$0x0], $0xffff;
	[tilespmem:$0x1FA80] =	vst v15  }
0x17a: {  	v4 =	vadd.f32 v23, v4;
	v23 =	vld.idx.msk [tilespmem:v15+s3+$0x0], $0xffff;
	[tilespmem:$0x1FA90] =	vst v1  }
0x17b: {  	v25 =	vmul.f32 v53, v34;
	v34 =	vld.idx.msk [tilespmem:v1+s3+$0x0], $0xffff;
	[tilespmem:$0x1FAA0] =	vst v0  }
0x17c: {  	v48 =	vor.u32 v32, v12;
	v26 =	vld.idx.msk [tilespmem:v0+s3+$0x0], $0xffff;
	[tilespmem:$0x1FAB0] =	vst v47  }
0x17d: {  	v10 =	vmul.f32 v10, v9;
	v14 =	vmul.f32 v14, v36;
	v36 =	vor.u32 v41, v12;
	v41 =	vld.idx.msk [tilespmem:v47+s3+$0x0], $0xffff  }
0x17e: {  	v29 =	vor.u32 v2, v12;
	v47 =	vld [tilespmem:$0x1FEB0]  }
0x17f: {  	v53 =	vor.u32 v54, v12;
	v10 =	vadd.f32 v18, v10;
	v18 =	vmul.f32 v46, v51  }
0x180: {  	v15 =	vor.u32 v3, v12;
	[tilespmem:$0x1FAC0] =	vst v48  }
0x181: {  	v7 =	vadd.f32 v18, v7;
	v18 =	vld.idx.msk [tilespmem:v48+s3+$0x0], $0xffff  }
0x182: {  	v14 =	vadd.f32 v25, v14;
	v5 =	vadd.f32 v19, v5;
	v48 =	vor.u32 v2, v13;
	[tilespmem:$0x1FAD0] =	vst v29;
	v2 =	vld [tilespmem:$0x1FB10]  }
0x183: {  	v17 =	vmul.f32 v17, v21;
	v25 =	vld.idx.msk [tilespmem:v29+s3+$0x0], $0xffff;
	[tilespmem:$0x1FAE0] =	vst v53;
	v19 =	vmul.f32 v20, v47  }
0x184: {  	v1 =	vor.u32 v54, v13;
	v27 =	vld.idx.msk [tilespmem:v53+s3+$0x0], $0xffff;
	[tilespmem:$0x1FAF0] =	vst v15  }
0x185: {  	v8 =	vadd.f32 v17, v8;
	v17 =	vmul.f32 v34, v49;
	v11 =	vadd.f32 v19, v11;
	v19 =	vld.idx.msk [tilespmem:v15+s3+$0x0], $0xffff  }
0x186: {  	v15 =	vld [tilespmem:$0x1FEA0];
	[tilespmem:$0x1FB00] =	vst v36  }
0x187: {  	v4 =	vadd.f32 v17, v4;
	v17 =	vld.idx.msk [tilespmem:v36+s3+$0x0], $0xffff;
	[tilespmem:$0x1FB20] =	vst v48  }
0x188: {  	v28 =	vld.idx.msk [tilespmem:v48+s3+$0x0], $0xffff;
	[tilespmem:$0x1FB40] =	vst v1  }
0x189: {  	v1 =	vld.idx.msk [tilespmem:v1+s3+$0x0], $0xffff  }
0x18a: {  	v46 =	vld [tilespmem:$0x1FFB0];
	v0 =	vor.u32 v3, v13  }
0x18b: {  	v34 =	vmov v16;
	v16 =	vld [tilespmem:$0x1FE50]  }
0x18c: {  	v51 =	vor.u32 v42, v13;
	v12 =	vmul.f32 v41, v55;
	v41 =	vld [tilespmem:$0x1FEC0]  }
0x18d: {  	v26 =	vmul.f32 v26, v52;
	[tilespmem:$0x1FB50] =	vst v0;
	v21 =	vmul.f32 v2, v15;
	v2 =	vld [tilespmem:$0x1FB30]  }
0x18e: {  	v49 =	vmovc v35;
	v52 =	vmov v58;
	v36 =	vor.u32 v58, v13;
	v58 =	vor.u32 v35, v13;
	v35 =	vld [tilespmem:$0x1FE40];
	[tilespmem:$0x1FCB0] =	vst v1  }
0x18f: {  	s23 =	ssub.s32 s4, s28;
	v5 =	vadd.f32 v21, v5;
	v21 =	vld.idx.msk [tilespmem:v0+s3+$0x0], $0xffff  }
0x190: {  	s28 =	sadd.s32 s23, s29;
	v0 =	vld [tilespmem:$0x1FB60];
	[tilespmem:$0x1FB70] =	vst v51  }
0x191: {  	v24 =	vmov s28;
	v20 =	vmul.f32 v23, v40;
	v23 =	vor.u32 v60, v13;
	v9 =	vld.idx.msk [tilespmem:v51+s3+$0x0], $0xffff  }
0x192: {  	v40 =	vor.u32 v43, v13;
	v18 =	vmul.f32 v18, v41;
	v53 =	vmul.f32 v2, v50;
	[tilespmem:$0x1FB80] =	vst v36;
	v2 =	vld [tilespmem:$0x1FF00]  }
0x193: {  	v6 =	vadd.f32 v20, v6;
	v20 =	vor.u32 v45, v13;
	v27 =	vmul.f32 v27, v62;
	v29 =	vld.idx.msk [tilespmem:v36+s3+$0x0], $0xffff  }
0x194: {  	v14 =	vadd.f32 v18, v14;
	v18 =	vor.u32 v44, v13;
	v36 =	vshll.u32 v24, $0x4;
	v24 =	vld [tilespmem:$0x1FE20]  }
0x195: {  	v33 =	vmov v60;
	v60 =	vor.u32 v46, v13;
	v10 =	vadd.f32 v12, v10;
	v48 =	vld [tilespmem:$0x1FD20]  }
0x196: {  	v11 =	vadd.f32 v26, v11;
	v4 =	vadd.f32 v27, v4;
	v19 =	vmul.f32 v19, v35;
	v30 =	vld.idx.msk [tilespmem:v23+s3+$0x0], $0xffff  }
0x197: {  	v17 =	vmul.f32 v17, v16;
	v1 =	vmovc v39;
	v50 =	vmov v32;
	v32 =	vld.idx.msk [tilespmem:v40+s3+$0x0], $0xffff;
	v55 =	vmul.f32 v0, v39  }
0x198: {  	v10 =	vadd.f32 v19, v10;
	v26 =	vld.idx.msk [tilespmem:v20+s3+$0x0], $0xffff;
	v39 =	vor.u32 v57, v13;
	v12 =	vor.u32 v2, v36  }
0x199: {  	v31 =	vld.idx.msk [tilespmem:v18+s3+$0x0], $0xffff;
	v8 =	vadd.f32 v55, v8;
	v25 =	vmul.f32 v25, v24;
	v55 =	vlaneseq.u32  }
0x19a: {  	v14 =	vadd.f32 v17, v14;
	[tilespmem:$0x1FB90] =	vst v60;
	v7 =	vadd.f32 v53, v7;
	v2 =	vld [tilespmem:$0x1FE60];
	v55 =	vor.u32 v55, v12  }
0x19b: {  	v33 =	vor.u32 v33, v12;
	v43 =	vor.u32 v43, v12;
	v6 =	vadd.f32 v25, v6;
	v25 =	vld.idx.msk [tilespmem:v60+s3+$0x0], $0xffff  }
0x19c: {  	[tilespmem:$0x1FBA0] =	vst v39;
	v60 =	vor.u32 v45, v12;
	v45 =	vmul.f32 v32, v22;
	v32 =	vor.u32 v57, v12;
	v57 =	vld [tilespmem:$0x1FD10]  }
0x19d: {  	v5 =	vadd.f32 v7, v5;
	v7 =	vadd.f32 v11, v8;
	v8 =	vld.idx.msk [tilespmem:v58+s3+$0x0], $0xffff  }
0x19e: {  	v19 =	vld.idx.msk [tilespmem:v39+s3+$0x0], $0xffff;
	v39 =	vor.u32 v46, v12;
	[tilespmem:$0x1FBB0] =	vst v55  }
0x19f: {  	v4 =	vadd.f32 v4, v6;
	v6 =	vadd.f32 v14, v10;
	v10 =	vld.idx.msk [tilespmem:v55+s3+$0x0], $0xffff;
	[tilespmem:$0x1FBC0] =	vst v33  }
0x1a0: {  	v44 =	vor.u32 v44, v12;
	v27 =	vld.idx.msk [tilespmem:v33+s3+$0x0], $0xffff;
	[tilespmem:$0x1FBD0] =	vst v43  }
0x1a1: {  	v17 =	vmul.f32 v25, v48;
	v25 =	vld.idx.msk [tilespmem:v43+s3+$0x0], $0xffff  }
0x1a2: {  	v33 =	vor.u32 v49, v12;
	[tilespmem:$0x1FBF0] =	vst v39;
	v8 =	vmul.f32 v8, v2;
	v2 =	vld [tilespmem:$0x1FD70]  }
0x1a3: {  	v7 =	vadd.f32 v7, v5;
	v48 =	vor.u32 v34, v13;
	v5 =	vld.idx.msk [tilespmem:v39+s3+$0x0], $0xffff;
	[tilespmem:$0x1FC00] =	vst v60  }
0x1a4: {  	v11 =	vmul.f32 v30, v38;
	v43 =	vor.u32 v50, v13;
	v14 =	vld.idx.msk [tilespmem:v60+s3+$0x0], $0xffff;
	[tilespmem:$0x1FC10] =	vst v44  }
0x1a5: {  	v51 =	vmov v58;
	v58 =	vmul.f32 v31, v57;
	v60 =	vor.u32 v42, v12;
	v31 =	vld.idx.msk [tilespmem:v44+s3+$0x0], $0xffff;
	[tilespmem:$0x1FC20] =	vst v32  }
0x1a6: {  	v11 =	vadd.f32 v17, v11;
	v17 =	vor.u32 v52, v12;
	v32 =	vld.idx.msk [tilespmem:v32+s3+$0x0], $0xffff;
	[tilespmem:$0x1FC30] =	vst v33  }
0x1a7: {  	v10 =	vmul.f32 v10, v2;
	v2 =	vor.u32 v34, v12;
	v33 =	vld.idx.msk [tilespmem:v33+s3+$0x0], $0xffff;
	[tilespmem:$0x1FC40] =	vst v48  }
0x1a8: {  	v52 =	vld.idx.msk [tilespmem:v48+s3+$0x0], $0xffff;
	[tilespmem:$0x1FC50] =	vst v43  }
0x1a9: {  	v57 =	vld.idx.msk [tilespmem:v43+s3+$0x0], $0xffff;
	[tilespmem:$0x1FC60] =	vst v60  }
0x1aa: {  	v8 =	vadd.f32 v8, v58;
	v58 =	vld.idx.msk [tilespmem:v60+s3+$0x0], $0xffff;
	[tilespmem:$0x1FC70] =	vst v17  }
0x1ab: {  	v27 =	vmul.f32 v27, v61;
	v61 =	vld.idx.msk [tilespmem:v17+s3+$0x0], $0xffff;
	[tilespmem:$0x1FC80] =	vst v2  }
0x1ac: {  	v39 =	vld.idx.msk [tilespmem:v2+s3+$0x0], $0xffff  }
0x1ad: {  	v2 =	vld [tilespmem:$0x1FE80];
	_ =	sdelay $0x4  }
0x1ae: {  	v29 =	vmul.f32 v29, v2;
	v2 =	vld [tilespmem:$0x1FE70]  }
0x1af: {  	v36 =	vld [tilespmem:$0x1FBE0];
	_ =	sdelay $0x1  }
0x1b0: {  	v22 =	vld [tilespmem:$0x1FDB0];
	_ =	sdelay $0x1  }
0x1b1: {  	v52 =	vmul.f32 v52, v2;
	v2 =	vld [tilespmem:$0x1FDF0]  }
0x1b2: {  	v53 =	vmul.f32 v36, v37  }
0x1b3: {  	v9 =	vmul.f32 v9, v59  }
0x1b4: {  	v4 =	vadd.f32 v6, v4;
	v6 =	vadd.f32 v45, v53;
	v25 =	vmul.f32 v25, v22;
	v22 =	vld [tilespmem:$0x1FDC0];
	_ =	sdelay $0x1  }
0x1b5: {  	v6 =	vadd.f32 v9, v6;
	v9 =	vmul.f32 v58, v2;
	v2 =	vld [tilespmem:$0x1FE00];
	_ =	sdelay $0x2  }
0x1b6: {  	v55 =	vld [tilespmem:$0x1FD00];
	v5 =	vmul.f32 v5, v22  }
0x1b7: {  	v53 =	vld [tilespmem:$0x1FF40]  }
0x1b8: {  	v5 =	vadd.f32 v5, v27;
	v27 =	vmul.f32 v61, v2;
	v2 =	vld [tilespmem:$0x1FE10]  }
0x1b9: {  	v17 =	vld [tilespmem:$0x1FDA0]  }
0x1ba: {  	v22 =	vld [tilespmem:$0x1FF50];
	_ =	sdelay $0x1  }
0x1bb: {  	v21 =	vmul.f32 v21, v1;
	v1 =	vld [tilespmem:$0x1FD60];
	v26 =	vmul.f32 v26, v55  }
0x1bc: {  	v55 =	vor.u32 v53, v13;
	v13 =	vmul.f32 v57, v47;
	v57 =	vmul.f32 v39, v2;
	v2 =	vld [tilespmem:$0x1FCA0]  }
0x1bd: {  	v46 =	vor.u32 v50, v12;
	v37 =	vmul.f32 v31, v17;
	v17 =	vld [tilespmem:$0x1FDE0]  }
0x1be: {  	v48 =	vor.u32 v22, v12;
	v22 =	vld [tilespmem:$0x1FD90]  }
0x1bf: {  	v0 =	vld [tilespmem:$0x1FCD0]  }
0x1c0: {  	v49 =	vld [tilespmem:$0x1FD30]  }
0x1c1: {  	v42 =	vor.u32 v3, v12;
	v3 =	vld [tilespmem:$0x1FCB0];
	v43 =	vor.u32 v54, v12  }
0x1c2: {  	v45 =	vld.idx.msk [tilespmem:v46+s3+$0x0], $0xffff  }
0x1c3: {  	[tilespmem:$0x1FC90] =	vst v55;
	v38 =	vmul.f32 v33, v17;
	v17 =	vor.u32 v53, v12;
	v14 =	vmul.f32 v14, v22;
	v22 =	vld [tilespmem:$0x1FDD0]  }
0x1c4: {  	v2 =	vld.idx.msk [tilespmem:v2+s3+$0x0], $0xffff  }
0x1c5: {  	v53 =	vld.idx.msk [tilespmem:v55+s3+$0x0], $0xffff  }
0x1c6: {  	v19 =	vmul.f32 v19, v49;
	v55 =	vld.idx.msk [tilespmem:v43+s3+$0x0], $0xffff  }
0x1c7: {  	v54 =	vld.idx.msk [tilespmem:v48+s3+$0x0], $0xffff  }
0x1c8: {  	v19 =	vadd.f32 v19, v26;
	v59 =	vld.idx.msk [tilespmem:v17+s3+$0x0], $0xffff  }
0x1c9: {  	v10 =	vadd.f32 v25, v10;
	v60 =	vmul.f32 v32, v22;
	v2 =	vmul.f32 v0, v2;
	v0 =	vld [tilespmem:$0x1FCE0]  }
0x1ca: {  	v19 =	vadd.f32 v52, v19;
	v22 =	vmul.f32 v53, v1;
	v1 =	vld [tilespmem:$0x1FCC0]  }
0x1cb: {  	v14 =	vadd.f32 v60, v14;
	v10 =	vadd.f32 v9, v10;
	v9 =	vld.idx.msk [tilespmem:v42+s3+$0x0], $0xffff  }
0x1cc: {  	s18 =	simm.s32 $0x18240;
	v60 =	vld [tilespmem:$0x1FD40];
	v61 =	vadd.f32 v21, v19;
	v21 =	vmul.f32 v55, v62;
	v5 =	vadd.f32 v27, v5  }
0x1cd: {  	v8 =	vadd.f32 v13, v8;
	v12 =	vmul.f32 v45, v41;
	v49 =	vadd.f32 v38, v37;
	[tilespmem:s18+$0x0] =	vst.add.f32.msk $0xffff, v2  }
0x1ce: {  	v19 =	vmul.f32 v54, v24;
	v5 =	vadd.f32 v21, v5;
	v21 =	vmul.f32 $1.442695020e+00, v0;
	v0 =	vld [tilespmem:$0x1FCF0]  }
0x1cf: {  	v11 =	vadd.f32 v29, v11;
	v12 =	vadd.f32 v12, v49;
	v58 =	vmul.f32 v28, v15  }
0x1d0: {  	s9 =	sadd.s32 $0x4, s9;
	v8 =	vadd.f32 v22, v8;
	v22 =	vmul.f32 v59, v16;
	v10 =	vadd.f32 v19, v10  }
0x1d1: {  	p1 =	slt.s32 s9, s11;
	v19 =	vmul.f32 v9, v35;
	v13 =	vadd.f32 v57, v14;
	v14 =	vmul.f32 v3, v60  }
.Ltmp6:
0x1d2: {  	v6 =	vadd.f32 v58, v6;
	v12 =	vadd.f32 v22, v12;
	v3 =	vmul.f32 $1.442695020e+00, v1;
	(pc) =	sbr.rel @!p1 .LBB2_5-.Ltmp6, $4  }
0x1d3: {  	v11 =	vadd.f32 v14, v11;
	v13 =	vadd.f32 v19, v13  }
0x1d4: {  	(erf) = vpow2.f32 v3;
	v3 =	vadd.f32 v5, v10  }
0x1d5: {  	s10 =	sadd.s32 $0x80, s5;
	s21 =	simm.s32 $0x18270;
	v1 =	vadd.f32 v11, v6;
	v5 =	vadd.f32 v12, v13  }
0x1d6: {  	s19 =	simm.s32 $0x18250;
	s20 =	simm.s32 $0x18260;
	s22 =	simm.s32 $0x18280;
	v50 =	vmovc v36;
	v2 =	vadd.f32 v8, v61;
	(erf) = vpow2.f32 v21;
	v10 =	vld.idx.msk [tilespmem:v0+s3+$0x0], $0xffff;
	v0 =	vmul.f32 $1.442695020e+00, v7  }
.LBB2_4:
0x1d7: {  	v52 =	vld [tilespmem:$0x1FF00];
	_ =	sdelay $0x1  }
0x1d8: {  	s15 =	sadd.s32 s10, s29;
	v1 =	vadd.f32 v2, v1;
	v2 =	vmul.f32 $1.442695020e+00, v4  }
0x1d9: {  	v6 =	vmov s15;
	(erf) = vpow2.f32 v0  }
0x1da: {  	v45 =	vld [tilespmem:$0x1FCD0];
	v0 =	vshll.u32 v6, $0x4;
	(erf) = vpow2.f32 v2  }
0x1db: {  	v19 =	vor.u32 v52, v0;
	v0 =	vld [tilespmem:$0x1F5C0];
	_ =	sdelay $0x2  }
0x1dc: {  	v58 =	vld [tilespmem:$0x1FF60];
	v3 =	vadd.f32 v5, v3  }
0x1dd: {  	v7 =	vld [tilespmem:$0x1FF30];
	v1 =	vmul.f32 $1.442695020e+00, v1  }
0x1de: {  	v8 =	vld [tilespmem:$0x1FF40];
	v2 =	vmul.f32 $1.442695020e+00, v3;
	v4 =	vmul.f32 v45, v10;
	v33 =	vpop (erf)  }
0x1df: {  	v12 =	vld [tilespmem:$0x1FF80];
	(erf) = vpow2.f32 v1;
	v6 =	vpop (erf)  }
0x1e0: {  	(erf) = vpow2.f32 v2;
	[tilespmem:s19+$0x0] =	vst.add.f32.msk $0xffff, v4;
	v4 =	vadd.f32 v6, v33;
	v34 =	vpop (erf)  }
0x1e1: {  	[tilespmem:$0x1F330] =	vst v6;
	v6 =	vpop (erf);
	v3 =	vld.idx.msk [tilespmem:v0+s3+$0x0], $0xffff  }
0x1e2: {  	s30 =	sadd.s32 $0x80, s30;
	v14 =	vor.u32 v63, v19;
	(xrf2) =	vadd.scan.msk.f32 $0xffff, v4;
	[tilespmem:$0x1F340] =	vst v6;
	v4 =	vadd.f32 v6, v34;
	v6 =	vld [tilespmem:$0x1F5D0]  }
0x1e3: {  	v35 =	vld [tilespmem:$0x1FFD0];
	s16 =	sadd.s32 s30, s29;
	v0 =	vor.u32 v58, v19  }
0x1e4: {  	v49 =	vld [tilespmem:$0x1FF10];
	v1 =	vmov s16  }
0x1e5: {  	[tilespmem:$0x1F3D0] =	vst v48;
	v48 =	vld [tilespmem:$0x1FFF0];
	v2 =	vshll.u32 v1, $0x4  }
0x1e6: {  	v61 =	vld [tilespmem:$0x1FFA0];
	v1 =	vor.u32 v7, v19;
	v39 =	vor.u32 v52, v2  }
0x1e7: {  	v16 =	vor.u32 v8, v39;
	v2 =	vld.idx.msk [tilespmem:v14+s3+$0x0], $0xffff;
	v11 =	vmul.f32 v45, v3  }
0x1e8: {  	v5 =	vor.u32 v8, v19;
	v36 =	vpop (erf);
	v3 =	vld.idx.msk [tilespmem:v0+s3+$0x0], $0xffff  }
0x1e9: {  	v10 =	vor.u32 v63, v39;
	v8 =	vpop (erf);
	[tilespmem:s20+$0x0] =	vst.add.f32.msk $0xffff, v11  }
0x1ea: {  	v9 =	vor.u32 v58, v39;
	[tilespmem:$0x1F350] =	vst v8;
	v8 =	vadd.f32 v8, v36;
	v6 =	vld.idx.msk [tilespmem:v6+s3+$0x0], $0xffff  }
0x1eb: {  	[tilespmem:$0x1F3F0] =	vst v42;
	v13 =	vor.u32 v7, v39;
	(xrf2) =	vadd.scan.msk.f32 $0xffff, v4;
	v42 =	vld.idx.msk [tilespmem:v1+s3+$0x0], $0xffff  }
0x1ec: {  	(xrf2) =	vadd.scan.msk.f32 $0xffff, v8;
	v8 =	vld.idx.msk [tilespmem:v16+s3+$0x0], $0xffff  }
0x1ed: {  	[tilespmem:$0x1F3E0] =	vst v43;
	v7 =	vor.u32 v12, v19;
	v43 =	vld.idx.msk [tilespmem:v5+s3+$0x0], $0xffff  }
0x1ee: {  	v44 =	vld.idx.msk [tilespmem:v10+s3+$0x0], $0xffff  }
0x1ef: {  	[tilespmem:$0x1F360] =	vst v10;
	v4 =	vld.idx.msk [tilespmem:v9+s3+$0x0], $0xffff  }
0x1f0: {  	[tilespmem:$0x1F380] =	vst v9;
	v9 =	vld.idx.msk [tilespmem:v13+s3+$0x0], $0xffff  }
0x1f1: {  	v10 =	vld [tilespmem:$0x1FF20];
	[tilespmem:$0x1F320] =	vst v8;
	v8 =	vmul.f32 v6, v45  }
0x1f2: {  	v6 =	vld.idx.msk [tilespmem:v7+s3+$0x0], $0xffff  }
0x1f3: {  	[tilespmem:s21+$0x0] =	vst.add.f32.msk $0xffff, v8  }
0x1f4: {  	v15 =	vor.u32 v35, v19;
	v8 =	vld [tilespmem:$0x1F580]  }
0x1f5: {  	v30 =	vor.u32 v12, v39;
	[tilespmem:$0x1F310] =	vst v9;
	v9 =	vld [tilespmem:$0x1FFC0]  }
0x1f6: {  	[tilespmem:$0x1F3C0] =	vst v46;
	v46 =	vld [tilespmem:$0x1FF90]  }
0x1f7: {  	v57 =	vld [tilespmem:$0x1FF70]  }
0x1f8: {  	[tilespmem:$0x1F400] =	vst v17;
	v59 =	vld [tilespmem:$0x1FFE0];
	v28 =	vor.u32 v35, v39;
	v11 =	vor.u32 v10, v19;
	v29 =	vor.u32 v10, v39;
	v10, _, _ =	vpop (xrf2)  }
0x1f9: {  	[tilespmem:$0x1F3B0] =	vst v16;
	v16 =	vbroadcast v10, $0xF;
	v17 =	vld.idx.msk [tilespmem:v15+s3+$0x0], $0xffff  }
0x1fa: {  	v10 =	vld.idx.msk [tilespmem:v30+s3+$0x0], $0xffff;
	v37 =	vor.u32 v9, v19;
	v26 =	vor.u32 v9, v39;
	v9 =	vlaneseq.u32  }
0x1fb: {  	v31 =	vor.u32 v9, v19;
	v9 =	vld [tilespmem:$0x1F590]  }
0x1fc: {  	v22, _, _ =	vpop (xrf2);
	v41 =	vld.idx.msk [tilespmem:v8+s3+$0x0], $0xffff  }
0x1fd: {  	v32 =	vbroadcast v22, $0xF;
	v53, _, _ =	vpop (xrf2);
	v21 =	vld.idx.msk [tilespmem:v28+s3+$0x0], $0xffff  }
0x1fe: {  	[tilespmem:$0x1F390] =	vst v13;
	(erf) = vrcp.f32 v16;
	v13 =	vbroadcast v53, $0xF;
	v53 =	vld [tilespmem:$0x1FFB0]  }
0x1ff: {  	(erf) = vrcp.f32 v32;
	v47 =	vld.idx.msk [tilespmem:v29+s3+$0x0], $0xffff  }
0x200: {  	v22 =	vor.u32 v61, v19;
	v8 =	vmov v7;
	v7 =	vld.idx.msk [tilespmem:v11+s3+$0x0], $0xffff  }
0x201: {  	v25 =	vld.idx.msk [tilespmem:v26+s3+$0x0], $0xffff;
	v12 =	vmul.f32 v41, v45  }
0x202: {  	[tilespmem:$0x1F580] =	vst v8;
	v8 =	vld.idx.msk [tilespmem:v37+s3+$0x0], $0xffff  }
0x203: {  	v27 =	vor.u32 v49, v19;
	[tilespmem:s22+$0x0] =	vst.add.f32.msk $0xffff, v12  }
0x204: {  	v24 =	vor.u32 v48, v19;
	v62 =	vld.idx.msk [tilespmem:v9+s3+$0x0], $0xffff  }
0x205: {  	v63 =	vor.u32 v46, v19;
	v55 =	vld.idx.msk [tilespmem:v22+s3+$0x0], $0xffff  }
0x206: {  	[tilespmem:$0x1F3A0] =	vst v22;
	v16 =	vor.u32 v57, v19;
	v9 =	vmov v11;
	v22 =	vmov v15;
	v15 =	vld [tilespmem:$0x1F9F0]  }
0x207: {  	v32 =	vpop (erf);
	v31 =	vld.idx.msk [tilespmem:v31+s3+$0x0], $0xffff;
	[tilespmem:$0x1F590] =	vst v9;
	v9 =	vor.u32 v53, v19  }
0x208: {  	v35 =	vmul.f32 v32, v33;
	v33 =	vpop (erf);
	v12 =	vld.idx.msk [tilespmem:v27+s3+$0x0], $0xffff  }
0x209: {  	v34 =	vmul.f32 v33, v34;
	v11 =	vld.idx.msk [tilespmem:v24+s3+$0x0], $0xffff  }
0x20a: {  	v41 =	vld.idx.msk [tilespmem:v63+s3+$0x0], $0xffff  }
0x20b: {  	v60 =	vld.idx.msk [tilespmem:v16+s3+$0x0], $0xffff;
	v15 =	vmul.f32 v34, v15  }
0x20c: {  	s15 =	simm.s32 $0x18200;
	(erf) = vrcp.f32 v13;
	[tilespmem:$0x1F510] =	vst v9;
	v13 =	vld.idx.msk [tilespmem:v9+s3+$0x0], $0xffff  }
0x20d: {  	v9 =	vmul.f32 v62, v45;
	[tilespmem:s15+$0x0] =	vst.add.f32.msk $0xffff, v15  }
0x20e: {  	s14 =	simm.s32 $0x18290;
	v15 =	vld [tilespmem:$0x1F960]  }
0x20f: {  	[tilespmem:s14+$0x0] =	vst.add.f32.msk $0xffff, v9  }
0x210: {  	v9 =	vld [tilespmem:$0x1F5A0];
	_ =	sdelay $0x2  }
0x211: {  	[tilespmem:$0x1F5C0] =	vst v16;
	v16 =	vld [tilespmem:$0x1F7C0]  }
0x212: {  	[tilespmem:$0x1F5A0] =	vst v22;
	v22 =	vor.u32 v59, v19;
	v19 =	vld [tilespmem:$0x1F740];
	_ =	sdelay $0x2  }
0x213: {  	v15 =	vld.idx.msk [tilespmem:v15+s3+$0x0], $0xffff  }
0x214: {  	v38 =	vmul.f32 v35, v16;
	v16 =	vld.idx.msk [tilespmem:v9+s3+$0x0], $0xffff;
	v9 =	vpop (erf)  }
0x215: {  	v36 =	vmul.f32 v9, v36;
	_ =	sdelay $0x1  }
0x216: {  	[tilespmem:s15+$0x0] =	vst.add.f32.msk $0xffff, v38;
	v54 =	vmul.f32 v36, v50  }
0x217: {  	v19 =	vld.idx.msk [tilespmem:v19+s3+$0x0], $0xffff;
	v15 =	vmul.f32 v34, v15  }
0x218: {  	s17 =	simm.s32 $0x18210;
	[tilespmem:s15+$0x0] =	vst.add.f32.msk $0xffff, v54  }
0x219: {  	[tilespmem:s17+$0x0] =	vst.add.f32.msk $0xffff, v15  }
0x21a: {  	v15 =	vld [tilespmem:$0x1F970]  }
0x21b: {  	v38 =	vld.idx.msk [tilespmem:v23+s3+$0x0], $0xffff  }
0x21c: {  	v16 =	vmul.f32 v16, v45;
	v23 =	vld.idx.msk [tilespmem:v22+s3+$0x0], $0xffff  }
0x21d: {  	s24 =	simm.s32 $0x182A0;
	[tilespmem:$0x1F5D0] =	vst v22;
	v22 =	vld [tilespmem:$0x1F750]  }
0x21e: {  	v19 =	vmul.f32 v35, v19;
	[tilespmem:s24+$0x0] =	vst.add.f32.msk $0xffff, v16  }
0x21f: {  	[tilespmem:$0x1F370] =	vst v24;
	v16 =	vld [tilespmem:$0x1F5B0]  }
0x220: {  	v24 =	vlaneseq.u32;
	[tilespmem:s17+$0x0] =	vst.add.f32.msk $0xffff, v19  }
0x221: {  	v19 =	vor.u32 v24, v39;
	v24 =	vld [tilespmem:$0x1F980]  }
0x222: {  	v15 =	vld.idx.msk [tilespmem:v15+s3+$0x0], $0xffff;
	_ =	sdelay $0x1  }
0x223: {  	v38 =	vmul.f32 v36, v38;
	_ =	sdelay $0x1  }
0x224: {  	v62 =	vmov v37;
	[tilespmem:s17+$0x0] =	vst.add.f32.msk $0xffff, v38  }
0x225: {  	[tilespmem:$0x1F5B0] =	vst v62;
	v16 =	vld.idx.msk [tilespmem:v16+s3+$0x0], $0xffff;
	v62 =	vmul.f32 v34, v15  }
0x226: {  	s12 =	smov.u32 s11;
	s11 =	simm.s32 $0x18220;
	v50 =	vld.idx.msk [tilespmem:v22+s3+$0x0], $0xffff  }
0x227: {  	[tilespmem:s11+$0x0] =	vst.add.f32.msk $0xffff, v62  }
0x228: {  	v54 =	vmov v14;
	v14 =	vld.idx.msk [tilespmem:v24+s3+$0x0], $0xffff  }
0x229: {  	v38 =	vld.idx.msk [tilespmem:v20+s3+$0x0], $0xffff  }
0x22a: {  	v22 =	vld [tilespmem:$0x1F760];
	v16 =	vmul.f32 v16, v45  }
0x22b: {  	s5 =	simm.s32 $0x182B0;
	v20 =	vld.idx.msk [tilespmem:v19+s3+$0x0], $0xffff  }
0x22c: {  	[tilespmem:s5+$0x0] =	vst.add.f32.msk $0xffff, v16  }
0x22d: {  	v37 =	vmul.f32 v35, v50;
	v50 =	vmov v0;
	v16 =	vld [tilespmem:$0x1F540];
	v0 =	vmul.f32 v34, v14  }
0x22e: {  	s13 =	simm.s32 $0x18230  }
0x22f: {  	[tilespmem:s13+$0x0] =	vst.add.f32.msk $0xffff, v0  }
0x230: {  	v0 =	vld [tilespmem:$0x1F990]  }
0x231: {  	[tilespmem:s11+$0x0] =	vst.add.f32.msk $0xffff, v37  }
0x232: {  	v38 =	vmul.f32 v36, v38;
	v37 =	vld.idx.msk [tilespmem:v22+s3+$0x0], $0xffff  }
0x233: {  	[tilespmem:$0x1F540] =	vst v54;
	v54 =	vld [tilespmem:$0x1F770]  }
0x234: {  	v15 =	vor.u32 v49, v39;
	[tilespmem:s11+$0x0] =	vst.add.f32.msk $0xffff, v38  }
0x235: {  	v16 =	vld.idx.msk [tilespmem:v16+s3+$0x0], $0xffff  }
0x236: {  	v38 =	vld.idx.msk [tilespmem:v18+s3+$0x0], $0xffff  }
0x237: {  	v62 =	vmov v1;
	v1 =	vld [tilespmem:$0x1F780]  }
0x238: {  	v37 =	vmul.f32 v35, v37;
	v0 =	vld.idx.msk [tilespmem:v0+s3+$0x0], $0xffff  }
0x239: {  	v18 =	vld.idx.msk [tilespmem:v15+s3+$0x0], $0xffff  }
0x23a: {  	[tilespmem:s13+$0x0] =	vst.add.f32.msk $0xffff, v37;
	v16 =	vmul.f32 v16, v45  }
0x23b: {  	s16 =	simm.s32 $0x182C0;
	v14 =	vld.idx.msk [tilespmem:v54+s3+$0x0], $0xffff  }
0x23c: {  	[tilespmem:s16+$0x0] =	vst.add.f32.msk $0xffff, v16  }
0x23d: {  	v16 =	vld [tilespmem:$0x1F550];
	v0 =	vmul.f32 v34, v0;
	_ =	sdelay $0x1  }
0x23e: {  	[tilespmem:s18+$0x0] =	vst.add.f32.msk $0xffff, v0  }
0x23f: {  	v14 =	vmul.f32 v35, v14;
	v0 =	vld [tilespmem:$0x1F9A0];
	_ =	sdelay $0x1  }
0x240: {  	[tilespmem:s18+$0x0] =	vst.add.f32.msk $0xffff, v14  }
0x241: {  	v1 =	vld.idx.msk [tilespmem:v1+s3+$0x0], $0xffff  }
0x242: {  	v37 =	vor.u32 v48, v39  }
0x243: {  	v16 =	vld.idx.msk [tilespmem:v16+s3+$0x0], $0xffff;
	_ =	sdelay $0x2  }
0x244: {  	v1 =	vmul.f32 v35, v1;
	v0 =	vld.idx.msk [tilespmem:v0+s3+$0x0], $0xffff  }
0x245: {  	v48 =	vld.idx.msk [tilespmem:v37+s3+$0x0], $0xffff  }
0x246: {  	[tilespmem:s19+$0x0] =	vst.add.f32.msk $0xffff, v1;
	v16 =	vmul.f32 v16, v45  }
0x247: {  	s6 =	simm.s32 $0x182D0;
	v1 =	vld [tilespmem:$0x1F790]  }
0x248: {  	[tilespmem:s6+$0x0] =	vst.add.f32.msk $0xffff, v16  }
0x249: {  	v16 =	vld [tilespmem:$0x1F560];
	[tilespmem:$0x1F560] =	vst v62;
	v62 =	vmov v5;
	v5 =	vmul.f32 v34, v0;
	_ =	sdelay $0x1  }
0x24a: {  	[tilespmem:s19+$0x0] =	vst.add.f32.msk $0xffff, v5  }
0x24b: {  	v5 =	vld.idx.msk [tilespmem:v56+s3+$0x0], $0xffff  }
0x24c: {  	v38 =	vmul.f32 v36, v38  }
0x24d: {  	v22 =	vld [tilespmem:$0x1F6F0]  }
0x24e: {  	[tilespmem:s13+$0x0] =	vst.add.f32.msk $0xffff, v38  }
0x24f: {  	v38 =	vld.idx.msk [tilespmem:v40+s3+$0x0], $0xffff  }
0x250: {  	v1 =	vld.idx.msk [tilespmem:v1+s3+$0x0], $0xffff;
	v5 =	vmul.f32 v34, v5  }
0x251: {  	[tilespmem:$0x1F550] =	vst v50;
	v50 =	vor.u32 v61, v39;
	v16 =	vld.idx.msk [tilespmem:v16+s3+$0x0], $0xffff  }
0x252: {  	[tilespmem:s20+$0x0] =	vst.add.f32.msk $0xffff, v5  }
0x253: {  	v5 =	vld [tilespmem:$0x1F9B0]  }
0x254: {  	v54 =	vld [tilespmem:$0x1FB90]  }
0x255: {  	v40 =	vmul.f32 v36, v38;
	v38 =	vld [tilespmem:$0x1FBA0];
	v1 =	vmul.f32 v35, v1  }
0x256: {  	v24 =	vld.idx.msk [tilespmem:v50+s3+$0x0], $0xffff  }
0x257: {  	[tilespmem:s20+$0x0] =	vst.add.f32.msk $0xffff, v1;
	v16 =	vmul.f32 v16, v45  }
0x258: {  	s4 =	simm.s32 $0x182E0;
	v1 =	vld [tilespmem:$0x1F7A0]  }
0x259: {  	[tilespmem:s4+$0x0] =	vst.add.f32.msk $0xffff, v16  }
0x25a: {  	v16 =	vld [tilespmem:$0x1F570]  }
0x25b: {  	[tilespmem:$0x1F570] =	vst v62;
	v62 =	vld.idx.msk [tilespmem:v5+s3+$0x0], $0xffff  }
0x25c: {  	v5 =	vld [tilespmem:$0x1F6E0]  }
0x25d: {  	[tilespmem:s18+$0x0] =	vst.add.f32.msk $0xffff, v40  }
0x25e: {  	v14 =	vld.idx.msk [tilespmem:v54+s3+$0x0], $0xffff;
	_ =	sdelay $0x1  }
0x25f: {  	v1 =	vld.idx.msk [tilespmem:v1+s3+$0x0], $0xffff  }
0x260: {  	v5 =	vmul.f32 v22, v5;
	v22 =	vld [tilespmem:$0x1F730];
	_ =	sdelay $0x1  }
0x261: {  	v14 =	vmul.f32 v36, v14;
	_ =	sdelay $0x1  }
0x262: {  	[tilespmem:s19+$0x0] =	vst.add.f32.msk $0xffff, v14  }
0x263: {  	v40 =	vld.idx.msk [tilespmem:v38+s3+$0x0], $0xffff;
	v1 =	vmul.f32 v1, v35  }
0x264: {  	v0 =	vor.u32 v46, v39;
	v46 =	vld [tilespmem:$0x1F5E0]  }
0x265: {  	v56 =	vmov v19;
	[tilespmem:s21+$0x0] =	vst.add.f32.msk $0xffff, v1  }
0x266: {  	[tilespmem:$0x1F5E0] =	vst v56;
	v56 =	vld.idx.msk [tilespmem:v22+s3+$0x0], $0xffff  }
0x267: {  	v22 =	vld [tilespmem:$0x1FD50]  }
0x268: {  	v19 =	vmul.f32 v36, v40;
	_ =	sdelay $0x1  }
0x269: {  	[tilespmem:s20+$0x0] =	vst.add.f32.msk $0xffff, v19  }
0x26a: {  	v19 =	vld.idx.msk [tilespmem:v51+s3+$0x0], $0xffff  }
0x26b: {  	v42 =	vmul.f32 v42, v22;
	v22 =	vld [tilespmem:$0x1FD60];
	_ =	sdelay $0x4  }
0x26c: {  	v19 =	vmul.f32 v19, v36;
	v43 =	vmul.f32 v43, v22;
	v22 =	vld [tilespmem:$0x1FB70];
	_ =	sdelay $0x1  }
0x26d: {  	[tilespmem:s21+$0x0] =	vst.add.f32.msk $0xffff, v19  }
0x26e: {  	v19 =	vld [tilespmem:$0x1FE20];
	_ =	sdelay $0x1  }
0x26f: {  	v16 =	vld.idx.msk [tilespmem:v16+s3+$0x0], $0xffff;
	_ =	sdelay $0x2  }
0x270: {  	v19 =	vmul.f32 v44, v19;
	v44 =	vld.idx.msk [tilespmem:v22+s3+$0x0], $0xffff  }
0x271: {  	v22 =	vld [tilespmem:$0x1FE90]  }
0x272: {  	v40 =	vld [tilespmem:$0x1F5F0];
	v45 =	vmul.f32 v16, v45  }
0x273: {  	s8 =	simm.s32 $0x182F0;
	v16 =	vld.idx.msk [tilespmem:v0+s3+$0x0], $0xffff  }
0x274: {  	[tilespmem:s8+$0x0] =	vst.add.f32.msk $0xffff, v45  }
0x275: {  	v14 =	vor.u32 v53, v39;
	v54 =	vld.idx.msk [tilespmem:v46+s3+$0x0], $0xffff  }
0x276: {  	v6 =	vmul.f32 v6, v22;
	v22 =	vld [tilespmem:$0x1FE30];
	_ =	sdelay $0x3  }
0x277: {  	v51 =	vld.idx.msk [tilespmem:v14+s3+$0x0], $0xffff;
	v46 =	vmul.f32 v54, v5  }
0x278: {  	s7 =	simm.s32 $0x18300;
	v4 =	vmul.f32 v4, v22;
	v22 =	vld [tilespmem:$0x1FE80]  }
0x279: {  	[tilespmem:s7+$0x0] =	vst.add.f32.msk $0xffff, v46  }
0x27a: {  	v46 =	vld.idx.msk [tilespmem:v40+s3+$0x0], $0xffff  }
0x27b: {  	v1 =	vor.u32 v57, v39  }
0x27c: {  	v45 =	vmov v15;
	v15 =	vmul.f32 v62, v34  }
0x27d: {  	v7 =	vmul.f32 v7, v22;
	v22 =	vld [tilespmem:$0x1FE70]  }
0x27e: {  	[tilespmem:s21+$0x0] =	vst.add.f32.msk $0xffff, v15  }
0x27f: {  	v15 =	vld [tilespmem:$0x1FEA0];
	v46 =	vmul.f32 v46, v5  }
0x280: {  	s26 =	simm.s32 $0x18310;
	v53 =	vld.idx.msk [tilespmem:v1+s3+$0x0], $0xffff  }
0x281: {  	[tilespmem:s26+$0x0] =	vst.add.f32.msk $0xffff, v46  }
0x282: {  	v46 =	vmul.f32 v17, v22;
	v17 =	vld [tilespmem:$0x1FEB0];
	_ =	sdelay $0x3  }
0x283: {  	v15 =	vmul.f32 v2, v15;
	v2 =	vld [tilespmem:$0x1F950]  }
0x284: {  	v8 =	vmul.f32 v8, v17;
	v17 =	vld [tilespmem:$0x1F600];
	_ =	sdelay $0x6  }
0x285: {  	v2 =	vld.idx.msk [tilespmem:v2+s3+$0x0], $0xffff  }
0x286: {  	v54 =	vld.idx.msk [tilespmem:v17+s3+$0x0], $0xffff;
	v17 =	vmov v37  }
0x287: {  	[tilespmem:$0x1F600] =	vst v17;
	v17 =	vld [tilespmem:$0x1FDF0];
	_ =	sdelay $0x3  }
0x288: {  	v57 =	vmul.f32 v2, v34;
	v2 =	vld [tilespmem:$0x1FEE0]  }
0x289: {  	v10 =	vmul.f32 v10, v17;
	v17 =	vld [tilespmem:$0x1FE00];
	_ =	sdelay $0x1  }
0x28a: {  	v38 =	vmul.f32 v56, v35;
	_ =	sdelay $0x1  }
0x28b: {  	[tilespmem:s22+$0x0] =	vst.add.f32.msk $0xffff, v38  }
0x28c: {  	v38 =	vmul.f32 v31, v2;
	v2 =	vor.u32 v59, v39;
	v39 =	vmul.f32 v47, v17;
	v17 =	vld [tilespmem:$0x1F820];
	_ =	sdelay $0x7  }
0x28d: {  	[tilespmem:$0x1F5F0] =	vst v45;
	v45 =	vld.idx.msk [tilespmem:v17+s3+$0x0], $0xffff  }
0x28e: {  	v17 =	vld [tilespmem:$0x1FEF0];
	_ =	sdelay $0x4  }
0x28f: {  	v12 =	vmul.f32 v12, v17;
	v17 =	vld [tilespmem:$0x1FD00];
	_ =	sdelay $0x4  }
0x290: {  	v11 =	vmul.f32 v11, v17;
	v17 =	vld [tilespmem:$0x1FD10];
	_ =	sdelay $0x4  }
0x291: {  	v37 =	vmul.f32 v55, v17;
	v17 =	vld [tilespmem:$0x1FA50];
	_ =	sdelay $0x6  }
0x292: {  	[tilespmem:s22+$0x0] =	vst.add.f32.msk $0xffff, v57  }
0x293: {  	v47 =	vld.idx.msk [tilespmem:v17+s3+$0x0], $0xffff  }
0x294: {  	v17 =	vld [tilespmem:$0x1FED0];
	_ =	sdelay $0x4  }
0x295: {  	v55 =	vmul.f32 v41, v17;
	v17 =	vld [tilespmem:$0x1FD20];
	_ =	sdelay $0x4  }
0x296: {  	v13 =	vmul.f32 v13, v17;
	v17 =	vld [tilespmem:$0x1FD30];
	_ =	sdelay $0x1  }
0x297: {  	v44 =	vmul.f32 v44, v36;
	_ =	sdelay $0x1  }
0x298: {  	[tilespmem:s22+$0x0] =	vst.add.f32.msk $0xffff, v44  }
0x299: {  	v44 =	vmul.f32 v60, v17;
	v17 =	vld [tilespmem:$0x1FB80];
	_ =	sdelay $0x7  }
0x29a: {  	v60 =	vld.idx.msk [tilespmem:v17+s3+$0x0], $0xffff  }
0x29b: {  	v17 =	vld [tilespmem:$0x1FE60];
	_ =	sdelay $0x4  }
0x29c: {  	v23 =	vmul.f32 v23, v17;
	v17 =	vld [tilespmem:$0x1FD70];
	_ =	sdelay $0x4  }
0x29d: {  	v20 =	vmul.f32 v20, v17;
	v17 =	vld [tilespmem:$0x1FD80];
	_ =	sdelay $0x4  }
0x29e: {  	v18 =	vmul.f32 v18, v17;
	v17 =	vld [tilespmem:$0x1FD90];
	_ =	sdelay $0x4  }
0x29f: {  	v48 =	vmul.f32 v48, v17;
	v17 =	vld [tilespmem:$0x1FDA0];
	_ =	sdelay $0x4  }
0x2a0: {  	v24 =	vmul.f32 v24, v17;
	v17 =	vld [tilespmem:$0x1F610];
	_ =	sdelay $0x4  }
0x2a1: {  	v54 =	vmul.f32 v54, v5  }
0x2a2: {  	s28 =	simm.s32 $0x18320;
	v41 =	vld.idx.msk [tilespmem:v2+s3+$0x0], $0xffff  }
0x2a3: {  	[tilespmem:s28+$0x0] =	vst.add.f32.msk $0xffff, v54  }
0x2a4: {  	v54 =	vld.idx.msk [tilespmem:v17+s3+$0x0], $0xffff;
	v17 =	vmov v50  }
0x2a5: {  	[tilespmem:$0x1F610] =	vst v17;
	v17 =	vld [tilespmem:$0x1FDB0];
	_ =	sdelay $0x4  }
0x2a6: {  	v16 =	vmul.f32 v16, v17;
	v17 =	vld [tilespmem:$0x1FDC0];
	_ =	sdelay $0x1  }
0x2a7: {  	v45 =	vmul.f32 v45, v35;
	_ =	sdelay $0x1  }
0x2a8: {  	[tilespmem:s14+$0x0] =	vst.add.f32.msk $0xffff, v45  }
0x2a9: {  	v45 =	vmul.f32 v51, v17;
	v17 =	vld [tilespmem:$0x1FDD0];
	_ =	sdelay $0x4  }
0x2aa: {  	v50 =	vmul.f32 v53, v17;
	v17 =	vld [tilespmem:$0x1F850];
	_ =	sdelay $0x7  }
0x2ab: {  	v51 =	vld.idx.msk [tilespmem:v17+s3+$0x0], $0xffff  }
0x2ac: {  	v17 =	vld [tilespmem:$0x1FDE0];
	_ =	sdelay $0x4  }
0x2ad: {  	v41 =	vmul.f32 v41, v17;
	v17 =	vld [tilespmem:$0x1FA60];
	_ =	sdelay $0x2  }
0x2ae: {  	v62 =	vld [tilespmem:$0x1FD40];
	v47 =	vmul.f32 v47, v34  }
0x2af: {  	v57 =	vld [tilespmem:$0x1FE10];
	v60 =	vmul.f32 v60, v36  }
0x2b0: {  	[tilespmem:s14+$0x0] =	vst.add.f32.msk $0xffff, v47;
	v16 =	vadd.f32 v16, v20;
	v18 =	vadd.f32 v45, v18  }
0x2b1: {  	[tilespmem:s14+$0x0] =	vst.add.f32.msk $0xffff, v60  }
0x2b2: {  	v10 =	vadd.f32 v10, v16;
	v16 =	vadd.f32 v39, v18;
	v18 =	vld [tilespmem:$0x1F310]  }
0x2b3: {  	v12 =	vadd.f32 v13, v12;
	v11 =	vadd.f32 v44, v11;
	v44 =	vld.idx.msk [tilespmem:v17+s3+$0x0], $0xffff  }
0x2b4: {  	v17 =	vld [tilespmem:$0x1FE40]  }
0x2b5: {  	v3 =	vmul.f32 v3, v62;
	v7 =	vadd.f32 v7, v12;
	v60 =	vld [tilespmem:$0x1FEC0];
	_ =	sdelay $0x1  }
0x2b6: {  	v38 =	vadd.f32 v55, v38;
	v3 =	vadd.f32 v3, v7;
	v7 =	vld [tilespmem:$0x1F320]  }
0x2b7: {  	v23 =	vadd.f32 v23, v37;
	v20 =	vmul.f32 v21, v57;
	v21 =	vld [tilespmem:$0x1FC40]  }
0x2b8: {  	v6 =	vadd.f32 v6, v38;
	v53 =	vadd.f32 v50, v48;
	v18 =	vmul.f32 v18, v17;
	v48 =	vmovc v17;
	v17 =	vld [tilespmem:$0x1F620]  }
0x2b9: {  	v11 =	vadd.f32 v46, v11;
	v8 =	vadd.f32 v8, v23;
	v12 =	vmul.f32 v25, v60;
	v60 =	vld [tilespmem:$0x1FE50]  }
0x2ba: {  	v6 =	vadd.f32 v15, v6  }
0x2bb: {  	v11 =	vadd.f32 v42, v11;
	v8 =	vadd.f32 v43, v8  }
0x2bc: {  	v15 =	vld [tilespmem:$0x1F860];
	v56 =	vmul.f32 v54, v5;
	v24 =	vadd.f32 v41, v24  }
0x2bd: {  	v3 =	vadd.f32 v3, v6;
	s14 =	simm.s32 $0x18330;
	v6 =	vadd.f32 v8, v11;
	v8 =	vld [tilespmem:$0x1FC50]  }
0x2be: {  	v7 =	vmul.f32 v7, v60;
	[tilespmem:s14+$0x0] =	vst.add.f32.msk $0xffff, v56;
	v13 =	vadd.f32 v20, v53;
	v12 =	vadd.f32 v12, v24  }
0x2bf: {  	v10 =	vadd.f32 v19, v10;
	v55 =	vld.idx.msk [tilespmem:v21+s3+$0x0], $0xffff;
	v4 =	vadd.f32 v4, v16  }
0x2c0: {  	v7 =	vadd.f32 v7, v12;
	v25 =	vld.idx.msk [tilespmem:v17+s3+$0x0], $0xffff;
	v17 =	vmov v0;
	v0 =	vadd.f32 v18, v13;
	_ =	sdelay $0x1  }
0x2c1: {  	v16 =	vld [tilespmem:$0x1FA70];
	v4 =	vadd.f32 v4, v10;
	v0 =	vadd.f32 v7, v0  }
0x2c2: {  	v23 =	vmul.f32 v51, v35  }
0x2c3: {  	v0 =	vadd.f32 v0, v4;
	v4 =	vld [tilespmem:$0x1F630]  }
0x2c4: {  	[tilespmem:s24+$0x0] =	vst.add.f32.msk $0xffff, v23;
	v23 =	vmul.f32 v55, v36  }
0x2c5: {  	v15 =	vld.idx.msk [tilespmem:v15+s3+$0x0], $0xffff  }
0x2c6: {  	[tilespmem:s24+$0x0] =	vst.add.f32.msk $0xffff, v23;
	v20 =	vmul.f32 v44, v34  }
0x2c7: {  	v8 =	vld.idx.msk [tilespmem:v8+s3+$0x0], $0xffff  }
0x2c8: {  	v3 =	vadd.f32 v6, v3;
	[tilespmem:s24+$0x0] =	vst.add.f32.msk $0xffff, v20;
	v11 =	vmul.f32 v25, v5  }
0x2c9: {  	s24 =	simm.s32 $0x18340;
	v16 =	vld.idx.msk [tilespmem:v16+s3+$0x0], $0xffff  }
0x2ca: {  	v3 =	vmul.f32 $1.442695020e+00, v3;
	v6 =	vmul.f32 v15, v35;
	[tilespmem:s24+$0x0] =	vst.add.f32.msk $0xffff, v11  }
0x2cb: {  	v0 =	vmul.f32 $1.442695020e+00, v0;
	v4 =	vld.idx.msk [tilespmem:v4+s3+$0x0], $0xffff  }
0x2cc: {  	(erf) = vpow2.f32 v3;
	[tilespmem:s5+$0x0] =	vst.add.f32.msk $0xffff, v6;
	v3 =	vmul.f32 v8, v36  }
0x2cd: {  	(erf) = vpow2.f32 v0;
	v0 =	vld [tilespmem:$0x1F920]  }
0x2ce: {  	[tilespmem:s5+$0x0] =	vst.add.f32.msk $0xffff, v3;
	v7 =	vmov v14  }
0x2cf: {  	v6 =	vld [tilespmem:$0x1F720];
	[tilespmem:$0x1F630] =	vst v7;
	v7 =	vmul.f32 v16, v34  }
0x2d0: {  	v3 =	vld [tilespmem:$0x1FB20];
	v4 =	vmul.f32 v4, v5  }
0x2d1: {  	[tilespmem:s5+$0x0] =	vst.add.f32.msk $0xffff, v7;
	s5 =	simm.s32 $0x18350  }
0x2d2: {  	[tilespmem:s5+$0x0] =	vst.add.f32.msk $0xffff, v4  }
0x2d3: {  	v4 =	vld [tilespmem:$0x1F640];
	_ =	sdelay $0x1  }
0x2d4: {  	v0 =	vld.idx.msk [tilespmem:v0+s3+$0x0], $0xffff;
	_ =	sdelay $0x1  }
0x2d5: {  	v6 =	vld.idx.msk [tilespmem:v6+s3+$0x0], $0xffff;
	_ =	sdelay $0x1  }
0x2d6: {  	v3 =	vld.idx.msk [tilespmem:v3+s3+$0x0], $0xffff  }
0x2d7: {  	v0 =	vmul.f32 v0, v34  }
0x2d8: {  	v4 =	vld.idx.msk [tilespmem:v4+s3+$0x0], $0xffff  }
0x2d9: {  	v6 =	vmul.f32 v6, v35;
	[tilespmem:s16+$0x0] =	vst.add.f32.msk $0xffff, v0  }
0x2da: {  	v0 =	vld [tilespmem:$0x1F930]  }
0x2db: {  	[tilespmem:s16+$0x0] =	vst.add.f32.msk $0xffff, v6;
	v3 =	vmul.f32 v3, v36  }
0x2dc: {  	v7 =	vmov v1;
	v1 =	vld [tilespmem:$0x1F8A0]  }
0x2dd: {  	[tilespmem:s16+$0x0] =	vst.add.f32.msk $0xffff, v3;
	v4 =	vmul.f32 v4, v5  }
0x2de: {  	v3 =	vld [tilespmem:$0x1FB40];
	s16 =	simm.s32 $0x18360  }
0x2df: {  	[tilespmem:s16+$0x0] =	vst.add.f32.msk $0xffff, v4  }
0x2e0: {  	v4 =	vld [tilespmem:$0x1F650]  }
0x2e1: {  	v6 =	vpop (erf)  }
0x2e2: {  	[tilespmem:$0x1F640] =	vst v7;
	v7 =	vpop (erf);
	v0 =	vld.idx.msk [tilespmem:v0+s3+$0x0], $0xffff  }
0x2e3: {  	[tilespmem:$0x1F6E0] =	vst v7;
	v7 =	vadd.f32 v7, v6  }
0x2e4: {  	v1 =	vld.idx.msk [tilespmem:v1+s3+$0x0], $0xffff  }
0x2e5: {  	(xrf2) =	vadd.scan.msk.f32 $0xffff, v7  }
0x2e6: {  	v3 =	vld.idx.msk [tilespmem:v3+s3+$0x0], $0xffff  }
0x2e7: {  	v0 =	vmul.f32 v0, v34  }
0x2e8: {  	v4 =	vld.idx.msk [tilespmem:v4+s3+$0x0], $0xffff  }
0x2e9: {  	v1 =	vmul.f32 v1, v35;
	[tilespmem:s6+$0x0] =	vst.add.f32.msk $0xffff, v0  }
0x2ea: {  	v0 =	vld [tilespmem:$0x1F940]  }
0x2eb: {  	[tilespmem:s6+$0x0] =	vst.add.f32.msk $0xffff, v1;
	v7 =	vmov v2;
	v2 =	vmul.f32 v3, v36  }
0x2ec: {  	v1 =	vld [tilespmem:$0x1F8B0]  }
0x2ed: {  	[tilespmem:s6+$0x0] =	vst.add.f32.msk $0xffff, v2;
	v3 =	vmul.f32 v4, v5  }
0x2ee: {  	v2 =	vld [tilespmem:$0x1FB50];
	s6 =	simm.s32 $0x18370  }
0x2ef: {  	v4, _, _ =	vpop (xrf2);
	[tilespmem:s6+$0x0] =	vst.add.f32.msk $0xffff, v3  }
0x2f0: {  	v3 =	vbroadcast v4, $0xF;
	v4 =	vld [tilespmem:$0x1F660];
	_ =	sdelay $0x1  }
0x2f1: {  	v0 =	vld.idx.msk [tilespmem:v0+s3+$0x0], $0xffff;
	_ =	sdelay $0x1  }
0x2f2: {  	v1 =	vld.idx.msk [tilespmem:v1+s3+$0x0], $0xffff;
	_ =	sdelay $0x1  }
0x2f3: {  	v2 =	vld.idx.msk [tilespmem:v2+s3+$0x0], $0xffff  }
0x2f4: {  	v0 =	vmul.f32 v0, v34  }
0x2f5: {  	v4 =	vld.idx.msk [tilespmem:v4+s3+$0x0], $0xffff  }
0x2f6: {  	v1 =	vmul.f32 v1, v35;
	[tilespmem:s4+$0x0] =	vst.add.f32.msk $0xffff, v0  }
0x2f7: {  	v0 =	vld [tilespmem:$0x1FAA0]  }
0x2f8: {  	[tilespmem:s4+$0x0] =	vst.add.f32.msk $0xffff, v1;
	v2 =	vmul.f32 v2, v36  }
0x2f9: {  	v1 =	vld [tilespmem:$0x1F8D0]  }
0x2fa: {  	[tilespmem:s4+$0x0] =	vst.add.f32.msk $0xffff, v2;
	(erf) = vrcp.f32 v3;
	v3 =	vmul.f32 v4, v5  }
0x2fb: {  	v2 =	vld [tilespmem:$0x1FC90];
	s4 =	simm.s32 $0x18380  }
0x2fc: {  	[tilespmem:s4+$0x0] =	vst.add.f32.msk $0xffff, v3  }
0x2fd: {  	v3 =	vld [tilespmem:$0x1F670];
	_ =	sdelay $0x1  }
0x2fe: {  	v0 =	vld.idx.msk [tilespmem:v0+s3+$0x0], $0xffff;
	_ =	sdelay $0x2  }
0x2ff: {  	v40 =	vmov v49;
	v49 =	vld [tilespmem:$0x1FF50];
	[tilespmem:$0x1F620] =	vst v17  }
0x300: {  	[tilespmem:$0x1F650] =	vst v7;
	v7 =	vmov v30;
	v1 =	vld.idx.msk [tilespmem:v1+s3+$0x0], $0xffff  }
0x301: {  	[tilespmem:$0x1F660] =	vst v7;
	v2 =	vld.idx.msk [tilespmem:v2+s3+$0x0], $0xffff;
	v0 =	vmul.f32 v0, v34  }
0x302: {  	v3 =	vld.idx.msk [tilespmem:v3+s3+$0x0], $0xffff  }
0x303: {  	[tilespmem:s8+$0x0] =	vst.add.f32.msk $0xffff, v0  }
0x304: {  	v0 =	vld [tilespmem:$0x1F9C0]  }
0x305: {  	v1 =	vmul.f32 v1, v35;
	_ =	sdelay $0x1  }
0x306: {  	v2 =	vmul.f32 v2, v36;
	[tilespmem:s8+$0x0] =	vst.add.f32.msk $0xffff, v1  }
0x307: {  	v1 =	vld [tilespmem:$0x1F7B0]  }
0x308: {  	v7 =	vmov v29;
	[tilespmem:s8+$0x0] =	vst.add.f32.msk $0xffff, v2  }
0x309: {  	[tilespmem:$0x1F670] =	vst v7;
	v4 =	vpop (erf);
	v7 =	vmul.f32 v3, v5;
	v3 =	vld [tilespmem:$0x1F340]  }
0x30a: {  	v47 =	vmul.f32 v4, v6;
	v6 =	vld [tilespmem:$0x1F330]  }
0x30b: {  	v0 =	vld.idx.msk [tilespmem:v0+s3+$0x0], $0xffff  }
0x30c: {  	[tilespmem:$0x1F6F0] =	vst v4;
	v4 =	vmul.f32 v47, v31  }
0x30d: {  	v2 =	vld [tilespmem:$0x1FBB0]  }
0x30e: {  	[tilespmem:s15+$0x0] =	vst.add.f32.msk $0xffff, v4;
	v3 =	vmul.f32 v33, v3  }
0x30f: {  	v4 =	vld [tilespmem:$0x1F680];
	v8 =	vmul.f32 v32, v6;
	v6 =	vmov v28  }
0x310: {  	[tilespmem:$0x1F680] =	vst v6;
	v6 =	vld [tilespmem:$0x1F350];
	v0 =	vmul.f32 v0, v3  }
0x311: {  	v1 =	vld.idx.msk [tilespmem:v1+s3+$0x0], $0xffff  }
0x312: {  	[tilespmem:s7+$0x0] =	vst.add.f32.msk $0xffff, v0  }
0x313: {  	v0 =	vld [tilespmem:$0x1F9D0];
	_ =	sdelay $0x1  }
0x314: {  	s8 =	simm.s32 $0x18390;
	v2 =	vld.idx.msk [tilespmem:v2+s3+$0x0], $0xffff  }
0x315: {  	[tilespmem:s8+$0x0] =	vst.add.f32.msk $0xffff, v7;
	v1 =	vmul.f32 v1, v8  }
0x316: {  	v4 =	vld.idx.msk [tilespmem:v4+s3+$0x0], $0xffff  }
0x317: {  	v10 =	vmul.f32 v9, v6;
	[tilespmem:s7+$0x0] =	vst.add.f32.msk $0xffff, v1  }
0x318: {  	v1 =	vld [tilespmem:$0x1F7D0]  }
0x319: {  	v6 =	vld.idx.msk [tilespmem:v27+s3+$0x0], $0xffff;
	v2 =	vmul.f32 v2, v10  }
0x31a: {  	v0 =	vld.idx.msk [tilespmem:v0+s3+$0x0], $0xffff  }
0x31b: {  	[tilespmem:s7+$0x0] =	vst.add.f32.msk $0xffff, v2;
	v4 =	vmul.f32 v4, v5  }
0x31c: {  	v2 =	vld [tilespmem:$0x1FBC0];
	s7 =	simm.s32 $0x183A0  }
0x31d: {  	[tilespmem:s7+$0x0] =	vst.add.f32.msk $0xffff, v4  }
0x31e: {  	v4 =	vld [tilespmem:$0x1F690]  }
0x31f: {  	v0 =	vmul.f32 v0, v3  }
0x320: {  	v1 =	vld.idx.msk [tilespmem:v1+s3+$0x0], $0xffff  }
0x321: {  	[tilespmem:s26+$0x0] =	vst.add.f32.msk $0xffff, v0  }
0x322: {  	v0 =	vld [tilespmem:$0x1FA10];
	_ =	sdelay $0x1  }
0x323: {  	v7 =	vmov v26;
	v2 =	vld.idx.msk [tilespmem:v2+s3+$0x0], $0xffff  }
0x324: {  	[tilespmem:$0x1F690] =	vst v7;
	v7 =	vld [tilespmem:$0x1F360];
	v1 =	vmul.f32 v1, v8  }
0x325: {  	v4 =	vld.idx.msk [tilespmem:v4+s3+$0x0], $0xffff  }
0x326: {  	v6 =	vmul.f32 v47, v6;
	[tilespmem:s26+$0x0] =	vst.add.f32.msk $0xffff, v1  }
0x327: {  	v1 =	vld [tilespmem:$0x1F7E0]  }
0x328: {  	[tilespmem:s17+$0x0] =	vst.add.f32.msk $0xffff, v6;
	v2 =	vmul.f32 v2, v10  }
0x329: {  	v0 =	vld.idx.msk [tilespmem:v0+s3+$0x0], $0xffff  }
0x32a: {  	[tilespmem:s26+$0x0] =	vst.add.f32.msk $0xffff, v2;
	v4 =	vmul.f32 v4, v5  }
0x32b: {  	v2 =	vld [tilespmem:$0x1FC00];
	s26 =	simm.s32 $0x183B0  }
0x32c: {  	[tilespmem:s26+$0x0] =	vst.add.f32.msk $0xffff, v4  }
0x32d: {  	v6 =	vmov v7;
	v4 =	vld [tilespmem:$0x1F6A0]  }
0x32e: {  	[tilespmem:$0x1F6A0] =	vst v6;
	v6 =	vld [tilespmem:$0x1F370];
	v0 =	vmul.f32 v0, v3  }
0x32f: {  	v1 =	vld.idx.msk [tilespmem:v1+s3+$0x0], $0xffff  }
0x330: {  	[tilespmem:s28+$0x0] =	vst.add.f32.msk $0xffff, v0  }
0x331: {  	v0 =	vld [tilespmem:$0x1FA20];
	_ =	sdelay $0x1  }
0x332: {  	v2 =	vld.idx.msk [tilespmem:v2+s3+$0x0], $0xffff  }
0x333: {  	v1 =	vmul.f32 v1, v8  }
0x334: {  	v4 =	vld.idx.msk [tilespmem:v4+s3+$0x0], $0xffff  }
0x335: {  	[tilespmem:s28+$0x0] =	vst.add.f32.msk $0xffff, v1  }
0x336: {  	v1 =	vld [tilespmem:$0x1F830]  }
0x337: {  	v6 =	vld.idx.msk [tilespmem:v6+s3+$0x0], $0xffff;
	v2 =	vmul.f32 v2, v10  }
0x338: {  	v0 =	vld.idx.msk [tilespmem:v0+s3+$0x0], $0xffff  }
0x339: {  	[tilespmem:s28+$0x0] =	vst.add.f32.msk $0xffff, v2;
	v4 =	vmul.f32 v4, v5  }
0x33a: {  	s17 =	simm.s32 $0x183C0;
	v2 =	vld [tilespmem:$0x1FC10]  }
0x33b: {  	[tilespmem:s17+$0x0] =	vst.add.f32.msk $0xffff, v4  }
0x33c: {  	v4 =	vld [tilespmem:$0x1F6B0]  }
0x33d: {  	v9 =	vld [tilespmem:$0x1F380];
	v0 =	vmul.f32 v0, v3  }
0x33e: {  	v1 =	vld.idx.msk [tilespmem:v1+s3+$0x0], $0xffff  }
0x33f: {  	[tilespmem:s14+$0x0] =	vst.add.f32.msk $0xffff, v0  }
0x340: {  	v0 =	vld [tilespmem:$0x1F9E0];
	_ =	sdelay $0x1  }
0x341: {  	v7 =	vmov v9;
	v2 =	vld.idx.msk [tilespmem:v2+s3+$0x0], $0xffff  }
0x342: {  	[tilespmem:$0x1F6B0] =	vst v7;
	v7 =	vld [tilespmem:$0x1F390];
	v1 =	vmul.f32 v1, v8  }
0x343: {  	v4 =	vld.idx.msk [tilespmem:v4+s3+$0x0], $0xffff  }
0x344: {  	v6 =	vmul.f32 v47, v6;
	[tilespmem:s14+$0x0] =	vst.add.f32.msk $0xffff, v1  }
0x345: {  	v1 =	vld [tilespmem:$0x1F7F0]  }
0x346: {  	[tilespmem:s11+$0x0] =	vst.add.f32.msk $0xffff, v6;
	v2 =	vmul.f32 v2, v10  }
0x347: {  	v0 =	vld.idx.msk [tilespmem:v0+s3+$0x0], $0xffff  }
0x348: {  	[tilespmem:s14+$0x0] =	vst.add.f32.msk $0xffff, v2;
	v4 =	vmul.f32 v4, v5  }
0x349: {  	s15 =	simm.s32 $0x183D0;
	v2 =	vld [tilespmem:$0x1FBD0]  }
0x34a: {  	[tilespmem:s15+$0x0] =	vst.add.f32.msk $0xffff, v4  }
0x34b: {  	v4 =	vld [tilespmem:$0x1F6C0]  }
0x34c: {  	v0 =	vmul.f32 v0, v3  }
0x34d: {  	v1 =	vld.idx.msk [tilespmem:v1+s3+$0x0], $0xffff  }
0x34e: {  	[tilespmem:s24+$0x0] =	vst.add.f32.msk $0xffff, v0  }
0x34f: {  	v6 =	vmov v7;
	v0 =	vld [tilespmem:$0x1FA00]  }
0x350: {  	[tilespmem:$0x1F6C0] =	vst v6;
	v6 =	vld [tilespmem:$0x1F3A0];
	_ =	sdelay $0x1  }
0x351: {  	v2 =	vld.idx.msk [tilespmem:v2+s3+$0x0], $0xffff;
	v1 =	vmul.f32 v1, v8  }
0x352: {  	v4 =	vld.idx.msk [tilespmem:v4+s3+$0x0], $0xffff  }
0x353: {  	[tilespmem:s24+$0x0] =	vst.add.f32.msk $0xffff, v1  }
0x354: {  	v1 =	vld [tilespmem:$0x1F800];
	_ =	sdelay $0x1  }
0x355: {  	v2 =	vmul.f32 v2, v10;
	v0 =	vld.idx.msk [tilespmem:v0+s3+$0x0], $0xffff  }
0x356: {  	v6 =	vld.idx.msk [tilespmem:v6+s3+$0x0], $0xffff  }
0x357: {  	[tilespmem:s24+$0x0] =	vst.add.f32.msk $0xffff, v2;
	v4 =	vmul.f32 v4, v5  }
0x358: {  	v2 =	vld [tilespmem:$0x1FBF0];
	s24 =	simm.s32 $0x183E0  }
0x359: {  	[tilespmem:s24+$0x0] =	vst.add.f32.msk $0xffff, v4  }
0x35a: {  	v4 =	vld [tilespmem:$0x1F6D0];
	v0 =	vmul.f32 v0, v3  }
0x35b: {  	v1 =	vld.idx.msk [tilespmem:v1+s3+$0x0], $0xffff  }
0x35c: {  	[tilespmem:s5+$0x0] =	vst.add.f32.msk $0xffff, v0  }
0x35d: {  	v0 =	vld [tilespmem:$0x1FA30];
	_ =	sdelay $0x1  }
0x35e: {  	v9 =	vld [tilespmem:$0x1F3B0]  }
0x35f: {  	v2 =	vld.idx.msk [tilespmem:v2+s3+$0x0], $0xffff;
	_ =	sdelay $0x1  }
0x360: {  	v1 =	vmul.f32 v1, v8  }
0x361: {  	v4 =	vld.idx.msk [tilespmem:v4+s3+$0x0], $0xffff  }
0x362: {  	v7 =	vmov v9;
	[tilespmem:s5+$0x0] =	vst.add.f32.msk $0xffff, v1  }
0x363: {  	[tilespmem:$0x1F6D0] =	vst v7;
	v2 =	vmul.f32 v2, v10;
	v7 =	vld.idx.msk [tilespmem:v0+s3+$0x0], $0xffff  }
0x364: {  	v1 =	vld [tilespmem:$0x1F810];
	v0 =	vmul.f32 v47, v6  }
0x365: {  	[tilespmem:s5+$0x0] =	vst.add.f32.msk $0xffff, v2  }
0x366: {  	v4 =	vmul.f32 v4, v5;
	[tilespmem:s13+$0x0] =	vst.add.f32.msk $0xffff, v0  }
0x367: {  	s14 =	simm.s32 $0x183F0;
	v0 =	vld.idx.msk [tilespmem:v63+s3+$0x0], $0xffff  }
0x368: {  	[tilespmem:s14+$0x0] =	vst.add.f32.msk $0xffff, v4;
	v4 =	vmul.f32 v7, v3  }
0x369: {  	v2 =	vld [tilespmem:$0x1FC20]  }
0x36a: {  	[tilespmem:s16+$0x0] =	vst.add.f32.msk $0xffff, v4  }
0x36b: {  	v4 =	vld [tilespmem:$0x1FA40];
	_ =	sdelay $0x2  }
0x36c: {  	v1 =	vld.idx.msk [tilespmem:v1+s3+$0x0], $0xffff;
	_ =	sdelay $0x2  }
0x36d: {  	v2 =	vld.idx.msk [tilespmem:v2+s3+$0x0], $0xffff;
	_ =	sdelay $0x1  }
0x36e: {  	v1 =	vmul.f32 v1, v8;
	v7 =	vld.idx.msk [tilespmem:v4+s3+$0x0], $0xffff;
	_ =	sdelay $0x1  }
0x36f: {  	s1 =	sadd.s32 $0x80, s1;
	[tilespmem:s16+$0x0] =	vst.add.f32.msk $0xffff, v1  }
0x370: {  	s5 =	sadd.s32 s1, s29;
	v2 =	vmul.f32 v2, v10;
	v1 =	vld [tilespmem:$0x1F840]  }
0x371: {  	v55 =	vld [tilespmem:$0x1FF30];
	v5 =	vmov s5  }
0x372: {  	v5 =	vshll.u32 v5, $0x4;
	[tilespmem:s16+$0x0] =	vst.add.f32.msk $0xffff, v2;
	v7 =	vmul.f32 v7, v3  }
0x373: {  	v6 =	vor.u32 v52, v5;
	v2 =	vld [tilespmem:$0x1FC30]  }
0x374: {  	v5 =	vor.u32 v49, v6;
	[tilespmem:s6+$0x0] =	vst.add.f32.msk $0xffff, v7  }
0x375: {  	v11 =	vor.u32 v58, v6;
	v7 =	vld [tilespmem:$0x1FA80]  }
0x376: {  	v50 =	vld [tilespmem:$0x1FF40];
	v29 =	vor.u32 v55, v6  }
0x377: {  	v56 =	vld [tilespmem:$0x1FF80]  }
0x378: {  	v1 =	vld.idx.msk [tilespmem:v1+s3+$0x0], $0xffff  }
0x379: {  	v38 =	vld.idx.msk [tilespmem:v5+s3+$0x0], $0xffff  }
0x37a: {  	v37 =	vld.idx.msk [tilespmem:v11+s3+$0x0], $0xffff  }
0x37b: {  	v36 =	vld.idx.msk [tilespmem:v29+s3+$0x0], $0xffff  }
0x37c: {  	s31 =	sadd.s32 $0x80, s31;
	v9 =	vld.idx.msk [tilespmem:v2+s3+$0x0], $0xffff  }
0x37d: {  	s16 =	sadd.s32 s31, s29;
	v1 =	vmul.f32 v1, v8;
	v32 =	vld.idx.msk [tilespmem:v7+s3+$0x0], $0xffff  }
0x37e: {  	[tilespmem:$0x1F8A0] =	vst v11;
	v11 =	vmov s16;
	v7 =	vld [tilespmem:$0x1FC60]  }
0x37f: {  	v11 =	vshll.u32 v11, $0x4;
	[tilespmem:s6+$0x0] =	vst.add.f32.msk $0xffff, v1  }
0x380: {  	v1 =	vor.u32 v52, v11;
	v11 =	vld [tilespmem:$0x1F870]  }
0x381: {  	v34 =	vld [tilespmem:$0x1FA90]  }
0x382: {  	v51 =	vld [tilespmem:$0x1FF20]  }
0x383: {  	v53 =	vld [tilespmem:$0x1FFD0];
	v9 =	vmul.f32 v9, v10  }
0x384: {  	v54 =	vld [tilespmem:$0x1FFC0]  }
0x385: {  	v23 =	vor.u32 v49, v1;
	[tilespmem:s6+$0x0] =	vst.add.f32.msk $0xffff, v9  }
0x386: {  	v25 =	vor.u32 v58, v1;
	v9 =	vld.idx.msk [tilespmem:v7+s3+$0x0], $0xffff  }
0x387: {  	v33 =	vld [tilespmem:$0x1F880];
	v30 =	vor.u32 v50, v6  }
0x388: {  	v31 =	vld.idx.msk [tilespmem:v11+s3+$0x0], $0xffff  }
0x389: {  	v39 =	vld [tilespmem:$0x1FAC0]  }
0x38a: {  	v45 =	vld.idx.msk [tilespmem:v23+s3+$0x0], $0xffff  }
0x38b: {  	v42 =	vld.idx.msk [tilespmem:v25+s3+$0x0], $0xffff;
	v9 =	vmul.f32 v9, v10  }
0x38c: {  	v11 =	vld.idx.msk [tilespmem:v30+s3+$0x0], $0xffff  }
0x38d: {  	v13 =	vmul.f32 v31, v8;
	[tilespmem:s4+$0x0] =	vst.add.f32.msk $0xffff, v9  }
0x38e: {  	v26 =	vor.u32 v55, v1;
	v9 =	vld [tilespmem:$0x1FC70]  }
0x38f: {  	v21 =	vor.u32 v50, v1;
	v14 =	vmul.f32 v32, v3;
	[tilespmem:s4+$0x0] =	vst.add.f32.msk $0xffff, v13  }
0x390: {  	v18 =	vor.u32 v56, v6;
	v13 =	vld.idx.msk [tilespmem:v33+s3+$0x0], $0xffff  }
0x391: {  	[tilespmem:s4+$0x0] =	vst.add.f32.msk $0xffff, v14  }
0x392: {  	v16 =	vld.idx.msk [tilespmem:v34+s3+$0x0], $0xffff  }
0x393: {  	v15 =	vld.idx.msk [tilespmem:v26+s3+$0x0], $0xffff  }
0x394: {  	v14 =	vld.idx.msk [tilespmem:v21+s3+$0x0], $0xffff  }
0x395: {  	v17 =	vmul.f32 v13, v8;
	v13 =	vld.idx.msk [tilespmem:v18+s3+$0x0], $0xffff  }
0x396: {  	v9 =	vld.idx.msk [tilespmem:v9+s3+$0x0], $0xffff  }
0x397: {  	[tilespmem:s8+$0x0] =	vst.add.f32.msk $0xffff, v17  }
0x398: {  	v16 =	vmul.f32 v16, v3;
	v17 =	vld [tilespmem:$0x1F890]  }
0x399: {  	v43 =	vld [tilespmem:$0x1F8E0]  }
0x39a: {  	[tilespmem:s8+$0x0] =	vst.add.f32.msk $0xffff, v16  }
0x39b: {  	[tilespmem:$0x1F720] =	vst v5;
	v16 =	vld [tilespmem:$0x1FAB0];
	v9 =	vmul.f32 v9, v10  }
0x39c: {  	[tilespmem:$0x1F730] =	vst v18;
	v5 =	vld [tilespmem:$0x1F3E0]  }
0x39d: {  	v0 =	vmul.f32 v47, v0;
	v18 =	vor.u32 v51, v6;
	[tilespmem:s8+$0x0] =	vst.add.f32.msk $0xffff, v9  }
0x39e: {  	v9 =	vld [tilespmem:$0x1FC80]  }
0x39f: {  	v20 =	vor.u32 v53, v6;
	[tilespmem:$0x1F500] =	vst v0;
	v0 =	vld [tilespmem:$0x1F400]  }
0x3a0: {  	v22 =	vor.u32 v54, v6;
	v17 =	vld.idx.msk [tilespmem:v17+s3+$0x0], $0xffff  }
0x3a1: {  	v2 =	vld [tilespmem:$0x1F3C0]  }
0x3a2: {  	[tilespmem:$0x1F820] =	vst v18;
	v18 =	vld.idx.msk [tilespmem:v18+s3+$0x0], $0xffff  }
0x3a3: {  	v19 =	vld.idx.msk [tilespmem:v16+s3+$0x0], $0xffff  }
0x3a4: {  	v16 =	vld.idx.msk [tilespmem:v20+s3+$0x0], $0xffff  }
0x3a5: {  	[tilespmem:$0x1F850] =	vst v20;
	v20 =	vmul.f32 v17, v8;
	v17 =	vld.idx.msk [tilespmem:v22+s3+$0x0], $0xffff  }
0x3a6: {  	[tilespmem:$0x1F860] =	vst v22;
	v9 =	vld.idx.msk [tilespmem:v9+s3+$0x0], $0xffff  }
0x3a7: {  	v22 =	vor.u32 v56, v1;
	[tilespmem:s7+$0x0] =	vst.add.f32.msk $0xffff, v20  }
0x3a8: {  	v19 =	vmul.f32 v19, v3;
	v20 =	vld [tilespmem:$0x1F8C0]  }
0x3a9: {  	v44 =	vmov v23;
	v23 =	vld [tilespmem:$0x1FAD0]  }
0x3aa: {  	[tilespmem:s7+$0x0] =	vst.add.f32.msk $0xffff, v19  }
0x3ab: {  	v27 =	vld.idx.msk [tilespmem:v39+s3+$0x0], $0xffff;
	v9 =	vmul.f32 v9, v10  }
0x3ac: {  	[tilespmem:$0x1F870] =	vst v22;
	v19 =	vor.u32 v53, v1;
	v22 =	vld.idx.msk [tilespmem:v22+s3+$0x0], $0xffff  }
0x3ad: {  	[tilespmem:s7+$0x0] =	vst.add.f32.msk $0xffff, v9  }
0x3ae: {  	v9 =	vld.idx.msk [tilespmem:v2+s3+$0x0], $0xffff  }
0x3af: {  	v2 =	vld [tilespmem:$0x1F3D0]  }
0x3b0: {  	v35 =	vld.idx.msk [tilespmem:v20+s3+$0x0], $0xffff;
	v20 =	vor.u32 v51, v1  }
0x3b1: {  	v46 =	vld.idx.msk [tilespmem:v19+s3+$0x0], $0xffff;
	v27 =	vmul.f32 v27, v3  }
0x3b2: {  	[tilespmem:$0x1F890] =	vst v19;
	v19 =	vld [tilespmem:$0x1FF70]  }
0x3b3: {  	[tilespmem:s26+$0x0] =	vst.add.f32.msk $0xffff, v27  }
0x3b4: {  	v27 =	vld.idx.msk [tilespmem:v23+s3+$0x0], $0xffff;
	v9 =	vmul.f32 v9, v10  }
0x3b5: {  	[tilespmem:$0x1F880] =	vst v20;
	v20 =	vld.idx.msk [tilespmem:v20+s3+$0x0], $0xffff  }
0x3b6: {  	v41 =	vor.u32 v54, v1;
	v7 =	vlaneseq.u32;
	[tilespmem:s26+$0x0] =	vst.add.f32.msk $0xffff, v9  }
0x3b7: {  	v63 =	vor.u32 v7, v6;
	v24 =	vmul.f32 v35, v8;
	v9 =	vld.idx.msk [tilespmem:v2+s3+$0x0], $0xffff  }
0x3b8: {  	v35 =	vld [tilespmem:$0x1F8F0]  }
0x3b9: {  	[tilespmem:s26+$0x0] =	vst.add.f32.msk $0xffff, v24  }
0x3ba: {  	v24 =	vld.idx.msk [tilespmem:v43+s3+$0x0], $0xffff  }
0x3bb: {  	v23 =	vld.idx.msk [tilespmem:v41+s3+$0x0], $0xffff  }
0x3bc: {  	v43 =	vld.idx.msk [tilespmem:v63+s3+$0x0], $0xffff;
	v9 =	vmul.f32 v9, v10  }
0x3bd: {  	v12 =	vor.u32 v40, v6;
	v4 =	vmov v61;
	[tilespmem:$0x1F8C0] =	vst v41;
	v41 =	vor.u32 v61, v6;
	v61 =	vld [tilespmem:$0x1FAE0]  }
0x3be: {  	[tilespmem:s17+$0x0] =	vst.add.f32.msk $0xffff, v9  }
0x3bf: {  	v27 =	vmul.f32 v27, v3;
	v9 =	vld.idx.msk [tilespmem:v5+s3+$0x0], $0xffff  }
0x3c0: {  	v5 =	vld [tilespmem:$0x1F3F0]  }
0x3c1: {  	[tilespmem:s17+$0x0] =	vst.add.f32.msk $0xffff, v27  }
0x3c2: {  	v33 =	vmul.f32 v24, v8;
	v24 =	vld.idx.msk [tilespmem:v12+s3+$0x0], $0xffff  }
0x3c3: {  	[tilespmem:$0x1F740] =	vst v12;
	v12 =	vld [tilespmem:$0x1FF90]  }
0x3c4: {  	v2 =	vld [tilespmem:$0x1FFF0]  }
0x3c5: {  	v39 =	vmov v25;
	v25 =	vld.idx.msk [tilespmem:v61+s3+$0x0], $0xffff;
	v9 =	vmul.f32 v9, v10  }
0x3c6: {  	v61 =	vld [tilespmem:$0x1FFB0]  }
0x3c7: {  	[tilespmem:s15+$0x0] =	vst.add.f32.msk $0xffff, v9  }
0x3c8: {  	v9 =	vld.idx.msk [tilespmem:v5+s3+$0x0], $0xffff  }
0x3c9: {  	[tilespmem:s17+$0x0] =	vst.add.f32.msk $0xffff, v33  }
0x3ca: {  	[tilespmem:$0x1F8F0] =	vst v39;
	v39 =	vor.u32 v59, v6;
	v28 =	vld.idx.msk [tilespmem:v35+s3+$0x0], $0xffff;
	v35 =	vor.u32 v19, v6  }
0x3cb: {  	[tilespmem:$0x1F8E0] =	vst v44;
	v44 =	vor.u32 v12, v6;
	v34 =	vor.u32 v2, v6;
	v63 =	vor.u32 v61, v6;
	v6 =	vld [tilespmem:$0x1FAF0]  }
0x3cc: {  	v33 =	vld [tilespmem:$0x1F900]  }
0x3cd: {  	[tilespmem:$0x1F8B0] =	vst v29;
	v29 =	vld.idx.msk [tilespmem:v41+s3+$0x0], $0xffff;
	v9 =	vmul.f32 v9, v10  }
0x3ce: {  	[tilespmem:$0x1F760] =	vst v41;
	v41 =	vld [tilespmem:$0x1F910]  }
0x3cf: {  	v25 =	vmul.f32 v25, v3;
	[tilespmem:s24+$0x0] =	vst.add.f32.msk $0xffff, v9  }
0x3d0: {  	v9 =	vld.idx.msk [tilespmem:v0+s3+$0x0], $0xffff;
	v0 =	vmul.f32 v37, v62  }
0x3d1: {  	[tilespmem:s15+$0x0] =	vst.add.f32.msk $0xffff, v25  }
0x3d2: {  	[tilespmem:$0x1F420] =	vst v0;
	v0 =	vld [tilespmem:$0x1FD50]  }
0x3d3: {  	v6 =	vld.idx.msk [tilespmem:v6+s3+$0x0], $0xffff  }
0x3d4: {  	[tilespmem:$0x1F8D0] =	vst v30;
	v28 =	vmul.f32 v28, v8;
	v30 =	vld.idx.msk [tilespmem:v44+s3+$0x0], $0xffff  }
0x3d5: {  	v27 =	vld.idx.msk [tilespmem:v34+s3+$0x0], $0xffff  }
0x3d6: {  	[tilespmem:s15+$0x0] =	vst.add.f32.msk $0xffff, v28  }
0x3d7: {  	v28 =	vld.idx.msk [tilespmem:v33+s3+$0x0], $0xffff;
	v0 =	vmul.f32 v36, v0  }
0x3d8: {  	v25 =	vld.idx.msk [tilespmem:v63+s3+$0x0], $0xffff;
	v6 =	vmul.f32 v6, v3  }
0x3d9: {  	[tilespmem:$0x1F430] =	vst v0;
	v0 =	vld [tilespmem:$0x1FD60]  }
0x3da: {  	[tilespmem:s24+$0x0] =	vst.add.f32.msk $0xffff, v6  }
0x3db: {  	v6 =	vld [tilespmem:$0x1FB00]  }
0x3dc: {  	[tilespmem:$0x1F750] =	vst v34;
	v34 =	vmov v26;
	v26 =	vld.idx.msk [tilespmem:v35+s3+$0x0], $0xffff  }
0x3dd: {  	[tilespmem:$0x1F770] =	vst v44;
	v31 =	vld.idx.msk [tilespmem:v39+s3+$0x0], $0xffff;
	v33 =	vor.u32 v7, v1;
	v28 =	vmul.f32 v28, v8  }
0x3de: {  	v44 =	vmovc v21;
	v21 =	vor.u32 v2, v1;
	[tilespmem:$0x1F900] =	vst v34;
	v7 =	vmov v2;
	v2 =	vld [tilespmem:$0x1FEA0];
	v0 =	vmul.f32 v11, v0  }
0x3df: {  	v34 =	vor.u32 v40, v1;
	[tilespmem:s24+$0x0] =	vst.add.f32.msk $0xffff, v28  }
0x3e0: {  	[tilespmem:$0x1F440] =	vst v0;
	v0 =	vld [tilespmem:$0x1FE20]  }
0x3e1: {  	v28 =	vld.idx.msk [tilespmem:v41+s3+$0x0], $0xffff  }
0x3e2: {  	[tilespmem:$0x1F7B0] =	vst v33;
	v33 =	vld.idx.msk [tilespmem:v33+s3+$0x0], $0xffff  }
0x3e3: {  	v2 =	vmul.f32 v38, v2;
	v32 =	vld.idx.msk [tilespmem:v6+s3+$0x0], $0xffff  }
0x3e4: {  	[tilespmem:$0x1F7D0] =	vst v34;
	v34 =	vld.idx.msk [tilespmem:v34+s3+$0x0], $0xffff  }
0x3e5: {  	[tilespmem:$0x1F410] =	vst v2;
	v2 =	vmul.f32 v45, v0;
	v0 =	vld [tilespmem:$0x1FE30]  }
0x3e6: {  	[tilespmem:$0x1F790] =	vst v35;
	v35 =	vld.idx.msk [tilespmem:v21+s3+$0x0], $0xffff  }
0x3e7: {  	[tilespmem:$0x1F7E0] =	vst v21;
	v21 =	vld [tilespmem:$0x1FDE0]  }
0x3e8: {  	[tilespmem:$0x1F780] =	vst v63;
	v63 =	vor.u32 v4, v1;
	v37 =	vor.u32 v19, v1;
	v19 =	vld [tilespmem:$0x1FEE0];
	v3 =	vmul.f32 v32, v3  }
0x3e9: {  	[tilespmem:$0x1F910] =	vst v44;
	v44 =	vor.u32 v12, v1;
	v38 =	vor.u32 v61, v1;
	v6 =	vmov v61;
	v61 =	vld [tilespmem:$0x1FD10]  }
0x3ea: {  	v36 =	vor.u32 v59, v1;
	[tilespmem:s14+$0x0] =	vst.add.f32.msk $0xffff, v3;
	v1 =	vmul.f32 v42, v0;
	v0 =	vmul.f32 v15, v48  }
0x3eb: {  	v11 =	vmov v59;
	v59 =	vld [tilespmem:$0x1FE00];
	[tilespmem:$0x1F450] =	vst v2  }
0x3ec: {  	v2 =	vmul.f32 v46, v57;
	v57 =	vld [tilespmem:$0x1FED0];
	[tilespmem:$0x1F470] =	vst v0;
	v0 =	vmul.f32 v14, v60  }
0x3ed: {  	v15 =	vld.idx.msk [tilespmem:v63+s3+$0x0], $0xffff  }
0x3ee: {  	[tilespmem:$0x1F480] =	vst v0;
	v0 =	vld [tilespmem:$0x1FE80]  }
0x3ef: {  	s2 =	sadd.s32 $0x80, s2;
	[tilespmem:$0x1F830] =	vst v63;
	v8 =	vmul.f32 v28, v8;
	v63 =	vld [tilespmem:$0x1FE90]  }
0x3f0: {  	s17 =	sadd.s32 s2, s29;
	[tilespmem:$0x1F460] =	vst v1;
	v14 =	vld.idx.msk [tilespmem:v44+s3+$0x0], $0xffff  }
0x3f1: {  	v1 =	vmov s17;
	[tilespmem:s14+$0x0] =	vst.add.f32.msk $0xffff, v8  }
0x3f2: {  	[tilespmem:$0x1F7F0] =	vst v44;
	v44 =	vld [tilespmem:$0x1FE60];
	v1 =	vshll.u32 v1, $0x4  }
0x3f3: {  	s0 =	sadd.s32 $0x80, s0;
	v28 =	vor.u32 v52, v1;
	v1 =	vmul.f32 v9, v10;
	v18 =	vmul.f32 v18, v0;
	v0 =	vld [tilespmem:$0x1FE70]  }
0x3f4: {  	s24 =	sadd.s32 s0, s29;
	v60 =	vld [tilespmem:$0x1FD90]  }
0x3f5: {  	v3 =	vmov s24;
	v62 =	vor.u32 v49, v28;
	[tilespmem:s14+$0x0] =	vst.add.f32.msk $0xffff, v1  }
0x3f6: {  	[tilespmem:$0x1FCD0] =	vst v47;
	v47 =	vor.u32 v55, v28;
	v1 =	vshll.u32 v3, $0x4;
	v3 =	vld.idx.msk [tilespmem:v38+s3+$0x0], $0xffff  }
0x3f7: {  	v1 =	vor.u32 v52, v1;
	v52 =	vld [tilespmem:$0x1FD20]  }
0x3f8: {  	v8 =	vmul.f32 v16, v0;
	v0 =	vld [tilespmem:$0x1FEB0]  }
0x3f9: {  	[tilespmem:$0x1F7A0] =	vst v39;
	v39 =	vor.u32 v49, v1;
	v49 =	vld [tilespmem:$0x1FEC0]  }
0x3fa: {  	v32 =	vld.idx.msk [tilespmem:v62+s3+$0x0], $0xffff  }
0x3fb: {  	v41 =	vor.u32 v55, v1;
	v55 =	vld.idx.msk [tilespmem:v47+s3+$0x0], $0xffff  }
0x3fc: {  	[tilespmem:$0x1F940] =	vst v47;
	v47 =	vld [tilespmem:$0x1FD70]  }
0x3fd: {  	v45 =	vor.u32 v58, v28;
	v9 =	vmul.f32 v17, v0;
	v0 =	vmov v58;
	v58 =	vld [tilespmem:$0x1FDF0]  }
0x3fe: {  	[tilespmem:$0x1F920] =	vst v62;
	v62 =	vld [tilespmem:$0x1FD80]  }
0x3ff: {  	v5 =	vmov v40;
	v40 =	vor.u32 v0, v1;
	v0 =	vld [tilespmem:$0x1FEF0]  }
0x400: {  	[tilespmem:$0x1F7C0] =	vst v43;
	v16 =	vmul.f32 v20, v59;
	v20 =	vmul.f32 v43, v19;
	v19 =	vld [tilespmem:$0x1FDC0]  }
0x401: {  	[tilespmem:$0x1F800] =	vst v38;
	v38 =	vor.u32 v50, v28;
	v17 =	vld.idx.msk [tilespmem:v37+s3+$0x0], $0xffff  }
0x402: {  	[tilespmem:$0x1F810] =	vst v37;
	v10 =	vmul.f32 v22, v58;
	v22 =	vld.idx.msk [tilespmem:v36+s3+$0x0], $0xffff  }
0x403: {  	[tilespmem:$0x1F840] =	vst v36;
	v36 =	vld.idx.msk [tilespmem:v41+s3+$0x0], $0xffff  }
0x404: {  	[tilespmem:$0x1F930] =	vst v45;
	v24 =	vmul.f32 v24, v0;
	v0 =	vld [tilespmem:$0x1FD00]  }
0x405: {  	v29 =	vmul.f32 v29, v61;
	[tilespmem:$0x1FAF0] =	vst v41;
	v41 =	vld [tilespmem:$0x1FDD0]  }
0x406: {  	v30 =	vmul.f32 v30, v57;
	[tilespmem:$0x1FAA0] =	vst v38;
	v42 =	vor.u32 v50, v1;
	v38 =	vld.idx.msk [tilespmem:v38+s3+$0x0], $0xffff  }
0x407: {  	v48 =	vor.u32 v51, v28;
	v50 =	vor.u32 v56, v28;
	[tilespmem:$0x1FAD0] =	vst v39;
	v39 =	vld.idx.msk [tilespmem:v39+s3+$0x0], $0xffff  }
0x408: {  	v46 =	vor.u32 v54, v28;
	[tilespmem:$0x1FA50] =	vst v48;
	v35 =	vmul.f32 v35, v60;
	v34 =	vmul.f32 v34, v62;
	v37 =	vld [tilespmem:$0x1FDB0]  }
0x409: {  	[tilespmem:$0x1FA70] =	vst v46;
	v3 =	vmul.f32 v3, v19;
	v27 =	vmul.f32 v27, v0;
	v0 =	vld.idx.msk [tilespmem:v45+s3+$0x0], $0xffff  }
0x40a: {  	[tilespmem:$0x1FB00] =	vst v42;
	v25 =	vmul.f32 v25, v52;
	v17 =	vmul.f32 v17, v41;
	v45 =	vld [tilespmem:$0x1FD30]  }
0x40b: {  	v42 =	vld.idx.msk [tilespmem:v42+s3+$0x0], $0xffff;
	v43 =	vor.u32 v53, v28;
	v20 =	vadd.f32 v30, v20;
	v3 =	vadd.f32 v3, v34  }
0x40c: {  	v33 =	vmul.f32 v33, v47;
	v30 =	vld.idx.msk [tilespmem:v50+s3+$0x0], $0xffff;
	v24 =	vadd.f32 v25, v24;
	v17 =	vadd.f32 v17, v35  }
0x40d: {  	[tilespmem:$0x1FAE0] =	vst v40;
	v3 =	vadd.f32 v16, v3;
	v14 =	vmul.f32 v14, v37;
	v40 =	vld.idx.msk [tilespmem:v40+s3+$0x0], $0xffff  }
0x40e: {  	[tilespmem:$0x1F950] =	vst v50;
	v18 =	vadd.f32 v18, v24;
	v24 =	vor.u32 v4, v28;
	v16 =	vadd.f32 v2, v17;
	v2 =	vld [tilespmem:$0x1F420]  }
0x40f: {  	v31 =	vmul.f32 v31, v44;
	[tilespmem:$0x1F490] =	vst v0;
	v26 =	vmul.f32 v26, v45;
	v0 =	vld [tilespmem:$0x1FDA0]  }
0x410: {  	[tilespmem:$0x1FA60] =	vst v43;
	v50 =	vor.u32 v51, v1;
	v14 =	vadd.f32 v14, v33;
	v33 =	vld.idx.msk [tilespmem:v46+s3+$0x0], $0xffff  }
0x411: {  	v25 =	vadd.f32 v26, v27;
	v26 =	vld.idx.msk [tilespmem:v48+s3+$0x0], $0xffff;
	v48 =	vor.u32 v53, v1;
	v27 =	vadd.f32 v31, v29  }
0x412: {  	v34 =	vmovc v7;
	v46 =	vmovc v12;
	v29 =	vld.idx.msk [tilespmem:v43+s3+$0x0], $0xffff;
	v43 =	vor.u32 v54, v1;
	v53 =	vlaneseq.u32;
	v54 =	vor.u32 v7, v28  }
0x413: {  	v7 =	vor.u32 v12, v28;
	v12 =	vld.idx.msk [tilespmem:v24+s3+$0x0], $0xffff;
	v31 =	vor.u32 v53, v28;
	v2 =	vadd.f32 v2, v18  }
0x414: {  	v18 =	vor.u32 v53, v1;
	v53 =	vld [tilespmem:$0x1FEE0];
	v15 =	vmul.f32 v15, v0;
	v0 =	vor.u32 v56, v1  }
0x415: {  	v22 =	vmul.f32 v22, v21;
	v9 =	vadd.f32 v9, v27;
	v27 =	vld [tilespmem:$0x1FE30]  }
0x416: {  	v35 =	vmov v5;
	v56 =	vor.u32 v5, v28;
	v5 =	vld [tilespmem:$0x1F430]  }
0x417: {  	v13 =	vmul.f32 v13, v63;
	v15 =	vadd.f32 v22, v15;
	v22 =	vld.idx.msk [tilespmem:v50+s3+$0x0], $0xffff  }
0x418: {  	v10 =	vadd.f32 v10, v14;
	v14 =	vld.idx.msk [tilespmem:v48+s3+$0x0], $0xffff  }
0x419: {  	v13 =	vadd.f32 v13, v20;
	v20 =	vld.idx.msk [tilespmem:v0+s3+$0x0], $0xffff  }
0x41a: {  	[tilespmem:$0x1FA80] =	vst v0;
	v0 =	vld [tilespmem:$0x1F410]  }
0x41b: {  	[tilespmem:$0x1FA90] =	vst v50;
	v17 =	vld.idx.msk [tilespmem:v43+s3+$0x0], $0xffff  }
0x41c: {  	[tilespmem:$0x1FAB0] =	vst v48;
	v50 =	vld [tilespmem:$0x1F460]  }
0x41d: {  	v23 =	vmul.f32 v23, v49;
	[tilespmem:$0x1F990] =	vst v7;
	v7 =	vld.idx.msk [tilespmem:v7+s3+$0x0], $0xffff  }
0x41e: {  	v51 =	vmov v4;
	v8 =	vadd.f32 v8, v25;
	[tilespmem:$0x1F9C0] =	vst v18;
	v18 =	vld.idx.msk [tilespmem:v18+s3+$0x0], $0xffff  }
0x41f: {  	v25 =	vmovc v6;
	v48 =	vadd.f32 v23, v15;
	v15 =	vor.u32 v6, v28;
	v6 =	vld [tilespmem:$0x1F440];
	v4 =	vadd.f32 v0, v13  }
0x420: {  	v5 =	vadd.f32 v5, v8;
	v8 =	vld.idx.msk [tilespmem:v56+s3+$0x0], $0xffff  }
0x421: {  	v2 =	vadd.f32 v2, v4;
	v4 =	vld [tilespmem:$0x1F480]  }
0x422: {  	[tilespmem:$0x1F960] =	vst v56;
	v56 =	vld [tilespmem:$0x1FF70]  }
0x423: {  	v23 =	vor.u32 v35, v1;
	v3 =	vadd.f32 v50, v3;
	v50 =	vmov v35;
	v35 =	vld [tilespmem:$0x1FD60]  }
0x424: {  	v6 =	vadd.f32 v6, v9;
	v9 =	vld [tilespmem:$0x1F450]  }
0x425: {  	v22 =	vmul.f32 v22, v59;
	v59 =	vld [tilespmem:$0x1FE10]  }
0x426: {  	[tilespmem:$0x1F980] =	vst v24;
	v24 =	vor.u32 v34, v1;
	v4 =	vadd.f32 v4, v48;
	v48 =	vmov v34;
	v34 =	vld [tilespmem:$0x1FD50]  }
0x427: {  	v18 =	vmul.f32 v18, v47;
	v47 =	vld [tilespmem:$0x1FF40]  }
0x428: {  	[tilespmem:$0x1F9D0] =	vst v23;
	v23 =	vld.idx.msk [tilespmem:v23+s3+$0x0], $0xffff  }
0x429: {  	v0 =	vld.idx.msk [tilespmem:v31+s3+$0x0], $0xffff;
	v9 =	vadd.f32 v9, v10  }
0x42a: {  	[tilespmem:$0x1FAC0] =	vst v43;
	v43 =	vor.u32 v11, v28;
	v31 =	vor.u32 v56, v28;
	v28 =	vld [tilespmem:$0x1F470]  }
0x42b: {  	v5 =	vadd.f32 v6, v5;
	v6 =	vadd.f32 v3, v9;
	v3 =	vld [tilespmem:$0x1FEA0];
	v13 =	vmul.f32 v55, v34  }
0x42c: {  	v10 =	vld.idx.msk [tilespmem:v54+s3+$0x0], $0xffff  }
0x42d: {  	[tilespmem:$0x1F4B0] =	vst v13;
	v13 =	vmul.f32 v38, v35;
	v38 =	vld [tilespmem:$0x1FE20]  }
0x42e: {  	v9 =	vld.idx.msk [tilespmem:v15+s3+$0x0], $0xffff  }
0x42f: {  	[tilespmem:$0x1F9A0] =	vst v15;
	v16 =	vadd.f32 v28, v16;
	v15 =	vld [tilespmem:$0x1F490]  }
0x430: {  	v3 =	vmul.f32 v32, v3;
	v32 =	vld [tilespmem:$0x1FD40]  }
0x431: {  	[tilespmem:$0x1F9B0] =	vst v43;
	v28 =	vld [tilespmem:$0x1FE40];
	v4 =	vadd.f32 v4, v16  }
0x432: {  	v16 =	vld.idx.msk [tilespmem:v43+s3+$0x0], $0xffff;
	v43 =	vor.u32 v25, v1;
	[tilespmem:$0x1F4C0] =	vst v13;
	v13 =	vmul.f32 v39, v38  }
0x433: {  	v7 =	vmul.f32 v7, v57;
	v57 =	vmov v52;
	v9 =	vmul.f32 v9, v52;
	v52 =	vld [tilespmem:$0x1FF60];
	[tilespmem:$0x1F4A0] =	vst v3  }
0x434: {  	v3 =	vld.idx.msk [tilespmem:v31+s3+$0x0], $0xffff;
	[tilespmem:$0x1F4D0] =	vst v13;
	v13 =	vmul.f32 v40, v27  }
0x435: {  	[tilespmem:$0x1F530] =	vst v31;
	v31 =	vld [tilespmem:$0x1FE50];
	v35 =	vor.u32 v46, v1;
	v15 =	vmul.f32 v15, v32;
	v32 =	vor.u32 v51, v1  }
0x436: {  	v39 =	vor.u32 v11, v1;
	[tilespmem:$0x1F4E0] =	vst v13;
	v13 =	vmul.f32 v36, v28;
	v36 =	vor.u32 v56, v1;
	v1 =	vld [tilespmem:$0x1FEB0]  }
0x437: {  	v34 =	vld.idx.msk [tilespmem:v43+s3+$0x0], $0xffff  }
0x438: {  	v16 =	vmul.f32 v16, v44;
	v44 =	vld [tilespmem:$0x1FF30]  }
0x439: {  	v38 =	vld [tilespmem:$0x1FE70]  }
0x43a: {  	v27 =	vld [tilespmem:$0x1FFD0];
	v28 =	vmul.f32 v30, v63  }
0x43b: {  	v30 =	vmul.f32 v42, v31;
	v63 =	vld [tilespmem:$0x1FE80];
	v1 =	vmul.f32 v33, v1  }
0x43c: {  	v31 =	vld.idx.msk [tilespmem:v24+s3+$0x0], $0xffff;
	v33 =	vmul.f32 v20, v58;
	v58 =	vadd.f32 v5, v2;
	v2 =	vadd.f32 v4, v6  }
0x43d: {  	v42 =	vld [tilespmem:$0x1FEF0]  }
0x43e: {  	[tilespmem:$0x1F520] =	vst v2;
	v2 =	vld [tilespmem:$0x1FF00]  }
0x43f: {  	s25 =	sadd.s32 $0x80, s25;
	[tilespmem:$0x1F970] =	vst v54;
	v23 =	vmul.f32 v23, v62;
	v20 =	vld.idx.msk [tilespmem:v35+s3+$0x0], $0xffff  }
0x440: {  	s26 =	sadd.s32 s25, s29;
	[tilespmem:$0x1F9E0] =	vst v35;
	v34 =	vmul.f32 v34, v19;
	v35 =	vmul.f32 v17, v49;
	v49 =	vld [tilespmem:$0x1FD00]  }
0x441: {  	[tilespmem:$0x1FA10] =	vst v24;
	v12 =	vmul.f32 v12, v61;
	v14 =	vmul.f32 v14, v59;
	v4 =	vmov s26;
	v17 =	vld.idx.msk [tilespmem:v36+s3+$0x0], $0xffff  }
0x442: {  	v54 =	vmovc v11;
	v11 =	vmul.f32 v3, v45;
	[tilespmem:$0x1FA40] =	vst v39;
	v34 =	vadd.f32 v34, v23;
	v5 =	vld [tilespmem:$0x1FF80];
	v4 =	vshll.u32 v4, $0x4  }
0x443: {  	[tilespmem:$0x1F4F0] =	vst v13;
	v13 =	vmul.f32 v26, v63;
	v6 =	vmul.f32 v0, v53;
	v26 =	vld [tilespmem:$0x1FF20];
	v4 =	vor.u32 v2, v4  }
0x444: {  	v3 =	vlaneseq.u32;
	v22 =	vadd.f32 v22, v34;
	[tilespmem:$0x1FA30] =	vst v36;
	v36 =	vld.idx.msk [tilespmem:v39+s3+$0x0], $0xffff;
	v39 =	vor.u32 v52, v4  }
0x445: {  	[tilespmem:$0x1F9F0] =	vst v0;
	v8 =	vmul.f32 v8, v42;
	v6 =	vadd.f32 v7, v6;
	v24 =	vor.u32 v44, v4  }
0x446: {  	v55 =	vmovc v25;
	v25 =	vld [tilespmem:$0x1FFC0];
	v29 =	vmul.f32 v29, v38;
	v31 =	vmul.f32 v31, v60;
	v40 =	vor.u32 v47, v4  }
0x447: {  	[tilespmem:$0x1FA00] =	vst v43;
	v43 =	vld [tilespmem:$0x1FF50];
	v8 =	vadd.f32 v9, v8;
	v6 =	vadd.f32 v28, v6;
	v0 =	vor.u32 v5, v4  }
0x448: {  	v60 =	vmovc v19;
	v10 =	vmul.f32 v10, v49;
	v20 =	vmul.f32 v20, v37;
	v19 =	vor.u32 v26, v4  }
0x449: {  	v37 =	vmul.f32 v17, v41;
	v7 =	vmul.f32 v36, v21;
	v21 =	vor.u32 v27, v4;
	v36 =	vld.idx.msk [tilespmem:v39+s3+$0x0], $0xffff  }
0x44a: {  	v9 =	vadd.f32 v11, v10;
	v11 =	vadd.f32 v16, v12;
	v16 =	vor.u32 v3, v4;
	v10 =	vld.idx.msk [tilespmem:v24+s3+$0x0], $0xffff  }
0x44b: {  	v12 =	vadd.f32 v20, v18;
	v31 =	vadd.f32 v37, v31;
	[tilespmem:$0x1FB40] =	vst v39;
	v39 =	vld.idx.msk [tilespmem:v40+s3+$0x0], $0xffff  }
0x44c: {  	s23 =	sadd.s32 $0x80, s23;
	v38 =	vor.u32 v43, v4;
	v17 =	vor.u32 v25, v4;
	[tilespmem:$0x1FB50] =	vst v24;
	v37 =	vld.idx.msk [tilespmem:v0+s3+$0x0], $0xffff  }
0x44d: {  	s28 =	sadd.s32 s23, s29;
	v23 =	vor.u32 v48, v4;
	v20 =	vor.u32 v51, v4;
	[tilespmem:$0x1FC90] =	vst v40;
	v28 =	vld.idx.msk [tilespmem:v19+s3+$0x0], $0xffff  }
0x44e: {  	v34 =	vmov s28;
	v18 =	vor.u32 v46, v4;
	[tilespmem:$0x1FB70] =	vst v0;
	v14 =	vadd.f32 v14, v31;
	v40 =	vld.idx.msk [tilespmem:v21+s3+$0x0], $0xffff  }
0x44f: {  	[tilespmem:$0x1FB80] =	vst v19;
	v31 =	vor.u32 v54, v4;
	v24 =	vor.u32 v50, v4;
	v0 =	vld.idx.msk [tilespmem:v16+s3+$0x0], $0xffff;
	v16 =	vshll.u32 v34, $0x4  }
0x450: {  	[tilespmem:$0x1FC40] =	vst v21;
	v19 =	vor.u32 v55, v4;
	v21 =	vor.u32 v56, v4;
	v4 =	vor.u32 v2, v16;
	v2 =	vld [tilespmem:$0x1F4B0];
	_ =	sdelay $0x2  }
0x451: {  	v45 =	vld [tilespmem:$0x1FDA0];
	v9 =	vadd.f32 v29, v9  }
0x452: {  	v1 =	vadd.f32 v1, v11;
	v11 =	vadd.f32 v33, v12;
	v12 =	vld.idx.msk [tilespmem:v17+s3+$0x0], $0xffff  }
0x453: {  	[tilespmem:$0x1FC50] =	vst v17;
	v17 =	vor.u32 v3, v4;
	v3 =	vadd.f32 v2, v9;
	v2 =	vld [tilespmem:$0x1F4C0]  }
0x454: {  	[tilespmem:$0x1FA20] =	vst v32;
	v32 =	vld.idx.msk [tilespmem:v32+s3+$0x0], $0xffff;
	_ =	sdelay $0x3  }
0x455: {  	v1 =	vadd.f32 v2, v1;
	v2 =	vld [tilespmem:$0x1F4D0]  }
0x456: {  	v32 =	vmul.f32 v32, v45;
	_ =	sdelay $0x1  }
0x457: {  	v7 =	vadd.f32 v7, v32;
	_ =	sdelay $0x1  }
0x458: {  	v7 =	vadd.f32 v35, v7;
	v11 =	vadd.f32 v2, v11;
	v2 =	vld [tilespmem:$0x1F4E0];
	_ =	sdelay $0x1  }
0x459: {  	v7 =	vadd.f32 v30, v7;
	v33 =	vor.u32 v50, v4;
	v9 =	vld.idx.msk [tilespmem:v18+s3+$0x0], $0xffff  }
0x45a: {  	v30 =	vor.u32 v51, v4;
	v51 =	vmov v31;
	v1 =	vadd.f32 v1, v3;
	v3 =	vld.idx.msk [tilespmem:v31+s3+$0x0], $0xffff  }
0x45b: {  	v50 =	vmovc v0;
	v31 =	vor.u32 v46, v4;
	v46 =	vor.u32 v56, v4;
	v56 =	vmul.f32 v0, v53;
	v0 =	vld [tilespmem:$0x1FED0]  }
0x45c: {  	v16 =	vadd.f32 v2, v22;
	v2 =	vld [tilespmem:$0x1F4F0]  }
0x45d: {  	v35 =	vld [tilespmem:$0x1F4A0]  }
0x45e: {  	[tilespmem:$0x1FB20] =	vst v38;
	v38 =	vld.idx.msk [tilespmem:v38+s3+$0x0], $0xffff  }
0x45f: {  	[tilespmem:$0x1FBA0] =	vst v21;
	v21 =	vld.idx.msk [tilespmem:v21+s3+$0x0], $0xffff  }
0x460: {  	v8 =	vadd.f32 v13, v8;
	v9 =	vmul.f32 v9, v0;
	v0 =	vld [tilespmem:$0x1FD30]  }
0x461: {  	v14 =	vadd.f32 v2, v14;
	v2 =	vld [tilespmem:$0x1FEA0]  }
0x462: {  	v8 =	vadd.f32 v15, v8;
	v6 =	vadd.f32 v35, v6;
	_ =	sdelay $0x1  }
0x463: {  	v6 =	vadd.f32 v8, v6  }
0x464: {  	v21 =	vmul.f32 v21, v0;
	v0 =	vld [tilespmem:$0x1FE60]  }
0x465: {  	v6 =	vadd.f32 v1, v6;
	v1 =	vadd.f32 v7, v14;
	v7 =	vmul.f32 v38, v2;
	v2 =	vld [tilespmem:$0x1FD40];
	_ =	sdelay $0x2  }
0x466: {  	v8 =	vadd.f32 v16, v11;
	v11 =	vld.idx.msk [tilespmem:v17+s3+$0x0], $0xffff  }
0x467: {  	v3 =	vmul.f32 v3, v0;
	v0 =	vld [tilespmem:$0x1FD70]  }
0x468: {  	v32 =	vor.u32 v48, v4;
	v14 =	vmul.f32 v36, v2;
	v2 =	vld [tilespmem:$0x1FD50];
	_ =	sdelay $0x3  }
0x469: {  	v11 =	vmul.f32 v11, v0;
	v0 =	vld [tilespmem:$0x1FD90]  }
0x46a: {  	v22 =	vmul.f32 v10, v2;
	v10 =	vld.idx.msk [tilespmem:v32+s3+$0x0], $0xffff;
	_ =	sdelay $0x2  }
0x46b: {  	v35 =	vor.u32 v54, v4;
	[tilespmem:$0x1FBD0] =	vst v31;
	v31 =	vld.idx.msk [tilespmem:v31+s3+$0x0], $0xffff  }
0x46c: {  	v2 =	vld [tilespmem:$0x1FD60]  }
0x46d: {  	v10 =	vmul.f32 v10, v0;
	v0 =	vld [tilespmem:$0x1FDB0];
	_ =	sdelay $0x1  }
0x46e: {  	v15 =	vld.idx.msk [tilespmem:v20+s3+$0x0], $0xffff  }
0x46f: {  	[tilespmem:$0x1FC30] =	vst v35;
	v35 =	vld.idx.msk [tilespmem:v35+s3+$0x0], $0xffff  }
0x470: {  	[tilespmem:$0x1FBB0] =	vst v17;
	v17 =	vor.u32 v55, v4;
	v36 =	vor.u32 v5, v4;
	v55 =	vmul.f32 v39, v2;
	v2 =	vld [tilespmem:$0x1FE90]  }
0x471: {  	v31 =	vmul.f32 v31, v0;
	v0 =	vld [tilespmem:$0x1FDE0]  }
0x472: {  	v13 =	vld.idx.msk [tilespmem:v23+s3+$0x0], $0xffff  }
0x473: {  	v29 =	vld.idx.msk [tilespmem:v24+s3+$0x0], $0xffff  }
0x474: {  	[tilespmem:$0x1FB90] =	vst v19;
	v19 =	vld.idx.msk [tilespmem:v19+s3+$0x0], $0xffff;
	v15 =	vmul.f32 v15, v61  }
0x475: {  	[tilespmem:$0x1FC60] =	vst v36;
	v36 =	vld.idx.msk [tilespmem:v36+s3+$0x0], $0xffff;
	v54 =	vmul.f32 v37, v2;
	v37 =	vor.u32 v26, v4  }
0x476: {  	v3 =	vadd.f32 v3, v15;
	v15 =	vmul.f32 v35, v0;
	v0 =	vld [tilespmem:$0x1FDF0]  }
0x477: {  	[tilespmem:$0x1FC10] =	vst v30;
	v30 =	vld.idx.msk [tilespmem:v30+s3+$0x0], $0xffff  }
0x478: {  	[tilespmem:$0x1FBF0] =	vst v17;
	v26 =	vld.idx.msk [tilespmem:v17+s3+$0x0], $0xffff;
	v17 =	vor.u32 v27, v4  }
0x479: {  	[tilespmem:$0x1FC20] =	vst v46;
	v34 =	vld.idx.msk [tilespmem:v46+s3+$0x0], $0xffff  }
0x47a: {  	v28 =	vmul.f32 v28, v63;
	v46 =	vor.u32 v25, v4;
	[tilespmem:$0x1FC70] =	vst v37;
	v37 =	vld.idx.msk [tilespmem:v37+s3+$0x0], $0xffff  }
0x47b: {  	v48 =	vor.u32 v43, v4;
	v13 =	vmul.f32 v13, v49;
	v53 =	vmul.f32 v36, v0;
	v0 =	vld [tilespmem:$0x1FE00]  }
0x47c: {  	v63 =	vmovc v43;
	v43 =	vor.u32 v52, v4;
	v29 =	vmul.f32 v29, v42;
	v42 =	vor.u32 v44, v4  }
0x47d: {  	v30 =	vmul.f32 v30, v45;
	[tilespmem:$0x1FC80] =	vst v17;
	v49 =	vld.idx.msk [tilespmem:v17+s3+$0x0], $0xffff;
	v17 =	vor.u32 v47, v4  }
0x47e: {  	v4 =	vadd.f32 v1, v8;
	v1 =	vadd.f32 v9, v56;
	v9 =	vmul.f32 v34, v41  }
0x47f: {  	v52 =	vld.idx.msk [tilespmem:v46+s3+$0x0], $0xffff  }
0x480: {  	v9 =	vadd.f32 v9, v10;
	v10 =	vadd.f32 v15, v30;
	v15 =	vmul.f32 v37, v0;
	v0 =	vld [tilespmem:$0x1FEC0]  }
0x481: {  	v16 =	vld.idx.msk [tilespmem:v33+s3+$0x0], $0xffff  }
0x482: {  	v19 =	vmul.f32 v19, v57;
	_ =	sdelay $0x1  }
0x483: {  	v8 =	vadd.f32 v19, v29;
	v19 =	vld.idx.msk [tilespmem:v48+s3+$0x0], $0xffff  }
0x484: {  	[tilespmem:$0x1FBC0] =	vst v33;
	v33 =	vmul.f32 v26, v60;
	v60 =	vmul.f32 v52, v0;
	v0 =	vld [tilespmem:$0x1FE20]  }
0x485: {  	v16 =	vmul.f32 v16, v62;
	v2 =	vld [tilespmem:$0x1FE70];
	_ =	sdelay $0x1  }
0x486: {  	v16 =	vadd.f32 v33, v16  }
0x487: {  	v13 =	vadd.f32 v21, v13;
	v21 =	vld.idx.msk [tilespmem:v43+s3+$0x0], $0xffff  }
0x488: {  	v15 =	vadd.f32 v15, v16;
	v16 =	vmul.f32 v19, v0;
	v0 =	vld [tilespmem:$0x1FE30]  }
0x489: {  	v40 =	vmul.f32 v40, v2;
	v2 =	vld [tilespmem:$0x1FEB0];
	_ =	sdelay $0x2  }
0x48a: {  	v56 =	vld.idx.msk [tilespmem:v42+s3+$0x0], $0xffff  }
0x48b: {  	v19 =	vmul.f32 v21, v0;
	v0 =	vld [tilespmem:$0x1F500]  }
0x48c: {  	v12 =	vmul.f32 v12, v2;
	v2 =	vld [tilespmem:$0x1FE40];
	_ =	sdelay $0x2  }
0x48d: {  	v1 =	vadd.f32 v54, v1;
	v57 =	vld.idx.msk [tilespmem:v17+s3+$0x0], $0xffff  }
0x48e: {  	[tilespmem:s18+$0x0] =	vst.add.f32.msk $0xffff, v0  }
0x48f: {  	v8 =	vadd.f32 v28, v8;
	v0 =	vadd.f32 v7, v1;
	v7 =	vmul.f32 v56, v2;
	v2 =	vld [tilespmem:$0x1FE50];
	_ =	sdelay $0x1  }
0x490: {  	v1 =	vadd.f32 v14, v8;
	v8 =	vld [tilespmem:$0x1F510];
	_ =	sdelay $0x1  }
0x491: {  	v11 =	vadd.f32 v31, v11  }
0x492: {  	v13 =	vadd.f32 v40, v13;
	v59 =	vmul.f32 v49, v59;
	v61 =	vmul.f32 v57, v2;
	v2 =	vld [tilespmem:$0x1F520]  }
0x493: {  	s9 =	sadd.s32 $0x4, s9;
	v3 =	vadd.f32 v12, v3;
	v11 =	vadd.f32 v53, v11  }
0x494: {  	p1 =	slt.s32 s9, s12;
	v58 =	vmul.f32 $1.442695020e+00, v58;
	v9 =	vadd.f32 v59, v9;
	v12 =	vadd.f32 v60, v10  }
.Ltmp7:
0x495: {  	v3 =	vadd.f32 v55, v3;
	v11 =	vadd.f32 v16, v11;
	(pc) =	sbr.rel @p1 .LBB2_4-.Ltmp7, $4  }
0x496: {  	(erf) = vpow2.f32 v58;
	v7 =	vadd.f32 v7, v9;
	v9 =	vadd.f32 v61, v12  }
0x497: {  	[tilespmem:$0x1FC00] =	vst v32;
	v62 =	vadd.f32 v19, v15;
	v10 =	vld.idx.msk [tilespmem:v8+s3+$0x0], $0xffff;
	v8 =	vadd.f32 v22, v13;
	v15 =	vmul.f32 $1.442695020e+00, v2  }
0x498: {  	v40 =	vmovc v18;
	v18 =	vmovc v20;
	v1 =	vadd.f32 v1, v0;
	v0 =	vmul.f32 $1.442695020e+00, v6;
	v5 =	vadd.f32 v9, v7  }
0x499: {  	s10 =	sadd.s32 $0x80, s10;
	s11 =	smov.u32 s12;
	v20 =	vmovc v23;
	v23 =	vmovc v24;
	v56 =	vld [tilespmem:$0x1F530];
	v2 =	vadd.f32 v3, v8;
	v3 =	vadd.f32 v62, v11;
	(erf) = vpow2.f32 v15  }
.LBB2_5:
0x49a: {  	_ = 	snop  }
0x49b: {  	v1 =	vadd.f32 v2, v1  }
0x49c: {  	v19 =	vmul.f32 $1.442695020e+00, v4;
	v16 =	vadd.f32 v5, v3  }
0x49d: {  	(erf) = vpow2.f32 v0;
	v21 =	vmul.f32 $1.442695020e+00, v1  }
0x49e: {  	(erf) = vpow2.f32 v19;
	v22 =	vmul.f32 $1.442695020e+00, v16  }
0x49f: {  	(erf) = vpow2.f32 v21  }
0x4a0: {  	(erf) = vpow2.f32 v22;
	_ =	sdelay $0x3  }
0x4a1: {  	v24 =	vpop (erf)  }
0x4a2: {  	v0 =	vpop (erf)  }
0x4a3: {  	v6 =	vpop (erf)  }
0x4a4: {  	v1 =	vpop (erf)  }
0x4a5: {  	v25 =	vadd.f32 v0, v24;
	v8 =	vpop (erf)  }
0x4a6: {  	v26 =	vadd.f32 v1, v6;
	v2 =	vpop (erf)  }
0x4a7: {  	(xrf2) =	vadd.scan.msk.f32 $0xffff, v25;
	v27 =	vadd.f32 v2, v8  }
0x4a8: {  	(xrf2) =	vadd.scan.msk.f32 $0xffff, v26  }
0x4a9: {  	(xrf2) =	vadd.scan.msk.f32 $0xffff, v27;
	_ =	sdelay $0x7  }
0x4aa: {  	v28, _, _ =	vpop (xrf2)  }
0x4ab: {  	v4 =	vbroadcast v28, $0xF;
	v5, _, _ =	vpop (xrf2)  }
0x4ac: {  	v5 =	vbroadcast v5, $0xF;
	v7, _, _ =	vpop (xrf2)  }
0x4ad: {  	(erf) = vrcp.f32 v4;
	v29 =	vbroadcast v7, $0xF  }
0x4ae: {  	(erf) = vrcp.f32 v5  }
0x4af: {  	(erf) = vrcp.f32 v29;
	_ =	sdelay $0x4  }
0x4b0: {  	v9 =	vld [tilespmem:$0x1F7C0]  }
0x4b1: {  	v11 =	vld [tilespmem:$0x1F9F0]  }
0x4b2: {  	v4 =	vpop (erf)  }
0x4b3: {  	v3 =	vmul.f32 v4, v24;
	v5 =	vpop (erf)  }
0x4b4: {  	v7 =	vmul.f32 v5, v6;
	v6 =	vpop (erf)  }
0x4b5: {  	v9 =	vmul.f32 v3, v9;
	v8 =	vmul.f32 v6, v8  }
0x4b6: {  	s0 =	simm.s32 $0x18200;
	v11 =	vmul.f32 v7, v11  }
0x4b7: {  	[tilespmem:s0+$0x0] =	vst.add.f32.msk $0xffff, v9;
	v30 =	vmul.f32 v8, v50  }
0x4b8: {  	[tilespmem:s0+$0x0] =	vst.add.f32.msk $0xffff, v11  }
0x4b9: {  	[tilespmem:s0+$0x0] =	vst.add.f32.msk $0xffff, v30  }
0x4ba: {  	v9 =	vld [tilespmem:$0x1F740]  }
0x4bb: {  	v11 =	vld [tilespmem:$0x1F960];
	_ =	sdelay $0x5  }
0x4bc: {  	v12 =	vld.idx.msk [tilespmem:v23+s3+$0x0], $0xffff  }
0x4bd: {  	v9 =	vld.idx.msk [tilespmem:v9+s3+$0x0], $0xffff  }
0x4be: {  	v11 =	vld.idx.msk [tilespmem:v11+s3+$0x0], $0xffff;
	_ =	sdelay $0x2  }
0x4bf: {  	v31 =	vmul.f32 v8, v12  }
0x4c0: {  	s25 =	simm.s32 $0x18210;
	v9 =	vmul.f32 v3, v9  }
0x4c1: {  	[tilespmem:s25+$0x0] =	vst.add.f32.msk $0xffff, v31;
	v11 =	vmul.f32 v7, v11  }
0x4c2: {  	[tilespmem:s25+$0x0] =	vst.add.f32.msk $0xffff, v9  }
0x4c3: {  	[tilespmem:s25+$0x0] =	vst.add.f32.msk $0xffff, v11  }
0x4c4: {  	v9 =	vld [tilespmem:$0x1F750]  }
0x4c5: {  	v11 =	vld [tilespmem:$0x1F970];
	_ =	sdelay $0x5  }
0x4c6: {  	v32 =	vld.idx.msk [tilespmem:v20+s3+$0x0], $0xffff  }
0x4c7: {  	v9 =	vld.idx.msk [tilespmem:v9+s3+$0x0], $0xffff  }
0x4c8: {  	v11 =	vld.idx.msk [tilespmem:v11+s3+$0x0], $0xffff;
	_ =	sdelay $0x2  }
0x4c9: {  	v33 =	vmul.f32 v8, v32  }
0x4ca: {  	s26 =	simm.s32 $0x18220;
	v9 =	vmul.f32 v3, v9  }
0x4cb: {  	[tilespmem:s26+$0x0] =	vst.add.f32.msk $0xffff, v33;
	v11 =	vmul.f32 v7, v11  }
0x4cc: {  	[tilespmem:s26+$0x0] =	vst.add.f32.msk $0xffff, v9  }
0x4cd: {  	[tilespmem:s26+$0x0] =	vst.add.f32.msk $0xffff, v11  }
0x4ce: {  	v9 =	vld [tilespmem:$0x1F760]  }
0x4cf: {  	v11 =	vld [tilespmem:$0x1F980];
	_ =	sdelay $0x5  }
0x4d0: {  	v34 =	vld.idx.msk [tilespmem:v18+s3+$0x0], $0xffff  }
0x4d1: {  	v9 =	vld.idx.msk [tilespmem:v9+s3+$0x0], $0xffff  }
0x4d2: {  	v11 =	vld.idx.msk [tilespmem:v11+s3+$0x0], $0xffff;
	_ =	sdelay $0x2  }
0x4d3: {  	v35 =	vmul.f32 v8, v34  }
0x4d4: {  	s1 =	simm.s32 $0x18230;
	v9 =	vmul.f32 v3, v9  }
0x4d5: {  	[tilespmem:s1+$0x0] =	vst.add.f32.msk $0xffff, v35;
	v11 =	vmul.f32 v7, v11  }
0x4d6: {  	[tilespmem:s1+$0x0] =	vst.add.f32.msk $0xffff, v9  }
0x4d7: {  	[tilespmem:s1+$0x0] =	vst.add.f32.msk $0xffff, v11  }
0x4d8: {  	v9 =	vld [tilespmem:$0x1F770]  }
0x4d9: {  	v11 =	vld [tilespmem:$0x1F990];
	_ =	sdelay $0x5  }
0x4da: {  	v36 =	vld.idx.msk [tilespmem:v40+s3+$0x0], $0xffff  }
0x4db: {  	v9 =	vld.idx.msk [tilespmem:v9+s3+$0x0], $0xffff  }
0x4dc: {  	v11 =	vld.idx.msk [tilespmem:v11+s3+$0x0], $0xffff;
	_ =	sdelay $0x2  }
0x4dd: {  	v37 =	vmul.f32 v8, v36  }
0x4de: {  	v9 =	vmul.f32 v3, v9  }
0x4df: {  	[tilespmem:s18+$0x0] =	vst.add.f32.msk $0xffff, v37;
	v11 =	vmul.f32 v7, v11  }
0x4e0: {  	[tilespmem:s18+$0x0] =	vst.add.f32.msk $0xffff, v9  }
0x4e1: {  	[tilespmem:s18+$0x0] =	vst.add.f32.msk $0xffff, v11  }
0x4e2: {  	v9 =	vld [tilespmem:$0x1F780]  }
0x4e3: {  	v11 =	vld [tilespmem:$0x1F9A0]  }
0x4e4: {  	v38 =	vld [tilespmem:$0x1FB90];
	_ =	sdelay $0x4  }
0x4e5: {  	v13 =	vld [tilespmem:$0x1FCD0]  }
0x4e6: {  	v9 =	vld.idx.msk [tilespmem:v9+s3+$0x0], $0xffff  }
0x4e7: {  	v11 =	vld.idx.msk [tilespmem:v11+s3+$0x0], $0xffff  }
0x4e8: {  	v12 =	vld.idx.msk [tilespmem:v38+s3+$0x0], $0xffff;
	_ =	sdelay $0x1  }
0x4e9: {  	v10 =	vmul.f32 v13, v10  }
0x4ea: {  	v9 =	vmul.f32 v3, v9  }
0x4eb: {  	[tilespmem:s19+$0x0] =	vst.add.f32.msk $0xffff, v10;
	v39 =	vmul.f32 v7, v11  }
0x4ec: {  	v40 =	vmul.f32 v8, v12;
	[tilespmem:s19+$0x0] =	vst.add.f32.msk $0xffff, v9  }
0x4ed: {  	[tilespmem:s19+$0x0] =	vst.add.f32.msk $0xffff, v39  }
0x4ee: {  	[tilespmem:s19+$0x0] =	vst.add.f32.msk $0xffff, v40  }
0x4ef: {  	v9 =	vld [tilespmem:$0x1F5C0]  }
0x4f0: {  	v10 =	vld [tilespmem:$0x1F790]  }
0x4f1: {  	v44 =	vld [tilespmem:$0x1FBA0];
	_ =	sdelay $0x4  }
0x4f2: {  	v41 =	vld.idx.msk [tilespmem:v56+s3+$0x0], $0xffff  }
0x4f3: {  	v9 =	vld.idx.msk [tilespmem:v9+s3+$0x0], $0xffff  }
0x4f4: {  	v10 =	vld.idx.msk [tilespmem:v10+s3+$0x0], $0xffff  }
0x4f5: {  	v12 =	vld.idx.msk [tilespmem:v44+s3+$0x0], $0xffff;
	_ =	sdelay $0x1  }
0x4f6: {  	v45 =	vmul.f32 v7, v41  }
0x4f7: {  	v9 =	vmul.f32 v13, v9  }
0x4f8: {  	[tilespmem:s20+$0x0] =	vst.add.f32.msk $0xffff, v45;
	v10 =	vmul.f32 v3, v10  }
0x4f9: {  	v47 =	vmul.f32 v8, v12;
	[tilespmem:s20+$0x0] =	vst.add.f32.msk $0xffff, v9  }
0x4fa: {  	[tilespmem:s20+$0x0] =	vst.add.f32.msk $0xffff, v10  }
0x4fb: {  	[tilespmem:s20+$0x0] =	vst.add.f32.msk $0xffff, v47  }
0x4fc: {  	v9 =	vld [tilespmem:$0x1F5D0]  }
0x4fd: {  	v10 =	vld [tilespmem:$0x1F7A0]  }
0x4fe: {  	v49 =	vld [tilespmem:$0x1F9B0];
	_ =	sdelay $0x4  }
0x4ff: {  	v50 =	vld.idx.msk [tilespmem:v51+s3+$0x0], $0xffff  }
0x500: {  	v9 =	vld.idx.msk [tilespmem:v9+s3+$0x0], $0xffff  }
0x501: {  	v10 =	vld.idx.msk [tilespmem:v10+s3+$0x0], $0xffff  }
0x502: {  	v11 =	vld.idx.msk [tilespmem:v49+s3+$0x0], $0xffff;
	_ =	sdelay $0x1  }
0x503: {  	v52 =	vmul.f32 v50, v8  }
0x504: {  	v9 =	vmul.f32 v9, v13  }
0x505: {  	[tilespmem:s21+$0x0] =	vst.add.f32.msk $0xffff, v52;
	v10 =	vmul.f32 v10, v3  }
0x506: {  	v51 =	vmul.f32 v11, v7;
	[tilespmem:s21+$0x0] =	vst.add.f32.msk $0xffff, v9  }
0x507: {  	[tilespmem:s21+$0x0] =	vst.add.f32.msk $0xffff, v10  }
0x508: {  	[tilespmem:s21+$0x0] =	vst.add.f32.msk $0xffff, v51  }
0x509: {  	v9 =	vld [tilespmem:$0x1F580]  }
0x50a: {  	v10 =	vld [tilespmem:$0x1F730]  }
0x50b: {  	v53 =	vld [tilespmem:$0x1F950]  }
0x50c: {  	v54 =	vld [tilespmem:$0x1FB70];
	_ =	sdelay $0x4  }
0x50d: {  	v9 =	vld.idx.msk [tilespmem:v9+s3+$0x0], $0xffff  }
0x50e: {  	v10 =	vld.idx.msk [tilespmem:v10+s3+$0x0], $0xffff  }
0x50f: {  	v11 =	vld.idx.msk [tilespmem:v53+s3+$0x0], $0xffff  }
0x510: {  	v12 =	vld.idx.msk [tilespmem:v54+s3+$0x0], $0xffff;
	_ =	sdelay $0x1  }
0x511: {  	v9 =	vmul.f32 v9, v13  }
0x512: {  	v10 =	vmul.f32 v10, v3  }
0x513: {  	v55 =	vmul.f32 v11, v7;
	[tilespmem:s22+$0x0] =	vst.add.f32.msk $0xffff, v9  }
0x514: {  	v56 =	vmul.f32 v12, v8;
	[tilespmem:s22+$0x0] =	vst.add.f32.msk $0xffff, v10  }
0x515: {  	[tilespmem:s22+$0x0] =	vst.add.f32.msk $0xffff, v55  }
0x516: {  	[tilespmem:s22+$0x0] =	vst.add.f32.msk $0xffff, v56  }
0x517: {  	v9 =	vld [tilespmem:$0x1F590]  }
0x518: {  	v10 =	vld [tilespmem:$0x1F820]  }
0x519: {  	v57 =	vld [tilespmem:$0x1FA50]  }
0x51a: {  	v58 =	vld [tilespmem:$0x1FB80];
	_ =	sdelay $0x4  }
0x51b: {  	v9 =	vld.idx.msk [tilespmem:v9+s3+$0x0], $0xffff  }
0x51c: {  	v10 =	vld.idx.msk [tilespmem:v10+s3+$0x0], $0xffff  }
0x51d: {  	v11 =	vld.idx.msk [tilespmem:v57+s3+$0x0], $0xffff  }
0x51e: {  	v12 =	vld.idx.msk [tilespmem:v58+s3+$0x0], $0xffff;
	_ =	sdelay $0x1  }
0x51f: {  	v9 =	vmul.f32 v9, v13  }
0x520: {  	s2 =	simm.s32 $0x18290;
	v10 =	vmul.f32 v10, v3  }
0x521: {  	v59 =	vmul.f32 v11, v7;
	[tilespmem:s2+$0x0] =	vst.add.f32.msk $0xffff, v9  }
0x522: {  	v60 =	vmul.f32 v12, v8;
	[tilespmem:s2+$0x0] =	vst.add.f32.msk $0xffff, v10  }
0x523: {  	[tilespmem:s2+$0x0] =	vst.add.f32.msk $0xffff, v59  }
0x524: {  	[tilespmem:s2+$0x0] =	vst.add.f32.msk $0xffff, v60  }
0x525: {  	v9 =	vld [tilespmem:$0x1F5A0]  }
0x526: {  	v10 =	vld [tilespmem:$0x1F850]  }
0x527: {  	v61 =	vld [tilespmem:$0x1FA60]  }
0x528: {  	v62 =	vld [tilespmem:$0x1FC40];
	_ =	sdelay $0x4  }
0x529: {  	v9 =	vld.idx.msk [tilespmem:v9+s3+$0x0], $0xffff  }
0x52a: {  	v10 =	vld.idx.msk [tilespmem:v10+s3+$0x0], $0xffff  }
0x52b: {  	v11 =	vld.idx.msk [tilespmem:v61+s3+$0x0], $0xffff  }
0x52c: {  	v12 =	vld.idx.msk [tilespmem:v62+s3+$0x0], $0xffff;
	_ =	sdelay $0x1  }
0x52d: {  	v9 =	vmul.f32 v9, v13  }
0x52e: {  	s4 =	simm.s32 $0x182A0;
	v10 =	vmul.f32 v10, v3  }
0x52f: {  	v16 =	vmul.f32 v11, v7;
	[tilespmem:s4+$0x0] =	vst.add.f32.msk $0xffff, v9  }
0x530: {  	v18 =	vmul.f32 v12, v8;
	[tilespmem:s4+$0x0] =	vst.add.f32.msk $0xffff, v10  }
0x531: {  	[tilespmem:s4+$0x0] =	vst.add.f32.msk $0xffff, v16  }
0x532: {  	[tilespmem:s4+$0x0] =	vst.add.f32.msk $0xffff, v18  }
0x533: {  	v9 =	vld [tilespmem:$0x1F5B0]  }
0x534: {  	v10 =	vld [tilespmem:$0x1F860]  }
0x535: {  	v19 =	vld [tilespmem:$0x1FA70]  }
0x536: {  	v20 =	vld [tilespmem:$0x1FC50];
	_ =	sdelay $0x4  }
0x537: {  	v9 =	vld.idx.msk [tilespmem:v9+s3+$0x0], $0xffff  }
0x538: {  	v10 =	vld.idx.msk [tilespmem:v10+s3+$0x0], $0xffff  }
0x539: {  	v11 =	vld.idx.msk [tilespmem:v19+s3+$0x0], $0xffff  }
0x53a: {  	v12 =	vld.idx.msk [tilespmem:v20+s3+$0x0], $0xffff;
	_ =	sdelay $0x1  }
0x53b: {  	v9 =	vmul.f32 v9, v13  }
0x53c: {  	s5 =	simm.s32 $0x182B0;
	v10 =	vmul.f32 v10, v3  }
0x53d: {  	v21 =	vmul.f32 v11, v7;
	[tilespmem:s5+$0x0] =	vst.add.f32.msk $0xffff, v9  }
0x53e: {  	v22 =	vmul.f32 v12, v8;
	[tilespmem:s5+$0x0] =	vst.add.f32.msk $0xffff, v10  }
0x53f: {  	[tilespmem:s5+$0x0] =	vst.add.f32.msk $0xffff, v21  }
0x540: {  	[tilespmem:s5+$0x0] =	vst.add.f32.msk $0xffff, v22  }
0x541: {  	v9 =	vld [tilespmem:$0x1F540]  }
0x542: {  	v10 =	vld [tilespmem:$0x1F720]  }
0x543: {  	v23 =	vld [tilespmem:$0x1F920]  }
0x544: {  	v24 =	vld [tilespmem:$0x1FB20];
	_ =	sdelay $0x4  }
0x545: {  	v9 =	vld.idx.msk [tilespmem:v9+s3+$0x0], $0xffff  }
0x546: {  	v10 =	vld.idx.msk [tilespmem:v10+s3+$0x0], $0xffff  }
0x547: {  	v11 =	vld.idx.msk [tilespmem:v23+s3+$0x0], $0xffff  }
0x548: {  	v12 =	vld.idx.msk [tilespmem:v24+s3+$0x0], $0xffff;
	_ =	sdelay $0x1  }
0x549: {  	v9 =	vmul.f32 v9, v13  }
0x54a: {  	s6 =	simm.s32 $0x182C0;
	v10 =	vmul.f32 v10, v3  }
0x54b: {  	v25 =	vmul.f32 v11, v7;
	[tilespmem:s6+$0x0] =	vst.add.f32.msk $0xffff, v9  }
0x54c: {  	v26 =	vmul.f32 v12, v8;
	[tilespmem:s6+$0x0] =	vst.add.f32.msk $0xffff, v10  }
0x54d: {  	[tilespmem:s6+$0x0] =	vst.add.f32.msk $0xffff, v25  }
0x54e: {  	[tilespmem:s6+$0x0] =	vst.add.f32.msk $0xffff, v26  }
0x54f: {  	v9 =	vld [tilespmem:$0x1F550]  }
0x550: {  	v10 =	vld [tilespmem:$0x1F8A0]  }
0x551: {  	v27 =	vld [tilespmem:$0x1F930]  }
0x552: {  	v28 =	vld [tilespmem:$0x1FB40];
	_ =	sdelay $0x4  }
0x553: {  	v9 =	vld.idx.msk [tilespmem:v9+s3+$0x0], $0xffff  }
0x554: {  	v10 =	vld.idx.msk [tilespmem:v10+s3+$0x0], $0xffff  }
0x555: {  	v11 =	vld.idx.msk [tilespmem:v27+s3+$0x0], $0xffff  }
0x556: {  	v12 =	vld.idx.msk [tilespmem:v28+s3+$0x0], $0xffff;
	_ =	sdelay $0x1  }
0x557: {  	v9 =	vmul.f32 v9, v13  }
0x558: {  	s7 =	simm.s32 $0x182D0;
	v10 =	vmul.f32 v10, v3  }
0x559: {  	v29 =	vmul.f32 v11, v7;
	[tilespmem:s7+$0x0] =	vst.add.f32.msk $0xffff, v9  }
0x55a: {  	v30 =	vmul.f32 v12, v8;
	[tilespmem:s7+$0x0] =	vst.add.f32.msk $0xffff, v10  }
0x55b: {  	[tilespmem:s7+$0x0] =	vst.add.f32.msk $0xffff, v29  }
0x55c: {  	[tilespmem:s7+$0x0] =	vst.add.f32.msk $0xffff, v30  }
0x55d: {  	v9 =	vld [tilespmem:$0x1F560]  }
0x55e: {  	v10 =	vld [tilespmem:$0x1F8B0]  }
0x55f: {  	v31 =	vld [tilespmem:$0x1F940]  }
0x560: {  	v32 =	vld [tilespmem:$0x1FB50];
	_ =	sdelay $0x4  }
0x561: {  	v9 =	vld.idx.msk [tilespmem:v9+s3+$0x0], $0xffff  }
0x562: {  	v10 =	vld.idx.msk [tilespmem:v10+s3+$0x0], $0xffff  }
0x563: {  	v11 =	vld.idx.msk [tilespmem:v31+s3+$0x0], $0xffff  }
0x564: {  	v12 =	vld.idx.msk [tilespmem:v32+s3+$0x0], $0xffff;
	_ =	sdelay $0x1  }
0x565: {  	v9 =	vmul.f32 v9, v13  }
0x566: {  	s8 =	simm.s32 $0x182E0;
	v10 =	vmul.f32 v10, v3  }
0x567: {  	v33 =	vmul.f32 v11, v7;
	[tilespmem:s8+$0x0] =	vst.add.f32.msk $0xffff, v9  }
0x568: {  	v34 =	vmul.f32 v12, v8;
	[tilespmem:s8+$0x0] =	vst.add.f32.msk $0xffff, v10  }
0x569: {  	[tilespmem:s8+$0x0] =	vst.add.f32.msk $0xffff, v33  }
0x56a: {  	[tilespmem:s8+$0x0] =	vst.add.f32.msk $0xffff, v34  }
0x56b: {  	v9 =	vld [tilespmem:$0x1F570]  }
0x56c: {  	v10 =	vld [tilespmem:$0x1F8D0]  }
0x56d: {  	v35 =	vld [tilespmem:$0x1FAA0]  }
0x56e: {  	v36 =	vld [tilespmem:$0x1FC90];
	_ =	sdelay $0x4  }
0x56f: {  	v9 =	vld.idx.msk [tilespmem:v9+s3+$0x0], $0xffff  }
0x570: {  	v10 =	vld.idx.msk [tilespmem:v10+s3+$0x0], $0xffff  }
0x571: {  	v11 =	vld.idx.msk [tilespmem:v35+s3+$0x0], $0xffff  }
0x572: {  	v12 =	vld.idx.msk [tilespmem:v36+s3+$0x0], $0xffff;
	_ =	sdelay $0x1  }
0x573: {  	v9 =	vmul.f32 v9, v13  }
0x574: {  	s9 =	simm.s32 $0x182F0;
	v3 =	vmul.f32 v10, v3  }
0x575: {  	v7 =	vmul.f32 v11, v7;
	[tilespmem:s9+$0x0] =	vst.add.f32.msk $0xffff, v9  }
0x576: {  	v37 =	vmul.f32 v12, v8;
	[tilespmem:s9+$0x0] =	vst.add.f32.msk $0xffff, v3  }
0x577: {  	[tilespmem:s9+$0x0] =	vst.add.f32.msk $0xffff, v7  }
0x578: {  	[tilespmem:s9+$0x0] =	vst.add.f32.msk $0xffff, v37  }
0x579: {  	v3 =	vld [tilespmem:$0x1F5E0]  }
0x57a: {  	v39 =	vld [tilespmem:$0x1F7B0]  }
0x57b: {  	v41 =	vld [tilespmem:$0x1F9C0]  }
0x57c: {  	v49 =	vld [tilespmem:$0x1FBB0];
	_ =	sdelay $0x1  }
0x57d: {  	v45 =	vld [tilespmem:$0x1F6E0]  }
0x57e: {  	v47 =	vld [tilespmem:$0x1F6F0];
	_ =	sdelay $0x1  }
0x57f: {  	v38 =	vld.idx.msk [tilespmem:v3+s3+$0x0], $0xffff  }
0x580: {  	v40 =	vld.idx.msk [tilespmem:v39+s3+$0x0], $0xffff  }
0x581: {  	v44 =	vld.idx.msk [tilespmem:v41+s3+$0x0], $0xffff  }
0x582: {  	v3 =	vmul.f32 v47, v45;
	v10 =	vld.idx.msk [tilespmem:v49+s3+$0x0], $0xffff  }
0x583: {  	v4 =	vmul.f32 v4, v0  }
0x584: {  	v0 =	vmul.f32 v5, v1;
	v50 =	vmul.f32 v38, v3  }
0x585: {  	s10 =	simm.s32 $0x18300;
	v1 =	vmul.f32 v6, v2;
	v51 =	vmul.f32 v40, v4  }
0x586: {  	v52 =	vmul.f32 v44, v0;
	[tilespmem:s10+$0x0] =	vst.add.f32.msk $0xffff, v50  }
0x587: {  	v53 =	vmul.f32 v10, v1;
	[tilespmem:s10+$0x0] =	vst.add.f32.msk $0xffff, v51  }
0x588: {  	[tilespmem:s10+$0x0] =	vst.add.f32.msk $0xffff, v52  }
0x589: {  	[tilespmem:s10+$0x0] =	vst.add.f32.msk $0xffff, v53  }
0x58a: {  	v2 =	vld [tilespmem:$0x1F5F0]  }
0x58b: {  	v5 =	vld [tilespmem:$0x1F7D0]  }
0x58c: {  	v54 =	vld [tilespmem:$0x1F9D0]  }
0x58d: {  	v55 =	vld [tilespmem:$0x1FBC0];
	_ =	sdelay $0x4  }
0x58e: {  	v2 =	vld.idx.msk [tilespmem:v2+s3+$0x0], $0xffff  }
0x58f: {  	v5 =	vld.idx.msk [tilespmem:v5+s3+$0x0], $0xffff  }
0x590: {  	v6 =	vld.idx.msk [tilespmem:v54+s3+$0x0], $0xffff  }
0x591: {  	v7 =	vld.idx.msk [tilespmem:v55+s3+$0x0], $0xffff;
	_ =	sdelay $0x1  }
0x592: {  	v2 =	vmul.f32 v2, v3  }
0x593: {  	s12 =	simm.s32 $0x18310;
	v5 =	vmul.f32 v5, v4  }
0x594: {  	v56 =	vmul.f32 v6, v0;
	[tilespmem:s12+$0x0] =	vst.add.f32.msk $0xffff, v2  }
0x595: {  	v57 =	vmul.f32 v7, v1;
	[tilespmem:s12+$0x0] =	vst.add.f32.msk $0xffff, v5  }
0x596: {  	[tilespmem:s12+$0x0] =	vst.add.f32.msk $0xffff, v56  }
0x597: {  	[tilespmem:s12+$0x0] =	vst.add.f32.msk $0xffff, v57  }
0x598: {  	v2 =	vld [tilespmem:$0x1F600]  }
0x599: {  	v5 =	vld [tilespmem:$0x1F7E0]  }
0x59a: {  	v58 =	vld [tilespmem:$0x1FA10]  }
0x59b: {  	v59 =	vld [tilespmem:$0x1FC00];
	_ =	sdelay $0x4  }
0x59c: {  	v2 =	vld.idx.msk [tilespmem:v2+s3+$0x0], $0xffff  }
0x59d: {  	v5 =	vld.idx.msk [tilespmem:v5+s3+$0x0], $0xffff  }
0x59e: {  	v6 =	vld.idx.msk [tilespmem:v58+s3+$0x0], $0xffff  }
0x59f: {  	v7 =	vld.idx.msk [tilespmem:v59+s3+$0x0], $0xffff;
	_ =	sdelay $0x1  }
0x5a0: {  	v2 =	vmul.f32 v2, v3  }
0x5a1: {  	s13 =	simm.s32 $0x18320;
	v5 =	vmul.f32 v5, v4  }
0x5a2: {  	v60 =	vmul.f32 v6, v0;
	[tilespmem:s13+$0x0] =	vst.add.f32.msk $0xffff, v2  }
0x5a3: {  	v61 =	vmul.f32 v7, v1;
	[tilespmem:s13+$0x0] =	vst.add.f32.msk $0xffff, v5  }
0x5a4: {  	[tilespmem:s13+$0x0] =	vst.add.f32.msk $0xffff, v60  }
0x5a5: {  	[tilespmem:s13+$0x0] =	vst.add.f32.msk $0xffff, v61  }
0x5a6: {  	v2 =	vld [tilespmem:$0x1F610]  }
0x5a7: {  	v5 =	vld [tilespmem:$0x1F830]  }
0x5a8: {  	v62 =	vld [tilespmem:$0x1FA20]  }
0x5a9: {  	v9 =	vld [tilespmem:$0x1FC10];
	_ =	sdelay $0x4  }
0x5aa: {  	v2 =	vld.idx.msk [tilespmem:v2+s3+$0x0], $0xffff  }
0x5ab: {  	v5 =	vld.idx.msk [tilespmem:v5+s3+$0x0], $0xffff  }
0x5ac: {  	v6 =	vld.idx.msk [tilespmem:v62+s3+$0x0], $0xffff  }
0x5ad: {  	v7 =	vld.idx.msk [tilespmem:v9+s3+$0x0], $0xffff;
	_ =	sdelay $0x1  }
0x5ae: {  	v2 =	vmul.f32 v2, v3  }
0x5af: {  	s14 =	simm.s32 $0x18330;
	v5 =	vmul.f32 v5, v4  }
0x5b0: {  	v10 =	vmul.f32 v6, v0;
	[tilespmem:s14+$0x0] =	vst.add.f32.msk $0xffff, v2  }
0x5b1: {  	v11 =	vmul.f32 v7, v1;
	[tilespmem:s14+$0x0] =	vst.add.f32.msk $0xffff, v5  }
0x5b2: {  	[tilespmem:s14+$0x0] =	vst.add.f32.msk $0xffff, v10  }
0x5b3: {  	[tilespmem:s14+$0x0] =	vst.add.f32.msk $0xffff, v11  }
0x5b4: {  	v2 =	vld [tilespmem:$0x1F620]  }
0x5b5: {  	v5 =	vld [tilespmem:$0x1F7F0]  }
0x5b6: {  	v12 =	vld [tilespmem:$0x1F9E0]  }
0x5b7: {  	v13 =	vld [tilespmem:$0x1FBD0];
	_ =	sdelay $0x4  }
0x5b8: {  	v2 =	vld.idx.msk [tilespmem:v2+s3+$0x0], $0xffff  }
0x5b9: {  	v5 =	vld.idx.msk [tilespmem:v5+s3+$0x0], $0xffff  }
0x5ba: {  	v6 =	vld.idx.msk [tilespmem:v12+s3+$0x0], $0xffff  }
0x5bb: {  	v7 =	vld.idx.msk [tilespmem:v13+s3+$0x0], $0xffff;
	_ =	sdelay $0x1  }
0x5bc: {  	v2 =	vmul.f32 v2, v3  }
0x5bd: {  	s15 =	simm.s32 $0x18340;
	v5 =	vmul.f32 v5, v4  }
0x5be: {  	v14 =	vmul.f32 v6, v0;
	[tilespmem:s15+$0x0] =	vst.add.f32.msk $0xffff, v2  }
0x5bf: {  	v15 =	vmul.f32 v7, v1;
	[tilespmem:s15+$0x0] =	vst.add.f32.msk $0xffff, v5  }
0x5c0: {  	[tilespmem:s15+$0x0] =	vst.add.f32.msk $0xffff, v14  }
0x5c1: {  	[tilespmem:s15+$0x0] =	vst.add.f32.msk $0xffff, v15  }
0x5c2: {  	v2 =	vld [tilespmem:$0x1F630]  }
0x5c3: {  	v5 =	vld [tilespmem:$0x1F800]  }
0x5c4: {  	v16 =	vld [tilespmem:$0x1FA00]  }
0x5c5: {  	v18 =	vld [tilespmem:$0x1FBF0];
	_ =	sdelay $0x4  }
0x5c6: {  	v2 =	vld.idx.msk [tilespmem:v2+s3+$0x0], $0xffff  }
0x5c7: {  	v5 =	vld.idx.msk [tilespmem:v5+s3+$0x0], $0xffff  }
0x5c8: {  	v6 =	vld.idx.msk [tilespmem:v16+s3+$0x0], $0xffff  }
0x5c9: {  	v7 =	vld.idx.msk [tilespmem:v18+s3+$0x0], $0xffff;
	_ =	sdelay $0x1  }
0x5ca: {  	v2 =	vmul.f32 v2, v3  }
0x5cb: {  	s16 =	simm.s32 $0x18350;
	v5 =	vmul.f32 v5, v4  }
0x5cc: {  	v19 =	vmul.f32 v6, v0;
	[tilespmem:s16+$0x0] =	vst.add.f32.msk $0xffff, v2  }
0x5cd: {  	v20 =	vmul.f32 v7, v1;
	[tilespmem:s16+$0x0] =	vst.add.f32.msk $0xffff, v5  }
0x5ce: {  	[tilespmem:s16+$0x0] =	vst.add.f32.msk $0xffff, v19  }
0x5cf: {  	[tilespmem:s16+$0x0] =	vst.add.f32.msk $0xffff, v20  }
0x5d0: {  	v2 =	vld [tilespmem:$0x1F640]  }
0x5d1: {  	v5 =	vld [tilespmem:$0x1F810]  }
0x5d2: {  	v21 =	vld [tilespmem:$0x1FA30]  }
0x5d3: {  	v22 =	vld [tilespmem:$0x1FC20];
	_ =	sdelay $0x4  }
0x5d4: {  	v2 =	vld.idx.msk [tilespmem:v2+s3+$0x0], $0xffff  }
0x5d5: {  	v5 =	vld.idx.msk [tilespmem:v5+s3+$0x0], $0xffff  }
0x5d6: {  	v6 =	vld.idx.msk [tilespmem:v21+s3+$0x0], $0xffff  }
0x5d7: {  	v7 =	vld.idx.msk [tilespmem:v22+s3+$0x0], $0xffff;
	_ =	sdelay $0x1  }
0x5d8: {  	v2 =	vmul.f32 v2, v3  }
0x5d9: {  	s17 =	simm.s32 $0x18360;
	v5 =	vmul.f32 v5, v4  }
0x5da: {  	v23 =	vmul.f32 v6, v0;
	[tilespmem:s17+$0x0] =	vst.add.f32.msk $0xffff, v2  }
0x5db: {  	v24 =	vmul.f32 v7, v1;
	[tilespmem:s17+$0x0] =	vst.add.f32.msk $0xffff, v5  }
0x5dc: {  	[tilespmem:s17+$0x0] =	vst.add.f32.msk $0xffff, v23  }
0x5dd: {  	[tilespmem:s17+$0x0] =	vst.add.f32.msk $0xffff, v24  }
0x5de: {  	v2 =	vld [tilespmem:$0x1F650]  }
0x5df: {  	v5 =	vld [tilespmem:$0x1F840]  }
0x5e0: {  	v25 =	vld [tilespmem:$0x1FA40]  }
0x5e1: {  	v26 =	vld [tilespmem:$0x1FC30];
	_ =	sdelay $0x4  }
0x5e2: {  	v2 =	vld.idx.msk [tilespmem:v2+s3+$0x0], $0xffff  }
0x5e3: {  	v5 =	vld.idx.msk [tilespmem:v5+s3+$0x0], $0xffff  }
0x5e4: {  	v6 =	vld.idx.msk [tilespmem:v25+s3+$0x0], $0xffff  }
0x5e5: {  	v7 =	vld.idx.msk [tilespmem:v26+s3+$0x0], $0xffff;
	_ =	sdelay $0x1  }
0x5e6: {  	v2 =	vmul.f32 v2, v3  }
0x5e7: {  	s18 =	simm.s32 $0x18370;
	v5 =	vmul.f32 v5, v4  }
0x5e8: {  	v27 =	vmul.f32 v6, v0;
	[tilespmem:s18+$0x0] =	vst.add.f32.msk $0xffff, v2  }
0x5e9: {  	v28 =	vmul.f32 v7, v1;
	[tilespmem:s18+$0x0] =	vst.add.f32.msk $0xffff, v5  }
0x5ea: {  	[tilespmem:s18+$0x0] =	vst.add.f32.msk $0xffff, v27  }
0x5eb: {  	[tilespmem:s18+$0x0] =	vst.add.f32.msk $0xffff, v28  }
0x5ec: {  	v2 =	vld [tilespmem:$0x1F660]  }
0x5ed: {  	v5 =	vld [tilespmem:$0x1F870]  }
0x5ee: {  	v29 =	vld [tilespmem:$0x1FA80]  }
0x5ef: {  	v30 =	vld [tilespmem:$0x1FC60];
	_ =	sdelay $0x4  }
0x5f0: {  	v2 =	vld.idx.msk [tilespmem:v2+s3+$0x0], $0xffff  }
0x5f1: {  	v5 =	vld.idx.msk [tilespmem:v5+s3+$0x0], $0xffff  }
0x5f2: {  	v6 =	vld.idx.msk [tilespmem:v29+s3+$0x0], $0xffff  }
0x5f3: {  	v7 =	vld.idx.msk [tilespmem:v30+s3+$0x0], $0xffff;
	_ =	sdelay $0x1  }
0x5f4: {  	v2 =	vmul.f32 v2, v3  }
0x5f5: {  	s19 =	simm.s32 $0x18380;
	v5 =	vmul.f32 v5, v4  }
0x5f6: {  	v31 =	vmul.f32 v6, v0;
	[tilespmem:s19+$0x0] =	vst.add.f32.msk $0xffff, v2  }
0x5f7: {  	v32 =	vmul.f32 v7, v1;
	[tilespmem:s19+$0x0] =	vst.add.f32.msk $0xffff, v5  }
0x5f8: {  	[tilespmem:s19+$0x0] =	vst.add.f32.msk $0xffff, v31  }
0x5f9: {  	[tilespmem:s19+$0x0] =	vst.add.f32.msk $0xffff, v32  }
0x5fa: {  	v2 =	vld [tilespmem:$0x1F670]  }
0x5fb: {  	v5 =	vld [tilespmem:$0x1F880]  }
0x5fc: {  	v33 =	vld [tilespmem:$0x1FA90]  }
0x5fd: {  	v34 =	vld [tilespmem:$0x1FC70];
	_ =	sdelay $0x4  }
0x5fe: {  	v2 =	vld.idx.msk [tilespmem:v2+s3+$0x0], $0xffff  }
0x5ff: {  	v5 =	vld.idx.msk [tilespmem:v5+s3+$0x0], $0xffff  }
0x600: {  	v6 =	vld.idx.msk [tilespmem:v33+s3+$0x0], $0xffff  }
0x601: {  	v7 =	vld.idx.msk [tilespmem:v34+s3+$0x0], $0xffff;
	_ =	sdelay $0x1  }
0x602: {  	v2 =	vmul.f32 v2, v3  }
0x603: {  	s20 =	simm.s32 $0x18390;
	v5 =	vmul.f32 v5, v4  }
0x604: {  	v35 =	vmul.f32 v6, v0;
	[tilespmem:s20+$0x0] =	vst.add.f32.msk $0xffff, v2  }
0x605: {  	v36 =	vmul.f32 v7, v1;
	[tilespmem:s20+$0x0] =	vst.add.f32.msk $0xffff, v5  }
0x606: {  	[tilespmem:s20+$0x0] =	vst.add.f32.msk $0xffff, v35  }
0x607: {  	[tilespmem:s20+$0x0] =	vst.add.f32.msk $0xffff, v36  }
0x608: {  	v2 =	vld [tilespmem:$0x1F680]  }
0x609: {  	v5 =	vld [tilespmem:$0x1F890]  }
0x60a: {  	v37 =	vld [tilespmem:$0x1FAB0]  }
0x60b: {  	v38 =	vld [tilespmem:$0x1FC80];
	_ =	sdelay $0x4  }
0x60c: {  	v2 =	vld.idx.msk [tilespmem:v2+s3+$0x0], $0xffff  }
0x60d: {  	v5 =	vld.idx.msk [tilespmem:v5+s3+$0x0], $0xffff  }
0x60e: {  	v6 =	vld.idx.msk [tilespmem:v37+s3+$0x0], $0xffff  }
0x60f: {  	v7 =	vld.idx.msk [tilespmem:v38+s3+$0x0], $0xffff;
	_ =	sdelay $0x1  }
0x610: {  	v2 =	vmul.f32 v2, v3  }
0x611: {  	s21 =	simm.s32 $0x183A0;
	v5 =	vmul.f32 v5, v4  }
0x612: {  	v39 =	vmul.f32 v6, v0;
	[tilespmem:s21+$0x0] =	vst.add.f32.msk $0xffff, v2  }
0x613: {  	v40 =	vmul.f32 v7, v1;
	[tilespmem:s21+$0x0] =	vst.add.f32.msk $0xffff, v5  }
0x614: {  	[tilespmem:s21+$0x0] =	vst.add.f32.msk $0xffff, v39  }
0x615: {  	[tilespmem:s21+$0x0] =	vst.add.f32.msk $0xffff, v40  }
0x616: {  	v2 =	vld [tilespmem:$0x1F690]  }
0x617: {  	v5 =	vld [tilespmem:$0x1F8C0]  }
0x618: {  	v41 =	vld [tilespmem:$0x1FAC0];
	_ =	sdelay $0x4  }
0x619: {  	v44 =	vld.idx.msk [tilespmem:v46+s3+$0x0], $0xffff  }
0x61a: {  	v2 =	vld.idx.msk [tilespmem:v2+s3+$0x0], $0xffff  }
0x61b: {  	v5 =	vld.idx.msk [tilespmem:v5+s3+$0x0], $0xffff  }
0x61c: {  	v6 =	vld.idx.msk [tilespmem:v41+s3+$0x0], $0xffff;
	_ =	sdelay $0x1  }
0x61d: {  	v46 =	vmul.f32 v44, v1  }
0x61e: {  	s22 =	simm.s32 $0x183B0;
	v2 =	vmul.f32 v2, v3  }
0x61f: {  	[tilespmem:s22+$0x0] =	vst.add.f32.msk $0xffff, v46;
	v5 =	vmul.f32 v5, v4  }
0x620: {  	v45 =	vmul.f32 v6, v0;
	[tilespmem:s22+$0x0] =	vst.add.f32.msk $0xffff, v2  }
0x621: {  	[tilespmem:s22+$0x0] =	vst.add.f32.msk $0xffff, v5  }
0x622: {  	[tilespmem:s22+$0x0] =	vst.add.f32.msk $0xffff, v45  }
0x623: {  	v2 =	vld [tilespmem:$0x1F6A0]  }
0x624: {  	v5 =	vld [tilespmem:$0x1F8E0]  }
0x625: {  	v47 =	vld [tilespmem:$0x1FAD0];
	_ =	sdelay $0x4  }
0x626: {  	v49 =	vld.idx.msk [tilespmem:v48+s3+$0x0], $0xffff  }
0x627: {  	v2 =	vld.idx.msk [tilespmem:v2+s3+$0x0], $0xffff  }
0x628: {  	v5 =	vld.idx.msk [tilespmem:v5+s3+$0x0], $0xffff  }
0x629: {  	v6 =	vld.idx.msk [tilespmem:v47+s3+$0x0], $0xffff;
	_ =	sdelay $0x1  }
0x62a: {  	v51 =	vmul.f32 v49, v1  }
0x62b: {  	s23 =	simm.s32 $0x183C0;
	v2 =	vmul.f32 v2, v3  }
0x62c: {  	[tilespmem:s23+$0x0] =	vst.add.f32.msk $0xffff, v51;
	v5 =	vmul.f32 v5, v4  }
0x62d: {  	v50 =	vmul.f32 v6, v0;
	[tilespmem:s23+$0x0] =	vst.add.f32.msk $0xffff, v2  }
0x62e: {  	[tilespmem:s23+$0x0] =	vst.add.f32.msk $0xffff, v5  }
0x62f: {  	[tilespmem:s23+$0x0] =	vst.add.f32.msk $0xffff, v50  }
0x630: {  	v2 =	vld [tilespmem:$0x1F6B0]  }
0x631: {  	v5 =	vld [tilespmem:$0x1F8F0]  }
0x632: {  	v52 =	vld [tilespmem:$0x1FAE0];
	_ =	sdelay $0x4  }
0x633: {  	v53 =	vld.idx.msk [tilespmem:v43+s3+$0x0], $0xffff  }
0x634: {  	v2 =	vld.idx.msk [tilespmem:v2+s3+$0x0], $0xffff  }
0x635: {  	v5 =	vld.idx.msk [tilespmem:v5+s3+$0x0], $0xffff  }
0x636: {  	v6 =	vld.idx.msk [tilespmem:v52+s3+$0x0], $0xffff;
	_ =	sdelay $0x1  }
0x637: {  	v55 =	vmul.f32 v53, v1  }
0x638: {  	s24 =	simm.s32 $0x183D0;
	v2 =	vmul.f32 v2, v3  }
0x639: {  	[tilespmem:s24+$0x0] =	vst.add.f32.msk $0xffff, v55;
	v5 =	vmul.f32 v5, v4  }
0x63a: {  	v54 =	vmul.f32 v6, v0;
	[tilespmem:s24+$0x0] =	vst.add.f32.msk $0xffff, v2  }
0x63b: {  	[tilespmem:s24+$0x0] =	vst.add.f32.msk $0xffff, v5  }
0x63c: {  	[tilespmem:s24+$0x0] =	vst.add.f32.msk $0xffff, v54  }
0x63d: {  	v2 =	vld [tilespmem:$0x1F6C0]  }
0x63e: {  	v5 =	vld [tilespmem:$0x1F900]  }
0x63f: {  	v56 =	vld [tilespmem:$0x1FAF0];
	_ =	sdelay $0x4  }
0x640: {  	v57 =	vld.idx.msk [tilespmem:v42+s3+$0x0], $0xffff  }
0x641: {  	v2 =	vld.idx.msk [tilespmem:v2+s3+$0x0], $0xffff  }
0x642: {  	v5 =	vld.idx.msk [tilespmem:v5+s3+$0x0], $0xffff  }
0x643: {  	v6 =	vld.idx.msk [tilespmem:v56+s3+$0x0], $0xffff;
	_ =	sdelay $0x1  }
0x644: {  	v59 =	vmul.f32 v57, v1  }
0x645: {  	s25 =	simm.s32 $0x183E0;
	v2 =	vmul.f32 v2, v3  }
0x646: {  	[tilespmem:s25+$0x0] =	vst.add.f32.msk $0xffff, v59;
	v5 =	vmul.f32 v5, v4  }
0x647: {  	v58 =	vmul.f32 v6, v0;
	[tilespmem:s25+$0x0] =	vst.add.f32.msk $0xffff, v2  }
0x648: {  	[tilespmem:s25+$0x0] =	vst.add.f32.msk $0xffff, v5  }
0x649: {  	[tilespmem:s25+$0x0] =	vst.add.f32.msk $0xffff, v58  }
0x64a: {  	v2 =	vld [tilespmem:$0x1F6D0]  }
0x64b: {  	v5 =	vld [tilespmem:$0x1F910]  }
0x64c: {  	v60 =	vld [tilespmem:$0x1FB00];
	_ =	sdelay $0x4  }
0x64d: {  	v61 =	vld.idx.msk [tilespmem:v17+s3+$0x0], $0xffff  }
0x64e: {  	v2 =	vld.idx.msk [tilespmem:v2+s3+$0x0], $0xffff  }
0x64f: {  	v5 =	vld.idx.msk [tilespmem:v5+s3+$0x0], $0xffff  }
0x650: {  	v6 =	vld.idx.msk [tilespmem:v60+s3+$0x0], $0xffff;
	_ =	sdelay $0x1  }
0x651: {  	v1 =	vmul.f32 v61, v1  }
0x652: {  	s26 =	simm.s32 $0x183F0;
	v2 =	vmul.f32 v2, v3  }
0x653: {  	[tilespmem:s26+$0x0] =	vst.add.f32.msk $0xffff, v1;
	v62 =	vmul.f32 v5, v4  }
0x654: {  	v0 =	vmul.f32 v6, v0;
	[tilespmem:s26+$0x0] =	vst.add.f32.msk $0xffff, v2  }
0x655: {  	[tilespmem:s26+$0x0] =	vst.add.f32.msk $0xffff, v62  }
0x656: {  	[tilespmem:s26+$0x0] =	vst.add.f32.msk $0xffff, v0  }
0x657: {  	v35 =	vld [tilespmem:$0x1FFF0]  }
0x658: {  	v36 =	vld [tilespmem:$0x1FFA0]  }
0x659: {  	v42 =	vld [tilespmem:$0x1FF90]  }
0x65a: {  	v61 =	vld [tilespmem:$0x1FFB0]  }
0x65b: {  	v45 =	vld [tilespmem:$0x1FF80]  }
0x65c: {  	v44 =	vld [tilespmem:$0x1FF70]  }
0x65d: {  	v55 =	vld [tilespmem:$0x1FFE0]  }
0x65e: {  	v41 =	vld [tilespmem:$0x1FFD0]  }
0x65f: {  	v48 =	vld [tilespmem:$0x1FFC0]  }
0x660: {  	v52 =	vld [tilespmem:$0x1FF60]  }
0x661: {  	v37 =	vld [tilespmem:$0x1FEE0]  }
0x662: {  	s28 =	simm.s32 $0x18320;
	v38 =	vld [tilespmem:$0x1FEF0]  }
0x663: {  	s30 =	simm.s32 $0x18330;
	s31 =	simm.s32 $0x18340;
	s4 =	simm.s32 $0x182E0;
	v53 =	vld [tilespmem:$0x1FED0]  }
0x664: {  	s5 =	simm.s32 $0x182B0;
	s6 =	simm.s32 $0x182D0;
	s7 =	simm.s32 $0x18300;
	v59 =	vld [tilespmem:$0x1FE60]  }
0x665: {  	s8 =	simm.s32 $0x182F0;
	s12 =	simm.s32 $0x18200;
	s13 =	simm.s32 $0x18210;
	v51 =	vld [tilespmem:$0x1FE90]  }
0x666: {  	s14 =	simm.s32 $0x18290;
	s15 =	simm.s32 $0x18220;
	s16 =	simm.s32 $0x182C0;
	v56 =	vld [tilespmem:$0x1FE80]  }
0x667: {  	s17 =	simm.s32 $0x18230;
	s18 =	simm.s32 $0x18240;
	v50 =	vld [tilespmem:$0x1FE70];
	s29 =	rddreg [dreg:$0x1e]  }
0x668: {  	s19 =	simm.s32 $0x18250;
	s20 =	simm.s32 $0x18260;
	v54 =	vld [tilespmem:$0x1FEB0];
	s25 =	sld [smem:$0x7FC]  }
0x669: {  	s21 =	simm.s32 $0x18270;
	s22 =	simm.s32 $0x18280;
	v57 =	vld [tilespmem:$0x1FEA0];
	s1 =	sld [smem:$0x7FB]  }
0x66a: {  	s24 =	simm.s32 $0x182A0;
	s26 =	simm.s32 $0x18310;
	v49 =	vld [tilespmem:$0x1FEC0];
	s2 =	sld [smem:$0x7FA]  }
.LBB2_6:
0x66b: {  	v12 =	vld [tilespmem:$0x1FF30]  }
0x66c: {  	p1 =	sgt.s32 s11, $0x3F;
	v9 =	vld [tilespmem:$0x1FF40]  }
.Ltmp8:
0x66d: {  	v8 =	vld [tilespmem:$0x1FD00];
	(pc) =	sbr.rel @p1 .LBB2_9-.Ltmp8, $4  }
0x66e: {  	v43 =	vld [tilespmem:$0x1FD10]  }
0x66f: {  	v6 =	vld [tilespmem:$0x1FD60]  }
0x670: {  	v62 =	vld [tilespmem:$0x1FE20]  }
0x671: {  	s23 =	simm.s32 $0x183C0;
	s11 =	simm.s32 $0x183E0;
	s10 =	simm.s32 $0x183F0;
	v14 =	vld [tilespmem:$0x1FE30]  }
0x672: {  	s9 =	sld [smem:$0x7FD];
	_ =	sdelay $0x1  }
0x673: {  	s0 =	ssub.s32 s1, s2  }
0x674: {  	s2 =	sshll.u32 s0, $0x5;
	s1 =	smul.u32 $0x1800, s9  }
0x675: {  	s9 =	smov.u32 s25;
	s25 =	smov.u32 s29;
	s29 =	rddreg [dreg:$0x16]  }
0x676: {  	s2 =	ssub.s32 s29, s2;
	s29 =	smov.u32 s25  }
0x677: {  	s25 =	smov.u32 s9;
	s9 =	simm.s32 $0x183B0;
	s1 =	ssub.s32 s2, s1  }
.LBB2_8:
0x678: {  	v5 =	vld [tilespmem:$0x1FF00];
	_ =	sdelay $0x1  }
0x679: {  	s2 =	sadd.s32 $0x800, s1;
	v34 =	vld [tilespmem:$0x1FF10]  }
0x67a: {  	v0 =	vmov s2  }
0x67b: {  	v0 =	vshll.u32 v0, $0x4  }
0x67c: {  	v3 =	vlaneseq.u32;
	v0 =	vor.u32 v5, v0  }
0x67d: {  	v1 =	vor.u32 v3, v0  }
0x67e: {  	v30 =	vor.u32 v34, v0  }
0x67f: {  	v29 =	vor.u32 v35, v0  }
0x680: {  	v28 =	vor.u32 v36, v0  }
0x681: {  	v46 =	vld [tilespmem:$0x1FF20];
	v27 =	vor.u32 v42, v0  }
0x682: {  	v26 =	vor.u32 v61, v0;
	v31 =	vld.idx.msk [tilespmem:v1+s3+$0x0], $0xffff  }
0x683: {  	v24 =	vor.u32 v44, v0;
	v2 =	vld.idx.msk [tilespmem:v30+s3+$0x0], $0xffff  }
0x684: {  	v22 =	vor.u32 v55, v0;
	v4 =	vld.idx.msk [tilespmem:v29+s3+$0x0], $0xffff  }
0x685: {  	v11 =	vmov v6;
	s2 =	sadd.s32 $0x810, s1;
	v39 =	vor.u32 v63, v0;
	v6 =	vld.idx.msk [tilespmem:v28+s3+$0x0], $0xffff  }
0x686: {  	v40 =	vmov s2;
	v13 =	vor.u32 v52, v0;
	v7 =	vld.idx.msk [tilespmem:v27+s3+$0x0], $0xffff  }
0x687: {  	v16 =	vor.u32 v12, v0;
	v10 =	vld.idx.msk [tilespmem:v26+s3+$0x0], $0xffff;
	v1 =	vshll.u32 v40, $0x4  }
0x688: {  	v12 =	vor.u32 v9, v0;
	v15 =	vld.idx.msk [tilespmem:v24+s3+$0x0], $0xffff;
	v25 =	vor.u32 v5, v1  }
0x689: {  	v17 =	vld.idx.msk [tilespmem:v22+s3+$0x0], $0xffff;
	v9 =	vor.u32 v3, v25  }
0x68a: {  	v20 =	vor.u32 v45, v0;
	v18 =	vor.u32 v46, v0;
	v33 =	vld.idx.msk [tilespmem:v39+s3+$0x0], $0xffff  }
0x68b: {  	v23 =	vor.u32 v41, v0;
	[tilespmem:$0x1F260] =	vst v39;
	v1 =	vor.u32 v34, v25;
	v34 =	vld.idx.msk [tilespmem:v13+s3+$0x0], $0xffff  }
0x68c: {  	v32 =	vor.u32 v48, v0;
	[tilespmem:$0x1F270] =	vst v13;
	v5 =	vor.u32 v35, v25;
	v13 =	vmov v35;
	v35 =	vld.idx.msk [tilespmem:v16+s3+$0x0], $0xffff  }
0x68d: {  	[tilespmem:$0x1F280] =	vst v16;
	v0 =	vmov v52;
	v52 =	vor.u32 v36, v25;
	v16 =	vmov v36;
	v36 =	vld.idx.msk [tilespmem:v12+s3+$0x0], $0xffff  }
0x68e: {  	[tilespmem:$0x1F290] =	vst v12;
	v3 =	vor.u32 v42, v25;
	v39 =	vld.idx.msk [tilespmem:v9+s3+$0x0], $0xffff  }
0x68f: {  	v58 =	vmovc v38;
	v40 =	vor.u32 v44, v25;
	[tilespmem:$0x1F2A0] =	vst v9;
	v38 =	vmul.f32 v2, v38;
	v9 =	vmov v44;
	v44 =	vld [tilespmem:$0x1FD30]  }
0x690: {  	v12 =	vmovc v42;
	v2 =	vmov v62;
	v42 =	vmul.f32 v6, v43;
	v6 =	vor.u32 v55, v25;
	v62 =	vld.idx.msk [tilespmem:v1+s3+$0x0], $0xffff  }
0x691: {  	v60 =	vmov v37;
	[tilespmem:$0x1F2B0] =	vst v1;
	v37 =	vmul.f32 v31, v37;
	v7 =	vmul.f32 v7, v53;
	v1 =	vld [tilespmem:$0x1FD20]  }
0x692: {  	v47 =	vmov v59;
	[tilespmem:$0x1F240] =	vst v23;
	v23 =	vld.idx.msk [tilespmem:v23+s3+$0x0], $0xffff;
	v59 =	vor.u32 v61, v25;
	v4 =	vmul.f32 v4, v8  }
0x693: {  	v8 =	vmov v43;
	v17 =	vmul.f32 v17, v47;
	v43 =	vld.idx.msk [tilespmem:v5+s3+$0x0], $0xffff;
	v37 =	vadd.f32 v7, v37  }
0x694: {  	[tilespmem:$0x1F2C0] =	vst v5;
	v7 =	vor.u32 v45, v25;
	v5 =	vmov v45;
	v45 =	vld.idx.msk [tilespmem:v3+s3+$0x0], $0xffff;
	v15 =	vmul.f32 v15, v44  }
0x695: {  	[tilespmem:$0x1F2E0] =	vst v3;
	v42 =	vadd.f32 v17, v42;
	v17 =	vor.u32 v48, v25;
	v3 =	vmov v48;
	v48 =	vld.idx.msk [tilespmem:v6+s3+$0x0], $0xffff  }
0x696: {  	v10 =	vmul.f32 v10, v1;
	v1 =	vadd.f32 v15, v4;
	v4 =	vmov v47;
	v47 =	vld.idx.msk [tilespmem:v40+s3+$0x0], $0xffff  }
0x697: {  	[tilespmem:$0x1F300] =	vst v40;
	v40 =	vmov v6;
	v6 =	vld [tilespmem:$0x1FD40]  }
0x698: {  	v19 =	vld.idx.msk [tilespmem:v20+s3+$0x0], $0xffff  }
0x699: {  	v21 =	vld.idx.msk [tilespmem:v18+s3+$0x0], $0xffff;
	v23 =	vmul.f32 v23, v50  }
0x69a: {  	v38 =	vadd.f32 v10, v38;
	v10 =	vor.u32 v46, v25;
	v46 =	vld.idx.msk [tilespmem:v59+s3+$0x0], $0xffff  }
0x69b: {  	[tilespmem:$0x1F2F0] =	vst v59;
	v59 =	vadd.f32 v23, v1;
	v23 =	vld [tilespmem:$0x1FF30]  }
0x69c: {  	v34 =	vmul.f32 v34, v6;
	v6 =	vld [tilespmem:$0x1FF40]  }
0x69d: {  	v19 =	vmul.f32 v19, v51  }
0x69e: {  	v21 =	vmul.f32 v21, v56  }
0x69f: {  	v37 =	vadd.f32 v19, v37  }
0x6a0: {  	v19 =	vor.u32 v63, v25;
	v15 =	vor.u32 v41, v25;
	v38 =	vadd.f32 v21, v38  }
0x6a1: {  	v21 =	vor.u32 v0, v25;
	v23 =	vor.u32 v23, v25;
	v25 =	vor.u32 v6, v25;
	v6 =	vmovc v11;
	v11 =	vld [tilespmem:$0x1FD50];
	_ =	sdelay $0x4  }
0x6a2: {  	v35 =	vmul.f32 v35, v11;
	v11 =	vld [tilespmem:$0x1FD70];
	_ =	sdelay $0x4  }
0x6a3: {  	v34 =	vadd.f32 v34, v38;
	v38 =	vmul.f32 v39, v11;
	v11 =	vld [tilespmem:$0x1FD80];
	_ =	sdelay $0x4  }
0x6a4: {  	v39 =	vmul.f32 v62, v11;
	v11 =	vld [tilespmem:$0x1FD90];
	_ =	sdelay $0x4  }
0x6a5: {  	v35 =	vadd.f32 v35, v59;
	v59 =	vmul.f32 v43, v11;
	v11 =	vld [tilespmem:$0x1FDB0]  }
0x6a6: {  	[tilespmem:$0x1F250] =	vst v32;
	v32 =	vld.idx.msk [tilespmem:v32+s3+$0x0], $0xffff  }
0x6a7: {  	[tilespmem:$0x1F2D0] =	vst v52;
	v44 =	vld.idx.msk [tilespmem:v52+s3+$0x0], $0xffff;
	v52 =	vmov v49;
	_ =	sdelay $0x2  }
0x6a8: {  	v1 =	vmov v52;
	v52 =	vmov v0;
	v0 =	vmul.f32 v45, v11;
	v11 =	vld [tilespmem:$0x1FDA0]  }
0x6a9: {  	v32 =	vmul.f32 v32, v54;
	_ =	sdelay $0x1  }
0x6aa: {  	v32 =	vadd.f32 v32, v42;
	v36 =	vmul.f32 v36, v6;
	_ =	sdelay $0x1  }
0x6ab: {  	v32 =	vadd.f32 v36, v32;
	v36 =	vmul.f32 v44, v11;
	v11 =	vld [tilespmem:$0x1FDC0];
	_ =	sdelay $0x4  }
0x6ac: {  	v44 =	vmul.f32 v46, v11;
	v11 =	vld [tilespmem:$0x1FDD0];
	_ =	sdelay $0x4  }
0x6ad: {  	v38 =	vadd.f32 v0, v38;
	v0 =	vmul.f32 v47, v11;
	v11 =	vld [tilespmem:$0x1FDE0];
	_ =	sdelay $0x3  }
0x6ae: {  	v49 =	vld.idx.msk [tilespmem:v7+s3+$0x0], $0xffff  }
0x6af: {  	v33 =	vmul.f32 v33, v57;
	v47 =	vmul.f32 v48, v11;
	v11 =	vld [tilespmem:$0x1FDF0];
	_ =	sdelay $0x1  }
0x6b0: {  	v33 =	vadd.f32 v33, v37;
	v37 =	vld.idx.msk [tilespmem:v17+s3+$0x0], $0xffff  }
0x6b1: {  	v63 =	vmov v50;
	v50 =	vld.idx.msk [tilespmem:v10+s3+$0x0], $0xffff  }
0x6b2: {  	v43 =	vld [tilespmem:$0x1FE40]  }
0x6b3: {  	v39 =	vadd.f32 v44, v39;
	v44 =	vmul.f32 v49, v11;
	v11 =	vld [tilespmem:$0x1FE00]  }
0x6b4: {  	v46 =	vld.idx.msk [tilespmem:v23+s3+$0x0], $0xffff  }
0x6b5: {  	v42 =	vld.idx.msk [tilespmem:v15+s3+$0x0], $0xffff  }
0x6b6: {  	v62 =	vld.idx.msk [tilespmem:v19+s3+$0x0], $0xffff  }
0x6b7: {  	v37 =	vmul.f32 v37, v1;
	v48 =	vld.idx.msk [tilespmem:v25+s3+$0x0], $0xffff;
	v36 =	vadd.f32 v47, v36  }
0x6b8: {  	v49 =	vmul.f32 v50, v11;
	v50 =	vmov v63;
	v63 =	vld [tilespmem:$0x1FE10]  }
0x6b9: {  	v36 =	vadd.f32 v37, v36;
	v37 =	vmul.f32 v46, v43;
	v46 =	vld [tilespmem:$0x1FE50]  }
0x6ba: {  	v45 =	vld.idx.msk [tilespmem:v21+s3+$0x0], $0xffff;
	_ =	sdelay $0x2  }
0x6bb: {  	v59 =	vadd.f32 v0, v59;
	v42 =	vmul.f32 v42, v63  }
0x6bc: {  	v47 =	vmul.f32 v62, v2;
	v38 =	vadd.f32 v44, v38;
	v0 =	vmul.f32 v48, v46  }
0x6bd: {  	v39 =	vadd.f32 v49, v39;
	v44 =	vadd.f32 v42, v59;
	v42 =	vmul.f32 v45, v14  }
0x6be: {  	v38 =	vadd.f32 v47, v38;
	v36 =	vadd.f32 v0, v36  }
0x6bf: {  	v39 =	vadd.f32 v42, v39;
	v37 =	vadd.f32 v37, v44  }
0x6c0: {  	v33 =	vadd.f32 v34, v33;
	v32 =	vadd.f32 v32, v35  }
0x6c1: {  	v62 =	vmovc v2;
	v49 =	vmov v1;
	v1 =	vadd.f32 v39, v38;
	v2 =	vadd.f32 v36, v37  }
0x6c2: {  	v32 =	vadd.f32 v32, v33  }
0x6c3: {  	v48 =	vmov v3;
	v3 =	vadd.f32 v2, v1  }
0x6c4: {  	v32 =	vmul.f32 $1.442695020e+00, v32  }
0x6c5: {  	v33 =	vmul.f32 $1.442695020e+00, v3  }
0x6c6: {  	(erf) = vpow2.f32 v32  }
0x6c7: {  	(erf) = vpow2.f32 v33;
	_ =	sdelay $0x7  }
0x6c8: {  	v32 =	vpop (erf)  }
0x6c9: {  	v33 =	vpop (erf)  }
0x6ca: {  	v36 =	vmov v16;
	v16 =	vadd.f32 v33, v32;
	_ =	sdelay $0x1  }
0x6cb: {  	(xrf2) =	vadd.scan.msk.f32 $0xffff, v16;
	_ =	sdelay $0x9  }
0x6cc: {  	v34, _, _ =	vpop (xrf2)  }
0x6cd: {  	v34 =	vbroadcast v34, $0xF;
	_ =	sdelay $0x1  }
0x6ce: {  	(erf) = vrcp.f32 v34;
	_ =	sdelay $0x8  }
0x6cf: {  	v34 =	vpop (erf)  }
0x6d0: {  	v32 =	vmul.f32 v34, v32;
	_ =	sdelay $0x1  }
0x6d1: {  	v31 =	vmul.f32 v32, v31;
	_ =	sdelay $0x1  }
0x6d2: {  	[tilespmem:s12+$0x0] =	vst.add.f32.msk $0xffff, v31  }
0x6d3: {  	v30 =	vld.idx.msk [tilespmem:v30+s3+$0x0], $0xffff;
	_ =	sdelay $0x4  }
0x6d4: {  	v30 =	vmul.f32 v32, v30;
	_ =	sdelay $0x1  }
0x6d5: {  	[tilespmem:s13+$0x0] =	vst.add.f32.msk $0xffff, v30  }
0x6d6: {  	v29 =	vld.idx.msk [tilespmem:v29+s3+$0x0], $0xffff;
	_ =	sdelay $0x4  }
0x6d7: {  	v29 =	vmul.f32 v32, v29;
	_ =	sdelay $0x1  }
0x6d8: {  	[tilespmem:s15+$0x0] =	vst.add.f32.msk $0xffff, v29  }
0x6d9: {  	v28 =	vld.idx.msk [tilespmem:v28+s3+$0x0], $0xffff;
	_ =	sdelay $0x4  }
0x6da: {  	v28 =	vmul.f32 v32, v28;
	_ =	sdelay $0x1  }
0x6db: {  	[tilespmem:s17+$0x0] =	vst.add.f32.msk $0xffff, v28  }
0x6dc: {  	v27 =	vld.idx.msk [tilespmem:v27+s3+$0x0], $0xffff;
	_ =	sdelay $0x4  }
0x6dd: {  	v27 =	vmul.f32 v32, v27;
	_ =	sdelay $0x1  }
0x6de: {  	[tilespmem:s18+$0x0] =	vst.add.f32.msk $0xffff, v27  }
0x6df: {  	v26 =	vld.idx.msk [tilespmem:v26+s3+$0x0], $0xffff;
	_ =	sdelay $0x4  }
0x6e0: {  	v26 =	vmul.f32 v32, v26;
	_ =	sdelay $0x1  }
0x6e1: {  	[tilespmem:s19+$0x0] =	vst.add.f32.msk $0xffff, v26  }
0x6e2: {  	v24 =	vld.idx.msk [tilespmem:v24+s3+$0x0], $0xffff;
	_ =	sdelay $0x4  }
0x6e3: {  	v24 =	vmul.f32 v32, v24;
	_ =	sdelay $0x1  }
0x6e4: {  	[tilespmem:s20+$0x0] =	vst.add.f32.msk $0xffff, v24  }
0x6e5: {  	v22 =	vld.idx.msk [tilespmem:v22+s3+$0x0], $0xffff;
	_ =	sdelay $0x4  }
0x6e6: {  	v22 =	vmul.f32 v22, v32;
	_ =	sdelay $0x1  }
0x6e7: {  	[tilespmem:s21+$0x0] =	vst.add.f32.msk $0xffff, v22  }
0x6e8: {  	v20 =	vld.idx.msk [tilespmem:v20+s3+$0x0], $0xffff;
	_ =	sdelay $0x4  }
0x6e9: {  	v20 =	vmul.f32 v20, v32  }
0x6ea: {  	v22 =	vld [tilespmem:$0x1F240]  }
0x6eb: {  	[tilespmem:s22+$0x0] =	vst.add.f32.msk $0xffff, v20  }
0x6ec: {  	v18 =	vld.idx.msk [tilespmem:v18+s3+$0x0], $0xffff;
	_ =	sdelay $0x4  }
0x6ed: {  	v18 =	vmul.f32 v18, v32  }
0x6ee: {  	v26 =	vld [tilespmem:$0x1F250]  }
0x6ef: {  	[tilespmem:s14+$0x0] =	vst.add.f32.msk $0xffff, v18  }
0x6f0: {  	v24 =	vld.idx.msk [tilespmem:v22+s3+$0x0], $0xffff;
	_ =	sdelay $0x4  }
0x6f1: {  	v16 =	vmul.f32 v24, v32  }
0x6f2: {  	v27 =	vld [tilespmem:$0x1F260]  }
0x6f3: {  	[tilespmem:s24+$0x0] =	vst.add.f32.msk $0xffff, v16  }
0x6f4: {  	v11 =	vld.idx.msk [tilespmem:v26+s3+$0x0], $0xffff;
	_ =	sdelay $0x4  }
0x6f5: {  	v11 =	vmul.f32 v11, v32  }
0x6f6: {  	v28 =	vld [tilespmem:$0x1F270]  }
0x6f7: {  	[tilespmem:s5+$0x0] =	vst.add.f32.msk $0xffff, v11  }
0x6f8: {  	v11 =	vld.idx.msk [tilespmem:v27+s3+$0x0], $0xffff;
	_ =	sdelay $0x4  }
0x6f9: {  	v11 =	vmul.f32 v11, v32  }
0x6fa: {  	v29 =	vld [tilespmem:$0x1F280]  }
0x6fb: {  	[tilespmem:s16+$0x0] =	vst.add.f32.msk $0xffff, v11  }
0x6fc: {  	v11 =	vld.idx.msk [tilespmem:v28+s3+$0x0], $0xffff;
	_ =	sdelay $0x4  }
0x6fd: {  	v11 =	vmul.f32 v11, v32  }
0x6fe: {  	v30 =	vld [tilespmem:$0x1F290]  }
0x6ff: {  	[tilespmem:s6+$0x0] =	vst.add.f32.msk $0xffff, v11  }
0x700: {  	v11 =	vld.idx.msk [tilespmem:v29+s3+$0x0], $0xffff;
	_ =	sdelay $0x4  }
0x701: {  	v11 =	vmul.f32 v11, v32  }
0x702: {  	v31 =	vld [tilespmem:$0x1F2A0]  }
0x703: {  	[tilespmem:s4+$0x0] =	vst.add.f32.msk $0xffff, v11  }
0x704: {  	v43 =	vmov v8;
	v8 =	vld.idx.msk [tilespmem:v30+s3+$0x0], $0xffff;
	_ =	sdelay $0x4  }
0x705: {  	v8 =	vmul.f32 v8, v32  }
0x706: {  	v32 =	vld [tilespmem:$0x1F2B0]  }
0x707: {  	[tilespmem:s8+$0x0] =	vst.add.f32.msk $0xffff, v8  }
0x708: {  	v8 =	vld.idx.msk [tilespmem:v31+s3+$0x0], $0xffff;
	_ =	sdelay $0x2  }
0x709: {  	v44 =	vmov v9;
	v9 =	vmul.f32 v34, v33;
	_ =	sdelay $0x1  }
0x70a: {  	v8 =	vmul.f32 v8, v9  }
0x70b: {  	v33 =	vld [tilespmem:$0x1F2C0]  }
0x70c: {  	[tilespmem:s7+$0x0] =	vst.add.f32.msk $0xffff, v8  }
0x70d: {  	v45 =	vmov v5;
	v5 =	vld.idx.msk [tilespmem:v32+s3+$0x0], $0xffff;
	_ =	sdelay $0x4  }
0x70e: {  	v5 =	vmul.f32 v5, v9  }
0x70f: {  	v39 =	vld [tilespmem:$0x1F2D0]  }
0x710: {  	[tilespmem:s26+$0x0] =	vst.add.f32.msk $0xffff, v5  }
0x711: {  	v34 =	vld.idx.msk [tilespmem:v33+s3+$0x0], $0xffff;
	_ =	sdelay $0x4  }
0x712: {  	v3 =	vmul.f32 v34, v9  }
0x713: {  	v47 =	vld [tilespmem:$0x1F2E0]  }
0x714: {  	[tilespmem:s28+$0x0] =	vst.add.f32.msk $0xffff, v3  }
0x715: {  	v46 =	vld.idx.msk [tilespmem:v39+s3+$0x0], $0xffff;
	_ =	sdelay $0x4  }
0x716: {  	v1 =	vmul.f32 v46, v9  }
0x717: {  	v38 =	vmov v58;
	v58 =	vld [tilespmem:$0x1F2F0]  }
0x718: {  	[tilespmem:s30+$0x0] =	vst.add.f32.msk $0xffff, v1  }
0x719: {  	v0 =	vld.idx.msk [tilespmem:v47+s3+$0x0], $0xffff;
	_ =	sdelay $0x4  }
0x71a: {  	v0 =	vmul.f32 v0, v9  }
0x71b: {  	v37 =	vmov v60;
	v60 =	vld [tilespmem:$0x1F300]  }
0x71c: {  	[tilespmem:s31+$0x0] =	vst.add.f32.msk $0xffff, v0  }
0x71d: {  	v0 =	vld.idx.msk [tilespmem:v58+s3+$0x0], $0xffff;
	_ =	sdelay $0x4  }
0x71e: {  	v0 =	vmul.f32 v0, v9  }
0x71f: {  	s2 =	simm.s32 $0x18350  }
0x720: {  	[tilespmem:s2+$0x0] =	vst.add.f32.msk $0xffff, v0  }
0x721: {  	v0 =	vld.idx.msk [tilespmem:v60+s3+$0x0], $0xffff;
	_ =	sdelay $0x4  }
0x722: {  	v0 =	vmul.f32 v0, v9  }
0x723: {  	s2 =	simm.s32 $0x18360  }
0x724: {  	[tilespmem:s2+$0x0] =	vst.add.f32.msk $0xffff, v0  }
0x725: {  	v0 =	vld.idx.msk [tilespmem:v40+s3+$0x0], $0xffff;
	_ =	sdelay $0x4  }
0x726: {  	v0 =	vmul.f32 v0, v9  }
0x727: {  	s2 =	simm.s32 $0x18370  }
0x728: {  	[tilespmem:s2+$0x0] =	vst.add.f32.msk $0xffff, v0  }
0x729: {  	v0 =	vld.idx.msk [tilespmem:v7+s3+$0x0], $0xffff;
	_ =	sdelay $0x4  }
0x72a: {  	v0 =	vmul.f32 v0, v9  }
0x72b: {  	s2 =	simm.s32 $0x18380  }
0x72c: {  	[tilespmem:s2+$0x0] =	vst.add.f32.msk $0xffff, v0  }
0x72d: {  	v0 =	vld.idx.msk [tilespmem:v10+s3+$0x0], $0xffff;
	_ =	sdelay $0x4  }
0x72e: {  	v0 =	vmul.f32 v0, v9  }
0x72f: {  	s2 =	simm.s32 $0x18390  }
0x730: {  	[tilespmem:s2+$0x0] =	vst.add.f32.msk $0xffff, v0  }
0x731: {  	v0 =	vld.idx.msk [tilespmem:v15+s3+$0x0], $0xffff;
	_ =	sdelay $0x4  }
0x732: {  	v0 =	vmul.f32 v0, v9  }
0x733: {  	s2 =	simm.s32 $0x183A0  }
0x734: {  	[tilespmem:s2+$0x0] =	vst.add.f32.msk $0xffff, v0  }
0x735: {  	v0 =	vld.idx.msk [tilespmem:v17+s3+$0x0], $0xffff;
	_ =	sdelay $0x4  }
0x736: {  	v0 =	vmul.f32 v0, v9;
	_ =	sdelay $0x1  }
0x737: {  	[tilespmem:s9+$0x0] =	vst.add.f32.msk $0xffff, v0  }
0x738: {  	v0 =	vld.idx.msk [tilespmem:v19+s3+$0x0], $0xffff;
	_ =	sdelay $0x4  }
0x739: {  	v0 =	vmul.f32 v0, v9;
	_ =	sdelay $0x1  }
0x73a: {  	[tilespmem:s23+$0x0] =	vst.add.f32.msk $0xffff, v0  }
0x73b: {  	v0 =	vld.idx.msk [tilespmem:v21+s3+$0x0], $0xffff;
	_ =	sdelay $0x4  }
0x73c: {  	v0 =	vmul.f32 v0, v9  }
0x73d: {  	s2 =	simm.s32 $0x183D0  }
0x73e: {  	[tilespmem:s2+$0x0] =	vst.add.f32.msk $0xffff, v0  }
0x73f: {  	v0 =	vld.idx.msk [tilespmem:v23+s3+$0x0], $0xffff;
	_ =	sdelay $0x4  }
0x740: {  	v0 =	vmul.f32 v0, v9;
	_ =	sdelay $0x1  }
0x741: {  	[tilespmem:s11+$0x0] =	vst.add.f32.msk $0xffff, v0  }
0x742: {  	v0 =	vld.idx.msk [tilespmem:v25+s3+$0x0], $0xffff;
	_ =	sdelay $0x1  }
0x743: {  	p1 =	sne.s32 s0, $0x1  }
.Ltmp9:
0x744: {  	v63 =	vld [tilespmem:$0x1FF50];
	(pc) =	sbr.rel @p1 .LBB2_8-.Ltmp9, $4  }
0x745: {  	v42 =	vmov v12;
	v12 =	vld [tilespmem:$0x1FF30]  }
0x746: {  	v8 =	vld [tilespmem:$0x1FD00];
	v0 =	vmul.f32 v0, v9  }
0x747: {  	v9 =	vld [tilespmem:$0x1FF40]  }
0x748: {  	s0 =	sadd.s32 $0xFFFFFFFF, s0;
	s1 =	sadd.s32 $0x20, s1;
	v35 =	vmov v13;
	v59 =	vmov v4;
	[tilespmem:s10+$0x0] =	vst.add.f32.msk $0xffff, v0  }
.Ltmp10:
0x749: {  	_ = 	snop;
	(pc) =	sbr.rel .LBB2_9-.Ltmp10, $1  }
0x74a: {  	_ =	sdelay $0x3  }
.LBB2_11:
0x74b: {  	_ =	sfence.sel $0x180000  }
0x74c: {  	[bflag:$0x0] =	sbarrier.arrive $0xFFFF  }
0x74d: {  	_ =	strace $0x9000004A  }
0x74e: {  	s0 =	stileid.u32;
	[bflag:$0x2] =	sbarrier.arrive $0xFFFF  }
0x74f: {  	p0 =	sne.s32 s0, $0x0;
	s0 =	rddreg [dreg:$0x2]  }
0x750: {  	s0 =	sadd.s32 @!p0 $0x100000, s0  }
0x751: {  	[sflag:s0] =	ssyncadd.tile.s32 @!p0 $0x1;
	_ =	shalt  }
.Lfunc_end2:
_tile_overlayer_lowered:
.L_overlay_start_2:
0x752: {  	(tag) =	ssettag $0x2  }
0x753: {  	s0 =	rddreg [dreg:$0x0];
	s2 =	stileid.u32  }
0x754: {  	s1 =	rddreg [dreg:$0x1];
	p0 =	sne.s32 s2, $0x0  }
0x755: {  	s3 =	rddreg [dreg:$0x2];
	[bflag:$0x3] =	sbarrier.arrive $0xFFFF;
	s2 =	simm.s32 @!p0 $0x1C02  }
0x756: {  	[timem:s3], [sflag:s2] =	dma.local @!p0 [hbm:s0], s1  }
0x757: {  	s0 =	simm.s32 @!p0 $0x2  }
0x758: {  	_ =	swait.ge @!p0 [sflag:s0], s1  }
0x759: {  	s1 =	ssub.s32 @!p0 $0x0, s1;
	[sflag:s0] =	ssyncset.done @!p0 $0x0  }
0x75a: {  	[sflag:s0] =	ssyncadd.s32 @!p0 s1  }
0x75b: {  	[bflag:$0x3] =	sbarrier.arrive $0xFFFF  }
0x75c: {  	_ =	shalt  }

// kernel: sparse-core-data-format-call.cloned.1.call-start
scs
called_computation_lowered:
.L_overlay_start_0:
0x0: {  	s2 =	sld [smem:$0x3FD9]  }
0x1: {  	s3 =	sld [smem:$0x3FFE];
	_ =	sdelay $0x1  }
0x2: {  	s1 =	srdreg.scid  }
0x3: {  	s0 =	sand.u32 $0x1, s1  }
0x4: {  	s18 =	sshll.u32 s0, $0xA;
	s2 =	sadd.s32 s3, s2  }
0x5: {  	s2 =	sadd.s32 s2, s18  }
0x6: {  	[smem:$0x3FC6] =	sst s2  }
0x7: {  	_ = 	snop  }
0x8: {  	s2 =	sld [smem:$0x3FC9];
	(tm) =	ssettm $0x1  }
0x9: {  	s19 =	sld [smem:$0x3FFB];
	_ =	sdelay $0x3  }
0xa: {  	_ =	strace s19  }
0xb: {  	s3 =	sld [smem:$0x3FFC];
	_ =	sdelay $0x3  }
0xc: {  	_ =	strace s3  }
0xd: {  	s3 =	sld [smem:$0x3FFD];
	_ =	sdelay $0x3  }
0xe: {  	_ =	strace s3  }
0xf: {  	_ =	strace $0x8FFFFFFF  }
0x10: {  	s20 =	sld [smem:$0x3FDB];
	_ =	sdelay $0x1  }
0x11: {  	s4 =	simm.s32 $_scs_section_size  }
0x12: {  	s5 =	simm.s32 $_size__tile_overlayer_lowered;
	s6 =	simm.s32 $_tile_overlayer_lowered  }
0x13: {  	s23 =	simm.s32 $0x1BFF;
	s22 =	sshll.u32 s6, $0x1;
	s3 =	sadd.s32 s4, s20  }
0x14: {  	s7 =	simm.s32 $0x0;
	s21 =	sshll.u32 s5, $0x1;
	s5 =	sadd.s32 s22, s3  }
0x15: {  	[timem:s7], [sflag:s23] =	dma.local [hbm:s5], s21  }
0x16: {  	_ =	swait.ge [sflag:s23], s21  }
0x17: {  	s4 =	ssub.s32 $0x0, s21;
	[sflag:s23] =	ssyncset.done $0x0  }
0x18: {  	[sflag:s23] =	ssyncadd.s32 s4;
	_ =	sdelay $0x1  }
0x19: {  	s24 =	simm.s32 $0x1B8B  }
0x1a: {  	_ =	swait.ge [sflag:s24], $0x1  }
0x1b: {  	[sflag:s24] =	ssyncset.done $0x0  }
0x1c: {  	s26 =	simm.s32 $0x1B8E;
	s25 =	sld [smem:$0x3FFE];
	[sflag:s24] =	ssyncadd.s32 $0xFFFFFFFF  }
0x1d: {  	s27 =	simm.s32 $execute0_lowered;
	[smem:$0x3FD2] =	sst s26  }
0x1e: {  	s5 =	sshll.u32 s27, $0x1;
	_ =	strace $0x80000046;
	[dreg:$0x1] =	wrdreg $0xFFFFFFFF  }
0x1f: {  	s28 =	simm.s32 $_size_execute0_lowered;
	s3 =	sadd.s32 s3, s5;
	[dreg:$0x0] =	wrdreg $0x0  }
0x20: {  	s5 =	sshll.u32 s28, $0x1;
	[dreg:$0x2] =	wrdreg s3  }
0x21: {  	[dreg:$0x3] =	wrdreg s5  }
0x22: {  	[dreg:$0x4] =	wrdreg $0xC0  }
0x23: {  	_ =	task [dreg:s7], $0x5FFFF  }
0x24: {  	[dreg:$0x1] =	wrdreg $0xFFFFFFFF  }
0x25: {  	[dreg:$0x0] =	wrdreg $0x60  }
0x26: {  	[dreg:$0x2] =	wrdreg s2  }
0x27: {  	[dreg:$0x3] =	wrdreg s25  }
0x28: {  	[dreg:$0x4] =	wrdreg $0x9  }
0x29: {  	_ =	task.clear_ibuf [dreg:s7], $0x5FFFF;
	_ =	strace $0x90000046  }
0x2a: {  	s29 =	simm.s32 $0x9;
	_ =	strace $0x80000048  }
0x2b: {  	_ =	swait.ge [sflag:s29], $0x1  }
0x2c: {  	[sflag:s29] =	ssyncadd.s32 $0xFFFFFFFF  }
0x2d: {  	_ =	strace $0x90000048  }
0x2e: {  	_ =	sfence  }
0x2f: {  	s30 =	sld [smem:$0x0];
	_ =	sdelay $0x2  }
0x30: {  	s31 =	sshll.u32 s1, $0xD;
	s1 =	sshrl.u32 s1, $0x2  }
0x31: {  	s3 =	sand.u32 $0x4000, s31;
	s1 =	sadd.s32 s1, s30  }
0x32: {  	s0 =	sor.u32 s3, s0;
	s1 =	sshll.u32 s1, $0x11  }
0x33: {  	s0 =	sor.u32 s1, s0  }
0x34: {  	s0 =	sadd.s32 $0x8F2B, s0  }
0x35: {  	[sflag:s0] =	ssyncadd.remote.s32 $0x1  }
0x36: {  	_ =	sfence.sel $0xFFFF  }
0x37: {  	[dreg:$0x0] =	wrdreg $0xFFFFFFFF;
	(pc) =	sbr.abs _section_cstart, $3  }
0x38: {  	[dreg:$0x1] =	wrdreg $0xFFFFFFFF  }
0x39: {  	_ =	task.clear_ibuf [dreg:s7], $0x2FFFF;
	_ =	strace $0x9FFFFFFF  }
0x3a: {  	(tm) =	ssettm $0x7FFFFFFF  }
0x3b: {  	_ =	shalt  }
tec
execute0_lowered:
.L_overlay_start_1:
0x0: {  	(tag) =	ssettag $0x1  }
0x1: {  	s0 =	srdreg.scid;
	s2 =	rddreg [dreg:$0x0]  }
0x2: {  	s6 =	rddreg [dreg:$0x1];
	s1 =	sshll.u32 s0, $0x4  }
0x3: {  	s7 =	simm.s32 $0x1;
	s0 =	stileid.u32;
	s1 =	sand.u32 $0x10, s1  }
0x4: {  	s8 =	simm.s32 $0x2;
	s13 =	simm.s32 $0x0;
	s1 =	sor.u32 s0, s1  }
0x5: {  	s12 =	simm.s32 $0x0;
	s10 =	simm.s32 $0x0;
	s3 =	sshll.u32 s1, $0x9  }
0x6: {  	s11 =	simm.s32 $0x0;
	s6 =	sadd.s32 $0x800, s6;
	s5 =	ssub.s32 $0x186A00, s3  }
.Ltmp0:
0x7: {  	s1 =	rddreg [dreg:$0x2];
	s4 =	sand.u32 $0x3E00, s5;
	(pc) =	sbr.rel .LBB1_1-.Ltmp0, $4  }
0x8: {  	_ =	strace $0x80000047;
	s9 =	smov.u32 s3;
	p0 =	sne.s32 s4, $0x0  }
0x9: {  	s5 =	sshrl.u32 s5, $0xE;
	s4 =	simm.s32 $0x1;
	s7 =	simm.s32 @!p0 $0x0  }
0xa: {  	[sflag:s4] =	ssyncpa.u1 $0x0;
	p0 =	por $0x0, $0x0;
	s5 =	sadd.s32 s7, s5  }
0xb: {  	[sflag:s8] =	ssyncpa.u1 $0x0;
	s8 =	simm.s32 $0x80;
	s7 =	sadd.s32 $0x1, s5  }
.LBB1_4:
0xc: {  	_ = 	snop  }
0xd: {  	[tilespmem:s18+$0x1760 ss:$0x11] =	vst.msk $0xffff, v7  }
0xe: {  	[tilespmem:s18+$0x1870 ss:$0x11] =	vst.msk $0xffff, v6  }
0xf: {  	[tilespmem:s18+$0x1A90 ss:$0x11] =	vst.msk $0xffff, v3  }
0x10: {  	s21 =	sor.u32 s24, s23;
	v31 =	vld.idx.msk [tilespmem:v0+s16+$0xC70 ss:$0x1], $0xffff;
	[tilespmem:s18+$0x1BA0 ss:$0x11] =	vst.msk $0xffff, v1  }
0x11: {  	[tilespmem:s18+$0x1CB0 ss:$0x11] =	vst.msk $0xffff, v2;
	v43 =	vld.idx.msk [tilespmem:v0+s21+$0x410 ss:$0x1], $0xffff  }
0x12: {  	[tilespmem:s18+$0x1DC0 ss:$0x11] =	vst.msk $0xffff, v4;
	v44 =	vld.idx.msk [tilespmem:v0+s21+$0x420 ss:$0x1], $0xffff  }
0x13: {  	[tilespmem:s18+$0x1ED0 ss:$0x11] =	vst.msk $0xffff, v5;
	s22 =	sand.u32 $0x1200, s21;
	v45 =	vld.idx.msk [tilespmem:v0+s21+$0x430 ss:$0x1], $0xffff  }
0x14: {  	s20 =	sand.u32 $0x180, s20;
	s25 =	sshra.s32 s19, $0x2;
	[tilespmem:s18+$0x1FE0 ss:$0x11] =	vst.msk $0xffff, v8;
	v46 =	vld.idx.msk [tilespmem:v0+s21+$0x440 ss:$0x1], $0xffff;
	s15 =	sadd.s32 s22, s15  }
0x15: {  	v47 =	vld.idx.msk [tilespmem:v0+s21+$0x450 ss:$0x1], $0xffff;
	s24 =	sadd.s32 s20, s15;
	s15 =	sadd.s32 s25, s17;
	[tilespmem:s18+$0x20F0 ss:$0x11] =	vst.msk $0xffff, v31  }
0x16: {  	v48 =	vld.idx.msk [tilespmem:v0+s21+$0x460 ss:$0x1], $0xffff;
	[tilespmem:s15+$0x990 ss:$0x11] =	vst.msk $0xffff, v43  }
0x17: {  	v49 =	vld.idx.msk [tilespmem:v0+s21+$0x470 ss:$0x1], $0xffff;
	[tilespmem:s15+$0xAA0 ss:$0x11] =	vst.msk $0xffff, v44  }
0x18: {  	v50 =	vld.idx.msk [tilespmem:v0+s21+$0x810 ss:$0x1], $0xffff;
	[tilespmem:s15+$0xBB0 ss:$0x11] =	vst.msk $0xffff, v45  }
0x19: {  	v51 =	vld.idx.msk [tilespmem:v0+s21+$0x820 ss:$0x1], $0xffff;
	[tilespmem:s15+$0xCC0 ss:$0x11] =	vst.msk $0xffff, v46  }
0x1a: {  	v52 =	vld.idx.msk [tilespmem:v0+s21+$0x830 ss:$0x1], $0xffff;
	[tilespmem:s15+$0xDD0 ss:$0x11] =	vst.msk $0xffff, v47  }
0x1b: {  	v53 =	vld.idx.msk [tilespmem:v0+s21+$0x840 ss:$0x1], $0xffff;
	[tilespmem:s15+$0xEE0 ss:$0x11] =	vst.msk $0xffff, v48  }
0x1c: {  	v54 =	vld.idx.msk [tilespmem:v0+s21+$0x850 ss:$0x1], $0xffff;
	[tilespmem:s15+$0xFF0 ss:$0x11] =	vst.msk $0xffff, v49  }
0x1d: {  	v55 =	vld.idx.msk [tilespmem:v0+s21+$0x860 ss:$0x1], $0xffff;
	[tilespmem:s15+$0x1210 ss:$0x11] =	vst.msk $0xffff, v50  }
0x1e: {  	v56 =	vld.idx.msk [tilespmem:v0+s21+$0x870 ss:$0x1], $0xffff;
	[tilespmem:s15+$0x1320 ss:$0x11] =	vst.msk $0xffff, v51  }
0x1f: {  	v57 =	vld.idx.msk [tilespmem:v0+s21+$0xC10 ss:$0x1], $0xffff;
	[tilespmem:s15+$0x1430 ss:$0x11] =	vst.msk $0xffff, v52  }
0x20: {  	v58 =	vld.idx.msk [tilespmem:v0+s21+$0xC20 ss:$0x1], $0xffff;
	[tilespmem:s15+$0x1540 ss:$0x11] =	vst.msk $0xffff, v53  }
0x21: {  	v59 =	vld.idx.msk [tilespmem:v0+s21+$0xC30 ss:$0x1], $0xffff;
	[tilespmem:s15+$0x1650 ss:$0x11] =	vst.msk $0xffff, v54  }
0x22: {  	v60 =	vld.idx.msk [tilespmem:v0+s21+$0xC40 ss:$0x1], $0xffff;
	[tilespmem:s15+$0x1760 ss:$0x11] =	vst.msk $0xffff, v55  }
0x23: {  	v61 =	vld.idx.msk [tilespmem:v0+s21+$0xC50 ss:$0x1], $0xffff;
	[tilespmem:s15+$0x1870 ss:$0x11] =	vst.msk $0xffff, v56  }
0x24: {  	v62 =	vld.idx.msk [tilespmem:v0+s21+$0xC60 ss:$0x1], $0xffff;
	[tilespmem:s15+$0x1A90 ss:$0x11] =	vst.msk $0xffff, v57  }
0x25: {  	v63 =	vld.idx.msk [tilespmem:v0+s21+$0xC70 ss:$0x1], $0xffff;
	[tilespmem:s15+$0x1BA0 ss:$0x11] =	vst.msk $0xffff, v58  }
0x26: {  	v32 =	vld [tilespmem:s24+$0xC00];
	[tilespmem:s15+$0x1CB0 ss:$0x11] =	vst.msk $0xffff, v59  }
0x27: {  	v33 =	vld [tilespmem:s24+$0x0];
	[tilespmem:s15+$0x1DC0 ss:$0x11] =	vst.msk $0xffff, v60  }
0x28: {  	v34 =	vld [tilespmem:s24+$0x10];
	[tilespmem:s15+$0x1ED0 ss:$0x11] =	vst.msk $0xffff, v61  }
0x29: {  	s13 =	sshll.u32 s13, $0x7;
	s26 =	sshll.u32 s12, $0x3;
	v35 =	vld [tilespmem:s24+$0x20];
	[tilespmem:s15+$0x1FE0 ss:$0x11] =	vst.msk $0xffff, v62  }
0x2a: {  	s27 =	sand.u32 $0xFFFFFC00, s13;
	s16 =	sand.u32 $0xFFFFFC00, s26;
	v36 =	vld [tilespmem:s24+$0x30];
	[tilespmem:s15+$0x20F0 ss:$0x11] =	vst.msk $0xffff, v63  }
0x2b: {  	s13 =	sand.u32 $0x380, s13;
	s16 =	sadd.s32 s16, s27;
	v37 =	vld [tilespmem:s24+$0x40];
	[tilespmem:s15+$0x1980 ss:$0x11] =	vst.msk $0xffff, v32  }
0x2c: {  	s13 =	sor.u32 s13, s16;
	v38 =	vld [tilespmem:s24+$0x50];
	[tilespmem:s15+$0x0 ss:$0x11] =	vst.msk $0xffff, v33  }
0x2d: {  	v39 =	vld [tilespmem:s24+$0x60];
	s13 =	sshrl.u32 s13, $0x7;
	[tilespmem:s15+$0x110 ss:$0x11] =	vst.msk $0xffff, v34  }
0x2e: {  	v40 =	vld [tilespmem:s24+$0x70];
	s28 =	smulhi.u32 $0x14F8B59, s13;
	[tilespmem:s15+$0x220 ss:$0x11] =	vst.msk $0xffff, v35  }
0x2f: {  	v41 =	vld [tilespmem:s24+$0x400];
	[tilespmem:s15+$0x330 ss:$0x11] =	vst.msk $0xffff, v36  }
0x30: {  	v42 =	vld [tilespmem:s24+$0x800];
	s16 =	sshrl.u32 s28, $0xD;
	[tilespmem:s15+$0x440 ss:$0x11] =	vst.msk $0xffff, v37  }
0x31: {  	s16 =	smul.u32 $0x186A00, s16;
	[tilespmem:s15+$0x550 ss:$0x11] =	vst.msk $0xffff, v38  }
0x32: {  	s29 =	sshrl.u32 s12, $0x3;
	[tilespmem:s15+$0x660 ss:$0x11] =	vst.msk $0xffff, v39  }
0x33: {  	s31 =	sand.u32 $0x7, s12;
	s30 =	sand.u32 $0xF, s29;
	[tilespmem:s15+$0x770 ss:$0x11] =	vst.msk $0xffff, v40;
	s13 =	ssub.s32 s13, s16  }
0x34: {  	s12 =	sshll.u32 s31, $0x12;
	[tilespmem:s15+$0x880 ss:$0x11] =	vst.msk $0xffff, v41;
	s16 =	sadd.s32 s6, s30;
	s13 =	sshll.u32 s13, $0x4  }
0x35: {  	s12 =	sor.u32 $0x10, s12;
	[tilespmem:s15+$0x1100 ss:$0x11] =	vst.msk $0xffff, v42;
	s13 =	sadd.s32 s13, s16  }
0x36: {  	[hbm4b:s13+s12] =	stream.strided.scatter [tilespmem:s14], [sflag:$0x2], $0x2000, s8, s12, $0x8;
	[tilespmem:$0x8400] =	vst v63  }
.LBB1_5:
0x37: {  	s14 =	sadd.s32 $0x4000, s9  }
0x38: {  	s12 =	sadd.s32 $0x10, s10;
	s16 =	smov.u32 s10;
	p2 =	sgt.s32 s14, $0x1869FF  }
0x39: {  	s16 =	smov.u32 @p2 s12  }
0x3a: {  	s14 =	smov.u32 @p2 s3;
	p2 =	sgt.s32 s16, $0xF  }
0x3b: {  	s16 =	simm.s32 @p2 $0x0;
	p2 =	sne.s32 s11, s7  }
.Ltmp1:
0x3c: {  	p1 =	slt.u32 s11, $0x2;
	(pc) =	sbr.rel @!p2 .LBB1_6-.Ltmp1, $4  }
0x3d: {  	s15 =	simm.s32 @!p1 $0x2  }
0x3e: {  	s13 =	smov.u32 s9;
	p0 =	por !p0, !p0;
	_ =	swait.ge @!p1 [sflag:s15], $0x2000  }
0x3f: {  	s12 =	smov.u32 s10;
	[sflag:s15] =	ssyncset.done @!p1 $0x0;
	s9 =	smov.u32 s14  }
0x40: {  	s11 =	sadd.s32 $0x1, s11;
	[sflag:s15] =	ssyncadd.s32 @!p1 $0xFFFFE000;
	s10 =	smov.u32 s16  }
.LBB1_1:
0x41: {  	p1 =	sge.u32 s11, s5  }
0x42: {  	s14 =	sshrl.u32 @!p1 s10, $0x3  }
0x43: {  	s15 =	sshll.u32 @!p1 s9, $0x3;
	s14 =	smul.u32 @!p1 $0xC35000, s14  }
0x44: {  	s16 =	sshll.u32 @!p1 s10, $0x7;
	s15 =	sand.u32 @!p1 $0xFFFFFC00, s15  }
0x45: {  	s14 =	sadd.s32 @!p1 s14, s15;
	s15 =	sand.u32 @!p1 $0x380, s16  }
0x46: {  	s14 =	sor.u32 @!p1 s15, s14  }
0x47: {  	s15 =	sshrl.u32 @!p1 s14, $0x9  }
0x48: {  	s15 =	smulhi.u32 @!p1 $0xA7C5AD, s15;
	_ =	sdelay $0x1  }
0x49: {  	s15 =	sshrl.u32 @!p1 s15, $0x3  }
0x4a: {  	s16 =	sand.u32 @!p1 $0x7F, s9;
	s17 =	smul.u32 @!p1 $0x186A00, s15  }
0x4b: {  	s31 =	sadd.s32 $0xFFFFFFFF, s11;
	s14 =	sor.u32 @!p1 s16, s14;
	s16 =	sxor.u32 @!p1 $0xFFFFFFFF, s11  }
0x4c: {  	s16 =	sshll.u32 @!p1 s16, $0xD;
	s15 =	sand.u32 @!p1 $0xF, s15;
	s14 =	ssub.s32 @!p1 s14, s17  }
0x4d: {  	s15 =	smul.u32 @!p1 $0x30D40, s15;
	s17 =	sshrl.u32 @!p1 s14, $0x3;
	s14 =	sand.u32 @!p1 $0x7, s14  }
0x4e: {  	s16 =	sand.u32 @!p1 $0x2000, s16;
	s17 =	sadd.s32 @!p1 s2, s17;
	s14 =	sshll.u32 @!p1 s14, $0x12  }
0x4f: {  	s15 =	sadd.s32 @!p1 s15, s17;
	s14 =	sor.u32 @!p1 $0x1000, s14;
	s17 =	simm.s32 @!p1 $0xC35000  }
0x50: {  	[tilespmem:s16], [sflag:$0x1] =	stream.strided.gather @!p1 [hbm4b:s15+s14], $0x2000, s17, s14, $0x38;
	[tilespmem:$0x8400] =	vst v63  }
0x51: {  	p1 =	sge.u32 s31, s5  }
.Ltmp2:
0x52: {  	_ = 	snop;
	(pc) =	sbr.rel @p1 .LBB1_5-.Ltmp2, $1  }
0x53: {  	_ =	sdelay $0x3  }
0x54: {  	s17 =	simm.s32 $0x0  }
0x55: {  	s16 =	sand.u32 $0x1000, s17;
	s18 =	sand.u32 $0x380, s17  }
0x56: {  	s14 =	sand.u32 $0x1, s11;
	s16 =	sor.u32 s18, s16  }
0x57: {  	_ =	swait.ge [sflag:s4], $0x2000;
	s15 =	sshll.u32 s14, $0xD;
	s18 =	sand.u32 $0x1200, s16  }
0x58: {  	[sflag:s4] =	ssyncset.done $0x0;
	s17 =	sand.u32 $0x180, s17;
	s18 =	sadd.s32 s18, s15  }
0x59: {  	[sflag:s4] =	ssyncadd.s32 $0xFFFFE000;
	s20 =	sadd.s32 s17, s18  }
0x5a: {  	v4 =	vld [tilespmem:s20+$0xC00]  }
0x5b: {  	s19 =	simm.s32 $0x1;
	v0 =	vmov s15;
	v5 =	vld [tilespmem:s20+$0x0]  }
0x5c: {  	s19 =	simm.s32 @!p0 $0x0;
	v6 =	vld [tilespmem:s20+$0x10]  }
0x5d: {  	s31 =	smul.u32 $0x8800, s19;
	v7 =	vld [tilespmem:s20+$0x20]  }
0x5e: {  	v8 =	vld [tilespmem:s20+$0x30]  }
0x5f: {  	s17 =	sshrl.u32 s31, $0x2;
	v9 =	vld [tilespmem:s20+$0x40]  }
0x60: {  	s17 =	sor.u32 $0x4000, s17;
	v1 =	vld.idx.msk [tilespmem:v0+s16+$0x410 ss:$0x1], $0xffff  }
0x61: {  	v2 =	vld.idx.msk [tilespmem:v0+s16+$0x420 ss:$0x1], $0xffff;
	s18 =	sadd.s32 $0x0, s17  }
0x62: {  	v3 =	vld.idx.msk [tilespmem:v0+s16+$0x430 ss:$0x1], $0xffff;
	[tilespmem:s18+$0x1980 ss:$0x11] =	vst.msk $0xffff, v4  }
0x63: {  	v10 =	vld.idx.msk [tilespmem:v0+s16+$0x820 ss:$0x1], $0xffff;
	[tilespmem:s18+$0x0 ss:$0x11] =	vst.msk $0xffff, v5  }
0x64: {  	v11 =	vld.idx.msk [tilespmem:v0+s16+$0x830 ss:$0x1], $0xffff;
	[tilespmem:s18+$0x110 ss:$0x11] =	vst.msk $0xffff, v6  }
0x65: {  	v12 =	vld.idx.msk [tilespmem:v0+s16+$0x840 ss:$0x1], $0xffff;
	[tilespmem:s18+$0x220 ss:$0x11] =	vst.msk $0xffff, v7  }
0x66: {  	v13 =	vld.idx.msk [tilespmem:v0+s16+$0x850 ss:$0x1], $0xffff;
	[tilespmem:s18+$0x330 ss:$0x11] =	vst.msk $0xffff, v8  }
0x67: {  	v4 =	vld [tilespmem:s20+$0x50];
	[tilespmem:s18+$0x440 ss:$0x11] =	vst.msk $0xffff, v9  }
0x68: {  	v5 =	vld [tilespmem:s20+$0x60];
	[tilespmem:s18+$0x990 ss:$0x11] =	vst.msk $0xffff, v1  }
0x69: {  	v6 =	vld [tilespmem:s20+$0x70];
	[tilespmem:s18+$0xAA0 ss:$0x11] =	vst.msk $0xffff, v2  }
0x6a: {  	v7 =	vld [tilespmem:s20+$0x400];
	[tilespmem:s18+$0xBB0 ss:$0x11] =	vst.msk $0xffff, v3  }
0x6b: {  	v8 =	vld [tilespmem:s20+$0x800];
	[tilespmem:s18+$0x1320 ss:$0x11] =	vst.msk $0xffff, v10  }
0x6c: {  	v9 =	vld.idx.msk [tilespmem:v0+s16+$0x470 ss:$0x1], $0xffff;
	[tilespmem:s18+$0x1430 ss:$0x11] =	vst.msk $0xffff, v11  }
0x6d: {  	v3 =	vld.idx.msk [tilespmem:v0+s16+$0xC10 ss:$0x1], $0xffff;
	[tilespmem:s18+$0x1540 ss:$0x11] =	vst.msk $0xffff, v12  }
0x6e: {  	v1 =	vld.idx.msk [tilespmem:v0+s16+$0xC20 ss:$0x1], $0xffff;
	[tilespmem:s18+$0x1650 ss:$0x11] =	vst.msk $0xffff, v13  }
0x6f: {  	v2 =	vld.idx.msk [tilespmem:v0+s16+$0xC30 ss:$0x1], $0xffff;
	[tilespmem:s18+$0x550 ss:$0x11] =	vst.msk $0xffff, v4  }
0x70: {  	[tilespmem:s18+$0x770 ss:$0x11] =	vst.msk $0xffff, v6;
	v6 =	vld.idx.msk [tilespmem:v0+s16+$0x460 ss:$0x1], $0xffff  }
0x71: {  	v4 =	vld.idx.msk [tilespmem:v0+s16+$0x440 ss:$0x1], $0xffff;
	[tilespmem:s18+$0x660 ss:$0x11] =	vst.msk $0xffff, v5  }
0x72: {  	v5 =	vld.idx.msk [tilespmem:v0+s16+$0x450 ss:$0x1], $0xffff;
	[tilespmem:s18+$0x880 ss:$0x11] =	vst.msk $0xffff, v7  }
0x73: {  	[tilespmem:s18+$0x1100 ss:$0x11] =	vst.msk $0xffff, v8;
	v8 =	vld.idx.msk [tilespmem:v0+s16+$0x810 ss:$0x1], $0xffff  }
0x74: {  	v7 =	vld.idx.msk [tilespmem:v0+s16+$0x860 ss:$0x1], $0xffff;
	[tilespmem:s18+$0xFF0 ss:$0x11] =	vst.msk $0xffff, v9  }
0x75: {  	s14 =	smul.u32 $0x8800, s14;
	[tilespmem:s18+$0xEE0 ss:$0x11] =	vst.msk $0xffff, v6;
	v6 =	vld.idx.msk [tilespmem:v0+s16+$0x870 ss:$0x1], $0xffff  }
0x76: {  	s21 =	simm.s32 $0x200;
	s22 =	simm.s32 $0x8;
	[tilespmem:s18+$0xCC0 ss:$0x11] =	vst.msk $0xffff, v4;
	v4 =	vld.idx.msk [tilespmem:v0+s16+$0xC40 ss:$0x1], $0xffff  }
0x77: {  	s23 =	sand.u32 $0x1000, s21;
	s14 =	sshrl.u32 s14, $0x2;
	s20 =	simm.s32 $0x80;
	[tilespmem:s18+$0xDD0 ss:$0x11] =	vst.msk $0xffff, v5;
	v5 =	vld.idx.msk [tilespmem:v0+s16+$0xC50 ss:$0x1], $0xffff  }
0x78: {  	s19 =	simm.s32 $0x4;
	s14 =	sor.u32 $0x4000, s14;
	s24 =	sand.u32 $0x380, s20;
	[tilespmem:s18+$0x1210 ss:$0x11] =	vst.msk $0xffff, v8;
	v8 =	vld.idx.msk [tilespmem:v0+s16+$0xC60 ss:$0x1], $0xffff  }
.LBB1_3:
0x79: {  	p1 =	sne.s32 s22, $0x3C;
	[tilespmem:s18+$0x1760 ss:$0x11] =	vst.msk $0xffff, v7;
	v7 =	vld.idx.msk [tilespmem:v0+s16+$0xC70 ss:$0x1], $0xffff;
	s16 =	sor.u32 s24, s23  }
0x7a: {  	s23 =	sand.u32 $0x1200, s16;
	v9 =	vld.idx.msk [tilespmem:v0+s16+$0x410 ss:$0x1], $0xffff;
	[tilespmem:s18+$0x1870 ss:$0x11] =	vst.msk $0xffff, v6  }
0x7b: {  	s24 =	sand.u32 $0x180, s20;
	s23 =	sadd.s32 s23, s15;
	v6 =	vld.idx.msk [tilespmem:v0+s16+$0x420 ss:$0x1], $0xffff;
	[tilespmem:s18+$0x1A90 ss:$0x11] =	vst.msk $0xffff, v3  }
0x7c: {  	s23 =	sadd.s32 s24, s23;
	v3 =	vld.idx.msk [tilespmem:v0+s16+$0x430 ss:$0x1], $0xffff;
	[tilespmem:s18+$0x1BA0 ss:$0x11] =	vst.msk $0xffff, v1  }
0x7d: {  	v1 =	vld [tilespmem:s23+$0xC00];
	[tilespmem:s18+$0x1CB0 ss:$0x11] =	vst.msk $0xffff, v2  }
0x7e: {  	v2 =	vld [tilespmem:s23+$0x0];
	[tilespmem:s18+$0x1DC0 ss:$0x11] =	vst.msk $0xffff, v4  }
0x7f: {  	v4 =	vld [tilespmem:s23+$0x10];
	[tilespmem:s18+$0x1ED0 ss:$0x11] =	vst.msk $0xffff, v5  }
0x80: {  	s24 =	sshra.s32 s19, $0x2;
	s19 =	smov.u32 s22;
	v5 =	vld [tilespmem:s23+$0x20];
	[tilespmem:s18+$0x1FE0 ss:$0x11] =	vst.msk $0xffff, v8  }
0x81: {  	v8 =	vld [tilespmem:s23+$0x30];
	[tilespmem:s18+$0x20F0 ss:$0x11] =	vst.msk $0xffff, v7;
	s18 =	sadd.s32 s24, s17  }
0x82: {  	v7 =	vld [tilespmem:s23+$0x40];
	[tilespmem:s18+$0x1980 ss:$0x11] =	vst.msk $0xffff, v1  }
0x83: {  	[tilespmem:s18+$0x0 ss:$0x11] =	vst.msk $0xffff, v2;
	v1 =	vld [tilespmem:s23+$0x50]  }
0x84: {  	[tilespmem:s18+$0x110 ss:$0x11] =	vst.msk $0xffff, v4;
	v2 =	vld [tilespmem:s23+$0x60]  }
0x85: {  	[tilespmem:s18+$0x220 ss:$0x11] =	vst.msk $0xffff, v5;
	v4 =	vld [tilespmem:s23+$0x70]  }
0x86: {  	[tilespmem:s18+$0x330 ss:$0x11] =	vst.msk $0xffff, v8;
	v5 =	vld [tilespmem:s23+$0x400]  }
0x87: {  	[tilespmem:s18+$0x440 ss:$0x11] =	vst.msk $0xffff, v7;
	v7 =	vld [tilespmem:s23+$0x800]  }
0x88: {  	[tilespmem:s18+$0x550 ss:$0x11] =	vst.msk $0xffff, v1;
	v1 =	vld.idx.msk [tilespmem:v0+s16+$0x440 ss:$0x1], $0xffff  }
0x89: {  	[tilespmem:s18+$0x660 ss:$0x11] =	vst.msk $0xffff, v2;
	v2 =	vld.idx.msk [tilespmem:v0+s16+$0x450 ss:$0x1], $0xffff  }
0x8a: {  	[tilespmem:s18+$0x770 ss:$0x11] =	vst.msk $0xffff, v4;
	v4 =	vld.idx.msk [tilespmem:v0+s16+$0x460 ss:$0x1], $0xffff  }
0x8b: {  	[tilespmem:s18+$0x880 ss:$0x11] =	vst.msk $0xffff, v5;
	v5 =	vld.idx.msk [tilespmem:v0+s16+$0x470 ss:$0x1], $0xffff  }
0x8c: {  	[tilespmem:s18+$0x1100 ss:$0x11] =	vst.msk $0xffff, v7;
	v8 =	vld.idx.msk [tilespmem:v0+s16+$0x810 ss:$0x1], $0xffff  }
0x8d: {  	[tilespmem:s18+$0x990 ss:$0x11] =	vst.msk $0xffff, v9;
	v9 =	vld.idx.msk [tilespmem:v0+s16+$0x820 ss:$0x1], $0xffff  }
0x8e: {  	[tilespmem:s18+$0xAA0 ss:$0x11] =	vst.msk $0xffff, v6;
	v10 =	vld.idx.msk [tilespmem:v0+s16+$0x830 ss:$0x1], $0xffff  }
0x8f: {  	[tilespmem:s18+$0xBB0 ss:$0x11] =	vst.msk $0xffff, v3;
	v11 =	vld.idx.msk [tilespmem:v0+s16+$0x840 ss:$0x1], $0xffff  }
0x90: {  	[tilespmem:s18+$0xCC0 ss:$0x11] =	vst.msk $0xffff, v1;
	v12 =	vld.idx.msk [tilespmem:v0+s16+$0x850 ss:$0x1], $0xffff  }
0x91: {  	[tilespmem:s18+$0xDD0 ss:$0x11] =	vst.msk $0xffff, v2;
	v7 =	vld.idx.msk [tilespmem:v0+s16+$0x860 ss:$0x1], $0xffff  }
0x92: {  	[tilespmem:s18+$0xEE0 ss:$0x11] =	vst.msk $0xffff, v4;
	v6 =	vld.idx.msk [tilespmem:v0+s16+$0x870 ss:$0x1], $0xffff  }
0x93: {  	[tilespmem:s18+$0xFF0 ss:$0x11] =	vst.msk $0xffff, v5;
	v3 =	vld.idx.msk [tilespmem:v0+s16+$0xC10 ss:$0x1], $0xffff  }
.Ltmp3:
0x94: {  	[tilespmem:s18+$0x1210 ss:$0x11] =	vst.msk $0xffff, v8;
	v1 =	vld.idx.msk [tilespmem:v0+s16+$0xC20 ss:$0x1], $0xffff;
	(pc) =	sbr.rel @p1 .LBB1_3-.Ltmp3, $4  }
0x95: {  	[tilespmem:s18+$0x1320 ss:$0x11] =	vst.msk $0xffff, v9;
	v2 =	vld.idx.msk [tilespmem:v0+s16+$0xC30 ss:$0x1], $0xffff  }
0x96: {  	[tilespmem:s18+$0x1430 ss:$0x11] =	vst.msk $0xffff, v10;
	v4 =	vld.idx.msk [tilespmem:v0+s16+$0xC40 ss:$0x1], $0xffff  }
0x97: {  	s20 =	sadd.s32 $0x80, s20;
	s21 =	sadd.s32 $0x200, s21;
	[tilespmem:s18+$0x1540 ss:$0x11] =	vst.msk $0xffff, v11;
	v5 =	vld.idx.msk [tilespmem:v0+s16+$0xC50 ss:$0x1], $0xffff  }
0x98: {  	s22 =	sadd.s32 $0x4, s22;
	s24 =	sand.u32 $0x380, s20;
	s23 =	sand.u32 $0x1000, s21;
	[tilespmem:s18+$0x1650 ss:$0x11] =	vst.msk $0xffff, v12;
	v8 =	vld.idx.msk [tilespmem:v0+s16+$0xC60 ss:$0x1], $0xffff  }
.Ltmp4:
0x99: {  	_ = 	snop;
	(pc) =	sbr.rel .LBB1_4-.Ltmp4, $1  }
0x9a: {  	_ =	sdelay $0x3  }
.LBB1_6:
0x9b: {  	_ =	sfence.sel $0x180000  }
0x9c: {  	s2 =	simm.s32 $0x1;
	[bflag:$0x0] =	sbarrier.arrive $0xFFFF  }
0x9d: {  	s31 =	simm.s32 $0x2;
	[sflag:s2] =	ssyncpa.u1 $0x1  }
0x9e: {  	[sflag:s31] =	ssyncpa.u1 $0x1  }
0x9f: {  	p0 =	sne.s32 s0, $0x0;
	_ =	strace $0x90000047  }
0xa0: {  	s0 =	sadd.s32 @!p0 $0x100000, s1;
	[bflag:$0x2] =	sbarrier.arrive $0xFFFF  }
0xa1: {  	[sflag:s0] =	ssyncadd.tile.s32 @!p0 $0x1;
	_ =	shalt  }
.Lfunc_end1:
_tile_overlayer_lowered:
.L_overlay_start_2:
0xa2: {  	(tag) =	ssettag $0x2  }
0xa3: {  	s0 =	rddreg [dreg:$0x0];
	s2 =	stileid.u32  }
0xa4: {  	s1 =	rddreg [dreg:$0x1];
	p0 =	sne.s32 s2, $0x0  }
0xa5: {  	s3 =	rddreg [dreg:$0x2];
	[bflag:$0x3] =	sbarrier.arrive $0xFFFF;
	s2 =	simm.s32 @!p0 $0x1C01  }
0xa6: {  	[timem:s3], [sflag:s2] =	dma.local @!p0 [hbm:s0], s1  }
0xa7: {  	s0 =	simm.s32 @!p0 $0x1  }
0xa8: {  	_ =	swait.ge @!p0 [sflag:s0], s1  }
0xa9: {  	s1 =	ssub.s32 @!p0 $0x0, s1;
	[sflag:s0] =	ssyncset.done @!p0 $0x0  }
0xaa: {  	[sflag:s0] =	ssyncadd.s32 @!p0 s1  }
0xab: {  	[bflag:$0x3] =	sbarrier.arrive $0xFFFF  }
0xac: {  	_ =	shalt  }

</sc_bundles>
